<compile_context>
chip_gen: v7x
topology: tpu7x:2x2x1
jax: 0.10.2.dev20260603
libtpu: 0.0.44.dev20260713+nightly
codegen_flags: <defaults>
</compile_context>

<pallas_src>
import functools

import jax
import jax.numpy as jnp
from jax import lax
from jax.experimental import pallas as pl
from jax.experimental.pallas import tpu as pltpu
from jax.experimental.pallas import tpu_sc as plsc

B = 4
C = 5
P = 8192
S = 2048
K = 16
S_BLK = 128
NSB = S // S_BLK
NSEG = 64
SEGW = P // NSEG
NLIST = 24
EPS = 1e-3

CAND = 1280
NW = 32
QW = (B * S) // NW
NCHUNK = P // 16
SEG_GRP = 2


def _sample_perm(s_num):
    rk = jax.random.key(1)
    rand_num = jnp.abs(jax.random.uniform(rk, (B, P), dtype=jnp.float32))
    sorted_idx = jnp.argsort(rand_num, axis=1)
    return jax.lax.dynamic_slice(sorted_idx, (0, s_num - S), (B, S))


def _tc_body(x_ref, perm_ref, segv_ref, segi_ref):
    x5 = x_ref[0]
    x3 = x5[:3, :]
    perm = perm_ref[0, 0]

    iota_lo = lax.broadcasted_iota(jnp.int32, (S_BLK, SEGW), 1)
    iota_hi = lax.broadcasted_iota(jnp.int32, (S_BLK, NSEG), 1)
    oh_lo = (iota_lo == (perm % SEGW)[:, None]).astype(jnp.float32)
    oh_hi = (iota_hi == (perm // SEGW)[:, None]).astype(jnp.float32)
    x3r = x3.reshape(3, NSEG, SEGW)
    qcols = []
    for c in range(3):
        tc = lax.dot_general(oh_lo, x3r[c], (((1,), (1,)), ((), ())),
                             precision=lax.Precision.HIGHEST)
        qcols.append(jnp.sum(tc * oh_hi, axis=1))
    q = jnp.stack(qcols, axis=1)

    xx = jnp.sum(x3 * x3, axis=0, keepdims=True)
    xx2 = jnp.sum(q * q, axis=1)

    lane64 = lax.broadcasted_iota(jnp.int32, (1, NSEG), 1)
    segmax = None
    for j in range(NSEG):
        x3j = x3[:, j * SEGW:(j + 1) * SEGW]
        inner = -2.0 * lax.dot_general(q, x3j, (((1,), (0,)), ((), ())))
        zj = ((-xx[:, j * SEGW:(j + 1) * SEGW]) - inner) - xx2[:, None]
        mj = jnp.max(zj, axis=1)[:, None]
        contrib = mj * (lane64 == j).astype(jnp.float32)
        segmax = contrib if segmax is None else segmax + contrib

    iota_seg = lax.broadcasted_iota(jnp.int32, (S_BLK, NSEG), 1)
    lane32 = lax.broadcasted_iota(jnp.int32, (1, NLIST), 1)
    sm = segmax
    vacc = jnp.zeros((S_BLK, NLIST), jnp.float32)
    iacc = jnp.zeros((S_BLK, NLIST), jnp.int32)
    for k in range(NLIST):
        m = jnp.max(sm, axis=1)
        cand = jnp.where(sm == m[:, None], iota_seg, jnp.int32(NSEG))
        j = jnp.min(cand, axis=1)
        ek = (lane32 == k)
        vacc = vacc + m[:, None] * ek.astype(jnp.float32)
        iacc = iacc + j[:, None] * ek.astype(jnp.int32)
        sm = jnp.where(iota_seg == j[:, None], -jnp.inf, sm)
    segv_ref[0] = vacc
    segi_ref[0] = iacc


def _make_sc_kernel():
    mesh = plsc.VectorSubcoreMesh(core_axis_name="c", subcore_axis_name="s",
                                  num_cores=2, num_subcores=16)

    @functools.partial(
        pl.kernel,
        out_type=jax.ShapeDtypeStruct((B, C, K, S), jnp.float32),
        mesh=mesh,
        compiler_params=pltpu.CompilerParams(needs_layout_passes=False),
        scratch_types=[
            pltpu.VMEM((C, P), jnp.float32),
            pltpu.VMEM((P,), jnp.float32),
            pltpu.VMEM((QW,), jnp.int32),
            pltpu.VMEM((QW * NLIST,), jnp.float32),
            pltpu.VMEM((QW * NLIST,), jnp.int32),
            pltpu.VMEM((CAND + 16,), jnp.float32),
            pltpu.VMEM((CAND + 16,), jnp.int32),
            pltpu.VMEM((C, K, QW // 2), jnp.float32),
        ],
    )
    def sc_kernel(x_hbm, perm_hbm, segv_hbm, segi_hbm, out_hbm,
                  xr, xxv, pv, sv, si, dbuf, ibuf, outb):
        cid = lax.axis_index("c")
        sid = lax.axis_index("s")
        w = sid * 2 + cid
        qbase = w * QW
        b = qbase // S
        s0 = qbase % S

        pltpu.sync_copy(x_hbm.at[b], xr)
        pltpu.sync_copy(perm_hbm.at[b, pl.ds(s0, QW)], pv)
        pltpu.sync_copy(segv_hbm.at[b, pl.ds(s0 * NLIST, QW * NLIST)], sv)
        pltpu.sync_copy(segi_hbm.at[b, pl.ds(s0 * NLIST, QW * NLIST)], si)

        iota16 = lax.broadcasted_iota(jnp.int32, (16,), 0)
        zeros16 = jnp.zeros((16,), jnp.int32)

        def bf16_round(v):
            i = plsc.bitcast(v, jnp.int32)
            r = (i + jnp.int32(0x7FFF) + ((i >> 16) & 1)) & jnp.int32(-65536)
            return plsc.bitcast(r, jnp.float32)

        def xx_loop(ci, _):
            o = ci * 16
            xv = xr[0, pl.ds(o, 16)]
            yv = xr[1, pl.ds(o, 16)]
            zv = xr[2, pl.ds(o, 16)]
            xxv[pl.ds(o, 16)] = (xv * xv + yv * yv) + zv * zv
            return 0
        lax.fori_loop(0, NCHUNK, xx_loop, 0)

        def q_loop(sl, _):
            slv = zeros16 + sl
            p0 = plsc.load_gather(pv, [slv])
            qx = plsc.load_gather(xr, [zeros16, p0])
            qy = plsc.load_gather(xr, [zeros16 + 1, p0])
            qz = plsc.load_gather(xr, [zeros16 + 2, p0])
            xx2 = (qx * qx + qy * qy) + qz * qz
            qxb = bf16_round(qx)
            qyb = bf16_round(qy)
            qzb = bf16_round(qz)
            svbase = slv * NLIST
            tth = plsc.load_gather(sv, [svbase + (K - 1)]) - EPS

            def seg_scan(base, pos_v):
                for cc in range(SEGW // 16):
                    ov = (base + cc * 16) + iota16
                    xv = bf16_round(plsc.load_gather(xr, [zeros16, ov]))
                    yv = bf16_round(plsc.load_gather(xr, [zeros16 + 1, ov]))
                    zv = bf16_round(plsc.load_gather(xr, [zeros16 + 2, ov]))
                    xxc = plsc.load_gather(xxv, [ov])
                    dot = (qxb * xv + qyb * yv) + qzb * zv
                    d = ((-xxc) + 2.0 * dot) - xx2
                    msk = d >= tth
                    tgt = (pos_v + plsc.cumsum(msk.astype(jnp.int32))) - 1
                    tgt = jnp.minimum(tgt, jnp.int32(CAND - 1))
                    plsc.store_scatter(dbuf, [tgt], d, mask=msk)
                    plsc.store_scatter(ibuf, [tgt], ov, mask=msk)
                    pos_v = pos_v + plsc.all_reduce_population_count(msk)
                return pos_v

            def grp_cond(carry):
                g, pos_v, cont = carry
                return jnp.logical_and(g < NLIST // SEG_GRP, cont > 0)

            def grp_body(carry):
                g, pos_v, cont = carry
                for u in range(SEG_GRP):
                    sidv = plsc.load_gather(si, [svbase + g * SEG_GRP + u])
                    pos_v = seg_scan(sidv * SEGW, pos_v)
                vlast = plsc.load_gather(
                    sv, [svbase + (g * SEG_GRP + SEG_GRP - 1)])
                more = plsc.all_reduce_population_count(vlast >= tth)
                return g + 1, pos_v, jnp.max(more)

            _, pos_v, cont_end = lax.while_loop(
                grp_cond, grp_body, (jnp.int32(0), zeros16, jnp.int32(1)))

            def full_rescan(_):
                def body(j, pv2):
                    return seg_scan((zeros16 + j) * SEGW, pv2)
                return lax.fori_loop(0, NSEG, body, zeros16)

            pos_v = lax.cond(cont_end > 0, full_rescan, lambda _: pos_v, 0)
            pos = jnp.minimum(jnp.max(pos_v), jnp.int32(CAND))
            nch = (pos + 15) // 16
            last = (nch - 1) * 16
            tail = dbuf[pl.ds(last, 16)]
            dbuf[pl.ds(last, 16)] = jnp.where(iota16 < pos - last, tail,
                                              -jnp.inf)

            a_k, a_v = plsc.sort_key_val(dbuf[pl.ds(0, 16)],
                                         ibuf[pl.ds(0, 16)])

            def merge(j, av):
                ak, avi = av
                o = j * 16
                dk, dv = plsc.sort_key_val(dbuf[pl.ds(o, 16)],
                                           ibuf[pl.ds(o, 16)],
                                           descending=True)
                take = ak >= dk
                uk = jnp.where(take, ak, dk)
                ui = jnp.where(take, avi, dv)
                return tuple(plsc.sort_key_val(uk, ui))

            a_k, a_v = lax.fori_loop(1, nch, merge, (a_k, a_v))
            ridx = lax.rev(a_v, (0,))
            slh = zeros16 + (sl & (QW // 2 - 1))
            for ci in range(C):
                fv = plsc.load_gather(xr, [zeros16 + ci, ridx])
                plsc.store_scatter(outb, [zeros16 + ci, iota16, slh], fv)

            @pl.when(sl == QW // 2 - 1)
            def _():
                pltpu.sync_copy(outb, out_hbm.at[b, :, :, pl.ds(s0, QW // 2)])

            @pl.when(sl == QW - 1)
            def _():
                pltpu.sync_copy(outb,
                                out_hbm.at[b, :, :,
                                           pl.ds(s0 + QW // 2, QW // 2)])
            return 0

        lax.fori_loop(0, QW, q_loop, 0)

    return sc_kernel


def kernel(x, s_num):
    perm = _sample_perm(s_num).astype(jnp.int32)
    perm3 = perm.reshape(B * NSB, 1, S_BLK)
    segv3, segi3 = pl.pallas_call(
        _tc_body,
        grid=(B, NSB),
        in_specs=[
            pl.BlockSpec((1, C, P), lambda b, s: (b, 0, 0)),
            pl.BlockSpec((1, 1, S_BLK), lambda b, s: (b * NSB + s, 0, 0)),
        ],
        out_specs=[
            pl.BlockSpec((1, S_BLK, NLIST), lambda b, s: (b * NSB + s, 0, 0)),
            pl.BlockSpec((1, S_BLK, NLIST), lambda b, s: (b * NSB + s, 0, 0)),
        ],
        out_shape=[
            jax.ShapeDtypeStruct((B * NSB, S_BLK, NLIST), jnp.float32),
            jax.ShapeDtypeStruct((B * NSB, S_BLK, NLIST), jnp.int32),
        ],
    )(x, perm3)
    segv = segv3.reshape(B, S * NLIST)
    segi = segi3.reshape(B, S * NLIST)
    out = _make_sc_kernel()(x, perm, segv, segi)
    return out.reshape(B, C, S, K)

# --- scband reference (transcript-rebuilt; emitter-appended) ---
"""Pipeline reference for scband-dynamic-sampling-86526411145607 (READ-ONLY COPY).

The authoritative reference and input builder live on the scoring server;
editing this copy changes nothing except your own understanding.
"""

import jax, jax.numpy as jnp
import numpy as np

K = 16
DILATION = 1
S_NUM = 2048


def knn(x, x2, k, dilation=1):
    # x: [B, 3, P], x2: [B, 3, S]
    inner = -2.0 * jnp.matmul(jnp.swapaxes(x, 2, 1), x2)          # [B, P, S]
    xx = jnp.sum(x ** 2, axis=1, keepdims=True)                    # [B, 1, P]
    xx2 = jnp.sum(x2 ** 2, axis=1, keepdims=True)                  # [B, 1, S]
    pairwise = -jnp.swapaxes(xx, 2, 1) - inner - xx2               # [B, P, S]
    # torch topk(dim=-2): top-k along the P axis for every column S
    pd = jnp.swapaxes(pairwise, 1, 2)                              # [B, S, P]
    _, idx = jax.lax.top_k(pd, k * dilation)                       # [B, S, k*dilation]
    idx = jnp.swapaxes(idx, 1, 2)                                  # [B, k*dilation, S]
    return idx[:, :, ::dilation]


def setup_inputs(seed: int = 0) -> dict:
    key = jax.random.key(seed)
    x = jax.random.normal(key, (4, 5, 8192), dtype=jnp.float32)
    return {"x": x, "s_num": 2048}


def reference(x, s_num):
    B, C, P = x.shape
    # s_num <= P path, Is_temp=False
    rk = jax.random.key(1)
    rand_num = jnp.abs(jax.random.uniform(rk, (B, P), dtype=jnp.float32))
    sorted_idx = jnp.argsort(rand_num, axis=1)                     # [B, P]
    batch_rand_perm = jax.lax.dynamic_slice(
        sorted_idx, (0, s_num - S_NUM), (B, S_NUM))                # [B, s_num]
    perm_rep = jnp.broadcast_to(batch_rand_perm[:, None, :], (B, C, S_NUM))
    select_point = jnp.take_along_axis(x, perm_rep, axis=2)        # [B, C, s_num]
    # C == 5 path: knn on xyz channels
    indx = knn(x[:, :3, :], select_point[:, :3, :], K, DILATION)   # [B, K, s_num]
    idx_base = jnp.arange(B).reshape(-1, 1, 1) * P
    indx = (indx + idx_base).reshape(-1)
    xt = jnp.swapaxes(x, 2, 1).reshape(B * P, C)
    feature = xt[indx, :]                                          # [B*K*s_num, C]
    feature = feature.reshape(B, S_NUM, K, C)
    return jnp.transpose(feature, (0, 3, 1, 2))

if __name__ == "__main__":
    import jax
    _d = setup_inputs()
    print(jax.jit(kernel)(*tuple(_d.values())))

</pallas_src>

<mosaic_0001>
#map = affine_map<(d0, d1) -> (0, 0, 0)>
#map1 = affine_map<(d0, d1) -> (0, 0)>
#map2 = affine_map<(d0, d1) -> (0, 0, 0, 0)>
module attributes {stable_mosaic.version = 14 : i64} {
  func.func @sc_kernel(%arg0: i32, %arg1: i32, %arg2: memref<4x5x8192xf32, #tpu.memory_space<hbm>>, %arg3: memref<4x2048xi32, #tpu.memory_space<hbm>>, %arg4: memref<4x49152xf32, #tpu.memory_space<hbm>>, %arg5: memref<4x49152xi32, #tpu.memory_space<hbm>>, %arg6: memref<4x5x16x2048xf32, #tpu.memory_space<hbm>>, %arg7: memref<5x8192xf32, #tpu.memory_space<vmem>>, %arg8: memref<8192xf32, #tpu.memory_space<vmem>>, %arg9: memref<256xi32, #tpu.memory_space<vmem>>, %arg10: memref<6144xf32, #tpu.memory_space<vmem>>, %arg11: memref<6144xi32, #tpu.memory_space<vmem>>, %arg12: memref<1296xf32, #tpu.memory_space<vmem>>, %arg13: memref<1296xi32, #tpu.memory_space<vmem>>, %arg14: memref<5x16x128xf32, #tpu.memory_space<vmem>>) attributes {dimension_semantics = [#tpu.dimension_semantics<core_parallel>, #tpu.dimension_semantics<subcore_parallel>], iteration_bounds = array<i64: 2, 16>, scalar_prefetch = 0 : i64, scratch_operands = 8 : i64, tpu.core_type = #tpu.core_type<sc_vector_subcore>, window_params = [{transform_indices = #map}, {transform_indices = #map1}, {transform_indices = #map1}, {transform_indices = #map1}, {transform_indices = #map2}]} {
    %mul3A = arith.constant 2 : i32
    %mul3A_0 = arith.muli %arg1, %mul3A : i32
    %add3A = arith.addi %mul3A_0, %arg0 : i32
    %mul3A_1 = arith.constant 256 : i32
    %mul3A_2 = arith.muli %add3A, %mul3A_1 : i32
    %jit3A = arith.constant 2048 : i32
    %div3A = arith.divsi %mul3A_2, %jit3A : i32
    %sign3A = arith.constant 0 : i32
    %sign3A_3 = arith.cmpi sgt, %mul3A_2, %sign3A : i32
    %sign3A_4 = arith.extui %sign3A_3 : i1 to i32
    %sign3A_5 = arith.constant 0 : i32
    %sign3A_6 = arith.cmpi slt, %mul3A_2, %sign3A_5 : i32
    %sign3A_7 = arith.extui %sign3A_6 : i1 to i32
    %sign3A_8 = arith.subi %sign3A_4, %sign3A_7 : i32
    %sign3A_9 = arith.constant 0 : i32
    %sign3A_10 = arith.cmpi sgt, %jit3A, %sign3A_9 : i32
    %sign3A_11 = arith.extui %sign3A_10 : i1 to i32
    %sign3A_12 = arith.constant 0 : i32
    %sign3A_13 = arith.cmpi slt, %jit3A, %sign3A_12 : i32
    %sign3A_14 = arith.extui %sign3A_13 : i1 to i32
    %sign3A_15 = arith.subi %sign3A_11, %sign3A_14 : i32
    %ne3A = arith.cmpi ne, %sign3A_8, %sign3A_15 : i32
    %rem3A = arith.remsi %mul3A_2, %jit3A : i32
    %ne3A_16 = arith.constant 0 : i32
    %ne3A_17 = arith.cmpi ne, %rem3A, %ne3A_16 : i32
    %and3A = arith.andi %ne3A, %ne3A_17 : i1
    %sub3A = arith.constant 1 : i32
    %sub3A_18 = arith.subi %div3A, %sub3A : i32
    %select_n3A = arith.select %and3A, %sub3A_18, %div3A : i32
    %jit3A_19 = arith.constant 2048 : i32
    %eq3A = arith.constant 0 : i32
    %eq3A_20 = arith.cmpi eq, %jit3A_19, %eq3A : i32
    %jit3A_21 = arith.constant 1 : i32
    %select_n3A_22 = arith.select %eq3A_20, %jit3A_21, %jit3A_19 : i32
    %rem3A_23 = arith.remsi %mul3A_2, %select_n3A_22 : i32
    %ne3A_24 = arith.constant 0 : i32
    %ne3A_25 = arith.cmpi ne, %rem3A_23, %ne3A_24 : i32
    %lt3A = arith.constant 0 : i32
    %lt3A_26 = arith.cmpi slt, %rem3A_23, %lt3A : i32
    %lt3A_27 = arith.constant 0 : i32
    %lt3A_28 = arith.cmpi slt, %select_n3A_22, %lt3A_27 : i32
    %ne3A_29 = arith.xori %lt3A_26, %lt3A_28 : i1
    %and3A_30 = arith.andi %ne3A_29, %ne3A_25 : i1
    %add3A_31 = arith.addi %rem3A_23, %select_n3A_22 : i32
    %select_n3A_32 = arith.select %and3A_30, %add3A_31, %rem3A_23 : i32
    "tpu.region"() ({
      %run_scoped3A = tpu.sem_alloc : memref<!tpu.dma_semaphore, #tpu.memory_space<semaphore_mem>>
      %dma_start3A = arith.constant 0 : i32
      %dma_start3A_51 = arith.constant 0 : i32
      %dma_start3A_52 = tpu.memref_slice %arg2[%select_n3A, %dma_start3A, %dma_start3A_51] : memref<4x5x8192xf32, #tpu.memory_space<hbm>> -> memref<1x5x8192xf32, #tpu.memory_space<hbm>>
      %dma_start3A_53 = tpu.memref_squeeze %dma_start3A_52 : memref<1x5x8192xf32, #tpu.memory_space<hbm>> -> memref<5x8192xf32, #tpu.memory_space<hbm>>
      %dma_start3A_54 = arith.constant 0 : i32
      %dma_start3A_55 = arith.constant 0 : i32
      %dma_start3A_56 = tpu.memref_slice %arg2[%select_n3A, %dma_start3A_54, %dma_start3A_55] : memref<4x5x8192xf32, #tpu.memory_space<hbm>> -> memref<1x5x8192xf32, #tpu.memory_space<hbm>>
      %dma_start3A_57 = tpu.memref_squeeze %dma_start3A_56 : memref<1x5x8192xf32, #tpu.memory_space<hbm>> -> memref<5x8192xf32, #tpu.memory_space<hbm>>
      tpu.enqueue_dma source(%dma_start3A_57 : memref<5x8192xf32, #tpu.memory_space<hbm>>) target(%arg7 : memref<5x8192xf32, #tpu.memory_space<vmem>>) target_semaphore(%run_scoped3A : memref<!tpu.dma_semaphore, #tpu.memory_space<semaphore_mem>>)
      %dma_wait3A = arith.constant 0 : i32
      %dma_wait3A_58 = arith.constant 0 : i32
      %dma_wait3A_59 = tpu.memref_slice %arg2[%select_n3A, %dma_wait3A, %dma_wait3A_58] : memref<4x5x8192xf32, #tpu.memory_space<hbm>> -> memref<1x5x8192xf32, #tpu.memory_space<hbm>>
      %dma_wait3A_60 = tpu.memref_squeeze %dma_wait3A_59 : memref<1x5x8192xf32, #tpu.memory_space<hbm>> -> memref<5x8192xf32, #tpu.memory_space<hbm>>
      %dma_wait3A_61 = arith.constant 0 : i32
      %dma_wait3A_62 = arith.constant 0 : i32
      %dma_wait3A_63 = tpu.memref_slice %arg2[%select_n3A, %dma_wait3A_61, %dma_wait3A_62] : memref<4x5x8192xf32, #tpu.memory_space<hbm>> -> memref<1x5x8192xf32, #tpu.memory_space<hbm>>
      %dma_wait3A_64 = tpu.memref_squeeze %dma_wait3A_63 : memref<1x5x8192xf32, #tpu.memory_space<hbm>> -> memref<5x8192xf32, #tpu.memory_space<hbm>>
      tpu.wait_dma2 semaphore(%run_scoped3A : memref<!tpu.dma_semaphore, #tpu.memory_space<semaphore_mem>>) src(%dma_wait3A_64 : memref<5x8192xf32, #tpu.memory_space<hbm>>) dst(%arg7 : memref<5x8192xf32, #tpu.memory_space<vmem>>)
      tpu.yield
    }) : () -> ()
    "tpu.region"() ({
      %run_scoped3A = tpu.sem_alloc : memref<!tpu.dma_semaphore, #tpu.memory_space<semaphore_mem>>
      %dma_start3A = tpu.memref_slice %arg3[%select_n3A, %select_n3A_32] : memref<4x2048xi32, #tpu.memory_space<hbm>> -> memref<1x256xi32, #tpu.memory_space<hbm>>
      %dma_start3A_51 = tpu.memref_squeeze %dma_start3A : memref<1x256xi32, #tpu.memory_space<hbm>> -> memref<256xi32, #tpu.memory_space<hbm>>
      %dma_start3A_52 = tpu.memref_slice %arg3[%select_n3A, %select_n3A_32] : memref<4x2048xi32, #tpu.memory_space<hbm>> -> memref<1x256xi32, #tpu.memory_space<hbm>>
      %dma_start3A_53 = tpu.memref_squeeze %dma_start3A_52 : memref<1x256xi32, #tpu.memory_space<hbm>> -> memref<256xi32, #tpu.memory_space<hbm>>
      tpu.enqueue_dma source(%dma_start3A_53 : memref<256xi32, #tpu.memory_space<hbm>>) target(%arg9 : memref<256xi32, #tpu.memory_space<vmem>>) target_semaphore(%run_scoped3A : memref<!tpu.dma_semaphore, #tpu.memory_space<semaphore_mem>>)
      %dma_wait3A = tpu.memref_slice %arg3[%select_n3A, %select_n3A_32] : memref<4x2048xi32, #tpu.memory_space<hbm>> -> memref<1x256xi32, #tpu.memory_space<hbm>>
      %dma_wait3A_54 = tpu.memref_squeeze %dma_wait3A : memref<1x256xi32, #tpu.memory_space<hbm>> -> memref<256xi32, #tpu.memory_space<hbm>>
      %dma_wait3A_55 = tpu.memref_slice %arg3[%select_n3A, %select_n3A_32] : memref<4x2048xi32, #tpu.memory_space<hbm>> -> memref<1x256xi32, #tpu.memory_space<hbm>>
      %dma_wait3A_56 = tpu.memref_squeeze %dma_wait3A_55 : memref<1x256xi32, #tpu.memory_space<hbm>> -> memref<256xi32, #tpu.memory_space<hbm>>
      tpu.wait_dma2 semaphore(%run_scoped3A : memref<!tpu.dma_semaphore, #tpu.memory_space<semaphore_mem>>) src(%dma_wait3A_56 : memref<256xi32, #tpu.memory_space<hbm>>) dst(%arg9 : memref<256xi32, #tpu.memory_space<vmem>>)
      tpu.yield
    }) : () -> ()
    %mul3A_33 = arith.constant 24 : i32
    %mul3A_34 = arith.muli %select_n3A_32, %mul3A_33 : i32
    "tpu.region"() ({
      %run_scoped3A = tpu.sem_alloc : memref<!tpu.dma_semaphore, #tpu.memory_space<semaphore_mem>>
      %dma_start3A = tpu.memref_slice %arg4[%select_n3A, %mul3A_34] : memref<4x49152xf32, #tpu.memory_space<hbm>> -> memref<1x6144xf32, #tpu.memory_space<hbm>>
      %dma_start3A_51 = tpu.memref_squeeze %dma_start3A : memref<1x6144xf32, #tpu.memory_space<hbm>> -> memref<6144xf32, #tpu.memory_space<hbm>>
      %dma_start3A_52 = tpu.memref_slice %arg4[%select_n3A, %mul3A_34] : memref<4x49152xf32, #tpu.memory_space<hbm>> -> memref<1x6144xf32, #tpu.memory_space<hbm>>
      %dma_start3A_53 = tpu.memref_squeeze %dma_start3A_52 : memref<1x6144xf32, #tpu.memory_space<hbm>> -> memref<6144xf32, #tpu.memory_space<hbm>>
      tpu.enqueue_dma source(%dma_start3A_53 : memref<6144xf32, #tpu.memory_space<hbm>>) target(%arg10 : memref<6144xf32, #tpu.memory_space<vmem>>) target_semaphore(%run_scoped3A : memref<!tpu.dma_semaphore, #tpu.memory_space<semaphore_mem>>)
      %dma_wait3A = tpu.memref_slice %arg4[%select_n3A, %mul3A_34] : memref<4x49152xf32, #tpu.memory_space<hbm>> -> memref<1x6144xf32, #tpu.memory_space<hbm>>
      %dma_wait3A_54 = tpu.memref_squeeze %dma_wait3A : memref<1x6144xf32, #tpu.memory_space<hbm>> -> memref<6144xf32, #tpu.memory_space<hbm>>
      %dma_wait3A_55 = tpu.memref_slice %arg4[%select_n3A, %mul3A_34] : memref<4x49152xf32, #tpu.memory_space<hbm>> -> memref<1x6144xf32, #tpu.memory_space<hbm>>
      %dma_wait3A_56 = tpu.memref_squeeze %dma_wait3A_55 : memref<1x6144xf32, #tpu.memory_space<hbm>> -> memref<6144xf32, #tpu.memory_space<hbm>>
      tpu.wait_dma2 semaphore(%run_scoped3A : memref<!tpu.dma_semaphore, #tpu.memory_space<semaphore_mem>>) src(%dma_wait3A_56 : memref<6144xf32, #tpu.memory_space<hbm>>) dst(%arg10 : memref<6144xf32, #tpu.memory_space<vmem>>)
      tpu.yield
    }) : () -> ()
    %mul3A_35 = arith.constant 24 : i32
    %mul3A_36 = arith.muli %select_n3A_32, %mul3A_35 : i32
    "tpu.region"() ({
      %run_scoped3A = tpu.sem_alloc : memref<!tpu.dma_semaphore, #tpu.memory_space<semaphore_mem>>
      %dma_start3A = tpu.memref_slice %arg5[%select_n3A, %mul3A_36] : memref<4x49152xi32, #tpu.memory_space<hbm>> -> memref<1x6144xi32, #tpu.memory_space<hbm>>
      %dma_start3A_51 = tpu.memref_squeeze %dma_start3A : memref<1x6144xi32, #tpu.memory_space<hbm>> -> memref<6144xi32, #tpu.memory_space<hbm>>
      %dma_start3A_52 = tpu.memref_slice %arg5[%select_n3A, %mul3A_36] : memref<4x49152xi32, #tpu.memory_space<hbm>> -> memref<1x6144xi32, #tpu.memory_space<hbm>>
      %dma_start3A_53 = tpu.memref_squeeze %dma_start3A_52 : memref<1x6144xi32, #tpu.memory_space<hbm>> -> memref<6144xi32, #tpu.memory_space<hbm>>
      tpu.enqueue_dma source(%dma_start3A_53 : memref<6144xi32, #tpu.memory_space<hbm>>) target(%arg11 : memref<6144xi32, #tpu.memory_space<vmem>>) target_semaphore(%run_scoped3A : memref<!tpu.dma_semaphore, #tpu.memory_space<semaphore_mem>>)
      %dma_wait3A = tpu.memref_slice %arg5[%select_n3A, %mul3A_36] : memref<4x49152xi32, #tpu.memory_space<hbm>> -> memref<1x6144xi32, #tpu.memory_space<hbm>>
      %dma_wait3A_54 = tpu.memref_squeeze %dma_wait3A : memref<1x6144xi32, #tpu.memory_space<hbm>> -> memref<6144xi32, #tpu.memory_space<hbm>>
      %dma_wait3A_55 = tpu.memref_slice %arg5[%select_n3A, %mul3A_36] : memref<4x49152xi32, #tpu.memory_space<hbm>> -> memref<1x6144xi32, #tpu.memory_space<hbm>>
      %dma_wait3A_56 = tpu.memref_squeeze %dma_wait3A_55 : memref<1x6144xi32, #tpu.memory_space<hbm>> -> memref<6144xi32, #tpu.memory_space<hbm>>
      tpu.wait_dma2 semaphore(%run_scoped3A : memref<!tpu.dma_semaphore, #tpu.memory_space<semaphore_mem>>) src(%dma_wait3A_56 : memref<6144xi32, #tpu.memory_space<hbm>>) dst(%arg11 : memref<6144xi32, #tpu.memory_space<vmem>>)
      tpu.yield
    }) : () -> ()
    %iota3A = tpu.iota {dimensions = array<i32: 0>} : vector<16xi32>
    %broadcast_in_dim3A = arith.constant 0 : i32
    %broadcast_in_dim3A_37 = vector.broadcast %broadcast_in_dim3A : i32 to vector<16xi32>
    %scan3A = arith.constant 0 : i32
    %scan3A_38 = arith.constant 0 : i32
    %scan3A_39 = arith.constant 512 : i32
    %scan3A_40 = arith.addi %scan3A_38, %scan3A_39 : i32
    %scan3A_41 = arith.constant 1 : i32
    %scan3A_42 = scf.for %scan3A_51 = %scan3A_38 to %scan3A_40 step %scan3A_41 iter_args(%scan3A_52 = %scan3A) -> (i32)  : i32 {
      %mul3A_53 = arith.constant 16 : i32
      %mul3A_54 = arith.muli %scan3A_51, %mul3A_53 : i32
      %get3A = arith.constant 0 : i32
      %get3A_55 = arith.index_cast %get3A : i32 to index
      %get3A_56 = arith.index_cast %mul3A_54 : i32 to index
      %get3A_57 = tpu.vector_load %arg7[%get3A_55, %get3A_56] {strides = array<i32>} : memref<5x8192xf32, #tpu.memory_space<vmem>>, vector<16xf32>,
      %get3A_58 = arith.constant 1 : i32
      %get3A_59 = arith.index_cast %get3A_58 : i32 to index
      %get3A_60 = arith.index_cast %mul3A_54 : i32 to index
      %get3A_61 = tpu.vector_load %arg7[%get3A_59, %get3A_60] {strides = array<i32>} : memref<5x8192xf32, #tpu.memory_space<vmem>>, vector<16xf32>,
      %get3A_62 = arith.constant 2 : i32
      %get3A_63 = arith.index_cast %get3A_62 : i32 to index
      %get3A_64 = arith.index_cast %mul3A_54 : i32 to index
      %get3A_65 = tpu.vector_load %arg7[%get3A_63, %get3A_64] {strides = array<i32>} : memref<5x8192xf32, #tpu.memory_space<vmem>>, vector<16xf32>,
      %mul3A_66 = arith.mulf %get3A_57, %get3A_57 : vector<16xf32>
      %mul3A_67 = arith.mulf %get3A_61, %get3A_61 : vector<16xf32>
      %add3A_68 = arith.addf %mul3A_66, %mul3A_67 : vector<16xf32>
      %mul3A_69 = arith.mulf %get3A_65, %get3A_65 : vector<16xf32>
      %add3A_70 = arith.addf %add3A_68, %mul3A_69 : vector<16xf32>
      %swap3A = arith.index_cast %mul3A_54 : i32 to index
      %swap3A_71 = tpu.vector_load %arg8[%swap3A] {strides = array<i32>} : memref<8192xf32, #tpu.memory_space<vmem>>, vector<16xf32>,
      tpu.vector_store %arg8[%swap3A], %add3A_70 {strides = array<i32>} : memref<8192xf32, #tpu.memory_space<vmem>>, vector<16xf32>,
      %scan3A_72 = arith.constant 0 : i32
      scf.yield %scan3A_72 : i32
    }
    %scan3A_43 = arith.constant 512 : i32
    %scan3A_44 = arith.constant 0 : i32
    %scan3A_45 = arith.constant 0 : i32
    %scan3A_46 = arith.constant 256 : i32
    %scan3A_47 = arith.addi %scan3A_45, %scan3A_46 : i32
    %scan3A_48 = arith.constant 1 : i32
    %scan3A_49 = scf.for %scan3A_51 = %scan3A_45 to %scan3A_47 step %scan3A_48 iter_args(%scan3A_52 = %scan3A_44) -> (i32)  : i32 {
      %add3A_53 = vector.broadcast %scan3A_51 : i32 to vector<16xi32>
      %add3A_54 = arith.addi %broadcast_in_dim3A_37, %add3A_53 : vector<16xi32>
      %gather3A = tpu.vector_load_idx %arg9[%add3A_54] : memref<256xi32, #tpu.memory_space<vmem>>[vector<16xi32>], vector<16xi32>,
      %gather3A_55 = tpu.vector_load_idx %arg7[%broadcast_in_dim3A_37, %gather3A] : memref<5x8192xf32, #tpu.memory_space<vmem>>[vector<16xi32>, vector<16xi32>], vector<16xf32>,
      %add3A_56 = arith.constant 1 : i32
      %add3A_57 = vector.broadcast %add3A_56 : i32 to vector<16xi32>
      %add3A_58 = arith.addi %broadcast_in_dim3A_37, %add3A_57 : vector<16xi32>
      %gather3A_59 = tpu.vector_load_idx %arg7[%add3A_58, %gather3A] : memref<5x8192xf32, #tpu.memory_space<vmem>>[vector<16xi32>, vector<16xi32>], vector<16xf32>,
      %add3A_60 = arith.constant 2 : i32
      %add3A_61 = vector.broadcast %add3A_60 : i32 to vector<16xi32>
      %add3A_62 = arith.addi %broadcast_in_dim3A_37, %add3A_61 : vector<16xi32>
      %gather3A_63 = tpu.vector_load_idx %arg7[%add3A_62, %gather3A] : memref<5x8192xf32, #tpu.memory_space<vmem>>[vector<16xi32>, vector<16xi32>], vector<16xf32>,
      %mul3A_64 = arith.mulf %gather3A_55, %gather3A_55 : vector<16xf32>
      %mul3A_65 = arith.mulf %gather3A_59, %gather3A_59 : vector<16xf32>
      %add3A_66 = arith.addf %mul3A_64, %mul3A_65 : vector<16xf32>
      %mul3A_67 = arith.mulf %gather3A_63, %gather3A_63 : vector<16xf32>
      %add3A_68 = arith.addf %add3A_66, %mul3A_67 : vector<16xf32>
      %bitcast3A = vector.bitcast %gather3A_55 : vector<16xf32> to vector<16xi32>
      %add3A_69 = arith.constant 32767 : i32
      %add3A_70 = vector.broadcast %add3A_69 : i32 to vector<16xi32>
      %add3A_71 = arith.addi %bitcast3A, %add3A_70 : vector<16xi32>
      %shift_right_arithmetic3A = arith.constant 16 : i32
      %shift_right_arithmetic3A_72 = vector.broadcast %shift_right_arithmetic3A : i32 to vector<16xi32>
      %shift_right_arithmetic3A_73 = arith.shrsi %bitcast3A, %shift_right_arithmetic3A_72 : vector<16xi32>
      %and3A_74 = arith.constant 1 : i32
      %and3A_75 = vector.broadcast %and3A_74 : i32 to vector<16xi32>
      %and3A_76 = arith.andi %shift_right_arithmetic3A_73, %and3A_75 : vector<16xi32>
      %add3A_77 = arith.addi %add3A_71, %and3A_76 : vector<16xi32>
      %and3A_78 = arith.constant -65536 : i32
      %and3A_79 = vector.broadcast %and3A_78 : i32 to vector<16xi32>
      %and3A_80 = arith.andi %add3A_77, %and3A_79 : vector<16xi32>
      %bitcast3A_81 = vector.bitcast %and3A_80 : vector<16xi32> to vector<16xf32>
      %bitcast3A_82 = vector.bitcast %gather3A_59 : vector<16xf32> to vector<16xi32>
      %add3A_83 = arith.constant 32767 : i32
      %add3A_84 = vector.broadcast %add3A_83 : i32 to vector<16xi32>
      %add3A_85 = arith.addi %bitcast3A_82, %add3A_84 : vector<16xi32>
      %shift_right_arithmetic3A_86 = arith.constant 16 : i32
      %shift_right_arithmetic3A_87 = vector.broadcast %shift_right_arithmetic3A_86 : i32 to vector<16xi32>
      %shift_right_arithmetic3A_88 = arith.shrsi %bitcast3A_82, %shift_right_arithmetic3A_87 : vector<16xi32>
      %and3A_89 = arith.constant 1 : i32
      %and3A_90 = vector.broadcast %and3A_89 : i32 to vector<16xi32>
      %and3A_91 = arith.andi %shift_right_arithmetic3A_88, %and3A_90 : vector<16xi32>
      %add3A_92 = arith.addi %add3A_85, %and3A_91 : vector<16xi32>
      %and3A_93 = arith.constant -65536 : i32
      %and3A_94 = vector.broadcast %and3A_93 : i32 to vector<16xi32>
      %and3A_95 = arith.andi %add3A_92, %and3A_94 : vector<16xi32>
      %bitcast3A_96 = vector.bitcast %and3A_95 : vector<16xi32> to vector<16xf32>
      %bitcast3A_97 = vector.bitcast %gather3A_63 : vector<16xf32> to vector<16xi32>
      %add3A_98 = arith.constant 32767 : i32
      %add3A_99 = vector.broadcast %add3A_98 : i32 to vector<16xi32>
      %add3A_100 = arith.addi %bitcast3A_97, %add3A_99 : vector<16xi32>
      %shift_right_arithmetic3A_101 = arith.constant 16 : i32
      %shift_right_arithmetic3A_102 = vector.broadcast %shift_right_arithmetic3A_101 : i32 to vector<16xi32>
      %shift_right_arithmetic3A_103 = arith.shrsi %bitcast3A_97, %shift_right_arithmetic3A_102 : vector<16xi32>
      %and3A_104 = arith.constant 1 : i32
      %and3A_105 = vector.broadcast %and3A_104 : i32 to vector<16xi32>
      %and3A_106 = arith.andi %shift_right_arithmetic3A_103, %and3A_105 : vector<16xi32>
      %add3A_107 = arith.addi %add3A_100, %and3A_106 : vector<16xi32>
      %and3A_108 = arith.constant -65536 : i32
      %and3A_109 = vector.broadcast %and3A_108 : i32 to vector<16xi32>
      %and3A_110 = arith.andi %add3A_107, %and3A_109 : vector<16xi32>
      %bitcast3A_111 = vector.bitcast %and3A_110 : vector<16xi32> to vector<16xf32>
      %mul3A_112 = arith.constant 24 : i32
      %mul3A_113 = vector.broadcast %mul3A_112 : i32 to vector<16xi32>
      %mul3A_114 = arith.muli %add3A_54, %mul3A_113 : vector<16xi32>
      %add3A_115 = arith.constant 15 : i32
      %add3A_116 = vector.broadcast %add3A_115 : i32 to vector<16xi32>
      %add3A_117 = arith.addi %mul3A_114, %add3A_116 : vector<16xi32>
      %gather3A_118 = tpu.vector_load_idx %arg10[%add3A_117] : memref<6144xf32, #tpu.memory_space<vmem>>[vector<16xi32>], vector<16xf32>,
      %sub3A_119 = arith.constant 1.000000e-03 : f32
      %sub3A_120 = vector.broadcast %sub3A_119 : f32 to vector<16xf32>
      %sub3A_121 = arith.subf %gather3A_118, %sub3A_120 : vector<16xf32>
      %while3A = arith.constant 0 : i32
      %while3A_122 = arith.constant 1 : i32
      %while3A_123:3 = scf.while (%while3A_246 = %while3A, %while3A_247 = %broadcast_in_dim3A_37, %while3A_248 = %while3A_122) : (i32, vector<16xi32>, i32) -> (i32, vector<16xi32>, i32) {
        %lt3A_249 = arith.constant 12 : i32
        %lt3A_250 = arith.cmpi slt, %while3A_246, %lt3A_249 : i32
        %gt3A_251 = arith.constant 0 : i32
        %gt3A_252 = arith.cmpi sgt, %while3A_248, %gt3A_251 : i32
        %and3A_253 = arith.andi %lt3A_250, %gt3A_252 : i1
        scf.condition(%and3A_253) %while3A_246, %while3A_247, %while3A_248 : i32, vector<16xi32>, i32
      } do {
      ^bb0(%while3A_246: i32, %while3A_247: vector<16xi32>, %while3A_248: i32):
        %mul3A_249 = arith.constant 2 : i32
        %mul3A_250 = arith.muli %while3A_246, %mul3A_249 : i32
        %add3A_251 = vector.broadcast %mul3A_250 : i32 to vector<16xi32>
        %add3A_252 = arith.addi %mul3A_114, %add3A_251 : vector<16xi32>
        %add3A_253 = arith.constant 0 : i32
        %add3A_254 = vector.broadcast %add3A_253 : i32 to vector<16xi32>
        %add3A_255 = arith.addi %add3A_252, %add3A_254 : vector<16xi32>
        %gather3A_256 = tpu.vector_load_idx %arg11[%add3A_255] : memref<6144xi32, #tpu.memory_space<vmem>>[vector<16xi32>], vector<16xi32>,
        %mul3A_257 = arith.constant 128 : i32
        %mul3A_258 = vector.broadcast %mul3A_257 : i32 to vector<16xi32>
        %mul3A_259 = arith.muli %gather3A_256, %mul3A_258 : vector<16xi32>
        %add3A_260 = arith.constant 0 : i32
        %add3A_261 = vector.broadcast %add3A_260 : i32 to vector<16xi32>
        %add3A_262 = arith.addi %mul3A_259, %add3A_261 : vector<16xi32>
        %add3A_263 = arith.addi %add3A_262, %iota3A : vector<16xi32>
        %gather3A_264 = tpu.vector_load_idx %arg7[%broadcast_in_dim3A_37, %add3A_263] : memref<5x8192xf32, #tpu.memory_space<vmem>>[vector<16xi32>, vector<16xi32>], vector<16xf32>,
        %bitcast3A_265 = vector.bitcast %gather3A_264 : vector<16xf32> to vector<16xi32>
        %add3A_266 = arith.constant 32767 : i32
        %add3A_267 = vector.broadcast %add3A_266 : i32 to vector<16xi32>
        %add3A_268 = arith.addi %bitcast3A_265, %add3A_267 : vector<16xi32>
        %shift_right_arithmetic3A_269 = arith.constant 16 : i32
        %shift_right_arithmetic3A_270 = vector.broadcast %shift_right_arithmetic3A_269 : i32 to vector<16xi32>
        %shift_right_arithmetic3A_271 = arith.shrsi %bitcast3A_265, %shift_right_arithmetic3A_270 : vector<16xi32>
        %and3A_272 = arith.constant 1 : i32
        %and3A_273 = vector.broadcast %and3A_272 : i32 to vector<16xi32>
        %and3A_274 = arith.andi %shift_right_arithmetic3A_271, %and3A_273 : vector<16xi32>
        %add3A_275 = arith.addi %add3A_268, %and3A_274 : vector<16xi32>
        %and3A_276 = arith.constant -65536 : i32
        %and3A_277 = vector.broadcast %and3A_276 : i32 to vector<16xi32>
        %and3A_278 = arith.andi %add3A_275, %and3A_277 : vector<16xi32>
        %bitcast3A_279 = vector.bitcast %and3A_278 : vector<16xi32> to vector<16xf32>
        %add3A_280 = arith.constant 1 : i32
        %add3A_281 = vector.broadcast %add3A_280 : i32 to vector<16xi32>
        %add3A_282 = arith.addi %broadcast_in_dim3A_37, %add3A_281 : vector<16xi32>
        %gather3A_283 = tpu.vector_load_idx %arg7[%add3A_282, %add3A_263] : memref<5x8192xf32, #tpu.memory_space<vmem>>[vector<16xi32>, vector<16xi32>], vector<16xf32>,
        %bitcast3A_284 = vector.bitcast %gather3A_283 : vector<16xf32> to vector<16xi32>
        %add3A_285 = arith.constant 32767 : i32
        %add3A_286 = vector.broadcast %add3A_285 : i32 to vector<16xi32>
        %add3A_287 = arith.addi %bitcast3A_284, %add3A_286 : vector<16xi32>
        %shift_right_arithmetic3A_288 = arith.constant 16 : i32
        %shift_right_arithmetic3A_289 = vector.broadcast %shift_right_arithmetic3A_288 : i32 to vector<16xi32>
        %shift_right_arithmetic3A_290 = arith.shrsi %bitcast3A_284, %shift_right_arithmetic3A_289 : vector<16xi32>
        %and3A_291 = arith.constant 1 : i32
        %and3A_292 = vector.broadcast %and3A_291 : i32 to vector<16xi32>
        %and3A_293 = arith.andi %shift_right_arithmetic3A_290, %and3A_292 : vector<16xi32>
        %add3A_294 = arith.addi %add3A_287, %and3A_293 : vector<16xi32>
        %and3A_295 = arith.constant -65536 : i32
        %and3A_296 = vector.broadcast %and3A_295 : i32 to vector<16xi32>
        %and3A_297 = arith.andi %add3A_294, %and3A_296 : vector<16xi32>
        %bitcast3A_298 = vector.bitcast %and3A_297 : vector<16xi32> to vector<16xf32>
        %add3A_299 = arith.constant 2 : i32
        %add3A_300 = vector.broadcast %add3A_299 : i32 to vector<16xi32>
        %add3A_301 = arith.addi %broadcast_in_dim3A_37, %add3A_300 : vector<16xi32>
        %gather3A_302 = tpu.vector_load_idx %arg7[%add3A_301, %add3A_263] : memref<5x8192xf32, #tpu.memory_space<vmem>>[vector<16xi32>, vector<16xi32>], vector<16xf32>,
        %bitcast3A_303 = vector.bitcast %gather3A_302 : vector<16xf32> to vector<16xi32>
        %add3A_304 = arith.constant 32767 : i32
        %add3A_305 = vector.broadcast %add3A_304 : i32 to vector<16xi32>
        %add3A_306 = arith.addi %bitcast3A_303, %add3A_305 : vector<16xi32>
        %shift_right_arithmetic3A_307 = arith.constant 16 : i32
        %shift_right_arithmetic3A_308 = vector.broadcast %shift_right_arithmetic3A_307 : i32 to vector<16xi32>
        %shift_right_arithmetic3A_309 = arith.shrsi %bitcast3A_303, %shift_right_arithmetic3A_308 : vector<16xi32>
        %and3A_310 = arith.constant 1 : i32
        %and3A_311 = vector.broadcast %and3A_310 : i32 to vector<16xi32>
        %and3A_312 = arith.andi %shift_right_arithmetic3A_309, %and3A_311 : vector<16xi32>
        %add3A_313 = arith.addi %add3A_306, %and3A_312 : vector<16xi32>
        %and3A_314 = arith.constant -65536 : i32
        %and3A_315 = vector.broadcast %and3A_314 : i32 to vector<16xi32>
        %and3A_316 = arith.andi %add3A_313, %and3A_315 : vector<16xi32>
        %bitcast3A_317 = vector.bitcast %and3A_316 : vector<16xi32> to vector<16xf32>
        %gather3A_318 = tpu.vector_load_idx %arg8[%add3A_263] : memref<8192xf32, #tpu.memory_space<vmem>>[vector<16xi32>], vector<16xf32>,
        %mul3A_319 = arith.mulf %bitcast3A_81, %bitcast3A_279 : vector<16xf32>
        %mul3A_320 = arith.mulf %bitcast3A_96, %bitcast3A_298 : vector<16xf32>
        %add3A_321 = arith.addf %mul3A_319, %mul3A_320 : vector<16xf32>
        %mul3A_322 = arith.mulf %bitcast3A_111, %bitcast3A_317 : vector<16xf32>
        %add3A_323 = arith.addf %add3A_321, %mul3A_322 : vector<16xf32>
        %neg3A = arith.constant 0.000000e+00 : f32
        %neg3A_324 = vector.broadcast %neg3A : f32 to vector<16xf32>
        %neg3A_325 = arith.subf %neg3A_324, %gather3A_318 : vector<16xf32>
        %mul3A_326 = arith.constant 2.000000e+00 : f32
        %mul3A_327 = vector.broadcast %mul3A_326 : f32 to vector<16xf32>
        %mul3A_328 = arith.mulf %mul3A_327, %add3A_323 : vector<16xf32>
        %add3A_329 = arith.addf %neg3A_325, %mul3A_328 : vector<16xf32>
        %sub3A_330 = arith.subf %add3A_329, %add3A_68 : vector<16xf32>
        %ge3A = arith.cmpf oge, %sub3A_330, %sub3A_121 : vector<16xf32>
        %convert_element_type3A_331 = arith.extui %ge3A : vector<16xi1> to vector<16xi32>
        %broadcast_in_dim3A_332 = arith.constant true
        %broadcast_in_dim3A_333 = vector.broadcast %broadcast_in_dim3A_332 : i1 to vector<16xi1>
        %masked_cumsum3A = tpu.scan <sum>, %convert_element_type3A_331 masked %broadcast_in_dim3A_333 : vector<16xi32>, vector<16xi1> -> vector<16xi32>
        %add3A_334 = arith.addi %while3A_247, %masked_cumsum3A : vector<16xi32>
        %sub3A_335 = arith.constant 1 : i32
        %sub3A_336 = vector.broadcast %sub3A_335 : i32 to vector<16xi32>
        %sub3A_337 = arith.subi %add3A_334, %sub3A_336 : vector<16xi32>
        %min3A_338 = arith.constant 1279 : i32
        %min3A_339 = vector.broadcast %min3A_338 : i32 to vector<16xi32>
        %min3A_340 = arith.minsi %sub3A_337, %min3A_339 : vector<16xi32>
        tpu.vector_store_idx %arg12[%min3A_340], %sub3A_330 masked %ge3A : memref<1296xf32, #tpu.memory_space<vmem>>[vector<16xi32>], vector<16xf32>, vector<16xi1>
        tpu.vector_store_idx %arg13[%min3A_340], %add3A_263 masked %ge3A : memref<1296xi32, #tpu.memory_space<vmem>>[vector<16xi32>], vector<16xi32>, vector<16xi1>
        %all_reduce_population_count3A = tpu.all_reduce %ge3A {dim = 0 : i64, kind = #tpu.reduction_kind<sum>} : vector<16xi1> -> vector<16xi32>
        %add3A_341 = arith.addi %while3A_247, %all_reduce_population_count3A : vector<16xi32>
        %add3A_342 = arith.constant 16 : i32
        %add3A_343 = vector.broadcast %add3A_342 : i32 to vector<16xi32>
        %add3A_344 = arith.addi %mul3A_259, %add3A_343 : vector<16xi32>
        %add3A_345 = arith.addi %add3A_344, %iota3A : vector<16xi32>
        %gather3A_346 = tpu.vector_load_idx %arg7[%broadcast_in_dim3A_37, %add3A_345] : memref<5x8192xf32, #tpu.memory_space<vmem>>[vector<16xi32>, vector<16xi32>], vector<16xf32>,
        %bitcast3A_347 = vector.bitcast %gather3A_346 : vector<16xf32> to vector<16xi32>
        %add3A_348 = arith.constant 32767 : i32
        %add3A_349 = vector.broadcast %add3A_348 : i32 to vector<16xi32>
        %add3A_350 = arith.addi %bitcast3A_347, %add3A_349 : vector<16xi32>
        %shift_right_arithmetic3A_351 = arith.constant 16 : i32
        %shift_right_arithmetic3A_352 = vector.broadcast %shift_right_arithmetic3A_351 : i32 to vector<16xi32>
        %shift_right_arithmetic3A_353 = arith.shrsi %bitcast3A_347, %shift_right_arithmetic3A_352 : vector<16xi32>
        %and3A_354 = arith.constant 1 : i32
        %and3A_355 = vector.broadcast %and3A_354 : i32 to vector<16xi32>
        %and3A_356 = arith.andi %shift_right_arithmetic3A_353, %and3A_355 : vector<16xi32>
        %add3A_357 = arith.addi %add3A_350, %and3A_356 : vector<16xi32>
        %and3A_358 = arith.constant -65536 : i32
        %and3A_359 = vector.broadcast %and3A_358 : i32 to vector<16xi32>
        %and3A_360 = arith.andi %add3A_357, %and3A_359 : vector<16xi32>
        %bitcast3A_361 = vector.bitcast %and3A_360 : vector<16xi32> to vector<16xf32>
        %add3A_362 = arith.constant 1 : i32
        %add3A_363 = vector.broadcast %add3A_362 : i32 to vector<16xi32>
        %add3A_364 = arith.addi %broadcast_in_dim3A_37, %add3A_363 : vector<16xi32>
        %gather3A_365 = tpu.vector_load_idx %arg7[%add3A_364, %add3A_345] : memref<5x8192xf32, #tpu.memory_space<vmem>>[vector<16xi32>, vector<16xi32>], vector<16xf32>,
        %bitcast3A_366 = vector.bitcast %gather3A_365 : vector<16xf32> to vector<16xi32>
        %add3A_367 = arith.constant 32767 : i32
        %add3A_368 = vector.broadcast %add3A_367 : i32 to vector<16xi32>
        %add3A_369 = arith.addi %bitcast3A_366, %add3A_368 : vector<16xi32>
        %shift_right_arithmetic3A_370 = arith.constant 16 : i32
        %shift_right_arithmetic3A_371 = vector.broadcast %shift_right_arithmetic3A_370 : i32 to vector<16xi32>
        %shift_right_arithmetic3A_372 = arith.shrsi %bitcast3A_366, %shift_right_arithmetic3A_371 : vector<16xi32>
        %and3A_373 = arith.constant 1 : i32
        %and3A_374 = vector.broadcast %and3A_373 : i32 to vector<16xi32>
        %and3A_375 = arith.andi %shift_right_arithmetic3A_372, %and3A_374 : vector<16xi32>
        %add3A_376 = arith.addi %add3A_369, %and3A_375 : vector<16xi32>
        %and3A_377 = arith.constant -65536 : i32
        %and3A_378 = vector.broadcast %and3A_377 : i32 to vector<16xi32>
        %and3A_379 = arith.andi %add3A_376, %and3A_378 : vector<16xi32>
        %bitcast3A_380 = vector.bitcast %and3A_379 : vector<16xi32> to vector<16xf32>
        %add3A_381 = arith.constant 2 : i32
        %add3A_382 = vector.broadcast %add3A_381 : i32 to vector<16xi32>
        %add3A_383 = arith.addi %broadcast_in_dim3A_37, %add3A_382 : vector<16xi32>
        %gather3A_384 = tpu.vector_load_idx %arg7[%add3A_383, %add3A_345] : memref<5x8192xf32, #tpu.memory_space<vmem>>[vector<16xi32>, vector<16xi32>], vector<16xf32>,
        %bitcast3A_385 = vector.bitcast %gather3A_384 : vector<16xf32> to vector<16xi32>
        %add3A_386 = arith.constant 32767 : i32
        %add3A_387 = vector.broadcast %add3A_386 : i32 to vector<16xi32>
        %add3A_388 = arith.addi %bitcast3A_385, %add3A_387 : vector<16xi32>
        %shift_right_arithmetic3A_389 = arith.constant 16 : i32
        %shift_right_arithmetic3A_390 = vector.broadcast %shift_right_arithmetic3A_389 : i32 to vector<16xi32>
        %shift_right_arithmetic3A_391 = arith.shrsi %bitcast3A_385, %shift_right_arithmetic3A_390 : vector<16xi32>
        %and3A_392 = arith.constant 1 : i32
        %and3A_393 = vector.broadcast %and3A_392 : i32 to vector<16xi32>
        %and3A_394 = arith.andi %shift_right_arithmetic3A_391, %and3A_393 : vector<16xi32>
        %add3A_395 = arith.addi %add3A_388, %and3A_394 : vector<16xi32>
        %and3A_396 = arith.constant -65536 : i32
        %and3A_397 = vector.broadcast %and3A_396 : i32 to vector<16xi32>
        %and3A_398 = arith.andi %add3A_395, %and3A_397 : vector<16xi32>
        %bitcast3A_399 = vector.bitcast %and3A_398 : vector<16xi32> to vector<16xf32>
        %gather3A_400 = tpu.vector_load_idx %arg8[%add3A_345] : memref<8192xf32, #tpu.memory_space<vmem>>[vector<16xi32>], vector<16xf32>,
        %mul3A_401 = arith.mulf %bitcast3A_81, %bitcast3A_361 : vector<16xf32>
        %mul3A_402 = arith.mulf %bitcast3A_96, %bitcast3A_380 : vector<16xf32>
        %add3A_403 = arith.addf %mul3A_401, %mul3A_402 : vector<16xf32>
        %mul3A_404 = arith.mulf %bitcast3A_111, %bitcast3A_399 : vector<16xf32>
        %add3A_405 = arith.addf %add3A_403, %mul3A_404 : vector<16xf32>
        %neg3A_406 = arith.constant 0.000000e+00 : f32
        %neg3A_407 = vector.broadcast %neg3A_406 : f32 to vector<16xf32>
        %neg3A_408 = arith.subf %neg3A_407, %gather3A_400 : vector<16xf32>
        %mul3A_409 = arith.constant 2.000000e+00 : f32
        %mul3A_410 = vector.broadcast %mul3A_409 : f32 to vector<16xf32>
        %mul3A_411 = arith.mulf %mul3A_410, %add3A_405 : vector<16xf32>
        %add3A_412 = arith.addf %neg3A_408, %mul3A_411 : vector<16xf32>
        %sub3A_413 = arith.subf %add3A_412, %add3A_68 : vector<16xf32>
        %ge3A_414 = arith.cmpf oge, %sub3A_413, %sub3A_121 : vector<16xf32>
        %convert_element_type3A_415 = arith.extui %ge3A_414 : vector<16xi1> to vector<16xi32>
        %broadcast_in_dim3A_416 = arith.constant true
        %broadcast_in_dim3A_417 = vector.broadcast %broadcast_in_dim3A_416 : i1 to vector<16xi1>
        %masked_cumsum3A_418 = tpu.scan <sum>, %convert_element_type3A_415 masked %broadcast_in_dim3A_417 : vector<16xi32>, vector<16xi1> -> vector<16xi32>
        %add3A_419 = arith.addi %add3A_341, %masked_cumsum3A_418 : vector<16xi32>
        %sub3A_420 = arith.constant 1 : i32
        %sub3A_421 = vector.broadcast %sub3A_420 : i32 to vector<16xi32>
        %sub3A_422 = arith.subi %add3A_419, %sub3A_421 : vector<16xi32>
        %min3A_423 = arith.constant 1279 : i32
        %min3A_424 = vector.broadcast %min3A_423 : i32 to vector<16xi32>
        %min3A_425 = arith.minsi %sub3A_422, %min3A_424 : vector<16xi32>
        tpu.vector_store_idx %arg12[%min3A_425], %sub3A_413 masked %ge3A_414 : memref<1296xf32, #tpu.memory_space<vmem>>[vector<16xi32>], vector<16xf32>, vector<16xi1>
        tpu.vector_store_idx %arg13[%min3A_425], %add3A_345 masked %ge3A_414 : memref<1296xi32, #tpu.memory_space<vmem>>[vector<16xi32>], vector<16xi32>, vector<16xi1>
        %all_reduce_population_count3A_426 = tpu.all_reduce %ge3A_414 {dim = 0 : i64, kind = #tpu.reduction_kind<sum>} : vector<16xi1> -> vector<16xi32>
        %add3A_427 = arith.addi %add3A_341, %all_reduce_population_count3A_426 : vector<16xi32>
        %add3A_428 = arith.constant 32 : i32
        %add3A_429 = vector.broadcast %add3A_428 : i32 to vector<16xi32>
        %add3A_430 = arith.addi %mul3A_259, %add3A_429 : vector<16xi32>
        %add3A_431 = arith.addi %add3A_430, %iota3A : vector<16xi32>
        %gather3A_432 = tpu.vector_load_idx %arg7[%broadcast_in_dim3A_37, %add3A_431] : memref<5x8192xf32, #tpu.memory_space<vmem>>[vector<16xi32>, vector<16xi32>], vector<16xf32>,
        %bitcast3A_433 = vector.bitcast %gather3A_432 : vector<16xf32> to vector<16xi32>
        %add3A_434 = arith.constant 32767 : i32
        %add3A_435 = vector.broadcast %add3A_434 : i32 to vector<16xi32>
        %add3A_436 = arith.addi %bitcast3A_433, %add3A_435 : vector<16xi32>
        %shift_right_arithmetic3A_437 = arith.constant 16 : i32
        %shift_right_arithmetic3A_438 = vector.broadcast %shift_right_arithmetic3A_437 : i32 to vector<16xi32>
        %shift_right_arithmetic3A_439 = arith.shrsi %bitcast3A_433, %shift_right_arithmetic3A_438 : vector<16xi32>
        %and3A_440 = arith.constant 1 : i32
        %and3A_441 = vector.broadcast %and3A_440 : i32 to vector<16xi32>
        %and3A_442 = arith.andi %shift_right_arithmetic3A_439, %and3A_441 : vector<16xi32>
        %add3A_443 = arith.addi %add3A_436, %and3A_442 : vector<16xi32>
        %and3A_444 = arith.constant -65536 : i32
        %and3A_445 = vector.broadcast %and3A_444 : i32 to vector<16xi32>
        %and3A_446 = arith.andi %add3A_443, %and3A_445 : vector<16xi32>
        %bitcast3A_447 = vector.bitcast %and3A_446 : vector<16xi32> to vector<16xf32>
        %add3A_448 = arith.constant 1 : i32
        %add3A_449 = vector.broadcast %add3A_448 : i32 to vector<16xi32>
        %add3A_450 = arith.addi %broadcast_in_dim3A_37, %add3A_449 : vector<16xi32>
        %gather3A_451 = tpu.vector_load_idx %arg7[%add3A_450, %add3A_431] : memref<5x8192xf32, #tpu.memory_space<vmem>>[vector<16xi32>, vector<16xi32>], vector<16xf32>,
        %bitcast3A_452 = vector.bitcast %gather3A_451 : vector<16xf32> to vector<16xi32>
        %add3A_453 = arith.constant 32767 : i32
        %add3A_454 = vector.broadcast %add3A_453 : i32 to vector<16xi32>
        %add3A_455 = arith.addi %bitcast3A_452, %add3A_454 : vector<16xi32>
        %shift_right_arithmetic3A_456 = arith.constant 16 : i32
        %shift_right_arithmetic3A_457 = vector.broadcast %shift_right_arithmetic3A_456 : i32 to vector<16xi32>
        %shift_right_arithmetic3A_458 = arith.shrsi %bitcast3A_452, %shift_right_arithmetic3A_457 : vector<16xi32>
        %and3A_459 = arith.constant 1 : i32
        %and3A_460 = vector.broadcast %and3A_459 : i32 to vector<16xi32>
        %and3A_461 = arith.andi %shift_right_arithmetic3A_458, %and3A_460 : vector<16xi32>
        %add3A_462 = arith.addi %add3A_455, %and3A_461 : vector<16xi32>
        %and3A_463 = arith.constant -65536 : i32
        %and3A_464 = vector.broadcast %and3A_463 : i32 to vector<16xi32>
        %and3A_465 = arith.andi %add3A_462, %and3A_464 : vector<16xi32>
        %bitcast3A_466 = vector.bitcast %and3A_465 : vector<16xi32> to vector<16xf32>
        %add3A_467 = arith.constant 2 : i32
        %add3A_468 = vector.broadcast %add3A_467 : i32 to vector<16xi32>
        %add3A_469 = arith.addi %broadcast_in_dim3A_37, %add3A_468 : vector<16xi32>
        %gather3A_470 = tpu.vector_load_idx %arg7[%add3A_469, %add3A_431] : memref<5x8192xf32, #tpu.memory_space<vmem>>[vector<16xi32>, vector<16xi32>], vector<16xf32>,
        %bitcast3A_471 = vector.bitcast %gather3A_470 : vector<16xf32> to vector<16xi32>
        %add3A_472 = arith.constant 32767 : i32
        %add3A_473 = vector.broadcast %add3A_472 : i32 to vector<16xi32>
        %add3A_474 = arith.addi %bitcast3A_471, %add3A_473 : vector<16xi32>
        %shift_right_arithmetic3A_475 = arith.constant 16 : i32
        %shift_right_arithmetic3A_476 = vector.broadcast %shift_right_arithmetic3A_475 : i32 to vector<16xi32>
        %shift_right_arithmetic3A_477 = arith.shrsi %bitcast3A_471, %shift_right_arithmetic3A_476 : vector<16xi32>
        %and3A_478 = arith.constant 1 : i32
        %and3A_479 = vector.broadcast %and3A_478 : i32 to vector<16xi32>
        %and3A_480 = arith.andi %shift_right_arithmetic3A_477, %and3A_479 : vector<16xi32>
        %add3A_481 = arith.addi %add3A_474, %and3A_480 : vector<16xi32>
        %and3A_482 = arith.constant -65536 : i32
        %and3A_483 = vector.broadcast %and3A_482 : i32 to vector<16xi32>
        %and3A_484 = arith.andi %add3A_481, %and3A_483 : vector<16xi32>
        %bitcast3A_485 = vector.bitcast %and3A_484 : vector<16xi32> to vector<16xf32>
        %gather3A_486 = tpu.vector_load_idx %arg8[%add3A_431] : memref<8192xf32, #tpu.memory_space<vmem>>[vector<16xi32>], vector<16xf32>,
        %mul3A_487 = arith.mulf %bitcast3A_81, %bitcast3A_447 : vector<16xf32>
        %mul3A_488 = arith.mulf %bitcast3A_96, %bitcast3A_466 : vector<16xf32>
        %add3A_489 = arith.addf %mul3A_487, %mul3A_488 : vector<16xf32>
        %mul3A_490 = arith.mulf %bitcast3A_111, %bitcast3A_485 : vector<16xf32>
        %add3A_491 = arith.addf %add3A_489, %mul3A_490 : vector<16xf32>
        %neg3A_492 = arith.constant 0.000000e+00 : f32
        %neg3A_493 = vector.broadcast %neg3A_492 : f32 to vector<16xf32>
        %neg3A_494 = arith.subf %neg3A_493, %gather3A_486 : vector<16xf32>
        %mul3A_495 = arith.constant 2.000000e+00 : f32
        %mul3A_496 = vector.broadcast %mul3A_495 : f32 to vector<16xf32>
        %mul3A_497 = arith.mulf %mul3A_496, %add3A_491 : vector<16xf32>
        %add3A_498 = arith.addf %neg3A_494, %mul3A_497 : vector<16xf32>
        %sub3A_499 = arith.subf %add3A_498, %add3A_68 : vector<16xf32>
        %ge3A_500 = arith.cmpf oge, %sub3A_499, %sub3A_121 : vector<16xf32>
        %convert_element_type3A_501 = arith.extui %ge3A_500 : vector<16xi1> to vector<16xi32>
        %broadcast_in_dim3A_502 = arith.constant true
        %broadcast_in_dim3A_503 = vector.broadcast %broadcast_in_dim3A_502 : i1 to vector<16xi1>
        %masked_cumsum3A_504 = tpu.scan <sum>, %convert_element_type3A_501 masked %broadcast_in_dim3A_503 : vector<16xi32>, vector<16xi1> -> vector<16xi32>
        %add3A_505 = arith.addi %add3A_427, %masked_cumsum3A_504 : vector<16xi32>
        %sub3A_506 = arith.constant 1 : i32
        %sub3A_507 = vector.broadcast %sub3A_506 : i32 to vector<16xi32>
        %sub3A_508 = arith.subi %add3A_505, %sub3A_507 : vector<16xi32>
        %min3A_509 = arith.constant 1279 : i32
        %min3A_510 = vector.broadcast %min3A_509 : i32 to vector<16xi32>
        %min3A_511 = arith.minsi %sub3A_508, %min3A_510 : vector<16xi32>
        tpu.vector_store_idx %arg12[%min3A_511], %sub3A_499 masked %ge3A_500 : memref<1296xf32, #tpu.memory_space<vmem>>[vector<16xi32>], vector<16xf32>, vector<16xi1>
        tpu.vector_store_idx %arg13[%min3A_511], %add3A_431 masked %ge3A_500 : memref<1296xi32, #tpu.memory_space<vmem>>[vector<16xi32>], vector<16xi32>, vector<16xi1>
        %all_reduce_population_count3A_512 = tpu.all_reduce %ge3A_500 {dim = 0 : i64, kind = #tpu.reduction_kind<sum>} : vector<16xi1> -> vector<16xi32>
        %add3A_513 = arith.addi %add3A_427, %all_reduce_population_count3A_512 : vector<16xi32>
        %add3A_514 = arith.constant 48 : i32
        %add3A_515 = vector.broadcast %add3A_514 : i32 to vector<16xi32>
        %add3A_516 = arith.addi %mul3A_259, %add3A_515 : vector<16xi32>
        %add3A_517 = arith.addi %add3A_516, %iota3A : vector<16xi32>
        %gather3A_518 = tpu.vector_load_idx %arg7[%broadcast_in_dim3A_37, %add3A_517] : memref<5x8192xf32, #tpu.memory_space<vmem>>[vector<16xi32>, vector<16xi32>], vector<16xf32>,
        %bitcast3A_519 = vector.bitcast %gather3A_518 : vector<16xf32> to vector<16xi32>
        %add3A_520 = arith.constant 32767 : i32
        %add3A_521 = vector.broadcast %add3A_520 : i32 to vector<16xi32>
        %add3A_522 = arith.addi %bitcast3A_519, %add3A_521 : vector<16xi32>
        %shift_right_arithmetic3A_523 = arith.constant 16 : i32
        %shift_right_arithmetic3A_524 = vector.broadcast %shift_right_arithmetic3A_523 : i32 to vector<16xi32>
        %shift_right_arithmetic3A_525 = arith.shrsi %bitcast3A_519, %shift_right_arithmetic3A_524 : vector<16xi32>
        %and3A_526 = arith.constant 1 : i32
        %and3A_527 = vector.broadcast %and3A_526 : i32 to vector<16xi32>
        %and3A_528 = arith.andi %shift_right_arithmetic3A_525, %and3A_527 : vector<16xi32>
        %add3A_529 = arith.addi %add3A_522, %and3A_528 : vector<16xi32>
        %and3A_530 = arith.constant -65536 : i32
        %and3A_531 = vector.broadcast %and3A_530 : i32 to vector<16xi32>
        %and3A_532 = arith.andi %add3A_529, %and3A_531 : vector<16xi32>
        %bitcast3A_533 = vector.bitcast %and3A_532 : vector<16xi32> to vector<16xf32>
        %add3A_534 = arith.constant 1 : i32
        %add3A_535 = vector.broadcast %add3A_534 : i32 to vector<16xi32>
        %add3A_536 = arith.addi %broadcast_in_dim3A_37, %add3A_535 : vector<16xi32>
        %gather3A_537 = tpu.vector_load_idx %arg7[%add3A_536, %add3A_517] : memref<5x8192xf32, #tpu.memory_space<vmem>>[vector<16xi32>, vector<16xi32>], vector<16xf32>,
        %bitcast3A_538 = vector.bitcast %gather3A_537 : vector<16xf32> to vector<16xi32>
        %add3A_539 = arith.constant 32767 : i32
        %add3A_540 = vector.broadcast %add3A_539 : i32 to vector<16xi32>
        %add3A_541 = arith.addi %bitcast3A_538, %add3A_540 : vector<16xi32>
        %shift_right_arithmetic3A_542 = arith.constant 16 : i32
        %shift_right_arithmetic3A_543 = vector.broadcast %shift_right_arithmetic3A_542 : i32 to vector<16xi32>
        %shift_right_arithmetic3A_544 = arith.shrsi %bitcast3A_538, %shift_right_arithmetic3A_543 : vector<16xi32>
        %and3A_545 = arith.constant 1 : i32
        %and3A_546 = vector.broadcast %and3A_545 : i32 to vector<16xi32>
        %and3A_547 = arith.andi %shift_right_arithmetic3A_544, %and3A_546 : vector<16xi32>
        %add3A_548 = arith.addi %add3A_541, %and3A_547 : vector<16xi32>
        %and3A_549 = arith.constant -65536 : i32
        %and3A_550 = vector.broadcast %and3A_549 : i32 to vector<16xi32>
        %and3A_551 = arith.andi %add3A_548, %and3A_550 : vector<16xi32>
        %bitcast3A_552 = vector.bitcast %and3A_551 : vector<16xi32> to vector<16xf32>
        %add3A_553 = arith.constant 2 : i32
        %add3A_554 = vector.broadcast %add3A_553 : i32 to vector<16xi32>
        %add3A_555 = arith.addi %broadcast_in_dim3A_37, %add3A_554 : vector<16xi32>
        %gather3A_556 = tpu.vector_load_idx %arg7[%add3A_555, %add3A_517] : memref<5x8192xf32, #tpu.memory_space<vmem>>[vector<16xi32>, vector<16xi32>], vector<16xf32>,
        %bitcast3A_557 = vector.bitcast %gather3A_556 : vector<16xf32> to vector<16xi32>
        %add3A_558 = arith.constant 32767 : i32
        %add3A_559 = vector.broadcast %add3A_558 : i32 to vector<16xi32>
        %add3A_560 = arith.addi %bitcast3A_557, %add3A_559 : vector<16xi32>
        %shift_right_arithmetic3A_561 = arith.constant 16 : i32
        %shift_right_arithmetic3A_562 = vector.broadcast %shift_right_arithmetic3A_561 : i32 to vector<16xi32>
        %shift_right_arithmetic3A_563 = arith.shrsi %bitcast3A_557, %shift_right_arithmetic3A_562 : vector<16xi32>
        %and3A_564 = arith.constant 1 : i32
        %and3A_565 = vector.broadcast %and3A_564 : i32 to vector<16xi32>
        %and3A_566 = arith.andi %shift_right_arithmetic3A_563, %and3A_565 : vector<16xi32>
        %add3A_567 = arith.addi %add3A_560, %and3A_566 : vector<16xi32>
        %and3A_568 = arith.constant -65536 : i32
        %and3A_569 = vector.broadcast %and3A_568 : i32 to vector<16xi32>
        %and3A_570 = arith.andi %add3A_567, %and3A_569 : vector<16xi32>
        %bitcast3A_571 = vector.bitcast %and3A_570 : vector<16xi32> to vector<16xf32>
        %gather3A_572 = tpu.vector_load_idx %arg8[%add3A_517] : memref<8192xf32, #tpu.memory_space<vmem>>[vector<16xi32>], vector<16xf32>,
        %mul3A_573 = arith.mulf %bitcast3A_81, %bitcast3A_533 : vector<16xf32>
        %mul3A_574 = arith.mulf %bitcast3A_96, %bitcast3A_552 : vector<16xf32>
        %add3A_575 = arith.addf %mul3A_573, %mul3A_574 : vector<16xf32>
        %mul3A_576 = arith.mulf %bitcast3A_111, %bitcast3A_571 : vector<16xf32>
        %add3A_577 = arith.addf %add3A_575, %mul3A_576 : vector<16xf32>
        %neg3A_578 = arith.constant 0.000000e+00 : f32
        %neg3A_579 = vector.broadcast %neg3A_578 : f32 to vector<16xf32>
        %neg3A_580 = arith.subf %neg3A_579, %gather3A_572 : vector<16xf32>
        %mul3A_581 = arith.constant 2.000000e+00 : f32
        %mul3A_582 = vector.broadcast %mul3A_581 : f32 to vector<16xf32>
        %mul3A_583 = arith.mulf %mul3A_582, %add3A_577 : vector<16xf32>
        %add3A_584 = arith.addf %neg3A_580, %mul3A_583 : vector<16xf32>
        %sub3A_585 = arith.subf %add3A_584, %add3A_68 : vector<16xf32>
        %ge3A_586 = arith.cmpf oge, %sub3A_585, %sub3A_121 : vector<16xf32>
        %convert_element_type3A_587 = arith.extui %ge3A_586 : vector<16xi1> to vector<16xi32>
        %broadcast_in_dim3A_588 = arith.constant true
        %broadcast_in_dim3A_589 = vector.broadcast %broadcast_in_dim3A_588 : i1 to vector<16xi1>
        %masked_cumsum3A_590 = tpu.scan <sum>, %convert_element_type3A_587 masked %broadcast_in_dim3A_589 : vector<16xi32>, vector<16xi1> -> vector<16xi32>
        %add3A_591 = arith.addi %add3A_513, %masked_cumsum3A_590 : vector<16xi32>
        %sub3A_592 = arith.constant 1 : i32
        %sub3A_593 = vector.broadcast %sub3A_592 : i32 to vector<16xi32>
        %sub3A_594 = arith.subi %add3A_591, %sub3A_593 : vector<16xi32>
        %min3A_595 = arith.constant 1279 : i32
        %min3A_596 = vector.broadcast %min3A_595 : i32 to vector<16xi32>
        %min3A_597 = arith.minsi %sub3A_594, %min3A_596 : vector<16xi32>
        tpu.vector_store_idx %arg12[%min3A_597], %sub3A_585 masked %ge3A_586 : memref<1296xf32, #tpu.memory_space<vmem>>[vector<16xi32>], vector<16xf32>, vector<16xi1>
        tpu.vector_store_idx %arg13[%min3A_597], %add3A_517 masked %ge3A_586 : memref<1296xi32, #tpu.memory_space<vmem>>[vector<16xi32>], vector<16xi32>, vector<16xi1>
        %all_reduce_population_count3A_598 = tpu.all_reduce %ge3A_586 {dim = 0 : i64, kind = #tpu.reduction_kind<sum>} : vector<16xi1> -> vector<16xi32>
        %add3A_599 = arith.addi %add3A_513, %all_reduce_population_count3A_598 : vector<16xi32>
        %add3A_600 = arith.constant 64 : i32
        %add3A_601 = vector.broadcast %add3A_600 : i32 to vector<16xi32>
        %add3A_602 = arith.addi %mul3A_259, %add3A_601 : vector<16xi32>
        %add3A_603 = arith.addi %add3A_602, %iota3A : vector<16xi32>
        %gather3A_604 = tpu.vector_load_idx %arg7[%broadcast_in_dim3A_37, %add3A_603] : memref<5x8192xf32, #tpu.memory_space<vmem>>[vector<16xi32>, vector<16xi32>], vector<16xf32>,
        %bitcast3A_605 = vector.bitcast %gather3A_604 : vector<16xf32> to vector<16xi32>
        %add3A_606 = arith.constant 32767 : i32
        %add3A_607 = vector.broadcast %add3A_606 : i32 to vector<16xi32>
        %add3A_608 = arith.addi %bitcast3A_605, %add3A_607 : vector<16xi32>
        %shift_right_arithmetic3A_609 = arith.constant 16 : i32
        %shift_right_arithmetic3A_610 = vector.broadcast %shift_right_arithmetic3A_609 : i32 to vector<16xi32>
        %shift_right_arithmetic3A_611 = arith.shrsi %bitcast3A_605, %shift_right_arithmetic3A_610 : vector<16xi32>
        %and3A_612 = arith.constant 1 : i32
        %and3A_613 = vector.broadcast %and3A_612 : i32 to vector<16xi32>
        %and3A_614 = arith.andi %shift_right_arithmetic3A_611, %and3A_613 : vector<16xi32>
        %add3A_615 = arith.addi %add3A_608, %and3A_614 : vector<16xi32>
        %and3A_616 = arith.constant -65536 : i32
        %and3A_617 = vector.broadcast %and3A_616 : i32 to vector<16xi32>
        %and3A_618 = arith.andi %add3A_615, %and3A_617 : vector<16xi32>
        %bitcast3A_619 = vector.bitcast %and3A_618 : vector<16xi32> to vector<16xf32>
        %add3A_620 = arith.constant 1 : i32
        %add3A_621 = vector.broadcast %add3A_620 : i32 to vector<16xi32>
        %add3A_622 = arith.addi %broadcast_in_dim3A_37, %add3A_621 : vector<16xi32>
        %gather3A_623 = tpu.vector_load_idx %arg7[%add3A_622, %add3A_603] : memref<5x8192xf32, #tpu.memory_space<vmem>>[vector<16xi32>, vector<16xi32>], vector<16xf32>,
        %bitcast3A_624 = vector.bitcast %gather3A_623 : vector<16xf32> to vector<16xi32>
        %add3A_625 = arith.constant 32767 : i32
        %add3A_626 = vector.broadcast %add3A_625 : i32 to vector<16xi32>
        %add3A_627 = arith.addi %bitcast3A_624, %add3A_626 : vector<16xi32>
        %shift_right_arithmetic3A_628 = arith.constant 16 : i32
        %shift_right_arithmetic3A_629 = vector.broadcast %shift_right_arithmetic3A_628 : i32 to vector<16xi32>
        %shift_right_arithmetic3A_630 = arith.shrsi %bitcast3A_624, %shift_right_arithmetic3A_629 : vector<16xi32>
        %and3A_631 = arith.constant 1 : i32
        %and3A_632 = vector.broadcast %and3A_631 : i32 to vector<16xi32>
        %and3A_633 = arith.andi %shift_right_arithmetic3A_630, %and3A_632 : vector<16xi32>
        %add3A_634 = arith.addi %add3A_627, %and3A_633 : vector<16xi32>
        %and3A_635 = arith.constant -65536 : i32
        %and3A_636 = vector.broadcast %and3A_635 : i32 to vector<16xi32>
        %and3A_637 = arith.andi %add3A_634, %and3A_636 : vector<16xi32>
        %bitcast3A_638 = vector.bitcast %and3A_637 : vector<16xi32> to vector<16xf32>
        %add3A_639 = arith.constant 2 : i32
        %add3A_640 = vector.broadcast %add3A_639 : i32 to vector<16xi32>
        %add3A_641 = arith.addi %broadcast_in_dim3A_37, %add3A_640 : vector<16xi32>
        %gather3A_642 = tpu.vector_load_idx %arg7[%add3A_641, %add3A_603] : memref<5x8192xf32, #tpu.memory_space<vmem>>[vector<16xi32>, vector<16xi32>], vector<16xf32>,
        %bitcast3A_643 = vector.bitcast %gather3A_642 : vector<16xf32> to vector<16xi32>
        %add3A_644 = arith.constant 32767 : i32
        %add3A_645 = vector.broadcast %add3A_644 : i32 to vector<16xi32>
        %add3A_646 = arith.addi %bitcast3A_643, %add3A_645 : vector<16xi32>
        %shift_right_arithmetic3A_647 = arith.constant 16 : i32
        %shift_right_arithmetic3A_648 = vector.broadcast %shift_right_arithmetic3A_647 : i32 to vector<16xi32>
        %shift_right_arithmetic3A_649 = arith.shrsi %bitcast3A_643, %shift_right_arithmetic3A_648 : vector<16xi32>
        %and3A_650 = arith.constant 1 : i32
        %and3A_651 = vector.broadcast %and3A_650 : i32 to vector<16xi32>
        %and3A_652 = arith.andi %shift_right_arithmetic3A_649, %and3A_651 : vector<16xi32>
        %add3A_653 = arith.addi %add3A_646, %and3A_652 : vector<16xi32>
        %and3A_654 = arith.constant -65536 : i32
        %and3A_655 = vector.broadcast %and3A_654 : i32 to vector<16xi32>
        %and3A_656 = arith.andi %add3A_653, %and3A_655 : vector<16xi32>
        %bitcast3A_657 = vector.bitcast %and3A_656 : vector<16xi32> to vector<16xf32>
        %gather3A_658 = tpu.vector_load_idx %arg8[%add3A_603] : memref<8192xf32, #tpu.memory_space<vmem>>[vector<16xi32>], vector<16xf32>,
        %mul3A_659 = arith.mulf %bitcast3A_81, %bitcast3A_619 : vector<16xf32>
        %mul3A_660 = arith.mulf %bitcast3A_96, %bitcast3A_638 : vector<16xf32>
        %add3A_661 = arith.addf %mul3A_659, %mul3A_660 : vector<16xf32>
        %mul3A_662 = arith.mulf %bitcast3A_111, %bitcast3A_657 : vector<16xf32>
        %add3A_663 = arith.addf %add3A_661, %mul3A_662 : vector<16xf32>
        %neg3A_664 = arith.constant 0.000000e+00 : f32
        %neg3A_665 = vector.broadcast %neg3A_664 : f32 to vector<16xf32>
        %neg3A_666 = arith.subf %neg3A_665, %gather3A_658 : vector<16xf32>
        %mul3A_667 = arith.constant 2.000000e+00 : f32
        %mul3A_668 = vector.broadcast %mul3A_667 : f32 to vector<16xf32>
        %mul3A_669 = arith.mulf %mul3A_668, %add3A_663 : vector<16xf32>
        %add3A_670 = arith.addf %neg3A_666, %mul3A_669 : vector<16xf32>
        %sub3A_671 = arith.subf %add3A_670, %add3A_68 : vector<16xf32>
        %ge3A_672 = arith.cmpf oge, %sub3A_671, %sub3A_121 : vector<16xf32>
        %convert_element_type3A_673 = arith.extui %ge3A_672 : vector<16xi1> to vector<16xi32>
        %broadcast_in_dim3A_674 = arith.constant true
        %broadcast_in_dim3A_675 = vector.broadcast %broadcast_in_dim3A_674 : i1 to vector<16xi1>
        %masked_cumsum3A_676 = tpu.scan <sum>, %convert_element_type3A_673 masked %broadcast_in_dim3A_675 : vector<16xi32>, vector<16xi1> -> vector<16xi32>
        %add3A_677 = arith.addi %add3A_599, %masked_cumsum3A_676 : vector<16xi32>
        %sub3A_678 = arith.constant 1 : i32
        %sub3A_679 = vector.broadcast %sub3A_678 : i32 to vector<16xi32>
        %sub3A_680 = arith.subi %add3A_677, %sub3A_679 : vector<16xi32>
        %min3A_681 = arith.constant 1279 : i32
        %min3A_682 = vector.broadcast %min3A_681 : i32 to vector<16xi32>
        %min3A_683 = arith.minsi %sub3A_680, %min3A_682 : vector<16xi32>
        tpu.vector_store_idx %arg12[%min3A_683], %sub3A_671 masked %ge3A_672 : memref<1296xf32, #tpu.memory_space<vmem>>[vector<16xi32>], vector<16xf32>, vector<16xi1>
        tpu.vector_store_idx %arg13[%min3A_683], %add3A_603 masked %ge3A_672 : memref<1296xi32, #tpu.memory_space<vmem>>[vector<16xi32>], vector<16xi32>, vector<16xi1>
        %all_reduce_population_count3A_684 = tpu.all_reduce %ge3A_672 {dim = 0 : i64, kind = #tpu.reduction_kind<sum>} : vector<16xi1> -> vector<16xi32>
        %add3A_685 = arith.addi %add3A_599, %all_reduce_population_count3A_684 : vector<16xi32>
        %add3A_686 = arith.constant 80 : i32
        %add3A_687 = vector.broadcast %add3A_686 : i32 to vector<16xi32>
        %add3A_688 = arith.addi %mul3A_259, %add3A_687 : vector<16xi32>
        %add3A_689 = arith.addi %add3A_688, %iota3A : vector<16xi32>
        %gather3A_690 = tpu.vector_load_idx %arg7[%broadcast_in_dim3A_37, %add3A_689] : memref<5x8192xf32, #tpu.memory_space<vmem>>[vector<16xi32>, vector<16xi32>], vector<16xf32>,
        %bitcast3A_691 = vector.bitcast %gather3A_690 : vector<16xf32> to vector<16xi32>
        %add3A_692 = arith.constant 32767 : i32
        %add3A_693 = vector.broadcast %add3A_692 : i32 to vector<16xi32>
        %add3A_694 = arith.addi %bitcast3A_691, %add3A_693 : vector<16xi32>
        %shift_right_arithmetic3A_695 = arith.constant 16 : i32
        %shift_right_arithmetic3A_696 = vector.broadcast %shift_right_arithmetic3A_695 : i32 to vector<16xi32>
        %shift_right_arithmetic3A_697 = arith.shrsi %bitcast3A_691, %shift_right_arithmetic3A_696 : vector<16xi32>
        %and3A_698 = arith.constant 1 : i32
        %and3A_699 = vector.broadcast %and3A_698 : i32 to vector<16xi32>
        %and3A_700 = arith.andi %shift_right_arithmetic3A_697, %and3A_699 : vector<16xi32>
        %add3A_701 = arith.addi %add3A_694, %and3A_700 : vector<16xi32>
        %and3A_702 = arith.constant -65536 : i32
        %and3A_703 = vector.broadcast %and3A_702 : i32 to vector<16xi32>
        %and3A_704 = arith.andi %add3A_701, %and3A_703 : vector<16xi32>
        %bitcast3A_705 = vector.bitcast %and3A_704 : vector<16xi32> to vector<16xf32>
        %add3A_706 = arith.constant 1 : i32
        %add3A_707 = vector.broadcast %add3A_706 : i32 to vector<16xi32>
        %add3A_708 = arith.addi %broadcast_in_dim3A_37, %add3A_707 : vector<16xi32>
        %gather3A_709 = tpu.vector_load_idx %arg7[%add3A_708, %add3A_689] : memref<5x8192xf32, #tpu.memory_space<vmem>>[vector<16xi32>, vector<16xi32>], vector<16xf32>,
        %bitcast3A_710 = vector.bitcast %gather3A_709 : vector<16xf32> to vector<16xi32>
        %add3A_711 = arith.constant 32767 : i32
        %add3A_712 = vector.broadcast %add3A_711 : i32 to vector<16xi32>
        %add3A_713 = arith.addi %bitcast3A_710, %add3A_712 : vector<16xi32>
        %shift_right_arithmetic3A_714 = arith.constant 16 : i32
        %shift_right_arithmetic3A_715 = vector.broadcast %shift_right_arithmetic3A_714 : i32 to vector<16xi32>
        %shift_right_arithmetic3A_716 = arith.shrsi %bitcast3A_710, %shift_right_arithmetic3A_715 : vector<16xi32>
        %and3A_717 = arith.constant 1 : i32
        %and3A_718 = vector.broadcast %and3A_717 : i32 to vector<16xi32>
        %and3A_719 = arith.andi %shift_right_arithmetic3A_716, %and3A_718 : vector<16xi32>
        %add3A_720 = arith.addi %add3A_713, %and3A_719 : vector<16xi32>
        %and3A_721 = arith.constant -65536 : i32
        %and3A_722 = vector.broadcast %and3A_721 : i32 to vector<16xi32>
        %and3A_723 = arith.andi %add3A_720, %and3A_722 : vector<16xi32>
        %bitcast3A_724 = vector.bitcast %and3A_723 : vector<16xi32> to vector<16xf32>
        %add3A_725 = arith.constant 2 : i32
        %add3A_726 = vector.broadcast %add3A_725 : i32 to vector<16xi32>
        %add3A_727 = arith.addi %broadcast_in_dim3A_37, %add3A_726 : vector<16xi32>
        %gather3A_728 = tpu.vector_load_idx %arg7[%add3A_727, %add3A_689] : memref<5x8192xf32, #tpu.memory_space<vmem>>[vector<16xi32>, vector<16xi32>], vector<16xf32>,
        %bitcast3A_729 = vector.bitcast %gather3A_728 : vector<16xf32> to vector<16xi32>
        %add3A_730 = arith.constant 32767 : i32
        %add3A_731 = vector.broadcast %add3A_730 : i32 to vector<16xi32>
        %add3A_732 = arith.addi %bitcast3A_729, %add3A_731 : vector<16xi32>
        %shift_right_arithmetic3A_733 = arith.constant 16 : i32
        %shift_right_arithmetic3A_734 = vector.broadcast %shift_right_arithmetic3A_733 : i32 to vector<16xi32>
        %shift_right_arithmetic3A_735 = arith.shrsi %bitcast3A_729, %shift_right_arithmetic3A_734 : vector<16xi32>
        %and3A_736 = arith.constant 1 : i32
        %and3A_737 = vector.broadcast %and3A_736 : i32 to vector<16xi32>
        %and3A_738 = arith.andi %shift_right_arithmetic3A_735, %and3A_737 : vector<16xi32>
        %add3A_739 = arith.addi %add3A_732, %and3A_738 : vector<16xi32>
        %and3A_740 = arith.constant -65536 : i32
        %and3A_741 = vector.broadcast %and3A_740 : i32 to vector<16xi32>
        %and3A_742 = arith.andi %add3A_739, %and3A_741 : vector<16xi32>
        %bitcast3A_743 = vector.bitcast %and3A_742 : vector<16xi32> to vector<16xf32>
        %gather3A_744 = tpu.vector_load_idx %arg8[%add3A_689] : memref<8192xf32, #tpu.memory_space<vmem>>[vector<16xi32>], vector<16xf32>,
        %mul3A_745 = arith.mulf %bitcast3A_81, %bitcast3A_705 : vector<16xf32>
        %mul3A_746 = arith.mulf %bitcast3A_96, %bitcast3A_724 : vector<16xf32>
        %add3A_747 = arith.addf %mul3A_745, %mul3A_746 : vector<16xf32>
        %mul3A_748 = arith.mulf %bitcast3A_111, %bitcast3A_743 : vector<16xf32>
        %add3A_749 = arith.addf %add3A_747, %mul3A_748 : vector<16xf32>
        %neg3A_750 = arith.constant 0.000000e+00 : f32
        %neg3A_751 = vector.broadcast %neg3A_750 : f32 to vector<16xf32>
        %neg3A_752 = arith.subf %neg3A_751, %gather3A_744 : vector<16xf32>
        %mul3A_753 = arith.constant 2.000000e+00 : f32
        %mul3A_754 = vector.broadcast %mul3A_753 : f32 to vector<16xf32>
        %mul3A_755 = arith.mulf %mul3A_754, %add3A_749 : vector<16xf32>
        %add3A_756 = arith.addf %neg3A_752, %mul3A_755 : vector<16xf32>
        %sub3A_757 = arith.subf %add3A_756, %add3A_68 : vector<16xf32>
        %ge3A_758 = arith.cmpf oge, %sub3A_757, %sub3A_121 : vector<16xf32>
        %convert_element_type3A_759 = arith.extui %ge3A_758 : vector<16xi1> to vector<16xi32>
        %broadcast_in_dim3A_760 = arith.constant true
        %broadcast_in_dim3A_761 = vector.broadcast %broadcast_in_dim3A_760 : i1 to vector<16xi1>
        %masked_cumsum3A_762 = tpu.scan <sum>, %convert_element_type3A_759 masked %broadcast_in_dim3A_761 : vector<16xi32>, vector<16xi1> -> vector<16xi32>
        %add3A_763 = arith.addi %add3A_685, %masked_cumsum3A_762 : vector<16xi32>
        %sub3A_764 = arith.constant 1 : i32
        %sub3A_765 = vector.broadcast %sub3A_764 : i32 to vector<16xi32>
        %sub3A_766 = arith.subi %add3A_763, %sub3A_765 : vector<16xi32>
        %min3A_767 = arith.constant 1279 : i32
        %min3A_768 = vector.broadcast %min3A_767 : i32 to vector<16xi32>
        %min3A_769 = arith.minsi %sub3A_766, %min3A_768 : vector<16xi32>
        tpu.vector_store_idx %arg12[%min3A_769], %sub3A_757 masked %ge3A_758 : memref<1296xf32, #tpu.memory_space<vmem>>[vector<16xi32>], vector<16xf32>, vector<16xi1>
        tpu.vector_store_idx %arg13[%min3A_769], %add3A_689 masked %ge3A_758 : memref<1296xi32, #tpu.memory_space<vmem>>[vector<16xi32>], vector<16xi32>, vector<16xi1>
        %all_reduce_population_count3A_770 = tpu.all_reduce %ge3A_758 {dim = 0 : i64, kind = #tpu.reduction_kind<sum>} : vector<16xi1> -> vector<16xi32>
        %add3A_771 = arith.addi %add3A_685, %all_reduce_population_count3A_770 : vector<16xi32>
        %add3A_772 = arith.constant 96 : i32
        %add3A_773 = vector.broadcast %add3A_772 : i32 to vector<16xi32>
        %add3A_774 = arith.addi %mul3A_259, %add3A_773 : vector<16xi32>
        %add3A_775 = arith.addi %add3A_774, %iota3A : vector<16xi32>
        %gather3A_776 = tpu.vector_load_idx %arg7[%broadcast_in_dim3A_37, %add3A_775] : memref<5x8192xf32, #tpu.memory_space<vmem>>[vector<16xi32>, vector<16xi32>], vector<16xf32>,
        %bitcast3A_777 = vector.bitcast %gather3A_776 : vector<16xf32> to vector<16xi32>
        %add3A_778 = arith.constant 32767 : i32
        %add3A_779 = vector.broadcast %add3A_778 : i32 to vector<16xi32>
        %add3A_780 = arith.addi %bitcast3A_777, %add3A_779 : vector<16xi32>
        %shift_right_arithmetic3A_781 = arith.constant 16 : i32
        %shift_right_arithmetic3A_782 = vector.broadcast %shift_right_arithmetic3A_781 : i32 to vector<16xi32>
        %shift_right_arithmetic3A_783 = arith.shrsi %bitcast3A_777, %shift_right_arithmetic3A_782 : vector<16xi32>
        %and3A_784 = arith.constant 1 : i32
        %and3A_785 = vector.broadcast %and3A_784 : i32 to vector<16xi32>
        %and3A_786 = arith.andi %shift_right_arithmetic3A_783, %and3A_785 : vector<16xi32>
        %add3A_787 = arith.addi %add3A_780, %and3A_786 : vector<16xi32>
        %and3A_788 = arith.constant -65536 : i32
        %and3A_789 = vector.broadcast %and3A_788 : i32 to vector<16xi32>
        %and3A_790 = arith.andi %add3A_787, %and3A_789 : vector<16xi32>
        %bitcast3A_791 = vector.bitcast %and3A_790 : vector<16xi32> to vector<16xf32>
        %add3A_792 = arith.constant 1 : i32
        %add3A_793 = vector.broadcast %add3A_792 : i32 to vector<16xi32>
        %add3A_794 = arith.addi %broadcast_in_dim3A_37, %add3A_793 : vector<16xi32>
        %gather3A_795 = tpu.vector_load_idx %arg7[%add3A_794, %add3A_775] : memref<5x8192xf32, #tpu.memory_space<vmem>>[vector<16xi32>, vector<16xi32>], vector<16xf32>,
        %bitcast3A_796 = vector.bitcast %gather3A_795 : vector<16xf32> to vector<16xi32>
        %add3A_797 = arith.constant 32767 : i32
        %add3A_798 = vector.broadcast %add3A_797 : i32 to vector<16xi32>
        %add3A_799 = arith.addi %bitcast3A_796, %add3A_798 : vector<16xi32>
        %shift_right_arithmetic3A_800 = arith.constant 16 : i32
        %shift_right_arithmetic3A_801 = vector.broadcast %shift_right_arithmetic3A_800 : i32 to vector<16xi32>
        %shift_right_arithmetic3A_802 = arith.shrsi %bitcast3A_796, %shift_right_arithmetic3A_801 : vector<16xi32>
        %and3A_803 = arith.constant 1 : i32
        %and3A_804 = vector.broadcast %and3A_803 : i32 to vector<16xi32>
        %and3A_805 = arith.andi %shift_right_arithmetic3A_802, %and3A_804 : vector<16xi32>
        %add3A_806 = arith.addi %add3A_799, %and3A_805 : vector<16xi32>
        %and3A_807 = arith.constant -65536 : i32
        %and3A_808 = vector.broadcast %and3A_807 : i32 to vector<16xi32>
        %and3A_809 = arith.andi %add3A_806, %and3A_808 : vector<16xi32>
        %bitcast3A_810 = vector.bitcast %and3A_809 : vector<16xi32> to vector<16xf32>
        %add3A_811 = arith.constant 2 : i32
        %add3A_812 = vector.broadcast %add3A_811 : i32 to vector<16xi32>
        %add3A_813 = arith.addi %broadcast_in_dim3A_37, %add3A_812 : vector<16xi32>
        %gather3A_814 = tpu.vector_load_idx %arg7[%add3A_813, %add3A_775] : memref<5x8192xf32, #tpu.memory_space<vmem>>[vector<16xi32>, vector<16xi32>], vector<16xf32>,
        %bitcast3A_815 = vector.bitcast %gather3A_814 : vector<16xf32> to vector<16xi32>
        %add3A_816 = arith.constant 32767 : i32
        %add3A_817 = vector.broadcast %add3A_816 : i32 to vector<16xi32>
        %add3A_818 = arith.addi %bitcast3A_815, %add3A_817 : vector<16xi32>
        %shift_right_arithmetic3A_819 = arith.constant 16 : i32
        %shift_right_arithmetic3A_820 = vector.broadcast %shift_right_arithmetic3A_819 : i32 to vector<16xi32>
        %shift_right_arithmetic3A_821 = arith.shrsi %bitcast3A_815, %shift_right_arithmetic3A_820 : vector<16xi32>
        %and3A_822 = arith.constant 1 : i32
        %and3A_823 = vector.broadcast %and3A_822 : i32 to vector<16xi32>
        %and3A_824 = arith.andi %shift_right_arithmetic3A_821, %and3A_823 : vector<16xi32>
        %add3A_825 = arith.addi %add3A_818, %and3A_824 : vector<16xi32>
        %and3A_826 = arith.constant -65536 : i32
        %and3A_827 = vector.broadcast %and3A_826 : i32 to vector<16xi32>
        %and3A_828 = arith.andi %add3A_825, %and3A_827 : vector<16xi32>
        %bitcast3A_829 = vector.bitcast %and3A_828 : vector<16xi32> to vector<16xf32>
        %gather3A_830 = tpu.vector_load_idx %arg8[%add3A_775] : memref<8192xf32, #tpu.memory_space<vmem>>[vector<16xi32>], vector<16xf32>,
        %mul3A_831 = arith.mulf %bitcast3A_81, %bitcast3A_791 : vector<16xf32>
        %mul3A_832 = arith.mulf %bitcast3A_96, %bitcast3A_810 : vector<16xf32>
        %add3A_833 = arith.addf %mul3A_831, %mul3A_832 : vector<16xf32>
        %mul3A_834 = arith.mulf %bitcast3A_111, %bitcast3A_829 : vector<16xf32>
        %add3A_835 = arith.addf %add3A_833, %mul3A_834 : vector<16xf32>
        %neg3A_836 = arith.constant 0.000000e+00 : f32
        %neg3A_837 = vector.broadcast %neg3A_836 : f32 to vector<16xf32>
        %neg3A_838 = arith.subf %neg3A_837, %gather3A_830 : vector<16xf32>
        %mul3A_839 = arith.constant 2.000000e+00 : f32
        %mul3A_840 = vector.broadcast %mul3A_839 : f32 to vector<16xf32>
        %mul3A_841 = arith.mulf %mul3A_840, %add3A_835 : vector<16xf32>
        %add3A_842 = arith.addf %neg3A_838, %mul3A_841 : vector<16xf32>
        %sub3A_843 = arith.subf %add3A_842, %add3A_68 : vector<16xf32>
        %ge3A_844 = arith.cmpf oge, %sub3A_843, %sub3A_121 : vector<16xf32>
        %convert_element_type3A_845 = arith.extui %ge3A_844 : vector<16xi1> to vector<16xi32>
        %broadcast_in_dim3A_846 = arith.constant true
        %broadcast_in_dim3A_847 = vector.broadcast %broadcast_in_dim3A_846 : i1 to vector<16xi1>
        %masked_cumsum3A_848 = tpu.scan <sum>, %convert_element_type3A_845 masked %broadcast_in_dim3A_847 : vector<16xi32>, vector<16xi1> -> vector<16xi32>
        %add3A_849 = arith.addi %add3A_771, %masked_cumsum3A_848 : vector<16xi32>
        %sub3A_850 = arith.constant 1 : i32
        %sub3A_851 = vector.broadcast %sub3A_850 : i32 to vector<16xi32>
        %sub3A_852 = arith.subi %add3A_849, %sub3A_851 : vector<16xi32>
        %min3A_853 = arith.constant 1279 : i32
        %min3A_854 = vector.broadcast %min3A_853 : i32 to vector<16xi32>
        %min3A_855 = arith.minsi %sub3A_852, %min3A_854 : vector<16xi32>
        tpu.vector_store_idx %arg12[%min3A_855], %sub3A_843 masked %ge3A_844 : memref<1296xf32, #tpu.memory_space<vmem>>[vector<16xi32>], vector<16xf32>, vector<16xi1>
        tpu.vector_store_idx %arg13[%min3A_855], %add3A_775 masked %ge3A_844 : memref<1296xi32, #tpu.memory_space<vmem>>[vector<16xi32>], vector<16xi32>, vector<16xi1>
        %all_reduce_population_count3A_856 = tpu.all_reduce %ge3A_844 {dim = 0 : i64, kind = #tpu.reduction_kind<sum>} : vector<16xi1> -> vector<16xi32>
        %add3A_857 = arith.addi %add3A_771, %all_reduce_population_count3A_856 : vector<16xi32>
        %add3A_858 = arith.constant 112 : i32
        %add3A_859 = vector.broadcast %add3A_858 : i32 to vector<16xi32>
        %add3A_860 = arith.addi %mul3A_259, %add3A_859 : vector<16xi32>
        %add3A_861 = arith.addi %add3A_860, %iota3A : vector<16xi32>
        %gather3A_862 = tpu.vector_load_idx %arg7[%broadcast_in_dim3A_37, %add3A_861] : memref<5x8192xf32, #tpu.memory_space<vmem>>[vector<16xi32>, vector<16xi32>], vector<16xf32>,
        %bitcast3A_863 = vector.bitcast %gather3A_862 : vector<16xf32> to vector<16xi32>
        %add3A_864 = arith.constant 32767 : i32
        %add3A_865 = vector.broadcast %add3A_864 : i32 to vector<16xi32>
        %add3A_866 = arith.addi %bitcast3A_863, %add3A_865 : vector<16xi32>
        %shift_right_arithmetic3A_867 = arith.constant 16 : i32
        %shift_right_arithmetic3A_868 = vector.broadcast %shift_right_arithmetic3A_867 : i32 to vector<16xi32>
        %shift_right_arithmetic3A_869 = arith.shrsi %bitcast3A_863, %shift_right_arithmetic3A_868 : vector<16xi32>
        %and3A_870 = arith.constant 1 : i32
        %and3A_871 = vector.broadcast %and3A_870 : i32 to vector<16xi32>
        %and3A_872 = arith.andi %shift_right_arithmetic3A_869, %and3A_871 : vector<16xi32>
        %add3A_873 = arith.addi %add3A_866, %and3A_872 : vector<16xi32>
        %and3A_874 = arith.constant -65536 : i32
        %and3A_875 = vector.broadcast %and3A_874 : i32 to vector<16xi32>
        %and3A_876 = arith.andi %add3A_873, %and3A_875 : vector<16xi32>
        %bitcast3A_877 = vector.bitcast %and3A_876 : vector<16xi32> to vector<16xf32>
        %add3A_878 = arith.constant 1 : i32
        %add3A_879 = vector.broadcast %add3A_878 : i32 to vector<16xi32>
        %add3A_880 = arith.addi %broadcast_in_dim3A_37, %add3A_879 : vector<16xi32>
        %gather3A_881 = tpu.vector_load_idx %arg7[%add3A_880, %add3A_861] : memref<5x8192xf32, #tpu.memory_space<vmem>>[vector<16xi32>, vector<16xi32>], vector<16xf32>,
        %bitcast3A_882 = vector.bitcast %gather3A_881 : vector<16xf32> to vector<16xi32>
        %add3A_883 = arith.constant 32767 : i32
        %add3A_884 = vector.broadcast %add3A_883 : i32 to vector<16xi32>
        %add3A_885 = arith.addi %bitcast3A_882, %add3A_884 : vector<16xi32>
        %shift_right_arithmetic3A_886 = arith.constant 16 : i32
        %shift_right_arithmetic3A_887 = vector.broadcast %shift_right_arithmetic3A_886 : i32 to vector<16xi32>
        %shift_right_arithmetic3A_888 = arith.shrsi %bitcast3A_882, %shift_right_arithmetic3A_887 : vector<16xi32>
        %and3A_889 = arith.constant 1 : i32
        %and3A_890 = vector.broadcast %and3A_889 : i32 to vector<16xi32>
        %and3A_891 = arith.andi %shift_right_arithmetic3A_888, %and3A_890 : vector<16xi32>
        %add3A_892 = arith.addi %add3A_885, %and3A_891 : vector<16xi32>
        %and3A_893 = arith.constant -65536 : i32
        %and3A_894 = vector.broadcast %and3A_893 : i32 to vector<16xi32>
        %and3A_895 = arith.andi %add3A_892, %and3A_894 : vector<16xi32>
        %bitcast3A_896 = vector.bitcast %and3A_895 : vector<16xi32> to vector<16xf32>
        %add3A_897 = arith.constant 2 : i32
        %add3A_898 = vector.broadcast %add3A_897 : i32 to vector<16xi32>
        %add3A_899 = arith.addi %broadcast_in_dim3A_37, %add3A_898 : vector<16xi32>
        %gather3A_900 = tpu.vector_load_idx %arg7[%add3A_899, %add3A_861] : memref<5x8192xf32, #tpu.memory_space<vmem>>[vector<16xi32>, vector<16xi32>], vector<16xf32>,
        %bitcast3A_901 = vector.bitcast %gather3A_900 : vector<16xf32> to vector<16xi32>
        %add3A_902 = arith.constant 32767 : i32
        %add3A_903 = vector.broadcast %add3A_902 : i32 to vector<16xi32>
        %add3A_904 = arith.addi %bitcast3A_901, %add3A_903 : vector<16xi32>
        %shift_right_arithmetic3A_905 = arith.constant 16 : i32
        %shift_right_arithmetic3A_906 = vector.broadcast %shift_right_arithmetic3A_905 : i32 to vector<16xi32>
        %shift_right_arithmetic3A_907 = arith.shrsi %bitcast3A_901, %shift_right_arithmetic3A_906 : vector<16xi32>
        %and3A_908 = arith.constant 1 : i32
        %and3A_909 = vector.broadcast %and3A_908 : i32 to vector<16xi32>
        %and3A_910 = arith.andi %shift_right_arithmetic3A_907, %and3A_909 : vector<16xi32>
        %add3A_911 = arith.addi %add3A_904, %and3A_910 : vector<16xi32>
        %and3A_912 = arith.constant -65536 : i32
        %and3A_913 = vector.broadcast %and3A_912 : i32 to vector<16xi32>
        %and3A_914 = arith.andi %add3A_911, %and3A_913 : vector<16xi32>
        %bitcast3A_915 = vector.bitcast %and3A_914 : vector<16xi32> to vector<16xf32>
        %gather3A_916 = tpu.vector_load_idx %arg8[%add3A_861] : memref<8192xf32, #tpu.memory_space<vmem>>[vector<16xi32>], vector<16xf32>,
        %mul3A_917 = arith.mulf %bitcast3A_81, %bitcast3A_877 : vector<16xf32>
        %mul3A_918 = arith.mulf %bitcast3A_96, %bitcast3A_896 : vector<16xf32>
        %add3A_919 = arith.addf %mul3A_917, %mul3A_918 : vector<16xf32>
        %mul3A_920 = arith.mulf %bitcast3A_111, %bitcast3A_915 : vector<16xf32>
        %add3A_921 = arith.addf %add3A_919, %mul3A_920 : vector<16xf32>
        %neg3A_922 = arith.constant 0.000000e+00 : f32
        %neg3A_923 = vector.broadcast %neg3A_922 : f32 to vector<16xf32>
        %neg3A_924 = arith.subf %neg3A_923, %gather3A_916 : vector<16xf32>
        %mul3A_925 = arith.constant 2.000000e+00 : f32
        %mul3A_926 = vector.broadcast %mul3A_925 : f32 to vector<16xf32>
        %mul3A_927 = arith.mulf %mul3A_926, %add3A_921 : vector<16xf32>
        %add3A_928 = arith.addf %neg3A_924, %mul3A_927 : vector<16xf32>
        %sub3A_929 = arith.subf %add3A_928, %add3A_68 : vector<16xf32>
        %ge3A_930 = arith.cmpf oge, %sub3A_929, %sub3A_121 : vector<16xf32>
        %convert_element_type3A_931 = arith.extui %ge3A_930 : vector<16xi1> to vector<16xi32>
        %broadcast_in_dim3A_932 = arith.constant true
        %broadcast_in_dim3A_933 = vector.broadcast %broadcast_in_dim3A_932 : i1 to vector<16xi1>
        %masked_cumsum3A_934 = tpu.scan <sum>, %convert_element_type3A_931 masked %broadcast_in_dim3A_933 : vector<16xi32>, vector<16xi1> -> vector<16xi32>
        %add3A_935 = arith.addi %add3A_857, %masked_cumsum3A_934 : vector<16xi32>
        %sub3A_936 = arith.constant 1 : i32
        %sub3A_937 = vector.broadcast %sub3A_936 : i32 to vector<16xi32>
        %sub3A_938 = arith.subi %add3A_935, %sub3A_937 : vector<16xi32>
        %min3A_939 = arith.constant 1279 : i32
        %min3A_940 = vector.broadcast %min3A_939 : i32 to vector<16xi32>
        %min3A_941 = arith.minsi %sub3A_938, %min3A_940 : vector<16xi32>
        tpu.vector_store_idx %arg12[%min3A_941], %sub3A_929 masked %ge3A_930 : memref<1296xf32, #tpu.memory_space<vmem>>[vector<16xi32>], vector<16xf32>, vector<16xi1>
        tpu.vector_store_idx %arg13[%min3A_941], %add3A_861 masked %ge3A_930 : memref<1296xi32, #tpu.memory_space<vmem>>[vector<16xi32>], vector<16xi32>, vector<16xi1>
        %all_reduce_population_count3A_942 = tpu.all_reduce %ge3A_930 {dim = 0 : i64, kind = #tpu.reduction_kind<sum>} : vector<16xi1> -> vector<16xi32>
        %add3A_943 = arith.addi %add3A_857, %all_reduce_population_count3A_942 : vector<16xi32>
        %mul3A_944 = arith.constant 2 : i32
        %mul3A_945 = arith.muli %while3A_246, %mul3A_944 : i32
        %add3A_946 = vector.broadcast %mul3A_945 : i32 to vector<16xi32>
        %add3A_947 = arith.addi %mul3A_114, %add3A_946 : vector<16xi32>
        %add3A_948 = arith.constant 1 : i32
        %add3A_949 = vector.broadcast %add3A_948 : i32 to vector<16xi32>
        %add3A_950 = arith.addi %add3A_947, %add3A_949 : vector<16xi32>
        %gather3A_951 = tpu.vector_load_idx %arg11[%add3A_950] : memref<6144xi32, #tpu.memory_space<vmem>>[vector<16xi32>], vector<16xi32>,
        %mul3A_952 = arith.constant 128 : i32
        %mul3A_953 = vector.broadcast %mul3A_952 : i32 to vector<16xi32>
        %mul3A_954 = arith.muli %gather3A_951, %mul3A_953 : vector<16xi32>
        %add3A_955 = arith.constant 0 : i32
        %add3A_956 = vector.broadcast %add3A_955 : i32 to vector<16xi32>
        %add3A_957 = arith.addi %mul3A_954, %add3A_956 : vector<16xi32>
        %add3A_958 = arith.addi %add3A_957, %iota3A : vector<16xi32>
        %gather3A_959 = tpu.vector_load_idx %arg7[%broadcast_in_dim3A_37, %add3A_958] : memref<5x8192xf32, #tpu.memory_space<vmem>>[vector<16xi32>, vector<16xi32>], vector<16xf32>,
        %bitcast3A_960 = vector.bitcast %gather3A_959 : vector<16xf32> to vector<16xi32>
        %add3A_961 = arith.constant 32767 : i32
        %add3A_962 = vector.broadcast %add3A_961 : i32 to vector<16xi32>
        %add3A_963 = arith.addi %bitcast3A_960, %add3A_962 : vector<16xi32>
        %shift_right_arithmetic3A_964 = arith.constant 16 : i32
        %shift_right_arithmetic3A_965 = vector.broadcast %shift_right_arithmetic3A_964 : i32 to vector<16xi32>
        %shift_right_arithmetic3A_966 = arith.shrsi %bitcast3A_960, %shift_right_arithmetic3A_965 : vector<16xi32>
        %and3A_967 = arith.constant 1 : i32
        %and3A_968 = vector.broadcast %and3A_967 : i32 to vector<16xi32>
        %and3A_969 = arith.andi %shift_right_arithmetic3A_966, %and3A_968 : vector<16xi32>
        %add3A_970 = arith.addi %add3A_963, %and3A_969 : vector<16xi32>
        %and3A_971 = arith.constant -65536 : i32
        %and3A_972 = vector.broadcast %and3A_971 : i32 to vector<16xi32>
        %and3A_973 = arith.andi %add3A_970, %and3A_972 : vector<16xi32>
        %bitcast3A_974 = vector.bitcast %and3A_973 : vector<16xi32> to vector<16xf32>
        %add3A_975 = arith.constant 1 : i32
        %add3A_976 = vector.broadcast %add3A_975 : i32 to vector<16xi32>
        %add3A_977 = arith.addi %broadcast_in_dim3A_37, %add3A_976 : vector<16xi32>
        %gather3A_978 = tpu.vector_load_idx %arg7[%add3A_977, %add3A_958] : memref<5x8192xf32, #tpu.memory_space<vmem>>[vector<16xi32>, vector<16xi32>], vector<16xf32>,
        %bitcast3A_979 = vector.bitcast %gather3A_978 : vector<16xf32> to vector<16xi32>
        %add3A_980 = arith.constant 32767 : i32
        %add3A_981 = vector.broadcast %add3A_980 : i32 to vector<16xi32>
        %add3A_982 = arith.addi %bitcast3A_979, %add3A_981 : vector<16xi32>
        %shift_right_arithmetic3A_983 = arith.constant 16 : i32
        %shift_right_arithmetic3A_984 = vector.broadcast %shift_right_arithmetic3A_983 : i32 to vector<16xi32>
        %shift_right_arithmetic3A_985 = arith.shrsi %bitcast3A_979, %shift_right_arithmetic3A_984 : vector<16xi32>
        %and3A_986 = arith.constant 1 : i32
        %and3A_987 = vector.broadcast %and3A_986 : i32 to vector<16xi32>
        %and3A_988 = arith.andi %shift_right_arithmetic3A_985, %and3A_987 : vector<16xi32>
        %add3A_989 = arith.addi %add3A_982, %and3A_988 : vector<16xi32>
        %and3A_990 = arith.constant -65536 : i32
        %and3A_991 = vector.broadcast %and3A_990 : i32 to vector<16xi32>
        %and3A_992 = arith.andi %add3A_989, %and3A_991 : vector<16xi32>
        %bitcast3A_993 = vector.bitcast %and3A_992 : vector<16xi32> to vector<16xf32>
        %add3A_994 = arith.constant 2 : i32
        %add3A_995 = vector.broadcast %add3A_994 : i32 to vector<16xi32>
        %add3A_996 = arith.addi %broadcast_in_dim3A_37, %add3A_995 : vector<16xi32>
        %gather3A_997 = tpu.vector_load_idx %arg7[%add3A_996, %add3A_958] : memref<5x8192xf32, #tpu.memory_space<vmem>>[vector<16xi32>, vector<16xi32>], vector<16xf32>,
        %bitcast3A_998 = vector.bitcast %gather3A_997 : vector<16xf32> to vector<16xi32>
        %add3A_999 = arith.constant 32767 : i32
        %add3A_1000 = vector.broadcast %add3A_999 : i32 to vector<16xi32>
        %add3A_1001 = arith.addi %bitcast3A_998, %add3A_1000 : vector<16xi32>
        %shift_right_arithmetic3A_1002 = arith.constant 16 : i32
        %shift_right_arithmetic3A_1003 = vector.broadcast %shift_right_arithmetic3A_1002 : i32 to vector<16xi32>
        %shift_right_arithmetic3A_1004 = arith.shrsi %bitcast3A_998, %shift_right_arithmetic3A_1003 : vector<16xi32>
        %and3A_1005 = arith.constant 1 : i32
        %and3A_1006 = vector.broadcast %and3A_1005 : i32 to vector<16xi32>
        %and3A_1007 = arith.andi %shift_right_arithmetic3A_1004, %and3A_1006 : vector<16xi32>
        %add3A_1008 = arith.addi %add3A_1001, %and3A_1007 : vector<16xi32>
        %and3A_1009 = arith.constant -65536 : i32
        %and3A_1010 = vector.broadcast %and3A_1009 : i32 to vector<16xi32>
        %and3A_1011 = arith.andi %add3A_1008, %and3A_1010 : vector<16xi32>
        %bitcast3A_1012 = vector.bitcast %and3A_1011 : vector<16xi32> to vector<16xf32>
        %gather3A_1013 = tpu.vector_load_idx %arg8[%add3A_958] : memref<8192xf32, #tpu.memory_space<vmem>>[vector<16xi32>], vector<16xf32>,
        %mul3A_1014 = arith.mulf %bitcast3A_81, %bitcast3A_974 : vector<16xf32>
        %mul3A_1015 = arith.mulf %bitcast3A_96, %bitcast3A_993 : vector<16xf32>
        %add3A_1016 = arith.addf %mul3A_1014, %mul3A_1015 : vector<16xf32>
        %mul3A_1017 = arith.mulf %bitcast3A_111, %bitcast3A_1012 : vector<16xf32>
        %add3A_1018 = arith.addf %add3A_1016, %mul3A_1017 : vector<16xf32>
        %neg3A_1019 = arith.constant 0.000000e+00 : f32
        %neg3A_1020 = vector.broadcast %neg3A_1019 : f32 to vector<16xf32>
        %neg3A_1021 = arith.subf %neg3A_1020, %gather3A_1013 : vector<16xf32>
        %mul3A_1022 = arith.constant 2.000000e+00 : f32
        %mul3A_1023 = vector.broadcast %mul3A_1022 : f32 to vector<16xf32>
        %mul3A_1024 = arith.mulf %mul3A_1023, %add3A_1018 : vector<16xf32>
        %add3A_1025 = arith.addf %neg3A_1021, %mul3A_1024 : vector<16xf32>
        %sub3A_1026 = arith.subf %add3A_1025, %add3A_68 : vector<16xf32>
        %ge3A_1027 = arith.cmpf oge, %sub3A_1026, %sub3A_121 : vector<16xf32>
        %convert_element_type3A_1028 = arith.extui %ge3A_1027 : vector<16xi1> to vector<16xi32>
        %broadcast_in_dim3A_1029 = arith.constant true
        %broadcast_in_dim3A_1030 = vector.broadcast %broadcast_in_dim3A_1029 : i1 to vector<16xi1>
        %masked_cumsum3A_1031 = tpu.scan <sum>, %convert_element_type3A_1028 masked %broadcast_in_dim3A_1030 : vector<16xi32>, vector<16xi1> -> vector<16xi32>
        %add3A_1032 = arith.addi %add3A_943, %masked_cumsum3A_1031 : vector<16xi32>
        %sub3A_1033 = arith.constant 1 : i32
        %sub3A_1034 = vector.broadcast %sub3A_1033 : i32 to vector<16xi32>
        %sub3A_1035 = arith.subi %add3A_1032, %sub3A_1034 : vector<16xi32>
        %min3A_1036 = arith.constant 1279 : i32
        %min3A_1037 = vector.broadcast %min3A_1036 : i32 to vector<16xi32>
        %min3A_1038 = arith.minsi %sub3A_1035, %min3A_1037 : vector<16xi32>
        tpu.vector_store_idx %arg12[%min3A_1038], %sub3A_1026 masked %ge3A_1027 : memref<1296xf32, #tpu.memory_space<vmem>>[vector<16xi32>], vector<16xf32>, vector<16xi1>
        tpu.vector_store_idx %arg13[%min3A_1038], %add3A_958 masked %ge3A_1027 : memref<1296xi32, #tpu.memory_space<vmem>>[vector<16xi32>], vector<16xi32>, vector<16xi1>
        %all_reduce_population_count3A_1039 = tpu.all_reduce %ge3A_1027 {dim = 0 : i64, kind = #tpu.reduction_kind<sum>} : vector<16xi1> -> vector<16xi32>
        %add3A_1040 = arith.addi %add3A_943, %all_reduce_population_count3A_1039 : vector<16xi32>
        %add3A_1041 = arith.constant 16 : i32
        %add3A_1042 = vector.broadcast %add3A_1041 : i32 to vector<16xi32>
        %add3A_1043 = arith.addi %mul3A_954, %add3A_1042 : vector<16xi32>
        %add3A_1044 = arith.addi %add3A_1043, %iota3A : vector<16xi32>
        %gather3A_1045 = tpu.vector_load_idx %arg7[%broadcast_in_dim3A_37, %add3A_1044] : memref<5x8192xf32, #tpu.memory_space<vmem>>[vector<16xi32>, vector<16xi32>], vector<16xf32>,
        %bitcast3A_1046 = vector.bitcast %gather3A_1045 : vector<16xf32> to vector<16xi32>
        %add3A_1047 = arith.constant 32767 : i32
        %add3A_1048 = vector.broadcast %add3A_1047 : i32 to vector<16xi32>
        %add3A_1049 = arith.addi %bitcast3A_1046, %add3A_1048 : vector<16xi32>
        %shift_right_arithmetic3A_1050 = arith.constant 16 : i32
        %shift_right_arithmetic3A_1051 = vector.broadcast %shift_right_arithmetic3A_1050 : i32 to vector<16xi32>
        %shift_right_arithmetic3A_1052 = arith.shrsi %bitcast3A_1046, %shift_right_arithmetic3A_1051 : vector<16xi32>
        %and3A_1053 = arith.constant 1 : i32
        %and3A_1054 = vector.broadcast %and3A_1053 : i32 to vector<16xi32>
        %and3A_1055 = arith.andi %shift_right_arithmetic3A_1052, %and3A_1054 : vector<16xi32>
        %add3A_1056 = arith.addi %add3A_1049, %and3A_1055 : vector<16xi32>
        %and3A_1057 = arith.constant -65536 : i32
        %and3A_1058 = vector.broadcast %and3A_1057 : i32 to vector<16xi32>
        %and3A_1059 = arith.andi %add3A_1056, %and3A_1058 : vector<16xi32>
        %bitcast3A_1060 = vector.bitcast %and3A_1059 : vector<16xi32> to vector<16xf32>
        %add3A_1061 = arith.constant 1 : i32
        %add3A_1062 = vector.broadcast %add3A_1061 : i32 to vector<16xi32>
        %add3A_1063 = arith.addi %broadcast_in_dim3A_37, %add3A_1062 : vector<16xi32>
        %gather3A_1064 = tpu.vector_load_idx %arg7[%add3A_1063, %add3A_1044] : memref<5x8192xf32, #tpu.memory_space<vmem>>[vector<16xi32>, vector<16xi32>], vector<16xf32>,
        %bitcast3A_1065 = vector.bitcast %gather3A_1064 : vector<16xf32> to vector<16xi32>
        %add3A_1066 = arith.constant 32767 : i32
        %add3A_1067 = vector.broadcast %add3A_1066 : i32 to vector<16xi32>
        %add3A_1068 = arith.addi %bitcast3A_1065, %add3A_1067 : vector<16xi32>
        %shift_right_arithmetic3A_1069 = arith.constant 16 : i32
        %shift_right_arithmetic3A_1070 = vector.broadcast %shift_right_arithmetic3A_1069 : i32 to vector<16xi32>
        %shift_right_arithmetic3A_1071 = arith.shrsi %bitcast3A_1065, %shift_right_arithmetic3A_1070 : vector<16xi32>
        %and3A_1072 = arith.constant 1 : i32
        %and3A_1073 = vector.broadcast %and3A_1072 : i32 to vector<16xi32>
        %and3A_1074 = arith.andi %shift_right_arithmetic3A_1071, %and3A_1073 : vector<16xi32>
        %add3A_1075 = arith.addi %add3A_1068, %and3A_1074 : vector<16xi32>
        %and3A_1076 = arith.constant -65536 : i32
        %and3A_1077 = vector.broadcast %and3A_1076 : i32 to vector<16xi32>
        %and3A_1078 = arith.andi %add3A_1075, %and3A_1077 : vector<16xi32>
        %bitcast3A_1079 = vector.bitcast %and3A_1078 : vector<16xi32> to vector<16xf32>
        %add3A_1080 = arith.constant 2 : i32
        %add3A_1081 = vector.broadcast %add3A_1080 : i32 to vector<16xi32>
        %add3A_1082 = arith.addi %broadcast_in_dim3A_37, %add3A_1081 : vector<16xi32>
        %gather3A_1083 = tpu.vector_load_idx %arg7[%add3A_1082, %add3A_1044] : memref<5x8192xf32, #tpu.memory_space<vmem>>[vector<16xi32>, vector<16xi32>], vector<16xf32>,
        %bitcast3A_1084 = vector.bitcast %gather3A_1083 : vector<16xf32> to vector<16xi32>
        %add3A_1085 = arith.constant 32767 : i32
        %add3A_1086 = vector.broadcast %add3A_1085 : i32 to vector<16xi32>
        %add3A_1087 = arith.addi %bitcast3A_1084, %add3A_1086 : vector<16xi32>
        %shift_right_arithmetic3A_1088 = arith.constant 16 : i32
        %shift_right_arithmetic3A_1089 = vector.broadcast %shift_right_arithmetic3A_1088 : i32 to vector<16xi32>
        %shift_right_arithmetic3A_1090 = arith.shrsi %bitcast3A_1084, %shift_right_arithmetic3A_1089 : vector<16xi32>
        %and3A_1091 = arith.constant 1 : i32
        %and3A_1092 = vector.broadcast %and3A_1091 : i32 to vector<16xi32>
        %and3A_1093 = arith.andi %shift_right_arithmetic3A_1090, %and3A_1092 : vector<16xi32>
        %add3A_1094 = arith.addi %add3A_1087, %and3A_1093 : vector<16xi32>
        %and3A_1095 = arith.constant -65536 : i32
        %and3A_1096 = vector.broadcast %and3A_1095 : i32 to vector<16xi32>
        %and3A_1097 = arith.andi %add3A_1094, %and3A_1096 : vector<16xi32>
        %bitcast3A_1098 = vector.bitcast %and3A_1097 : vector<16xi32> to vector<16xf32>
        %gather3A_1099 = tpu.vector_load_idx %arg8[%add3A_1044] : memref<8192xf32, #tpu.memory_space<vmem>>[vector<16xi32>], vector<16xf32>,
        %mul3A_1100 = arith.mulf %bitcast3A_81, %bitcast3A_1060 : vector<16xf32>
        %mul3A_1101 = arith.mulf %bitcast3A_96, %bitcast3A_1079 : vector<16xf32>
        %add3A_1102 = arith.addf %mul3A_1100, %mul3A_1101 : vector<16xf32>
        %mul3A_1103 = arith.mulf %bitcast3A_111, %bitcast3A_1098 : vector<16xf32>
        %add3A_1104 = arith.addf %add3A_1102, %mul3A_1103 : vector<16xf32>
        %neg3A_1105 = arith.constant 0.000000e+00 : f32
        %neg3A_1106 = vector.broadcast %neg3A_1105 : f32 to vector<16xf32>
        %neg3A_1107 = arith.subf %neg3A_1106, %gather3A_1099 : vector<16xf32>
        %mul3A_1108 = arith.constant 2.000000e+00 : f32
        %mul3A_1109 = vector.broadcast %mul3A_1108 : f32 to vector<16xf32>
        %mul3A_1110 = arith.mulf %mul3A_1109, %add3A_1104 : vector<16xf32>
        %add3A_1111 = arith.addf %neg3A_1107, %mul3A_1110 : vector<16xf32>
        %sub3A_1112 = arith.subf %add3A_1111, %add3A_68 : vector<16xf32>
        %ge3A_1113 = arith.cmpf oge, %sub3A_1112, %sub3A_121 : vector<16xf32>
        %convert_element_type3A_1114 = arith.extui %ge3A_1113 : vector<16xi1> to vector<16xi32>
        %broadcast_in_dim3A_1115 = arith.constant true
        %broadcast_in_dim3A_1116 = vector.broadcast %broadcast_in_dim3A_1115 : i1 to vector<16xi1>
        %masked_cumsum3A_1117 = tpu.scan <sum>, %convert_element_type3A_1114 masked %broadcast_in_dim3A_1116 : vector<16xi32>, vector<16xi1> -> vector<16xi32>
        %add3A_1118 = arith.addi %add3A_1040, %masked_cumsum3A_1117 : vector<16xi32>
        %sub3A_1119 = arith.constant 1 : i32
        %sub3A_1120 = vector.broadcast %sub3A_1119 : i32 to vector<16xi32>
        %sub3A_1121 = arith.subi %add3A_1118, %sub3A_1120 : vector<16xi32>
        %min3A_1122 = arith.constant 1279 : i32
        %min3A_1123 = vector.broadcast %min3A_1122 : i32 to vector<16xi32>
        %min3A_1124 = arith.minsi %sub3A_1121, %min3A_1123 : vector<16xi32>
        tpu.vector_store_idx %arg12[%min3A_1124], %sub3A_1112 masked %ge3A_1113 : memref<1296xf32, #tpu.memory_space<vmem>>[vector<16xi32>], vector<16xf32>, vector<16xi1>
        tpu.vector_store_idx %arg13[%min3A_1124], %add3A_1044 masked %ge3A_1113 : memref<1296xi32, #tpu.memory_space<vmem>>[vector<16xi32>], vector<16xi32>, vector<16xi1>
        %all_reduce_population_count3A_1125 = tpu.all_reduce %ge3A_1113 {dim = 0 : i64, kind = #tpu.reduction_kind<sum>} : vector<16xi1> -> vector<16xi32>
        %add3A_1126 = arith.addi %add3A_1040, %all_reduce_population_count3A_1125 : vector<16xi32>
        %add3A_1127 = arith.constant 32 : i32
        %add3A_1128 = vector.broadcast %add3A_1127 : i32 to vector<16xi32>
        %add3A_1129 = arith.addi %mul3A_954, %add3A_1128 : vector<16xi32>
        %add3A_1130 = arith.addi %add3A_1129, %iota3A : vector<16xi32>
        %gather3A_1131 = tpu.vector_load_idx %arg7[%broadcast_in_dim3A_37, %add3A_1130] : memref<5x8192xf32, #tpu.memory_space<vmem>>[vector<16xi32>, vector<16xi32>], vector<16xf32>,
        %bitcast3A_1132 = vector.bitcast %gather3A_1131 : vector<16xf32> to vector<16xi32>
        %add3A_1133 = arith.constant 32767 : i32
        %add3A_1134 = vector.broadcast %add3A_1133 : i32 to vector<16xi32>
        %add3A_1135 = arith.addi %bitcast3A_1132, %add3A_1134 : vector<16xi32>
        %shift_right_arithmetic3A_1136 = arith.constant 16 : i32
        %shift_right_arithmetic3A_1137 = vector.broadcast %shift_right_arithmetic3A_1136 : i32 to vector<16xi32>
        %shift_right_arithmetic3A_1138 = arith.shrsi %bitcast3A_1132, %shift_right_arithmetic3A_1137 : vector<16xi32>
        %and3A_1139 = arith.constant 1 : i32
        %and3A_1140 = vector.broadcast %and3A_1139 : i32 to vector<16xi32>
        %and3A_1141 = arith.andi %shift_right_arithmetic3A_1138, %and3A_1140 : vector<16xi32>
        %add3A_1142 = arith.addi %add3A_1135, %and3A_1141 : vector<16xi32>
        %and3A_1143 = arith.constant -65536 : i32
        %and3A_1144 = vector.broadcast %and3A_1143 : i32 to vector<16xi32>
        %and3A_1145 = arith.andi %add3A_1142, %and3A_1144 : vector<16xi32>
        %bitcast3A_1146 = vector.bitcast %and3A_1145 : vector<16xi32> to vector<16xf32>
        %add3A_1147 = arith.constant 1 : i32
        %add3A_1148 = vector.broadcast %add3A_1147 : i32 to vector<16xi32>
        %add3A_1149 = arith.addi %broadcast_in_dim3A_37, %add3A_1148 : vector<16xi32>
        %gather3A_1150 = tpu.vector_load_idx %arg7[%add3A_1149, %add3A_1130] : memref<5x8192xf32, #tpu.memory_space<vmem>>[vector<16xi32>, vector<16xi32>], vector<16xf32>,
        %bitcast3A_1151 = vector.bitcast %gather3A_1150 : vector<16xf32> to vector<16xi32>
        %add3A_1152 = arith.constant 32767 : i32
        %add3A_1153 = vector.broadcast %add3A_1152 : i32 to vector<16xi32>
        %add3A_1154 = arith.addi %bitcast3A_1151, %add3A_1153 : vector<16xi32>
        %shift_right_arithmetic3A_1155 = arith.constant 16 : i32
        %shift_right_arithmetic3A_1156 = vector.broadcast %shift_right_arithmetic3A_1155 : i32 to vector<16xi32>
        %shift_right_arithmetic3A_1157 = arith.shrsi %bitcast3A_1151, %shift_right_arithmetic3A_1156 : vector<16xi32>
        %and3A_1158 = arith.constant 1 : i32
        %and3A_1159 = vector.broadcast %and3A_1158 : i32 to vector<16xi32>
        %and3A_1160 = arith.andi %shift_right_arithmetic3A_1157, %and3A_1159 : vector<16xi32>
        %add3A_1161 = arith.addi %add3A_1154, %and3A_1160 : vector<16xi32>
        %and3A_1162 = arith.constant -65536 : i32
        %and3A_1163 = vector.broadcast %and3A_1162 : i32 to vector<16xi32>
        %and3A_1164 = arith.andi %add3A_1161, %and3A_1163 : vector<16xi32>
        %bitcast3A_1165 = vector.bitcast %and3A_1164 : vector<16xi32> to vector<16xf32>
        %add3A_1166 = arith.constant 2 : i32
        %add3A_1167 = vector.broadcast %add3A_1166 : i32 to vector<16xi32>
        %add3A_1168 = arith.addi %broadcast_in_dim3A_37, %add3A_1167 : vector<16xi32>
        %gather3A_1169 = tpu.vector_load_idx %arg7[%add3A_1168, %add3A_1130] : memref<5x8192xf32, #tpu.memory_space<vmem>>[vector<16xi32>, vector<16xi32>], vector<16xf32>,
        %bitcast3A_1170 = vector.bitcast %gather3A_1169 : vector<16xf32> to vector<16xi32>
        %add3A_1171 = arith.constant 32767 : i32
        %add3A_1172 = vector.broadcast %add3A_1171 : i32 to vector<16xi32>
        %add3A_1173 = arith.addi %bitcast3A_1170, %add3A_1172 : vector<16xi32>
        %shift_right_arithmetic3A_1174 = arith.constant 16 : i32
        %shift_right_arithmetic3A_1175 = vector.broadcast %shift_right_arithmetic3A_1174 : i32 to vector<16xi32>
        %shift_right_arithmetic3A_1176 = arith.shrsi %bitcast3A_1170, %shift_right_arithmetic3A_1175 : vector<16xi32>
        %and3A_1177 = arith.constant 1 : i32
        %and3A_1178 = vector.broadcast %and3A_1177 : i32 to vector<16xi32>
        %and3A_1179 = arith.andi %shift_right_arithmetic3A_1176, %and3A_1178 : vector<16xi32>
        %add3A_1180 = arith.addi %add3A_1173, %and3A_1179 : vector<16xi32>
        %and3A_1181 = arith.constant -65536 : i32
        %and3A_1182 = vector.broadcast %and3A_1181 : i32 to vector<16xi32>
        %and3A_1183 = arith.andi %add3A_1180, %and3A_1182 : vector<16xi32>
        %bitcast3A_1184 = vector.bitcast %and3A_1183 : vector<16xi32> to vector<16xf32>
        %gather3A_1185 = tpu.vector_load_idx %arg8[%add3A_1130] : memref<8192xf32, #tpu.memory_space<vmem>>[vector<16xi32>], vector<16xf32>,
        %mul3A_1186 = arith.mulf %bitcast3A_81, %bitcast3A_1146 : vector<16xf32>
        %mul3A_1187 = arith.mulf %bitcast3A_96, %bitcast3A_1165 : vector<16xf32>
        %add3A_1188 = arith.addf %mul3A_1186, %mul3A_1187 : vector<16xf32>
        %mul3A_1189 = arith.mulf %bitcast3A_111, %bitcast3A_1184 : vector<16xf32>
        %add3A_1190 = arith.addf %add3A_1188, %mul3A_1189 : vector<16xf32>
        %neg3A_1191 = arith.constant 0.000000e+00 : f32
        %neg3A_1192 = vector.broadcast %neg3A_1191 : f32 to vector<16xf32>
        %neg3A_1193 = arith.subf %neg3A_1192, %gather3A_1185 : vector<16xf32>
        %mul3A_1194 = arith.constant 2.000000e+00 : f32
        %mul3A_1195 = vector.broadcast %mul3A_1194 : f32 to vector<16xf32>
        %mul3A_1196 = arith.mulf %mul3A_1195, %add3A_1190 : vector<16xf32>
        %add3A_1197 = arith.addf %neg3A_1193, %mul3A_1196 : vector<16xf32>
        %sub3A_1198 = arith.subf %add3A_1197, %add3A_68 : vector<16xf32>
        %ge3A_1199 = arith.cmpf oge, %sub3A_1198, %sub3A_121 : vector<16xf32>
        %convert_element_type3A_1200 = arith.extui %ge3A_1199 : vector<16xi1> to vector<16xi32>
        %broadcast_in_dim3A_1201 = arith.constant true
        %broadcast_in_dim3A_1202 = vector.broadcast %broadcast_in_dim3A_1201 : i1 to vector<16xi1>
        %masked_cumsum3A_1203 = tpu.scan <sum>, %convert_element_type3A_1200 masked %broadcast_in_dim3A_1202 : vector<16xi32>, vector<16xi1> -> vector<16xi32>
        %add3A_1204 = arith.addi %add3A_1126, %masked_cumsum3A_1203 : vector<16xi32>
        %sub3A_1205 = arith.constant 1 : i32
        %sub3A_1206 = vector.broadcast %sub3A_1205 : i32 to vector<16xi32>
        %sub3A_1207 = arith.subi %add3A_1204, %sub3A_1206 : vector<16xi32>
        %min3A_1208 = arith.constant 1279 : i32
        %min3A_1209 = vector.broadcast %min3A_1208 : i32 to vector<16xi32>
        %min3A_1210 = arith.minsi %sub3A_1207, %min3A_1209 : vector<16xi32>
        tpu.vector_store_idx %arg12[%min3A_1210], %sub3A_1198 masked %ge3A_1199 : memref<1296xf32, #tpu.memory_space<vmem>>[vector<16xi32>], vector<16xf32>, vector<16xi1>
        tpu.vector_store_idx %arg13[%min3A_1210], %add3A_1130 masked %ge3A_1199 : memref<1296xi32, #tpu.memory_space<vmem>>[vector<16xi32>], vector<16xi32>, vector<16xi1>
        %all_reduce_population_count3A_1211 = tpu.all_reduce %ge3A_1199 {dim = 0 : i64, kind = #tpu.reduction_kind<sum>} : vector<16xi1> -> vector<16xi32>
        %add3A_1212 = arith.addi %add3A_1126, %all_reduce_population_count3A_1211 : vector<16xi32>
        %add3A_1213 = arith.constant 48 : i32
        %add3A_1214 = vector.broadcast %add3A_1213 : i32 to vector<16xi32>
        %add3A_1215 = arith.addi %mul3A_954, %add3A_1214 : vector<16xi32>
        %add3A_1216 = arith.addi %add3A_1215, %iota3A : vector<16xi32>
        %gather3A_1217 = tpu.vector_load_idx %arg7[%broadcast_in_dim3A_37, %add3A_1216] : memref<5x8192xf32, #tpu.memory_space<vmem>>[vector<16xi32>, vector<16xi32>], vector<16xf32>,
        %bitcast3A_1218 = vector.bitcast %gather3A_1217 : vector<16xf32> to vector<16xi32>
        %add3A_1219 = arith.constant 32767 : i32
        %add3A_1220 = vector.broadcast %add3A_1219 : i32 to vector<16xi32>
        %add3A_1221 = arith.addi %bitcast3A_1218, %add3A_1220 : vector<16xi32>
        %shift_right_arithmetic3A_1222 = arith.constant 16 : i32
        %shift_right_arithmetic3A_1223 = vector.broadcast %shift_right_arithmetic3A_1222 : i32 to vector<16xi32>
        %shift_right_arithmetic3A_1224 = arith.shrsi %bitcast3A_1218, %shift_right_arithmetic3A_1223 : vector<16xi32>
        %and3A_1225 = arith.constant 1 : i32
        %and3A_1226 = vector.broadcast %and3A_1225 : i32 to vector<16xi32>
        %and3A_1227 = arith.andi %shift_right_arithmetic3A_1224, %and3A_1226 : vector<16xi32>
        %add3A_1228 = arith.addi %add3A_1221, %and3A_1227 : vector<16xi32>
        %and3A_1229 = arith.constant -65536 : i32
        %and3A_1230 = vector.broadcast %and3A_1229 : i32 to vector<16xi32>
        %and3A_1231 = arith.andi %add3A_1228, %and3A_1230 : vector<16xi32>
        %bitcast3A_1232 = vector.bitcast %and3A_1231 : vector<16xi32> to vector<16xf32>
        %add3A_1233 = arith.constant 1 : i32
        %add3A_1234 = vector.broadcast %add3A_1233 : i32 to vector<16xi32>
        %add3A_1235 = arith.addi %broadcast_in_dim3A_37, %add3A_1234 : vector<16xi32>
        %gather3A_1236 = tpu.vector_load_idx %arg7[%add3A_1235, %add3A_1216] : memref<5x8192xf32, #tpu.memory_space<vmem>>[vector<16xi32>, vector<16xi32>], vector<16xf32>,
        %bitcast3A_1237 = vector.bitcast %gather3A_1236 : vector<16xf32> to vector<16xi32>
        %add3A_1238 = arith.constant 32767 : i32
        %add3A_1239 = vector.broadcast %add3A_1238 : i32 to vector<16xi32>
        %add3A_1240 = arith.addi %bitcast3A_1237, %add3A_1239 : vector<16xi32>
        %shift_right_arithmetic3A_1241 = arith.constant 16 : i32
        %shift_right_arithmetic3A_1242 = vector.broadcast %shift_right_arithmetic3A_1241 : i32 to vector<16xi32>
        %shift_right_arithmetic3A_1243 = arith.shrsi %bitcast3A_1237, %shift_right_arithmetic3A_1242 : vector<16xi32>
        %and3A_1244 = arith.constant 1 : i32
        %and3A_1245 = vector.broadcast %and3A_1244 : i32 to vector<16xi32>
        %and3A_1246 = arith.andi %shift_right_arithmetic3A_1243, %and3A_1245 : vector<16xi32>
        %add3A_1247 = arith.addi %add3A_1240, %and3A_1246 : vector<16xi32>
        %and3A_1248 = arith.constant -65536 : i32
        %and3A_1249 = vector.broadcast %and3A_1248 : i32 to vector<16xi32>
        %and3A_1250 = arith.andi %add3A_1247, %and3A_1249 : vector<16xi32>
        %bitcast3A_1251 = vector.bitcast %and3A_1250 : vector<16xi32> to vector<16xf32>
        %add3A_1252 = arith.constant 2 : i32
        %add3A_1253 = vector.broadcast %add3A_1252 : i32 to vector<16xi32>
        %add3A_1254 = arith.addi %broadcast_in_dim3A_37, %add3A_1253 : vector<16xi32>
        %gather3A_1255 = tpu.vector_load_idx %arg7[%add3A_1254, %add3A_1216] : memref<5x8192xf32, #tpu.memory_space<vmem>>[vector<16xi32>, vector<16xi32>], vector<16xf32>,
        %bitcast3A_1256 = vector.bitcast %gather3A_1255 : vector<16xf32> to vector<16xi32>
        %add3A_1257 = arith.constant 32767 : i32
        %add3A_1258 = vector.broadcast %add3A_1257 : i32 to vector<16xi32>
        %add3A_1259 = arith.addi %bitcast3A_1256, %add3A_1258 : vector<16xi32>
        %shift_right_arithmetic3A_1260 = arith.constant 16 : i32
        %shift_right_arithmetic3A_1261 = vector.broadcast %shift_right_arithmetic3A_1260 : i32 to vector<16xi32>
        %shift_right_arithmetic3A_1262 = arith.shrsi %bitcast3A_1256, %shift_right_arithmetic3A_1261 : vector<16xi32>
        %and3A_1263 = arith.constant 1 : i32
        %and3A_1264 = vector.broadcast %and3A_1263 : i32 to vector<16xi32>
        %and3A_1265 = arith.andi %shift_right_arithmetic3A_1262, %and3A_1264 : vector<16xi32>
        %add3A_1266 = arith.addi %add3A_1259, %and3A_1265 : vector<16xi32>
        %and3A_1267 = arith.constant -65536 : i32
        %and3A_1268 = vector.broadcast %and3A_1267 : i32 to vector<16xi32>
        %and3A_1269 = arith.andi %add3A_1266, %and3A_1268 : vector<16xi32>
        %bitcast3A_1270 = vector.bitcast %and3A_1269 : vector<16xi32> to vector<16xf32>
        %gather3A_1271 = tpu.vector_load_idx %arg8[%add3A_1216] : memref<8192xf32, #tpu.memory_space<vmem>>[vector<16xi32>], vector<16xf32>,
        %mul3A_1272 = arith.mulf %bitcast3A_81, %bitcast3A_1232 : vector<16xf32>
        %mul3A_1273 = arith.mulf %bitcast3A_96, %bitcast3A_1251 : vector<16xf32>
        %add3A_1274 = arith.addf %mul3A_1272, %mul3A_1273 : vector<16xf32>
        %mul3A_1275 = arith.mulf %bitcast3A_111, %bitcast3A_1270 : vector<16xf32>
        %add3A_1276 = arith.addf %add3A_1274, %mul3A_1275 : vector<16xf32>
        %neg3A_1277 = arith.constant 0.000000e+00 : f32
        %neg3A_1278 = vector.broadcast %neg3A_1277 : f32 to vector<16xf32>
        %neg3A_1279 = arith.subf %neg3A_1278, %gather3A_1271 : vector<16xf32>
        %mul3A_1280 = arith.constant 2.000000e+00 : f32
        %mul3A_1281 = vector.broadcast %mul3A_1280 : f32 to vector<16xf32>
        %mul3A_1282 = arith.mulf %mul3A_1281, %add3A_1276 : vector<16xf32>
        %add3A_1283 = arith.addf %neg3A_1279, %mul3A_1282 : vector<16xf32>
        %sub3A_1284 = arith.subf %add3A_1283, %add3A_68 : vector<16xf32>
        %ge3A_1285 = arith.cmpf oge, %sub3A_1284, %sub3A_121 : vector<16xf32>
        %convert_element_type3A_1286 = arith.extui %ge3A_1285 : vector<16xi1> to vector<16xi32>
        %broadcast_in_dim3A_1287 = arith.constant true
        %broadcast_in_dim3A_1288 = vector.broadcast %broadcast_in_dim3A_1287 : i1 to vector<16xi1>
        %masked_cumsum3A_1289 = tpu.scan <sum>, %convert_element_type3A_1286 masked %broadcast_in_dim3A_1288 : vector<16xi32>, vector<16xi1> -> vector<16xi32>
        %add3A_1290 = arith.addi %add3A_1212, %masked_cumsum3A_1289 : vector<16xi32>
        %sub3A_1291 = arith.constant 1 : i32
        %sub3A_1292 = vector.broadcast %sub3A_1291 : i32 to vector<16xi32>
        %sub3A_1293 = arith.subi %add3A_1290, %sub3A_1292 : vector<16xi32>
        %min3A_1294 = arith.constant 1279 : i32
        %min3A_1295 = vector.broadcast %min3A_1294 : i32 to vector<16xi32>
        %min3A_1296 = arith.minsi %sub3A_1293, %min3A_1295 : vector<16xi32>
        tpu.vector_store_idx %arg12[%min3A_1296], %sub3A_1284 masked %ge3A_1285 : memref<1296xf32, #tpu.memory_space<vmem>>[vector<16xi32>], vector<16xf32>, vector<16xi1>
        tpu.vector_store_idx %arg13[%min3A_1296], %add3A_1216 masked %ge3A_1285 : memref<1296xi32, #tpu.memory_space<vmem>>[vector<16xi32>], vector<16xi32>, vector<16xi1>
        %all_reduce_population_count3A_1297 = tpu.all_reduce %ge3A_1285 {dim = 0 : i64, kind = #tpu.reduction_kind<sum>} : vector<16xi1> -> vector<16xi32>
        %add3A_1298 = arith.addi %add3A_1212, %all_reduce_population_count3A_1297 : vector<16xi32>
        %add3A_1299 = arith.constant 64 : i32
        %add3A_1300 = vector.broadcast %add3A_1299 : i32 to vector<16xi32>
        %add3A_1301 = arith.addi %mul3A_954, %add3A_1300 : vector<16xi32>
        %add3A_1302 = arith.addi %add3A_1301, %iota3A : vector<16xi32>
        %gather3A_1303 = tpu.vector_load_idx %arg7[%broadcast_in_dim3A_37, %add3A_1302] : memref<5x8192xf32, #tpu.memory_space<vmem>>[vector<16xi32>, vector<16xi32>], vector<16xf32>,
        %bitcast3A_1304 = vector.bitcast %gather3A_1303 : vector<16xf32> to vector<16xi32>
        %add3A_1305 = arith.constant 32767 : i32
        %add3A_1306 = vector.broadcast %add3A_1305 : i32 to vector<16xi32>
        %add3A_1307 = arith.addi %bitcast3A_1304, %add3A_1306 : vector<16xi32>
        %shift_right_arithmetic3A_1308 = arith.constant 16 : i32
        %shift_right_arithmetic3A_1309 = vector.broadcast %shift_right_arithmetic3A_1308 : i32 to vector<16xi32>
        %shift_right_arithmetic3A_1310 = arith.shrsi %bitcast3A_1304, %shift_right_arithmetic3A_1309 : vector<16xi32>
        %and3A_1311 = arith.constant 1 : i32
        %and3A_1312 = vector.broadcast %and3A_1311 : i32 to vector<16xi32>
        %and3A_1313 = arith.andi %shift_right_arithmetic3A_1310, %and3A_1312 : vector<16xi32>
        %add3A_1314 = arith.addi %add3A_1307, %and3A_1313 : vector<16xi32>
        %and3A_1315 = arith.constant -65536 : i32
        %and3A_1316 = vector.broadcast %and3A_1315 : i32 to vector<16xi32>
        %and3A_1317 = arith.andi %add3A_1314, %and3A_1316 : vector<16xi32>
        %bitcast3A_1318 = vector.bitcast %and3A_1317 : vector<16xi32> to vector<16xf32>
        %add3A_1319 = arith.constant 1 : i32
        %add3A_1320 = vector.broadcast %add3A_1319 : i32 to vector<16xi32>
        %add3A_1321 = arith.addi %broadcast_in_dim3A_37, %add3A_1320 : vector<16xi32>
        %gather3A_1322 = tpu.vector_load_idx %arg7[%add3A_1321, %add3A_1302] : memref<5x8192xf32, #tpu.memory_space<vmem>>[vector<16xi32>, vector<16xi32>], vector<16xf32>,
        %bitcast3A_1323 = vector.bitcast %gather3A_1322 : vector<16xf32> to vector<16xi32>
        %add3A_1324 = arith.constant 32767 : i32
        %add3A_1325 = vector.broadcast %add3A_1324 : i32 to vector<16xi32>
        %add3A_1326 = arith.addi %bitcast3A_1323, %add3A_1325 : vector<16xi32>
        %shift_right_arithmetic3A_1327 = arith.constant 16 : i32
        %shift_right_arithmetic3A_1328 = vector.broadcast %shift_right_arithmetic3A_1327 : i32 to vector<16xi32>
        %shift_right_arithmetic3A_1329 = arith.shrsi %bitcast3A_1323, %shift_right_arithmetic3A_1328 : vector<16xi32>
        %and3A_1330 = arith.constant 1 : i32
        %and3A_1331 = vector.broadcast %and3A_1330 : i32 to vector<16xi32>
        %and3A_1332 = arith.andi %shift_right_arithmetic3A_1329, %and3A_1331 : vector<16xi32>
        %add3A_1333 = arith.addi %add3A_1326, %and3A_1332 : vector<16xi32>
        %and3A_1334 = arith.constant -65536 : i32
        %and3A_1335 = vector.broadcast %and3A_1334 : i32 to vector<16xi32>
        %and3A_1336 = arith.andi %add3A_1333, %and3A_1335 : vector<16xi32>
        %bitcast3A_1337 = vector.bitcast %and3A_1336 : vector<16xi32> to vector<16xf32>
        %add3A_1338 = arith.constant 2 : i32
        %add3A_1339 = vector.broadcast %add3A_1338 : i32 to vector<16xi32>
        %add3A_1340 = arith.addi %broadcast_in_dim3A_37, %add3A_1339 : vector<16xi32>
        %gather3A_1341 = tpu.vector_load_idx %arg7[%add3A_1340, %add3A_1302] : memref<5x8192xf32, #tpu.memory_space<vmem>>[vector<16xi32>, vector<16xi32>], vector<16xf32>,
        %bitcast3A_1342 = vector.bitcast %gather3A_1341 : vector<16xf32> to vector<16xi32>
        %add3A_1343 = arith.constant 32767 : i32
        %add3A_1344 = vector.broadcast %add3A_1343 : i32 to vector<16xi32>
        %add3A_1345 = arith.addi %bitcast3A_1342, %add3A_1344 : vector<16xi32>
        %shift_right_arithmetic3A_1346 = arith.constant 16 : i32
        %shift_right_arithmetic3A_1347 = vector.broadcast %shift_right_arithmetic3A_1346 : i32 to vector<16xi32>
        %shift_right_arithmetic3A_1348 = arith.shrsi %bitcast3A_1342, %shift_right_arithmetic3A_1347 : vector<16xi32>
        %and3A_1349 = arith.constant 1 : i32
        %and3A_1350 = vector.broadcast %and3A_1349 : i32 to vector<16xi32>
        %and3A_1351 = arith.andi %shift_right_arithmetic3A_1348, %and3A_1350 : vector<16xi32>
        %add3A_1352 = arith.addi %add3A_1345, %and3A_1351 : vector<16xi32>
        %and3A_1353 = arith.constant -65536 : i32
        %and3A_1354 = vector.broadcast %and3A_1353 : i32 to vector<16xi32>
        %and3A_1355 = arith.andi %add3A_1352, %and3A_1354 : vector<16xi32>
        %bitcast3A_1356 = vector.bitcast %and3A_1355 : vector<16xi32> to vector<16xf32>
        %gather3A_1357 = tpu.vector_load_idx %arg8[%add3A_1302] : memref<8192xf32, #tpu.memory_space<vmem>>[vector<16xi32>], vector<16xf32>,
        %mul3A_1358 = arith.mulf %bitcast3A_81, %bitcast3A_1318 : vector<16xf32>
        %mul3A_1359 = arith.mulf %bitcast3A_96, %bitcast3A_1337 : vector<16xf32>
        %add3A_1360 = arith.addf %mul3A_1358, %mul3A_1359 : vector<16xf32>
        %mul3A_1361 = arith.mulf %bitcast3A_111, %bitcast3A_1356 : vector<16xf32>
        %add3A_1362 = arith.addf %add3A_1360, %mul3A_1361 : vector<16xf32>
        %neg3A_1363 = arith.constant 0.000000e+00 : f32
        %neg3A_1364 = vector.broadcast %neg3A_1363 : f32 to vector<16xf32>
        %neg3A_1365 = arith.subf %neg3A_1364, %gather3A_1357 : vector<16xf32>
        %mul3A_1366 = arith.constant 2.000000e+00 : f32
        %mul3A_1367 = vector.broadcast %mul3A_1366 : f32 to vector<16xf32>
        %mul3A_1368 = arith.mulf %mul3A_1367, %add3A_1362 : vector<16xf32>
        %add3A_1369 = arith.addf %neg3A_1365, %mul3A_1368 : vector<16xf32>
        %sub3A_1370 = arith.subf %add3A_1369, %add3A_68 : vector<16xf32>
        %ge3A_1371 = arith.cmpf oge, %sub3A_1370, %sub3A_121 : vector<16xf32>
        %convert_element_type3A_1372 = arith.extui %ge3A_1371 : vector<16xi1> to vector<16xi32>
        %broadcast_in_dim3A_1373 = arith.constant true
        %broadcast_in_dim3A_1374 = vector.broadcast %broadcast_in_dim3A_1373 : i1 to vector<16xi1>
        %masked_cumsum3A_1375 = tpu.scan <sum>, %convert_element_type3A_1372 masked %broadcast_in_dim3A_1374 : vector<16xi32>, vector<16xi1> -> vector<16xi32>
        %add3A_1376 = arith.addi %add3A_1298, %masked_cumsum3A_1375 : vector<16xi32>
        %sub3A_1377 = arith.constant 1 : i32
        %sub3A_1378 = vector.broadcast %sub3A_1377 : i32 to vector<16xi32>
        %sub3A_1379 = arith.subi %add3A_1376, %sub3A_1378 : vector<16xi32>
        %min3A_1380 = arith.constant 1279 : i32
        %min3A_1381 = vector.broadcast %min3A_1380 : i32 to vector<16xi32>
        %min3A_1382 = arith.minsi %sub3A_1379, %min3A_1381 : vector<16xi32>
        tpu.vector_store_idx %arg12[%min3A_1382], %sub3A_1370 masked %ge3A_1371 : memref<1296xf32, #tpu.memory_space<vmem>>[vector<16xi32>], vector<16xf32>, vector<16xi1>
        tpu.vector_store_idx %arg13[%min3A_1382], %add3A_1302 masked %ge3A_1371 : memref<1296xi32, #tpu.memory_space<vmem>>[vector<16xi32>], vector<16xi32>, vector<16xi1>
        %all_reduce_population_count3A_1383 = tpu.all_reduce %ge3A_1371 {dim = 0 : i64, kind = #tpu.reduction_kind<sum>} : vector<16xi1> -> vector<16xi32>
        %add3A_1384 = arith.addi %add3A_1298, %all_reduce_population_count3A_1383 : vector<16xi32>
        %add3A_1385 = arith.constant 80 : i32
        %add3A_1386 = vector.broadcast %add3A_1385 : i32 to vector<16xi32>
        %add3A_1387 = arith.addi %mul3A_954, %add3A_1386 : vector<16xi32>
        %add3A_1388 = arith.addi %add3A_1387, %iota3A : vector<16xi32>
        %gather3A_1389 = tpu.vector_load_idx %arg7[%broadcast_in_dim3A_37, %add3A_1388] : memref<5x8192xf32, #tpu.memory_space<vmem>>[vector<16xi32>, vector<16xi32>], vector<16xf32>,
        %bitcast3A_1390 = vector.bitcast %gather3A_1389 : vector<16xf32> to vector<16xi32>
        %add3A_1391 = arith.constant 32767 : i32
        %add3A_1392 = vector.broadcast %add3A_1391 : i32 to vector<16xi32>
        %add3A_1393 = arith.addi %bitcast3A_1390, %add3A_1392 : vector<16xi32>
        %shift_right_arithmetic3A_1394 = arith.constant 16 : i32
        %shift_right_arithmetic3A_1395 = vector.broadcast %shift_right_arithmetic3A_1394 : i32 to vector<16xi32>
        %shift_right_arithmetic3A_1396 = arith.shrsi %bitcast3A_1390, %shift_right_arithmetic3A_1395 : vector<16xi32>
        %and3A_1397 = arith.constant 1 : i32
        %and3A_1398 = vector.broadcast %and3A_1397 : i32 to vector<16xi32>
        %and3A_1399 = arith.andi %shift_right_arithmetic3A_1396, %and3A_1398 : vector<16xi32>
        %add3A_1400 = arith.addi %add3A_1393, %and3A_1399 : vector<16xi32>
        %and3A_1401 = arith.constant -65536 : i32
        %and3A_1402 = vector.broadcast %and3A_1401 : i32 to vector<16xi32>
        %and3A_1403 = arith.andi %add3A_1400, %and3A_1402 : vector<16xi32>
        %bitcast3A_1404 = vector.bitcast %and3A_1403 : vector<16xi32> to vector<16xf32>
        %add3A_1405 = arith.constant 1 : i32
        %add3A_1406 = vector.broadcast %add3A_1405 : i32 to vector<16xi32>
        %add3A_1407 = arith.addi %broadcast_in_dim3A_37, %add3A_1406 : vector<16xi32>
        %gather3A_1408 = tpu.vector_load_idx %arg7[%add3A_1407, %add3A_1388] : memref<5x8192xf32, #tpu.memory_space<vmem>>[vector<16xi32>, vector<16xi32>], vector<16xf32>,
        %bitcast3A_1409 = vector.bitcast %gather3A_1408 : vector<16xf32> to vector<16xi32>
        %add3A_1410 = arith.constant 32767 : i32
        %add3A_1411 = vector.broadcast %add3A_1410 : i32 to vector<16xi32>
        %add3A_1412 = arith.addi %bitcast3A_1409, %add3A_1411 : vector<16xi32>
        %shift_right_arithmetic3A_1413 = arith.constant 16 : i32
        %shift_right_arithmetic3A_1414 = vector.broadcast %shift_right_arithmetic3A_1413 : i32 to vector<16xi32>
        %shift_right_arithmetic3A_1415 = arith.shrsi %bitcast3A_1409, %shift_right_arithmetic3A_1414 : vector<16xi32>
        %and3A_1416 = arith.constant 1 : i32
        %and3A_1417 = vector.broadcast %and3A_1416 : i32 to vector<16xi32>
        %and3A_1418 = arith.andi %shift_right_arithmetic3A_1415, %and3A_1417 : vector<16xi32>
        %add3A_1419 = arith.addi %add3A_1412, %and3A_1418 : vector<16xi32>
        %and3A_1420 = arith.constant -65536 : i32
        %and3A_1421 = vector.broadcast %and3A_1420 : i32 to vector<16xi32>
        %and3A_1422 = arith.andi %add3A_1419, %and3A_1421 : vector<16xi32>
        %bitcast3A_1423 = vector.bitcast %and3A_1422 : vector<16xi32> to vector<16xf32>
        %add3A_1424 = arith.constant 2 : i32
        %add3A_1425 = vector.broadcast %add3A_1424 : i32 to vector<16xi32>
        %add3A_1426 = arith.addi %broadcast_in_dim3A_37, %add3A_1425 : vector<16xi32>
        %gather3A_1427 = tpu.vector_load_idx %arg7[%add3A_1426, %add3A_1388] : memref<5x8192xf32, #tpu.memory_space<vmem>>[vector<16xi32>, vector<16xi32>], vector<16xf32>,
        %bitcast3A_1428 = vector.bitcast %gather3A_1427 : vector<16xf32> to vector<16xi32>
        %add3A_1429 = arith.constant 32767 : i32
        %add3A_1430 = vector.broadcast %add3A_1429 : i32 to vector<16xi32>
        %add3A_1431 = arith.addi %bitcast3A_1428, %add3A_1430 : vector<16xi32>
        %shift_right_arithmetic3A_1432 = arith.constant 16 : i32
        %shift_right_arithmetic3A_1433 = vector.broadcast %shift_right_arithmetic3A_1432 : i32 to vector<16xi32>
        %shift_right_arithmetic3A_1434 = arith.shrsi %bitcast3A_1428, %shift_right_arithmetic3A_1433 : vector<16xi32>
        %and3A_1435 = arith.constant 1 : i32
        %and3A_1436 = vector.broadcast %and3A_1435 : i32 to vector<16xi32>
        %and3A_1437 = arith.andi %shift_right_arithmetic3A_1434, %and3A_1436 : vector<16xi32>
        %add3A_1438 = arith.addi %add3A_1431, %and3A_1437 : vector<16xi32>
        %and3A_1439 = arith.constant -65536 : i32
        %and3A_1440 = vector.broadcast %and3A_1439 : i32 to vector<16xi32>
        %and3A_1441 = arith.andi %add3A_1438, %and3A_1440 : vector<16xi32>
        %bitcast3A_1442 = vector.bitcast %and3A_1441 : vector<16xi32> to vector<16xf32>
        %gather3A_1443 = tpu.vector_load_idx %arg8[%add3A_1388] : memref<8192xf32, #tpu.memory_space<vmem>>[vector<16xi32>], vector<16xf32>,
        %mul3A_1444 = arith.mulf %bitcast3A_81, %bitcast3A_1404 : vector<16xf32>
        %mul3A_1445 = arith.mulf %bitcast3A_96, %bitcast3A_1423 : vector<16xf32>
        %add3A_1446 = arith.addf %mul3A_1444, %mul3A_1445 : vector<16xf32>
        %mul3A_1447 = arith.mulf %bitcast3A_111, %bitcast3A_1442 : vector<16xf32>
        %add3A_1448 = arith.addf %add3A_1446, %mul3A_1447 : vector<16xf32>
        %neg3A_1449 = arith.constant 0.000000e+00 : f32
        %neg3A_1450 = vector.broadcast %neg3A_1449 : f32 to vector<16xf32>
        %neg3A_1451 = arith.subf %neg3A_1450, %gather3A_1443 : vector<16xf32>
        %mul3A_1452 = arith.constant 2.000000e+00 : f32
        %mul3A_1453 = vector.broadcast %mul3A_1452 : f32 to vector<16xf32>
        %mul3A_1454 = arith.mulf %mul3A_1453, %add3A_1448 : vector<16xf32>
        %add3A_1455 = arith.addf %neg3A_1451, %mul3A_1454 : vector<16xf32>
        %sub3A_1456 = arith.subf %add3A_1455, %add3A_68 : vector<16xf32>
        %ge3A_1457 = arith.cmpf oge, %sub3A_1456, %sub3A_121 : vector<16xf32>
        %convert_element_type3A_1458 = arith.extui %ge3A_1457 : vector<16xi1> to vector<16xi32>
        %broadcast_in_dim3A_1459 = arith.constant true
        %broadcast_in_dim3A_1460 = vector.broadcast %broadcast_in_dim3A_1459 : i1 to vector<16xi1>
        %masked_cumsum3A_1461 = tpu.scan <sum>, %convert_element_type3A_1458 masked %broadcast_in_dim3A_1460 : vector<16xi32>, vector<16xi1> -> vector<16xi32>
        %add3A_1462 = arith.addi %add3A_1384, %masked_cumsum3A_1461 : vector<16xi32>
        %sub3A_1463 = arith.constant 1 : i32
        %sub3A_1464 = vector.broadcast %sub3A_1463 : i32 to vector<16xi32>
        %sub3A_1465 = arith.subi %add3A_1462, %sub3A_1464 : vector<16xi32>
        %min3A_1466 = arith.constant 1279 : i32
        %min3A_1467 = vector.broadcast %min3A_1466 : i32 to vector<16xi32>
        %min3A_1468 = arith.minsi %sub3A_1465, %min3A_1467 : vector<16xi32>
        tpu.vector_store_idx %arg12[%min3A_1468], %sub3A_1456 masked %ge3A_1457 : memref<1296xf32, #tpu.memory_space<vmem>>[vector<16xi32>], vector<16xf32>, vector<16xi1>
        tpu.vector_store_idx %arg13[%min3A_1468], %add3A_1388 masked %ge3A_1457 : memref<1296xi32, #tpu.memory_space<vmem>>[vector<16xi32>], vector<16xi32>, vector<16xi1>
        %all_reduce_population_count3A_1469 = tpu.all_reduce %ge3A_1457 {dim = 0 : i64, kind = #tpu.reduction_kind<sum>} : vector<16xi1> -> vector<16xi32>
        %add3A_1470 = arith.addi %add3A_1384, %all_reduce_population_count3A_1469 : vector<16xi32>
        %add3A_1471 = arith.constant 96 : i32
        %add3A_1472 = vector.broadcast %add3A_1471 : i32 to vector<16xi32>
        %add3A_1473 = arith.addi %mul3A_954, %add3A_1472 : vector<16xi32>
        %add3A_1474 = arith.addi %add3A_1473, %iota3A : vector<16xi32>
        %gather3A_1475 = tpu.vector_load_idx %arg7[%broadcast_in_dim3A_37, %add3A_1474] : memref<5x8192xf32, #tpu.memory_space<vmem>>[vector<16xi32>, vector<16xi32>], vector<16xf32>,
        %bitcast3A_1476 = vector.bitcast %gather3A_1475 : vector<16xf32> to vector<16xi32>
        %add3A_1477 = arith.constant 32767 : i32
        %add3A_1478 = vector.broadcast %add3A_1477 : i32 to vector<16xi32>
        %add3A_1479 = arith.addi %bitcast3A_1476, %add3A_1478 : vector<16xi32>
        %shift_right_arithmetic3A_1480 = arith.constant 16 : i32
        %shift_right_arithmetic3A_1481 = vector.broadcast %shift_right_arithmetic3A_1480 : i32 to vector<16xi32>
        %shift_right_arithmetic3A_1482 = arith.shrsi %bitcast3A_1476, %shift_right_arithmetic3A_1481 : vector<16xi32>
        %and3A_1483 = arith.constant 1 : i32
        %and3A_1484 = vector.broadcast %and3A_1483 : i32 to vector<16xi32>
        %and3A_1485 = arith.andi %shift_right_arithmetic3A_1482, %and3A_1484 : vector<16xi32>
        %add3A_1486 = arith.addi %add3A_1479, %and3A_1485 : vector<16xi32>
        %and3A_1487 = arith.constant -65536 : i32
        %and3A_1488 = vector.broadcast %and3A_1487 : i32 to vector<16xi32>
        %and3A_1489 = arith.andi %add3A_1486, %and3A_1488 : vector<16xi32>
        %bitcast3A_1490 = vector.bitcast %and3A_1489 : vector<16xi32> to vector<16xf32>
        %add3A_1491 = arith.constant 1 : i32
        %add3A_1492 = vector.broadcast %add3A_1491 : i32 to vector<16xi32>
        %add3A_1493 = arith.addi %broadcast_in_dim3A_37, %add3A_1492 : vector<16xi32>
        %gather3A_1494 = tpu.vector_load_idx %arg7[%add3A_1493, %add3A_1474] : memref<5x8192xf32, #tpu.memory_space<vmem>>[vector<16xi32>, vector<16xi32>], vector<16xf32>,
        %bitcast3A_1495 = vector.bitcast %gather3A_1494 : vector<16xf32> to vector<16xi32>
        %add3A_1496 = arith.constant 32767 : i32
        %add3A_1497 = vector.broadcast %add3A_1496 : i32 to vector<16xi32>
        %add3A_1498 = arith.addi %bitcast3A_1495, %add3A_1497 : vector<16xi32>
        %shift_right_arithmetic3A_1499 = arith.constant 16 : i32
        %shift_right_arithmetic3A_1500 = vector.broadcast %shift_right_arithmetic3A_1499 : i32 to vector<16xi32>
        %shift_right_arithmetic3A_1501 = arith.shrsi %bitcast3A_1495, %shift_right_arithmetic3A_1500 : vector<16xi32>
        %and3A_1502 = arith.constant 1 : i32
        %and3A_1503 = vector.broadcast %and3A_1502 : i32 to vector<16xi32>
        %and3A_1504 = arith.andi %shift_right_arithmetic3A_1501, %and3A_1503 : vector<16xi32>
        %add3A_1505 = arith.addi %add3A_1498, %and3A_1504 : vector<16xi32>
        %and3A_1506 = arith.constant -65536 : i32
        %and3A_1507 = vector.broadcast %and3A_1506 : i32 to vector<16xi32>
        %and3A_1508 = arith.andi %add3A_1505, %and3A_1507 : vector<16xi32>
        %bitcast3A_1509 = vector.bitcast %and3A_1508 : vector<16xi32> to vector<16xf32>
        %add3A_1510 = arith.constant 2 : i32
        %add3A_1511 = vector.broadcast %add3A_1510 : i32 to vector<16xi32>
        %add3A_1512 = arith.addi %broadcast_in_dim3A_37, %add3A_1511 : vector<16xi32>
        %gather3A_1513 = tpu.vector_load_idx %arg7[%add3A_1512, %add3A_1474] : memref<5x8192xf32, #tpu.memory_space<vmem>>[vector<16xi32>, vector<16xi32>], vector<16xf32>,
        %bitcast3A_1514 = vector.bitcast %gather3A_1513 : vector<16xf32> to vector<16xi32>
        %add3A_1515 = arith.constant 32767 : i32
        %add3A_1516 = vector.broadcast %add3A_1515 : i32 to vector<16xi32>
        %add3A_1517 = arith.addi %bitcast3A_1514, %add3A_1516 : vector<16xi32>
        %shift_right_arithmetic3A_1518 = arith.constant 16 : i32
        %shift_right_arithmetic3A_1519 = vector.broadcast %shift_right_arithmetic3A_1518 : i32 to vector<16xi32>
        %shift_right_arithmetic3A_1520 = arith.shrsi %bitcast3A_1514, %shift_right_arithmetic3A_1519 : vector<16xi32>
        %and3A_1521 = arith.constant 1 : i32
        %and3A_1522 = vector.broadcast %and3A_1521 : i32 to vector<16xi32>
        %and3A_1523 = arith.andi %shift_right_arithmetic3A_1520, %and3A_1522 : vector<16xi32>
        %add3A_1524 = arith.addi %add3A_1517, %and3A_1523 : vector<16xi32>
        %and3A_1525 = arith.constant -65536 : i32
        %and3A_1526 = vector.broadcast %and3A_1525 : i32 to vector<16xi32>
        %and3A_1527 = arith.andi %add3A_1524, %and3A_1526 : vector<16xi32>
        %bitcast3A_1528 = vector.bitcast %and3A_1527 : vector<16xi32> to vector<16xf32>
        %gather3A_1529 = tpu.vector_load_idx %arg8[%add3A_1474] : memref<8192xf32, #tpu.memory_space<vmem>>[vector<16xi32>], vector<16xf32>,
        %mul3A_1530 = arith.mulf %bitcast3A_81, %bitcast3A_1490 : vector<16xf32>
        %mul3A_1531 = arith.mulf %bitcast3A_96, %bitcast3A_1509 : vector<16xf32>
        %add3A_1532 = arith.addf %mul3A_1530, %mul3A_1531 : vector<16xf32>
        %mul3A_1533 = arith.mulf %bitcast3A_111, %bitcast3A_1528 : vector<16xf32>
        %add3A_1534 = arith.addf %add3A_1532, %mul3A_1533 : vector<16xf32>
        %neg3A_1535 = arith.constant 0.000000e+00 : f32
        %neg3A_1536 = vector.broadcast %neg3A_1535 : f32 to vector<16xf32>
        %neg3A_1537 = arith.subf %neg3A_1536, %gather3A_1529 : vector<16xf32>
        %mul3A_1538 = arith.constant 2.000000e+00 : f32
        %mul3A_1539 = vector.broadcast %mul3A_1538 : f32 to vector<16xf32>
        %mul3A_1540 = arith.mulf %mul3A_1539, %add3A_1534 : vector<16xf32>
        %add3A_1541 = arith.addf %neg3A_1537, %mul3A_1540 : vector<16xf32>
        %sub3A_1542 = arith.subf %add3A_1541, %add3A_68 : vector<16xf32>
        %ge3A_1543 = arith.cmpf oge, %sub3A_1542, %sub3A_121 : vector<16xf32>
        %convert_element_type3A_1544 = arith.extui %ge3A_1543 : vector<16xi1> to vector<16xi32>
        %broadcast_in_dim3A_1545 = arith.constant true
        %broadcast_in_dim3A_1546 = vector.broadcast %broadcast_in_dim3A_1545 : i1 to vector<16xi1>
        %masked_cumsum3A_1547 = tpu.scan <sum>, %convert_element_type3A_1544 masked %broadcast_in_dim3A_1546 : vector<16xi32>, vector<16xi1> -> vector<16xi32>
        %add3A_1548 = arith.addi %add3A_1470, %masked_cumsum3A_1547 : vector<16xi32>
        %sub3A_1549 = arith.constant 1 : i32
        %sub3A_1550 = vector.broadcast %sub3A_1549 : i32 to vector<16xi32>
        %sub3A_1551 = arith.subi %add3A_1548, %sub3A_1550 : vector<16xi32>
        %min3A_1552 = arith.constant 1279 : i32
        %min3A_1553 = vector.broadcast %min3A_1552 : i32 to vector<16xi32>
        %min3A_1554 = arith.minsi %sub3A_1551, %min3A_1553 : vector<16xi32>
        tpu.vector_store_idx %arg12[%min3A_1554], %sub3A_1542 masked %ge3A_1543 : memref<1296xf32, #tpu.memory_space<vmem>>[vector<16xi32>], vector<16xf32>, vector<16xi1>
        tpu.vector_store_idx %arg13[%min3A_1554], %add3A_1474 masked %ge3A_1543 : memref<1296xi32, #tpu.memory_space<vmem>>[vector<16xi32>], vector<16xi32>, vector<16xi1>
        %all_reduce_population_count3A_1555 = tpu.all_reduce %ge3A_1543 {dim = 0 : i64, kind = #tpu.reduction_kind<sum>} : vector<16xi1> -> vector<16xi32>
        %add3A_1556 = arith.addi %add3A_1470, %all_reduce_population_count3A_1555 : vector<16xi32>
        %add3A_1557 = arith.constant 112 : i32
        %add3A_1558 = vector.broadcast %add3A_1557 : i32 to vector<16xi32>
        %add3A_1559 = arith.addi %mul3A_954, %add3A_1558 : vector<16xi32>
        %add3A_1560 = arith.addi %add3A_1559, %iota3A : vector<16xi32>
        %gather3A_1561 = tpu.vector_load_idx %arg7[%broadcast_in_dim3A_37, %add3A_1560] : memref<5x8192xf32, #tpu.memory_space<vmem>>[vector<16xi32>, vector<16xi32>], vector<16xf32>,
        %bitcast3A_1562 = vector.bitcast %gather3A_1561 : vector<16xf32> to vector<16xi32>
        %add3A_1563 = arith.constant 32767 : i32
        %add3A_1564 = vector.broadcast %add3A_1563 : i32 to vector<16xi32>
        %add3A_1565 = arith.addi %bitcast3A_1562, %add3A_1564 : vector<16xi32>
        %shift_right_arithmetic3A_1566 = arith.constant 16 : i32
        %shift_right_arithmetic3A_1567 = vector.broadcast %shift_right_arithmetic3A_1566 : i32 to vector<16xi32>
        %shift_right_arithmetic3A_1568 = arith.shrsi %bitcast3A_1562, %shift_right_arithmetic3A_1567 : vector<16xi32>
        %and3A_1569 = arith.constant 1 : i32
        %and3A_1570 = vector.broadcast %and3A_1569 : i32 to vector<16xi32>
        %and3A_1571 = arith.andi %shift_right_arithmetic3A_1568, %and3A_1570 : vector<16xi32>
        %add3A_1572 = arith.addi %add3A_1565, %and3A_1571 : vector<16xi32>
        %and3A_1573 = arith.constant -65536 : i32
        %and3A_1574 = vector.broadcast %and3A_1573 : i32 to vector<16xi32>
        %and3A_1575 = arith.andi %add3A_1572, %and3A_1574 : vector<16xi32>
        %bitcast3A_1576 = vector.bitcast %and3A_1575 : vector<16xi32> to vector<16xf32>
        %add3A_1577 = arith.constant 1 : i32
        %add3A_1578 = vector.broadcast %add3A_1577 : i32 to vector<16xi32>
        %add3A_1579 = arith.addi %broadcast_in_dim3A_37, %add3A_1578 : vector<16xi32>
        %gather3A_1580 = tpu.vector_load_idx %arg7[%add3A_1579, %add3A_1560] : memref<5x8192xf32, #tpu.memory_space<vmem>>[vector<16xi32>, vector<16xi32>], vector<16xf32>,
        %bitcast3A_1581 = vector.bitcast %gather3A_1580 : vector<16xf32> to vector<16xi32>
        %add3A_1582 = arith.constant 32767 : i32
        %add3A_1583 = vector.broadcast %add3A_1582 : i32 to vector<16xi32>
        %add3A_1584 = arith.addi %bitcast3A_1581, %add3A_1583 : vector<16xi32>
        %shift_right_arithmetic3A_1585 = arith.constant 16 : i32
        %shift_right_arithmetic3A_1586 = vector.broadcast %shift_right_arithmetic3A_1585 : i32 to vector<16xi32>
        %shift_right_arithmetic3A_1587 = arith.shrsi %bitcast3A_1581, %shift_right_arithmetic3A_1586 : vector<16xi32>
        %and3A_1588 = arith.constant 1 : i32
        %and3A_1589 = vector.broadcast %and3A_1588 : i32 to vector<16xi32>
        %and3A_1590 = arith.andi %shift_right_arithmetic3A_1587, %and3A_1589 : vector<16xi32>
        %add3A_1591 = arith.addi %add3A_1584, %and3A_1590 : vector<16xi32>
        %and3A_1592 = arith.constant -65536 : i32
        %and3A_1593 = vector.broadcast %and3A_1592 : i32 to vector<16xi32>
        %and3A_1594 = arith.andi %add3A_1591, %and3A_1593 : vector<16xi32>
        %bitcast3A_1595 = vector.bitcast %and3A_1594 : vector<16xi32> to vector<16xf32>
        %add3A_1596 = arith.constant 2 : i32
        %add3A_1597 = vector.broadcast %add3A_1596 : i32 to vector<16xi32>
        %add3A_1598 = arith.addi %broadcast_in_dim3A_37, %add3A_1597 : vector<16xi32>
        %gather3A_1599 = tpu.vector_load_idx %arg7[%add3A_1598, %add3A_1560] : memref<5x8192xf32, #tpu.memory_space<vmem>>[vector<16xi32>, vector<16xi32>], vector<16xf32>,
        %bitcast3A_1600 = vector.bitcast %gather3A_1599 : vector<16xf32> to vector<16xi32>
        %add3A_1601 = arith.constant 32767 : i32
        %add3A_1602 = vector.broadcast %add3A_1601 : i32 to vector<16xi32>
        %add3A_1603 = arith.addi %bitcast3A_1600, %add3A_1602 : vector<16xi32>
        %shift_right_arithmetic3A_1604 = arith.constant 16 : i32
        %shift_right_arithmetic3A_1605 = vector.broadcast %shift_right_arithmetic3A_1604 : i32 to vector<16xi32>
        %shift_right_arithmetic3A_1606 = arith.shrsi %bitcast3A_1600, %shift_right_arithmetic3A_1605 : vector<16xi32>
        %and3A_1607 = arith.constant 1 : i32
        %and3A_1608 = vector.broadcast %and3A_1607 : i32 to vector<16xi32>
        %and3A_1609 = arith.andi %shift_right_arithmetic3A_1606, %and3A_1608 : vector<16xi32>
        %add3A_1610 = arith.addi %add3A_1603, %and3A_1609 : vector<16xi32>
        %and3A_1611 = arith.constant -65536 : i32
        %and3A_1612 = vector.broadcast %and3A_1611 : i32 to vector<16xi32>
        %and3A_1613 = arith.andi %add3A_1610, %and3A_1612 : vector<16xi32>
        %bitcast3A_1614 = vector.bitcast %and3A_1613 : vector<16xi32> to vector<16xf32>
        %gather3A_1615 = tpu.vector_load_idx %arg8[%add3A_1560] : memref<8192xf32, #tpu.memory_space<vmem>>[vector<16xi32>], vector<16xf32>,
        %mul3A_1616 = arith.mulf %bitcast3A_81, %bitcast3A_1576 : vector<16xf32>
        %mul3A_1617 = arith.mulf %bitcast3A_96, %bitcast3A_1595 : vector<16xf32>
        %add3A_1618 = arith.addf %mul3A_1616, %mul3A_1617 : vector<16xf32>
        %mul3A_1619 = arith.mulf %bitcast3A_111, %bitcast3A_1614 : vector<16xf32>
        %add3A_1620 = arith.addf %add3A_1618, %mul3A_1619 : vector<16xf32>
        %neg3A_1621 = arith.constant 0.000000e+00 : f32
        %neg3A_1622 = vector.broadcast %neg3A_1621 : f32 to vector<16xf32>
        %neg3A_1623 = arith.subf %neg3A_1622, %gather3A_1615 : vector<16xf32>
        %mul3A_1624 = arith.constant 2.000000e+00 : f32
        %mul3A_1625 = vector.broadcast %mul3A_1624 : f32 to vector<16xf32>
        %mul3A_1626 = arith.mulf %mul3A_1625, %add3A_1620 : vector<16xf32>
        %add3A_1627 = arith.addf %neg3A_1623, %mul3A_1626 : vector<16xf32>
        %sub3A_1628 = arith.subf %add3A_1627, %add3A_68 : vector<16xf32>
        %ge3A_1629 = arith.cmpf oge, %sub3A_1628, %sub3A_121 : vector<16xf32>
        %convert_element_type3A_1630 = arith.extui %ge3A_1629 : vector<16xi1> to vector<16xi32>
        %broadcast_in_dim3A_1631 = arith.constant true
        %broadcast_in_dim3A_1632 = vector.broadcast %broadcast_in_dim3A_1631 : i1 to vector<16xi1>
        %masked_cumsum3A_1633 = tpu.scan <sum>, %convert_element_type3A_1630 masked %broadcast_in_dim3A_1632 : vector<16xi32>, vector<16xi1> -> vector<16xi32>
        %add3A_1634 = arith.addi %add3A_1556, %masked_cumsum3A_1633 : vector<16xi32>
        %sub3A_1635 = arith.constant 1 : i32
        %sub3A_1636 = vector.broadcast %sub3A_1635 : i32 to vector<16xi32>
        %sub3A_1637 = arith.subi %add3A_1634, %sub3A_1636 : vector<16xi32>
        %min3A_1638 = arith.constant 1279 : i32
        %min3A_1639 = vector.broadcast %min3A_1638 : i32 to vector<16xi32>
        %min3A_1640 = arith.minsi %sub3A_1637, %min3A_1639 : vector<16xi32>
        tpu.vector_store_idx %arg12[%min3A_1640], %sub3A_1628 masked %ge3A_1629 : memref<1296xf32, #tpu.memory_space<vmem>>[vector<16xi32>], vector<16xf32>, vector<16xi1>
        tpu.vector_store_idx %arg13[%min3A_1640], %add3A_1560 masked %ge3A_1629 : memref<1296xi32, #tpu.memory_space<vmem>>[vector<16xi32>], vector<16xi32>, vector<16xi1>
        %all_reduce_population_count3A_1641 = tpu.all_reduce %ge3A_1629 {dim = 0 : i64, kind = #tpu.reduction_kind<sum>} : vector<16xi1> -> vector<16xi32>
        %add3A_1642 = arith.addi %add3A_1556, %all_reduce_population_count3A_1641 : vector<16xi32>
        %mul3A_1643 = arith.constant 2 : i32
        %mul3A_1644 = arith.muli %while3A_246, %mul3A_1643 : i32
        %add3A_1645 = arith.constant 2 : i32
        %add3A_1646 = arith.addi %mul3A_1644, %add3A_1645 : i32
        %sub3A_1647 = arith.constant 1 : i32
        %sub3A_1648 = arith.subi %add3A_1646, %sub3A_1647 : i32
        %add3A_1649 = vector.broadcast %sub3A_1648 : i32 to vector<16xi32>
        %add3A_1650 = arith.addi %mul3A_114, %add3A_1649 : vector<16xi32>
        %gather3A_1651 = tpu.vector_load_idx %arg10[%add3A_1650] : memref<6144xf32, #tpu.memory_space<vmem>>[vector<16xi32>], vector<16xf32>,
        %ge3A_1652 = arith.cmpf oge, %gather3A_1651, %sub3A_121 : vector<16xf32>
        %all_reduce_population_count3A_1653 = tpu.all_reduce %ge3A_1652 {dim = 0 : i64, kind = #tpu.reduction_kind<sum>} : vector<16xi1> -> vector<16xi32>
        %add3A_1654 = arith.constant 1 : i32
        %add3A_1655 = arith.addi %while3A_246, %add3A_1654 : i32
        %reduce_max3A_1656 = arith.constant true
        %reduce_max3A_1657 = vector.broadcast %reduce_max3A_1656 : i1 to vector<16xi1>
        %reduce_max3A_1658 = arith.constant -2147483648 : i32
        %reduce_max3A_1659 = vector.broadcast %reduce_max3A_1658 : i32 to vector<16xi32>
        %reduce_max3A_1660 = arith.xori %all_reduce_population_count3A_1653, %reduce_max3A_1659 : vector<16xi32>
        %reduce_max3A_1661 = tpu.scan <max>, %reduce_max3A_1660 masked %reduce_max3A_1657 : vector<16xi32>, vector<16xi1> -> vector<16xi32>
        %reduce_max3A_1662 = arith.xori %reduce_max3A_1661, %reduce_max3A_1659 : vector<16xi32>
        %reduce_max3A_1663 = vector.extract %reduce_max3A_1662[15] : i32 from vector<16xi32>
        scf.yield %add3A_1655, %add3A_1642, %reduce_max3A_1663 : i32, vector<16xi32>, i32
      }
      %gt3A = arith.constant 0 : i32
      %gt3A_124 = arith.cmpi sgt, %while3A_123#2, %gt3A : i32
      %convert_element_type3A = arith.extui %gt3A_124 : i1 to i32
      %cond3A = arith.constant 0 : i32
      %cond3A_125 = arith.constant 0 : i32
      %cond3A_126 = arith.cmpi ne, %convert_element_type3A, %cond3A_125 : i32
      %cond3A_127 = scf.if %cond3A_126 -> (vector<16xi32>) {
        %scan3A_246 = arith.constant 0 : i32
        %scan3A_247 = arith.constant 64 : i32
        %scan3A_248 = arith.addi %scan3A_246, %scan3A_247 : i32
        %scan3A_249 = arith.constant 1 : i32
        %scan3A_250 = scf.for %scan3A_252 = %scan3A_246 to %scan3A_248 step %scan3A_249 iter_args(%scan3A_253 = %broadcast_in_dim3A_37) -> (vector<16xi32>)  : i32 {
          %add3A_254 = vector.broadcast %scan3A_252 : i32 to vector<16xi32>
          %add3A_255 = arith.addi %broadcast_in_dim3A_37, %add3A_254 : vector<16xi32>
          %mul3A_256 = arith.constant 128 : i32
          %mul3A_257 = vector.broadcast %mul3A_256 : i32 to vector<16xi32>
          %mul3A_258 = arith.muli %add3A_255, %mul3A_257 : vector<16xi32>
          %add3A_259 = arith.constant 0 : i32
          %add3A_260 = vector.broadcast %add3A_259 : i32 to vector<16xi32>
          %add3A_261 = arith.addi %mul3A_258, %add3A_260 : vector<16xi32>
          %add3A_262 = arith.addi %add3A_261, %iota3A : vector<16xi32>
          %gather3A_263 = tpu.vector_load_idx %arg7[%broadcast_in_dim3A_37, %add3A_262] : memref<5x8192xf32, #tpu.memory_space<vmem>>[vector<16xi32>, vector<16xi32>], vector<16xf32>,
          %bitcast3A_264 = vector.bitcast %gather3A_263 : vector<16xf32> to vector<16xi32>
          %add3A_265 = arith.constant 32767 : i32
          %add3A_266 = vector.broadcast %add3A_265 : i32 to vector<16xi32>
          %add3A_267 = arith.addi %bitcast3A_264, %add3A_266 : vector<16xi32>
          %shift_right_arithmetic3A_268 = arith.constant 16 : i32
          %shift_right_arithmetic3A_269 = vector.broadcast %shift_right_arithmetic3A_268 : i32 to vector<16xi32>
          %shift_right_arithmetic3A_270 = arith.shrsi %bitcast3A_264, %shift_right_arithmetic3A_269 : vector<16xi32>
          %and3A_271 = arith.constant 1 : i32
          %and3A_272 = vector.broadcast %and3A_271 : i32 to vector<16xi32>
          %and3A_273 = arith.andi %shift_right_arithmetic3A_270, %and3A_272 : vector<16xi32>
          %add3A_274 = arith.addi %add3A_267, %and3A_273 : vector<16xi32>
          %and3A_275 = arith.constant -65536 : i32
          %and3A_276 = vector.broadcast %and3A_275 : i32 to vector<16xi32>
          %and3A_277 = arith.andi %add3A_274, %and3A_276 : vector<16xi32>
          %bitcast3A_278 = vector.bitcast %and3A_277 : vector<16xi32> to vector<16xf32>
          %add3A_279 = arith.constant 1 : i32
          %add3A_280 = vector.broadcast %add3A_279 : i32 to vector<16xi32>
          %add3A_281 = arith.addi %broadcast_in_dim3A_37, %add3A_280 : vector<16xi32>
          %gather3A_282 = tpu.vector_load_idx %arg7[%add3A_281, %add3A_262] : memref<5x8192xf32, #tpu.memory_space<vmem>>[vector<16xi32>, vector<16xi32>], vector<16xf32>,
          %bitcast3A_283 = vector.bitcast %gather3A_282 : vector<16xf32> to vector<16xi32>
          %add3A_284 = arith.constant 32767 : i32
          %add3A_285 = vector.broadcast %add3A_284 : i32 to vector<16xi32>
          %add3A_286 = arith.addi %bitcast3A_283, %add3A_285 : vector<16xi32>
          %shift_right_arithmetic3A_287 = arith.constant 16 : i32
          %shift_right_arithmetic3A_288 = vector.broadcast %shift_right_arithmetic3A_287 : i32 to vector<16xi32>
          %shift_right_arithmetic3A_289 = arith.shrsi %bitcast3A_283, %shift_right_arithmetic3A_288 : vector<16xi32>
          %and3A_290 = arith.constant 1 : i32
          %and3A_291 = vector.broadcast %and3A_290 : i32 to vector<16xi32>
          %and3A_292 = arith.andi %shift_right_arithmetic3A_289, %and3A_291 : vector<16xi32>
          %add3A_293 = arith.addi %add3A_286, %and3A_292 : vector<16xi32>
          %and3A_294 = arith.constant -65536 : i32
          %and3A_295 = vector.broadcast %and3A_294 : i32 to vector<16xi32>
          %and3A_296 = arith.andi %add3A_293, %and3A_295 : vector<16xi32>
          %bitcast3A_297 = vector.bitcast %and3A_296 : vector<16xi32> to vector<16xf32>
          %add3A_298 = arith.constant 2 : i32
          %add3A_299 = vector.broadcast %add3A_298 : i32 to vector<16xi32>
          %add3A_300 = arith.addi %broadcast_in_dim3A_37, %add3A_299 : vector<16xi32>
          %gather3A_301 = tpu.vector_load_idx %arg7[%add3A_300, %add3A_262] : memref<5x8192xf32, #tpu.memory_space<vmem>>[vector<16xi32>, vector<16xi32>], vector<16xf32>,
          %bitcast3A_302 = vector.bitcast %gather3A_301 : vector<16xf32> to vector<16xi32>
          %add3A_303 = arith.constant 32767 : i32
          %add3A_304 = vector.broadcast %add3A_303 : i32 to vector<16xi32>
          %add3A_305 = arith.addi %bitcast3A_302, %add3A_304 : vector<16xi32>
          %shift_right_arithmetic3A_306 = arith.constant 16 : i32
          %shift_right_arithmetic3A_307 = vector.broadcast %shift_right_arithmetic3A_306 : i32 to vector<16xi32>
          %shift_right_arithmetic3A_308 = arith.shrsi %bitcast3A_302, %shift_right_arithmetic3A_307 : vector<16xi32>
          %and3A_309 = arith.constant 1 : i32
          %and3A_310 = vector.broadcast %and3A_309 : i32 to vector<16xi32>
          %and3A_311 = arith.andi %shift_right_arithmetic3A_308, %and3A_310 : vector<16xi32>
          %add3A_312 = arith.addi %add3A_305, %and3A_311 : vector<16xi32>
          %and3A_313 = arith.constant -65536 : i32
          %and3A_314 = vector.broadcast %and3A_313 : i32 to vector<16xi32>
          %and3A_315 = arith.andi %add3A_312, %and3A_314 : vector<16xi32>
          %bitcast3A_316 = vector.bitcast %and3A_315 : vector<16xi32> to vector<16xf32>
          %gather3A_317 = tpu.vector_load_idx %arg8[%add3A_262] : memref<8192xf32, #tpu.memory_space<vmem>>[vector<16xi32>], vector<16xf32>,
          %mul3A_318 = arith.mulf %bitcast3A_81, %bitcast3A_278 : vector<16xf32>
          %mul3A_319 = arith.mulf %bitcast3A_96, %bitcast3A_297 : vector<16xf32>
          %add3A_320 = arith.addf %mul3A_318, %mul3A_319 : vector<16xf32>
          %mul3A_321 = arith.mulf %bitcast3A_111, %bitcast3A_316 : vector<16xf32>
          %add3A_322 = arith.addf %add3A_320, %mul3A_321 : vector<16xf32>
          %neg3A = arith.constant 0.000000e+00 : f32
          %neg3A_323 = vector.broadcast %neg3A : f32 to vector<16xf32>
          %neg3A_324 = arith.subf %neg3A_323, %gather3A_317 : vector<16xf32>
          %mul3A_325 = arith.constant 2.000000e+00 : f32
          %mul3A_326 = vector.broadcast %mul3A_325 : f32 to vector<16xf32>
          %mul3A_327 = arith.mulf %mul3A_326, %add3A_322 : vector<16xf32>
          %add3A_328 = arith.addf %neg3A_324, %mul3A_327 : vector<16xf32>
          %sub3A_329 = arith.subf %add3A_328, %add3A_68 : vector<16xf32>
          %ge3A = arith.cmpf oge, %sub3A_329, %sub3A_121 : vector<16xf32>
          %convert_element_type3A_330 = arith.extui %ge3A : vector<16xi1> to vector<16xi32>
          %broadcast_in_dim3A_331 = arith.constant true
          %broadcast_in_dim3A_332 = vector.broadcast %broadcast_in_dim3A_331 : i1 to vector<16xi1>
          %masked_cumsum3A = tpu.scan <sum>, %convert_element_type3A_330 masked %broadcast_in_dim3A_332 : vector<16xi32>, vector<16xi1> -> vector<16xi32>
          %add3A_333 = arith.addi %scan3A_253, %masked_cumsum3A : vector<16xi32>
          %sub3A_334 = arith.constant 1 : i32
          %sub3A_335 = vector.broadcast %sub3A_334 : i32 to vector<16xi32>
          %sub3A_336 = arith.subi %add3A_333, %sub3A_335 : vector<16xi32>
          %min3A_337 = arith.constant 1279 : i32
          %min3A_338 = vector.broadcast %min3A_337 : i32 to vector<16xi32>
          %min3A_339 = arith.minsi %sub3A_336, %min3A_338 : vector<16xi32>
          tpu.vector_store_idx %arg12[%min3A_339], %sub3A_329 masked %ge3A : memref<1296xf32, #tpu.memory_space<vmem>>[vector<16xi32>], vector<16xf32>, vector<16xi1>
          tpu.vector_store_idx %arg13[%min3A_339], %add3A_262 masked %ge3A : memref<1296xi32, #tpu.memory_space<vmem>>[vector<16xi32>], vector<16xi32>, vector<16xi1>
          %all_reduce_population_count3A = tpu.all_reduce %ge3A {dim = 0 : i64, kind = #tpu.reduction_kind<sum>} : vector<16xi1> -> vector<16xi32>
          %add3A_340 = arith.addi %scan3A_253, %all_reduce_population_count3A : vector<16xi32>
          %add3A_341 = arith.constant 16 : i32
          %add3A_342 = vector.broadcast %add3A_341 : i32 to vector<16xi32>
          %add3A_343 = arith.addi %mul3A_258, %add3A_342 : vector<16xi32>
          %add3A_344 = arith.addi %add3A_343, %iota3A : vector<16xi32>
          %gather3A_345 = tpu.vector_load_idx %arg7[%broadcast_in_dim3A_37, %add3A_344] : memref<5x8192xf32, #tpu.memory_space<vmem>>[vector<16xi32>, vector<16xi32>], vector<16xf32>,
          %bitcast3A_346 = vector.bitcast %gather3A_345 : vector<16xf32> to vector<16xi32>
          %add3A_347 = arith.constant 32767 : i32
          %add3A_348 = vector.broadcast %add3A_347 : i32 to vector<16xi32>
          %add3A_349 = arith.addi %bitcast3A_346, %add3A_348 : vector<16xi32>
          %shift_right_arithmetic3A_350 = arith.constant 16 : i32
          %shift_right_arithmetic3A_351 = vector.broadcast %shift_right_arithmetic3A_350 : i32 to vector<16xi32>
          %shift_right_arithmetic3A_352 = arith.shrsi %bitcast3A_346, %shift_right_arithmetic3A_351 : vector<16xi32>
          %and3A_353 = arith.constant 1 : i32
          %and3A_354 = vector.broadcast %and3A_353 : i32 to vector<16xi32>
          %and3A_355 = arith.andi %shift_right_arithmetic3A_352, %and3A_354 : vector<16xi32>
          %add3A_356 = arith.addi %add3A_349, %and3A_355 : vector<16xi32>
          %and3A_357 = arith.constant -65536 : i32
          %and3A_358 = vector.broadcast %and3A_357 : i32 to vector<16xi32>
          %and3A_359 = arith.andi %add3A_356, %and3A_358 : vector<16xi32>
          %bitcast3A_360 = vector.bitcast %and3A_359 : vector<16xi32> to vector<16xf32>
          %add3A_361 = arith.constant 1 : i32
          %add3A_362 = vector.broadcast %add3A_361 : i32 to vector<16xi32>
          %add3A_363 = arith.addi %broadcast_in_dim3A_37, %add3A_362 : vector<16xi32>
          %gather3A_364 = tpu.vector_load_idx %arg7[%add3A_363, %add3A_344] : memref<5x8192xf32, #tpu.memory_space<vmem>>[vector<16xi32>, vector<16xi32>], vector<16xf32>,
          %bitcast3A_365 = vector.bitcast %gather3A_364 : vector<16xf32> to vector<16xi32>
          %add3A_366 = arith.constant 32767 : i32
          %add3A_367 = vector.broadcast %add3A_366 : i32 to vector<16xi32>
          %add3A_368 = arith.addi %bitcast3A_365, %add3A_367 : vector<16xi32>
          %shift_right_arithmetic3A_369 = arith.constant 16 : i32
          %shift_right_arithmetic3A_370 = vector.broadcast %shift_right_arithmetic3A_369 : i32 to vector<16xi32>
          %shift_right_arithmetic3A_371 = arith.shrsi %bitcast3A_365, %shift_right_arithmetic3A_370 : vector<16xi32>
          %and3A_372 = arith.constant 1 : i32
          %and3A_373 = vector.broadcast %and3A_372 : i32 to vector<16xi32>
          %and3A_374 = arith.andi %shift_right_arithmetic3A_371, %and3A_373 : vector<16xi32>
          %add3A_375 = arith.addi %add3A_368, %and3A_374 : vector<16xi32>
          %and3A_376 = arith.constant -65536 : i32
          %and3A_377 = vector.broadcast %and3A_376 : i32 to vector<16xi32>
          %and3A_378 = arith.andi %add3A_375, %and3A_377 : vector<16xi32>
          %bitcast3A_379 = vector.bitcast %and3A_378 : vector<16xi32> to vector<16xf32>
          %add3A_380 = arith.constant 2 : i32
          %add3A_381 = vector.broadcast %add3A_380 : i32 to vector<16xi32>
          %add3A_382 = arith.addi %broadcast_in_dim3A_37, %add3A_381 : vector<16xi32>
          %gather3A_383 = tpu.vector_load_idx %arg7[%add3A_382, %add3A_344] : memref<5x8192xf32, #tpu.memory_space<vmem>>[vector<16xi32>, vector<16xi32>], vector<16xf32>,
          %bitcast3A_384 = vector.bitcast %gather3A_383 : vector<16xf32> to vector<16xi32>
          %add3A_385 = arith.constant 32767 : i32
          %add3A_386 = vector.broadcast %add3A_385 : i32 to vector<16xi32>
          %add3A_387 = arith.addi %bitcast3A_384, %add3A_386 : vector<16xi32>
          %shift_right_arithmetic3A_388 = arith.constant 16 : i32
          %shift_right_arithmetic3A_389 = vector.broadcast %shift_right_arithmetic3A_388 : i32 to vector<16xi32>
          %shift_right_arithmetic3A_390 = arith.shrsi %bitcast3A_384, %shift_right_arithmetic3A_389 : vector<16xi32>
          %and3A_391 = arith.constant 1 : i32
          %and3A_392 = vector.broadcast %and3A_391 : i32 to vector<16xi32>
          %and3A_393 = arith.andi %shift_right_arithmetic3A_390, %and3A_392 : vector<16xi32>
          %add3A_394 = arith.addi %add3A_387, %and3A_393 : vector<16xi32>
          %and3A_395 = arith.constant -65536 : i32
          %and3A_396 = vector.broadcast %and3A_395 : i32 to vector<16xi32>
          %and3A_397 = arith.andi %add3A_394, %and3A_396 : vector<16xi32>
          %bitcast3A_398 = vector.bitcast %and3A_397 : vector<16xi32> to vector<16xf32>
          %gather3A_399 = tpu.vector_load_idx %arg8[%add3A_344] : memref<8192xf32, #tpu.memory_space<vmem>>[vector<16xi32>], vector<16xf32>,
          %mul3A_400 = arith.mulf %bitcast3A_81, %bitcast3A_360 : vector<16xf32>
          %mul3A_401 = arith.mulf %bitcast3A_96, %bitcast3A_379 : vector<16xf32>
          %add3A_402 = arith.addf %mul3A_400, %mul3A_401 : vector<16xf32>
          %mul3A_403 = arith.mulf %bitcast3A_111, %bitcast3A_398 : vector<16xf32>
          %add3A_404 = arith.addf %add3A_402, %mul3A_403 : vector<16xf32>
          %neg3A_405 = arith.constant 0.000000e+00 : f32
          %neg3A_406 = vector.broadcast %neg3A_405 : f32 to vector<16xf32>
          %neg3A_407 = arith.subf %neg3A_406, %gather3A_399 : vector<16xf32>
          %mul3A_408 = arith.constant 2.000000e+00 : f32
          %mul3A_409 = vector.broadcast %mul3A_408 : f32 to vector<16xf32>
          %mul3A_410 = arith.mulf %mul3A_409, %add3A_404 : vector<16xf32>
          %add3A_411 = arith.addf %neg3A_407, %mul3A_410 : vector<16xf32>
          %sub3A_412 = arith.subf %add3A_411, %add3A_68 : vector<16xf32>
          %ge3A_413 = arith.cmpf oge, %sub3A_412, %sub3A_121 : vector<16xf32>
          %convert_element_type3A_414 = arith.extui %ge3A_413 : vector<16xi1> to vector<16xi32>
          %broadcast_in_dim3A_415 = arith.constant true
          %broadcast_in_dim3A_416 = vector.broadcast %broadcast_in_dim3A_415 : i1 to vector<16xi1>
          %masked_cumsum3A_417 = tpu.scan <sum>, %convert_element_type3A_414 masked %broadcast_in_dim3A_416 : vector<16xi32>, vector<16xi1> -> vector<16xi32>
          %add3A_418 = arith.addi %add3A_340, %masked_cumsum3A_417 : vector<16xi32>
          %sub3A_419 = arith.constant 1 : i32
          %sub3A_420 = vector.broadcast %sub3A_419 : i32 to vector<16xi32>
          %sub3A_421 = arith.subi %add3A_418, %sub3A_420 : vector<16xi32>
          %min3A_422 = arith.constant 1279 : i32
          %min3A_423 = vector.broadcast %min3A_422 : i32 to vector<16xi32>
          %min3A_424 = arith.minsi %sub3A_421, %min3A_423 : vector<16xi32>
          tpu.vector_store_idx %arg12[%min3A_424], %sub3A_412 masked %ge3A_413 : memref<1296xf32, #tpu.memory_space<vmem>>[vector<16xi32>], vector<16xf32>, vector<16xi1>
          tpu.vector_store_idx %arg13[%min3A_424], %add3A_344 masked %ge3A_413 : memref<1296xi32, #tpu.memory_space<vmem>>[vector<16xi32>], vector<16xi32>, vector<16xi1>
          %all_reduce_population_count3A_425 = tpu.all_reduce %ge3A_413 {dim = 0 : i64, kind = #tpu.reduction_kind<sum>} : vector<16xi1> -> vector<16xi32>
          %add3A_426 = arith.addi %add3A_340, %all_reduce_population_count3A_425 : vector<16xi32>
          %add3A_427 = arith.constant 32 : i32
          %add3A_428 = vector.broadcast %add3A_427 : i32 to vector<16xi32>
          %add3A_429 = arith.addi %mul3A_258, %add3A_428 : vector<16xi32>
          %add3A_430 = arith.addi %add3A_429, %iota3A : vector<16xi32>
          %gather3A_431 = tpu.vector_load_idx %arg7[%broadcast_in_dim3A_37, %add3A_430] : memref<5x8192xf32, #tpu.memory_space<vmem>>[vector<16xi32>, vector<16xi32>], vector<16xf32>,
          %bitcast3A_432 = vector.bitcast %gather3A_431 : vector<16xf32> to vector<16xi32>
          %add3A_433 = arith.constant 32767 : i32
          %add3A_434 = vector.broadcast %add3A_433 : i32 to vector<16xi32>
          %add3A_435 = arith.addi %bitcast3A_432, %add3A_434 : vector<16xi32>
          %shift_right_arithmetic3A_436 = arith.constant 16 : i32
          %shift_right_arithmetic3A_437 = vector.broadcast %shift_right_arithmetic3A_436 : i32 to vector<16xi32>
          %shift_right_arithmetic3A_438 = arith.shrsi %bitcast3A_432, %shift_right_arithmetic3A_437 : vector<16xi32>
          %and3A_439 = arith.constant 1 : i32
          %and3A_440 = vector.broadcast %and3A_439 : i32 to vector<16xi32>
          %and3A_441 = arith.andi %shift_right_arithmetic3A_438, %and3A_440 : vector<16xi32>
          %add3A_442 = arith.addi %add3A_435, %and3A_441 : vector<16xi32>
          %and3A_443 = arith.constant -65536 : i32
          %and3A_444 = vector.broadcast %and3A_443 : i32 to vector<16xi32>
          %and3A_445 = arith.andi %add3A_442, %and3A_444 : vector<16xi32>
          %bitcast3A_446 = vector.bitcast %and3A_445 : vector<16xi32> to vector<16xf32>
          %add3A_447 = arith.constant 1 : i32
          %add3A_448 = vector.broadcast %add3A_447 : i32 to vector<16xi32>
          %add3A_449 = arith.addi %broadcast_in_dim3A_37, %add3A_448 : vector<16xi32>
          %gather3A_450 = tpu.vector_load_idx %arg7[%add3A_449, %add3A_430] : memref<5x8192xf32, #tpu.memory_space<vmem>>[vector<16xi32>, vector<16xi32>], vector<16xf32>,
          %bitcast3A_451 = vector.bitcast %gather3A_450 : vector<16xf32> to vector<16xi32>
          %add3A_452 = arith.constant 32767 : i32
          %add3A_453 = vector.broadcast %add3A_452 : i32 to vector<16xi32>
          %add3A_454 = arith.addi %bitcast3A_451, %add3A_453 : vector<16xi32>
          %shift_right_arithmetic3A_455 = arith.constant 16 : i32
          %shift_right_arithmetic3A_456 = vector.broadcast %shift_right_arithmetic3A_455 : i32 to vector<16xi32>
          %shift_right_arithmetic3A_457 = arith.shrsi %bitcast3A_451, %shift_right_arithmetic3A_456 : vector<16xi32>
          %and3A_458 = arith.constant 1 : i32
          %and3A_459 = vector.broadcast %and3A_458 : i32 to vector<16xi32>
          %and3A_460 = arith.andi %shift_right_arithmetic3A_457, %and3A_459 : vector<16xi32>
          %add3A_461 = arith.addi %add3A_454, %and3A_460 : vector<16xi32>
          %and3A_462 = arith.constant -65536 : i32
          %and3A_463 = vector.broadcast %and3A_462 : i32 to vector<16xi32>
          %and3A_464 = arith.andi %add3A_461, %and3A_463 : vector<16xi32>
          %bitcast3A_465 = vector.bitcast %and3A_464 : vector<16xi32> to vector<16xf32>
          %add3A_466 = arith.constant 2 : i32
          %add3A_467 = vector.broadcast %add3A_466 : i32 to vector<16xi32>
          %add3A_468 = arith.addi %broadcast_in_dim3A_37, %add3A_467 : vector<16xi32>
          %gather3A_469 = tpu.vector_load_idx %arg7[%add3A_468, %add3A_430] : memref<5x8192xf32, #tpu.memory_space<vmem>>[vector<16xi32>, vector<16xi32>], vector<16xf32>,
          %bitcast3A_470 = vector.bitcast %gather3A_469 : vector<16xf32> to vector<16xi32>
          %add3A_471 = arith.constant 32767 : i32
          %add3A_472 = vector.broadcast %add3A_471 : i32 to vector<16xi32>
          %add3A_473 = arith.addi %bitcast3A_470, %add3A_472 : vector<16xi32>
          %shift_right_arithmetic3A_474 = arith.constant 16 : i32
          %shift_right_arithmetic3A_475 = vector.broadcast %shift_right_arithmetic3A_474 : i32 to vector<16xi32>
          %shift_right_arithmetic3A_476 = arith.shrsi %bitcast3A_470, %shift_right_arithmetic3A_475 : vector<16xi32>
          %and3A_477 = arith.constant 1 : i32
          %and3A_478 = vector.broadcast %and3A_477 : i32 to vector<16xi32>
          %and3A_479 = arith.andi %shift_right_arithmetic3A_476, %and3A_478 : vector<16xi32>
          %add3A_480 = arith.addi %add3A_473, %and3A_479 : vector<16xi32>
          %and3A_481 = arith.constant -65536 : i32
          %and3A_482 = vector.broadcast %and3A_481 : i32 to vector<16xi32>
          %and3A_483 = arith.andi %add3A_480, %and3A_482 : vector<16xi32>
          %bitcast3A_484 = vector.bitcast %and3A_483 : vector<16xi32> to vector<16xf32>
          %gather3A_485 = tpu.vector_load_idx %arg8[%add3A_430] : memref<8192xf32, #tpu.memory_space<vmem>>[vector<16xi32>], vector<16xf32>,
          %mul3A_486 = arith.mulf %bitcast3A_81, %bitcast3A_446 : vector<16xf32>
          %mul3A_487 = arith.mulf %bitcast3A_96, %bitcast3A_465 : vector<16xf32>
          %add3A_488 = arith.addf %mul3A_486, %mul3A_487 : vector<16xf32>
          %mul3A_489 = arith.mulf %bitcast3A_111, %bitcast3A_484 : vector<16xf32>
          %add3A_490 = arith.addf %add3A_488, %mul3A_489 : vector<16xf32>
          %neg3A_491 = arith.constant 0.000000e+00 : f32
          %neg3A_492 = vector.broadcast %neg3A_491 : f32 to vector<16xf32>
          %neg3A_493 = arith.subf %neg3A_492, %gather3A_485 : vector<16xf32>
          %mul3A_494 = arith.constant 2.000000e+00 : f32
          %mul3A_495 = vector.broadcast %mul3A_494 : f32 to vector<16xf32>
          %mul3A_496 = arith.mulf %mul3A_495, %add3A_490 : vector<16xf32>
          %add3A_497 = arith.addf %neg3A_493, %mul3A_496 : vector<16xf32>
          %sub3A_498 = arith.subf %add3A_497, %add3A_68 : vector<16xf32>
          %ge3A_499 = arith.cmpf oge, %sub3A_498, %sub3A_121 : vector<16xf32>
          %convert_element_type3A_500 = arith.extui %ge3A_499 : vector<16xi1> to vector<16xi32>
          %broadcast_in_dim3A_501 = arith.constant true
          %broadcast_in_dim3A_502 = vector.broadcast %broadcast_in_dim3A_501 : i1 to vector<16xi1>
          %masked_cumsum3A_503 = tpu.scan <sum>, %convert_element_type3A_500 masked %broadcast_in_dim3A_502 : vector<16xi32>, vector<16xi1> -> vector<16xi32>
          %add3A_504 = arith.addi %add3A_426, %masked_cumsum3A_503 : vector<16xi32>
          %sub3A_505 = arith.constant 1 : i32
          %sub3A_506 = vector.broadcast %sub3A_505 : i32 to vector<16xi32>
          %sub3A_507 = arith.subi %add3A_504, %sub3A_506 : vector<16xi32>
          %min3A_508 = arith.constant 1279 : i32
          %min3A_509 = vector.broadcast %min3A_508 : i32 to vector<16xi32>
          %min3A_510 = arith.minsi %sub3A_507, %min3A_509 : vector<16xi32>
          tpu.vector_store_idx %arg12[%min3A_510], %sub3A_498 masked %ge3A_499 : memref<1296xf32, #tpu.memory_space<vmem>>[vector<16xi32>], vector<16xf32>, vector<16xi1>
          tpu.vector_store_idx %arg13[%min3A_510], %add3A_430 masked %ge3A_499 : memref<1296xi32, #tpu.memory_space<vmem>>[vector<16xi32>], vector<16xi32>, vector<16xi1>
          %all_reduce_population_count3A_511 = tpu.all_reduce %ge3A_499 {dim = 0 : i64, kind = #tpu.reduction_kind<sum>} : vector<16xi1> -> vector<16xi32>
          %add3A_512 = arith.addi %add3A_426, %all_reduce_population_count3A_511 : vector<16xi32>
          %add3A_513 = arith.constant 48 : i32
          %add3A_514 = vector.broadcast %add3A_513 : i32 to vector<16xi32>
          %add3A_515 = arith.addi %mul3A_258, %add3A_514 : vector<16xi32>
          %add3A_516 = arith.addi %add3A_515, %iota3A : vector<16xi32>
          %gather3A_517 = tpu.vector_load_idx %arg7[%broadcast_in_dim3A_37, %add3A_516] : memref<5x8192xf32, #tpu.memory_space<vmem>>[vector<16xi32>, vector<16xi32>], vector<16xf32>,
          %bitcast3A_518 = vector.bitcast %gather3A_517 : vector<16xf32> to vector<16xi32>
          %add3A_519 = arith.constant 32767 : i32
          %add3A_520 = vector.broadcast %add3A_519 : i32 to vector<16xi32>
          %add3A_521 = arith.addi %bitcast3A_518, %add3A_520 : vector<16xi32>
          %shift_right_arithmetic3A_522 = arith.constant 16 : i32
          %shift_right_arithmetic3A_523 = vector.broadcast %shift_right_arithmetic3A_522 : i32 to vector<16xi32>
          %shift_right_arithmetic3A_524 = arith.shrsi %bitcast3A_518, %shift_right_arithmetic3A_523 : vector<16xi32>
          %and3A_525 = arith.constant 1 : i32
          %and3A_526 = vector.broadcast %and3A_525 : i32 to vector<16xi32>
          %and3A_527 = arith.andi %shift_right_arithmetic3A_524, %and3A_526 : vector<16xi32>
          %add3A_528 = arith.addi %add3A_521, %and3A_527 : vector<16xi32>
          %and3A_529 = arith.constant -65536 : i32
          %and3A_530 = vector.broadcast %and3A_529 : i32 to vector<16xi32>
          %and3A_531 = arith.andi %add3A_528, %and3A_530 : vector<16xi32>
          %bitcast3A_532 = vector.bitcast %and3A_531 : vector<16xi32> to vector<16xf32>
          %add3A_533 = arith.constant 1 : i32
          %add3A_534 = vector.broadcast %add3A_533 : i32 to vector<16xi32>
          %add3A_535 = arith.addi %broadcast_in_dim3A_37, %add3A_534 : vector<16xi32>
          %gather3A_536 = tpu.vector_load_idx %arg7[%add3A_535, %add3A_516] : memref<5x8192xf32, #tpu.memory_space<vmem>>[vector<16xi32>, vector<16xi32>], vector<16xf32>,
          %bitcast3A_537 = vector.bitcast %gather3A_536 : vector<16xf32> to vector<16xi32>
          %add3A_538 = arith.constant 32767 : i32
          %add3A_539 = vector.broadcast %add3A_538 : i32 to vector<16xi32>
          %add3A_540 = arith.addi %bitcast3A_537, %add3A_539 : vector<16xi32>
          %shift_right_arithmetic3A_541 = arith.constant 16 : i32
          %shift_right_arithmetic3A_542 = vector.broadcast %shift_right_arithmetic3A_541 : i32 to vector<16xi32>
          %shift_right_arithmetic3A_543 = arith.shrsi %bitcast3A_537, %shift_right_arithmetic3A_542 : vector<16xi32>
          %and3A_544 = arith.constant 1 : i32
          %and3A_545 = vector.broadcast %and3A_544 : i32 to vector<16xi32>
          %and3A_546 = arith.andi %shift_right_arithmetic3A_543, %and3A_545 : vector<16xi32>
          %add3A_547 = arith.addi %add3A_540, %and3A_546 : vector<16xi32>
          %and3A_548 = arith.constant -65536 : i32
          %and3A_549 = vector.broadcast %and3A_548 : i32 to vector<16xi32>
          %and3A_550 = arith.andi %add3A_547, %and3A_549 : vector<16xi32>
          %bitcast3A_551 = vector.bitcast %and3A_550 : vector<16xi32> to vector<16xf32>
          %add3A_552 = arith.constant 2 : i32
          %add3A_553 = vector.broadcast %add3A_552 : i32 to vector<16xi32>
          %add3A_554 = arith.addi %broadcast_in_dim3A_37, %add3A_553 : vector<16xi32>
          %gather3A_555 = tpu.vector_load_idx %arg7[%add3A_554, %add3A_516] : memref<5x8192xf32, #tpu.memory_space<vmem>>[vector<16xi32>, vector<16xi32>], vector<16xf32>,
          %bitcast3A_556 = vector.bitcast %gather3A_555 : vector<16xf32> to vector<16xi32>
          %add3A_557 = arith.constant 32767 : i32
          %add3A_558 = vector.broadcast %add3A_557 : i32 to vector<16xi32>
          %add3A_559 = arith.addi %bitcast3A_556, %add3A_558 : vector<16xi32>
          %shift_right_arithmetic3A_560 = arith.constant 16 : i32
          %shift_right_arithmetic3A_561 = vector.broadcast %shift_right_arithmetic3A_560 : i32 to vector<16xi32>
          %shift_right_arithmetic3A_562 = arith.shrsi %bitcast3A_556, %shift_right_arithmetic3A_561 : vector<16xi32>
          %and3A_563 = arith.constant 1 : i32
          %and3A_564 = vector.broadcast %and3A_563 : i32 to vector<16xi32>
          %and3A_565 = arith.andi %shift_right_arithmetic3A_562, %and3A_564 : vector<16xi32>
          %add3A_566 = arith.addi %add3A_559, %and3A_565 : vector<16xi32>
          %and3A_567 = arith.constant -65536 : i32
          %and3A_568 = vector.broadcast %and3A_567 : i32 to vector<16xi32>
          %and3A_569 = arith.andi %add3A_566, %and3A_568 : vector<16xi32>
          %bitcast3A_570 = vector.bitcast %and3A_569 : vector<16xi32> to vector<16xf32>
          %gather3A_571 = tpu.vector_load_idx %arg8[%add3A_516] : memref<8192xf32, #tpu.memory_space<vmem>>[vector<16xi32>], vector<16xf32>,
          %mul3A_572 = arith.mulf %bitcast3A_81, %bitcast3A_532 : vector<16xf32>
          %mul3A_573 = arith.mulf %bitcast3A_96, %bitcast3A_551 : vector<16xf32>
          %add3A_574 = arith.addf %mul3A_572, %mul3A_573 : vector<16xf32>
          %mul3A_575 = arith.mulf %bitcast3A_111, %bitcast3A_570 : vector<16xf32>
          %add3A_576 = arith.addf %add3A_574, %mul3A_575 : vector<16xf32>
          %neg3A_577 = arith.constant 0.000000e+00 : f32
          %neg3A_578 = vector.broadcast %neg3A_577 : f32 to vector<16xf32>
          %neg3A_579 = arith.subf %neg3A_578, %gather3A_571 : vector<16xf32>
          %mul3A_580 = arith.constant 2.000000e+00 : f32
          %mul3A_581 = vector.broadcast %mul3A_580 : f32 to vector<16xf32>
          %mul3A_582 = arith.mulf %mul3A_581, %add3A_576 : vector<16xf32>
          %add3A_583 = arith.addf %neg3A_579, %mul3A_582 : vector<16xf32>
          %sub3A_584 = arith.subf %add3A_583, %add3A_68 : vector<16xf32>
          %ge3A_585 = arith.cmpf oge, %sub3A_584, %sub3A_121 : vector<16xf32>
          %convert_element_type3A_586 = arith.extui %ge3A_585 : vector<16xi1> to vector<16xi32>
          %broadcast_in_dim3A_587 = arith.constant true
          %broadcast_in_dim3A_588 = vector.broadcast %broadcast_in_dim3A_587 : i1 to vector<16xi1>
          %masked_cumsum3A_589 = tpu.scan <sum>, %convert_element_type3A_586 masked %broadcast_in_dim3A_588 : vector<16xi32>, vector<16xi1> -> vector<16xi32>
          %add3A_590 = arith.addi %add3A_512, %masked_cumsum3A_589 : vector<16xi32>
          %sub3A_591 = arith.constant 1 : i32
          %sub3A_592 = vector.broadcast %sub3A_591 : i32 to vector<16xi32>
          %sub3A_593 = arith.subi %add3A_590, %sub3A_592 : vector<16xi32>
          %min3A_594 = arith.constant 1279 : i32
          %min3A_595 = vector.broadcast %min3A_594 : i32 to vector<16xi32>
          %min3A_596 = arith.minsi %sub3A_593, %min3A_595 : vector<16xi32>
          tpu.vector_store_idx %arg12[%min3A_596], %sub3A_584 masked %ge3A_585 : memref<1296xf32, #tpu.memory_space<vmem>>[vector<16xi32>], vector<16xf32>, vector<16xi1>
          tpu.vector_store_idx %arg13[%min3A_596], %add3A_516 masked %ge3A_585 : memref<1296xi32, #tpu.memory_space<vmem>>[vector<16xi32>], vector<16xi32>, vector<16xi1>
          %all_reduce_population_count3A_597 = tpu.all_reduce %ge3A_585 {dim = 0 : i64, kind = #tpu.reduction_kind<sum>} : vector<16xi1> -> vector<16xi32>
          %add3A_598 = arith.addi %add3A_512, %all_reduce_population_count3A_597 : vector<16xi32>
          %add3A_599 = arith.constant 64 : i32
          %add3A_600 = vector.broadcast %add3A_599 : i32 to vector<16xi32>
          %add3A_601 = arith.addi %mul3A_258, %add3A_600 : vector<16xi32>
          %add3A_602 = arith.addi %add3A_601, %iota3A : vector<16xi32>
          %gather3A_603 = tpu.vector_load_idx %arg7[%broadcast_in_dim3A_37, %add3A_602] : memref<5x8192xf32, #tpu.memory_space<vmem>>[vector<16xi32>, vector<16xi32>], vector<16xf32>,
          %bitcast3A_604 = vector.bitcast %gather3A_603 : vector<16xf32> to vector<16xi32>
          %add3A_605 = arith.constant 32767 : i32
          %add3A_606 = vector.broadcast %add3A_605 : i32 to vector<16xi32>
          %add3A_607 = arith.addi %bitcast3A_604, %add3A_606 : vector<16xi32>
          %shift_right_arithmetic3A_608 = arith.constant 16 : i32
          %shift_right_arithmetic3A_609 = vector.broadcast %shift_right_arithmetic3A_608 : i32 to vector<16xi32>
          %shift_right_arithmetic3A_610 = arith.shrsi %bitcast3A_604, %shift_right_arithmetic3A_609 : vector<16xi32>
          %and3A_611 = arith.constant 1 : i32
          %and3A_612 = vector.broadcast %and3A_611 : i32 to vector<16xi32>
          %and3A_613 = arith.andi %shift_right_arithmetic3A_610, %and3A_612 : vector<16xi32>
          %add3A_614 = arith.addi %add3A_607, %and3A_613 : vector<16xi32>
          %and3A_615 = arith.constant -65536 : i32
          %and3A_616 = vector.broadcast %and3A_615 : i32 to vector<16xi32>
          %and3A_617 = arith.andi %add3A_614, %and3A_616 : vector<16xi32>
          %bitcast3A_618 = vector.bitcast %and3A_617 : vector<16xi32> to vector<16xf32>
          %add3A_619 = arith.constant 1 : i32
          %add3A_620 = vector.broadcast %add3A_619 : i32 to vector<16xi32>
          %add3A_621 = arith.addi %broadcast_in_dim3A_37, %add3A_620 : vector<16xi32>
          %gather3A_622 = tpu.vector_load_idx %arg7[%add3A_621, %add3A_602] : memref<5x8192xf32, #tpu.memory_space<vmem>>[vector<16xi32>, vector<16xi32>], vector<16xf32>,
          %bitcast3A_623 = vector.bitcast %gather3A_622 : vector<16xf32> to vector<16xi32>
          %add3A_624 = arith.constant 32767 : i32
          %add3A_625 = vector.broadcast %add3A_624 : i32 to vector<16xi32>
          %add3A_626 = arith.addi %bitcast3A_623, %add3A_625 : vector<16xi32>
          %shift_right_arithmetic3A_627 = arith.constant 16 : i32
          %shift_right_arithmetic3A_628 = vector.broadcast %shift_right_arithmetic3A_627 : i32 to vector<16xi32>
          %shift_right_arithmetic3A_629 = arith.shrsi %bitcast3A_623, %shift_right_arithmetic3A_628 : vector<16xi32>
          %and3A_630 = arith.constant 1 : i32
          %and3A_631 = vector.broadcast %and3A_630 : i32 to vector<16xi32>
          %and3A_632 = arith.andi %shift_right_arithmetic3A_629, %and3A_631 : vector<16xi32>
          %add3A_633 = arith.addi %add3A_626, %and3A_632 : vector<16xi32>
          %and3A_634 = arith.constant -65536 : i32
          %and3A_635 = vector.broadcast %and3A_634 : i32 to vector<16xi32>
          %and3A_636 = arith.andi %add3A_633, %and3A_635 : vector<16xi32>
          %bitcast3A_637 = vector.bitcast %and3A_636 : vector<16xi32> to vector<16xf32>
          %add3A_638 = arith.constant 2 : i32
          %add3A_639 = vector.broadcast %add3A_638 : i32 to vector<16xi32>
          %add3A_640 = arith.addi %broadcast_in_dim3A_37, %add3A_639 : vector<16xi32>
          %gather3A_641 = tpu.vector_load_idx %arg7[%add3A_640, %add3A_602] : memref<5x8192xf32, #tpu.memory_space<vmem>>[vector<16xi32>, vector<16xi32>], vector<16xf32>,
          %bitcast3A_642 = vector.bitcast %gather3A_641 : vector<16xf32> to vector<16xi32>
          %add3A_643 = arith.constant 32767 : i32
          %add3A_644 = vector.broadcast %add3A_643 : i32 to vector<16xi32>
          %add3A_645 = arith.addi %bitcast3A_642, %add3A_644 : vector<16xi32>
          %shift_right_arithmetic3A_646 = arith.constant 16 : i32
          %shift_right_arithmetic3A_647 = vector.broadcast %shift_right_arithmetic3A_646 : i32 to vector<16xi32>
          %shift_right_arithmetic3A_648 = arith.shrsi %bitcast3A_642, %shift_right_arithmetic3A_647 : vector<16xi32>
          %and3A_649 = arith.constant 1 : i32
          %and3A_650 = vector.broadcast %and3A_649 : i32 to vector<16xi32>
          %and3A_651 = arith.andi %shift_right_arithmetic3A_648, %and3A_650 : vector<16xi32>
          %add3A_652 = arith.addi %add3A_645, %and3A_651 : vector<16xi32>
          %and3A_653 = arith.constant -65536 : i32
          %and3A_654 = vector.broadcast %and3A_653 : i32 to vector<16xi32>
          %and3A_655 = arith.andi %add3A_652, %and3A_654 : vector<16xi32>
          %bitcast3A_656 = vector.bitcast %and3A_655 : vector<16xi32> to vector<16xf32>
          %gather3A_657 = tpu.vector_load_idx %arg8[%add3A_602] : memref<8192xf32, #tpu.memory_space<vmem>>[vector<16xi32>], vector<16xf32>,
          %mul3A_658 = arith.mulf %bitcast3A_81, %bitcast3A_618 : vector<16xf32>
          %mul3A_659 = arith.mulf %bitcast3A_96, %bitcast3A_637 : vector<16xf32>
          %add3A_660 = arith.addf %mul3A_658, %mul3A_659 : vector<16xf32>
          %mul3A_661 = arith.mulf %bitcast3A_111, %bitcast3A_656 : vector<16xf32>
          %add3A_662 = arith.addf %add3A_660, %mul3A_661 : vector<16xf32>
          %neg3A_663 = arith.constant 0.000000e+00 : f32
          %neg3A_664 = vector.broadcast %neg3A_663 : f32 to vector<16xf32>
          %neg3A_665 = arith.subf %neg3A_664, %gather3A_657 : vector<16xf32>
          %mul3A_666 = arith.constant 2.000000e+00 : f32
          %mul3A_667 = vector.broadcast %mul3A_666 : f32 to vector<16xf32>
          %mul3A_668 = arith.mulf %mul3A_667, %add3A_662 : vector<16xf32>
          %add3A_669 = arith.addf %neg3A_665, %mul3A_668 : vector<16xf32>
          %sub3A_670 = arith.subf %add3A_669, %add3A_68 : vector<16xf32>
          %ge3A_671 = arith.cmpf oge, %sub3A_670, %sub3A_121 : vector<16xf32>
          %convert_element_type3A_672 = arith.extui %ge3A_671 : vector<16xi1> to vector<16xi32>
          %broadcast_in_dim3A_673 = arith.constant true
          %broadcast_in_dim3A_674 = vector.broadcast %broadcast_in_dim3A_673 : i1 to vector<16xi1>
          %masked_cumsum3A_675 = tpu.scan <sum>, %convert_element_type3A_672 masked %broadcast_in_dim3A_674 : vector<16xi32>, vector<16xi1> -> vector<16xi32>
          %add3A_676 = arith.addi %add3A_598, %masked_cumsum3A_675 : vector<16xi32>
          %sub3A_677 = arith.constant 1 : i32
          %sub3A_678 = vector.broadcast %sub3A_677 : i32 to vector<16xi32>
          %sub3A_679 = arith.subi %add3A_676, %sub3A_678 : vector<16xi32>
          %min3A_680 = arith.constant 1279 : i32
          %min3A_681 = vector.broadcast %min3A_680 : i32 to vector<16xi32>
          %min3A_682 = arith.minsi %sub3A_679, %min3A_681 : vector<16xi32>
          tpu.vector_store_idx %arg12[%min3A_682], %sub3A_670 masked %ge3A_671 : memref<1296xf32, #tpu.memory_space<vmem>>[vector<16xi32>], vector<16xf32>, vector<16xi1>
          tpu.vector_store_idx %arg13[%min3A_682], %add3A_602 masked %ge3A_671 : memref<1296xi32, #tpu.memory_space<vmem>>[vector<16xi32>], vector<16xi32>, vector<16xi1>
          %all_reduce_population_count3A_683 = tpu.all_reduce %ge3A_671 {dim = 0 : i64, kind = #tpu.reduction_kind<sum>} : vector<16xi1> -> vector<16xi32>
          %add3A_684 = arith.addi %add3A_598, %all_reduce_population_count3A_683 : vector<16xi32>
          %add3A_685 = arith.constant 80 : i32
          %add3A_686 = vector.broadcast %add3A_685 : i32 to vector<16xi32>
          %add3A_687 = arith.addi %mul3A_258, %add3A_686 : vector<16xi32>
          %add3A_688 = arith.addi %add3A_687, %iota3A : vector<16xi32>
          %gather3A_689 = tpu.vector_load_idx %arg7[%broadcast_in_dim3A_37, %add3A_688] : memref<5x8192xf32, #tpu.memory_space<vmem>>[vector<16xi32>, vector<16xi32>], vector<16xf32>,
          %bitcast3A_690 = vector.bitcast %gather3A_689 : vector<16xf32> to vector<16xi32>
          %add3A_691 = arith.constant 32767 : i32
          %add3A_692 = vector.broadcast %add3A_691 : i32 to vector<16xi32>
          %add3A_693 = arith.addi %bitcast3A_690, %add3A_692 : vector<16xi32>
          %shift_right_arithmetic3A_694 = arith.constant 16 : i32
          %shift_right_arithmetic3A_695 = vector.broadcast %shift_right_arithmetic3A_694 : i32 to vector<16xi32>
          %shift_right_arithmetic3A_696 = arith.shrsi %bitcast3A_690, %shift_right_arithmetic3A_695 : vector<16xi32>
          %and3A_697 = arith.constant 1 : i32
          %and3A_698 = vector.broadcast %and3A_697 : i32 to vector<16xi32>
          %and3A_699 = arith.andi %shift_right_arithmetic3A_696, %and3A_698 : vector<16xi32>
          %add3A_700 = arith.addi %add3A_693, %and3A_699 : vector<16xi32>
          %and3A_701 = arith.constant -65536 : i32
          %and3A_702 = vector.broadcast %and3A_701 : i32 to vector<16xi32>
          %and3A_703 = arith.andi %add3A_700, %and3A_702 : vector<16xi32>
          %bitcast3A_704 = vector.bitcast %and3A_703 : vector<16xi32> to vector<16xf32>
          %add3A_705 = arith.constant 1 : i32
          %add3A_706 = vector.broadcast %add3A_705 : i32 to vector<16xi32>
          %add3A_707 = arith.addi %broadcast_in_dim3A_37, %add3A_706 : vector<16xi32>
          %gather3A_708 = tpu.vector_load_idx %arg7[%add3A_707, %add3A_688] : memref<5x8192xf32, #tpu.memory_space<vmem>>[vector<16xi32>, vector<16xi32>], vector<16xf32>,
          %bitcast3A_709 = vector.bitcast %gather3A_708 : vector<16xf32> to vector<16xi32>
          %add3A_710 = arith.constant 32767 : i32
          %add3A_711 = vector.broadcast %add3A_710 : i32 to vector<16xi32>
          %add3A_712 = arith.addi %bitcast3A_709, %add3A_711 : vector<16xi32>
          %shift_right_arithmetic3A_713 = arith.constant 16 : i32
          %shift_right_arithmetic3A_714 = vector.broadcast %shift_right_arithmetic3A_713 : i32 to vector<16xi32>
          %shift_right_arithmetic3A_715 = arith.shrsi %bitcast3A_709, %shift_right_arithmetic3A_714 : vector<16xi32>
          %and3A_716 = arith.constant 1 : i32
          %and3A_717 = vector.broadcast %and3A_716 : i32 to vector<16xi32>
          %and3A_718 = arith.andi %shift_right_arithmetic3A_715, %and3A_717 : vector<16xi32>
          %add3A_719 = arith.addi %add3A_712, %and3A_718 : vector<16xi32>
          %and3A_720 = arith.constant -65536 : i32
          %and3A_721 = vector.broadcast %and3A_720 : i32 to vector<16xi32>
          %and3A_722 = arith.andi %add3A_719, %and3A_721 : vector<16xi32>
          %bitcast3A_723 = vector.bitcast %and3A_722 : vector<16xi32> to vector<16xf32>
          %add3A_724 = arith.constant 2 : i32
          %add3A_725 = vector.broadcast %add3A_724 : i32 to vector<16xi32>
          %add3A_726 = arith.addi %broadcast_in_dim3A_37, %add3A_725 : vector<16xi32>
          %gather3A_727 = tpu.vector_load_idx %arg7[%add3A_726, %add3A_688] : memref<5x8192xf32, #tpu.memory_space<vmem>>[vector<16xi32>, vector<16xi32>], vector<16xf32>,
          %bitcast3A_728 = vector.bitcast %gather3A_727 : vector<16xf32> to vector<16xi32>
          %add3A_729 = arith.constant 32767 : i32
          %add3A_730 = vector.broadcast %add3A_729 : i32 to vector<16xi32>
          %add3A_731 = arith.addi %bitcast3A_728, %add3A_730 : vector<16xi32>
          %shift_right_arithmetic3A_732 = arith.constant 16 : i32
          %shift_right_arithmetic3A_733 = vector.broadcast %shift_right_arithmetic3A_732 : i32 to vector<16xi32>
          %shift_right_arithmetic3A_734 = arith.shrsi %bitcast3A_728, %shift_right_arithmetic3A_733 : vector<16xi32>
          %and3A_735 = arith.constant 1 : i32
          %and3A_736 = vector.broadcast %and3A_735 : i32 to vector<16xi32>
          %and3A_737 = arith.andi %shift_right_arithmetic3A_734, %and3A_736 : vector<16xi32>
          %add3A_738 = arith.addi %add3A_731, %and3A_737 : vector<16xi32>
          %and3A_739 = arith.constant -65536 : i32
          %and3A_740 = vector.broadcast %and3A_739 : i32 to vector<16xi32>
          %and3A_741 = arith.andi %add3A_738, %and3A_740 : vector<16xi32>
          %bitcast3A_742 = vector.bitcast %and3A_741 : vector<16xi32> to vector<16xf32>
          %gather3A_743 = tpu.vector_load_idx %arg8[%add3A_688] : memref<8192xf32, #tpu.memory_space<vmem>>[vector<16xi32>], vector<16xf32>,
          %mul3A_744 = arith.mulf %bitcast3A_81, %bitcast3A_704 : vector<16xf32>
          %mul3A_745 = arith.mulf %bitcast3A_96, %bitcast3A_723 : vector<16xf32>
          %add3A_746 = arith.addf %mul3A_744, %mul3A_745 : vector<16xf32>
          %mul3A_747 = arith.mulf %bitcast3A_111, %bitcast3A_742 : vector<16xf32>
          %add3A_748 = arith.addf %add3A_746, %mul3A_747 : vector<16xf32>
          %neg3A_749 = arith.constant 0.000000e+00 : f32
          %neg3A_750 = vector.broadcast %neg3A_749 : f32 to vector<16xf32>
          %neg3A_751 = arith.subf %neg3A_750, %gather3A_743 : vector<16xf32>
          %mul3A_752 = arith.constant 2.000000e+00 : f32
          %mul3A_753 = vector.broadcast %mul3A_752 : f32 to vector<16xf32>
          %mul3A_754 = arith.mulf %mul3A_753, %add3A_748 : vector<16xf32>
          %add3A_755 = arith.addf %neg3A_751, %mul3A_754 : vector<16xf32>
          %sub3A_756 = arith.subf %add3A_755, %add3A_68 : vector<16xf32>
          %ge3A_757 = arith.cmpf oge, %sub3A_756, %sub3A_121 : vector<16xf32>
          %convert_element_type3A_758 = arith.extui %ge3A_757 : vector<16xi1> to vector<16xi32>
          %broadcast_in_dim3A_759 = arith.constant true
          %broadcast_in_dim3A_760 = vector.broadcast %broadcast_in_dim3A_759 : i1 to vector<16xi1>
          %masked_cumsum3A_761 = tpu.scan <sum>, %convert_element_type3A_758 masked %broadcast_in_dim3A_760 : vector<16xi32>, vector<16xi1> -> vector<16xi32>
          %add3A_762 = arith.addi %add3A_684, %masked_cumsum3A_761 : vector<16xi32>
          %sub3A_763 = arith.constant 1 : i32
          %sub3A_764 = vector.broadcast %sub3A_763 : i32 to vector<16xi32>
          %sub3A_765 = arith.subi %add3A_762, %sub3A_764 : vector<16xi32>
          %min3A_766 = arith.constant 1279 : i32
          %min3A_767 = vector.broadcast %min3A_766 : i32 to vector<16xi32>
          %min3A_768 = arith.minsi %sub3A_765, %min3A_767 : vector<16xi32>
          tpu.vector_store_idx %arg12[%min3A_768], %sub3A_756 masked %ge3A_757 : memref<1296xf32, #tpu.memory_space<vmem>>[vector<16xi32>], vector<16xf32>, vector<16xi1>
          tpu.vector_store_idx %arg13[%min3A_768], %add3A_688 masked %ge3A_757 : memref<1296xi32, #tpu.memory_space<vmem>>[vector<16xi32>], vector<16xi32>, vector<16xi1>
          %all_reduce_population_count3A_769 = tpu.all_reduce %ge3A_757 {dim = 0 : i64, kind = #tpu.reduction_kind<sum>} : vector<16xi1> -> vector<16xi32>
          %add3A_770 = arith.addi %add3A_684, %all_reduce_population_count3A_769 : vector<16xi32>
          %add3A_771 = arith.constant 96 : i32
          %add3A_772 = vector.broadcast %add3A_771 : i32 to vector<16xi32>
          %add3A_773 = arith.addi %mul3A_258, %add3A_772 : vector<16xi32>
          %add3A_774 = arith.addi %add3A_773, %iota3A : vector<16xi32>
          %gather3A_775 = tpu.vector_load_idx %arg7[%broadcast_in_dim3A_37, %add3A_774] : memref<5x8192xf32, #tpu.memory_space<vmem>>[vector<16xi32>, vector<16xi32>], vector<16xf32>,
          %bitcast3A_776 = vector.bitcast %gather3A_775 : vector<16xf32> to vector<16xi32>
          %add3A_777 = arith.constant 32767 : i32
          %add3A_778 = vector.broadcast %add3A_777 : i32 to vector<16xi32>
          %add3A_779 = arith.addi %bitcast3A_776, %add3A_778 : vector<16xi32>
          %shift_right_arithmetic3A_780 = arith.constant 16 : i32
          %shift_right_arithmetic3A_781 = vector.broadcast %shift_right_arithmetic3A_780 : i32 to vector<16xi32>
          %shift_right_arithmetic3A_782 = arith.shrsi %bitcast3A_776, %shift_right_arithmetic3A_781 : vector<16xi32>
          %and3A_783 = arith.constant 1 : i32
          %and3A_784 = vector.broadcast %and3A_783 : i32 to vector<16xi32>
          %and3A_785 = arith.andi %shift_right_arithmetic3A_782, %and3A_784 : vector<16xi32>
          %add3A_786 = arith.addi %add3A_779, %and3A_785 : vector<16xi32>
          %and3A_787 = arith.constant -65536 : i32
          %and3A_788 = vector.broadcast %and3A_787 : i32 to vector<16xi32>
          %and3A_789 = arith.andi %add3A_786, %and3A_788 : vector<16xi32>
          %bitcast3A_790 = vector.bitcast %and3A_789 : vector<16xi32> to vector<16xf32>
          %add3A_791 = arith.constant 1 : i32
          %add3A_792 = vector.broadcast %add3A_791 : i32 to vector<16xi32>
          %add3A_793 = arith.addi %broadcast_in_dim3A_37, %add3A_792 : vector<16xi32>
          %gather3A_794 = tpu.vector_load_idx %arg7[%add3A_793, %add3A_774] : memref<5x8192xf32, #tpu.memory_space<vmem>>[vector<16xi32>, vector<16xi32>], vector<16xf32>,
          %bitcast3A_795 = vector.bitcast %gather3A_794 : vector<16xf32> to vector<16xi32>
          %add3A_796 = arith.constant 32767 : i32
          %add3A_797 = vector.broadcast %add3A_796 : i32 to vector<16xi32>
          %add3A_798 = arith.addi %bitcast3A_795, %add3A_797 : vector<16xi32>
          %shift_right_arithmetic3A_799 = arith.constant 16 : i32
          %shift_right_arithmetic3A_800 = vector.broadcast %shift_right_arithmetic3A_799 : i32 to vector<16xi32>
          %shift_right_arithmetic3A_801 = arith.shrsi %bitcast3A_795, %shift_right_arithmetic3A_800 : vector<16xi32>
          %and3A_802 = arith.constant 1 : i32
          %and3A_803 = vector.broadcast %and3A_802 : i32 to vector<16xi32>
          %and3A_804 = arith.andi %shift_right_arithmetic3A_801, %and3A_803 : vector<16xi32>
          %add3A_805 = arith.addi %add3A_798, %and3A_804 : vector<16xi32>
          %and3A_806 = arith.constant -65536 : i32
          %and3A_807 = vector.broadcast %and3A_806 : i32 to vector<16xi32>
          %and3A_808 = arith.andi %add3A_805, %and3A_807 : vector<16xi32>
          %bitcast3A_809 = vector.bitcast %and3A_808 : vector<16xi32> to vector<16xf32>
          %add3A_810 = arith.constant 2 : i32
          %add3A_811 = vector.broadcast %add3A_810 : i32 to vector<16xi32>
          %add3A_812 = arith.addi %broadcast_in_dim3A_37, %add3A_811 : vector<16xi32>
          %gather3A_813 = tpu.vector_load_idx %arg7[%add3A_812, %add3A_774] : memref<5x8192xf32, #tpu.memory_space<vmem>>[vector<16xi32>, vector<16xi32>], vector<16xf32>,
          %bitcast3A_814 = vector.bitcast %gather3A_813 : vector<16xf32> to vector<16xi32>
          %add3A_815 = arith.constant 32767 : i32
          %add3A_816 = vector.broadcast %add3A_815 : i32 to vector<16xi32>
          %add3A_817 = arith.addi %bitcast3A_814, %add3A_816 : vector<16xi32>
          %shift_right_arithmetic3A_818 = arith.constant 16 : i32
          %shift_right_arithmetic3A_819 = vector.broadcast %shift_right_arithmetic3A_818 : i32 to vector<16xi32>
          %shift_right_arithmetic3A_820 = arith.shrsi %bitcast3A_814, %shift_right_arithmetic3A_819 : vector<16xi32>
          %and3A_821 = arith.constant 1 : i32
          %and3A_822 = vector.broadcast %and3A_821 : i32 to vector<16xi32>
          %and3A_823 = arith.andi %shift_right_arithmetic3A_820, %and3A_822 : vector<16xi32>
          %add3A_824 = arith.addi %add3A_817, %and3A_823 : vector<16xi32>
          %and3A_825 = arith.constant -65536 : i32
          %and3A_826 = vector.broadcast %and3A_825 : i32 to vector<16xi32>
          %and3A_827 = arith.andi %add3A_824, %and3A_826 : vector<16xi32>
          %bitcast3A_828 = vector.bitcast %and3A_827 : vector<16xi32> to vector<16xf32>
          %gather3A_829 = tpu.vector_load_idx %arg8[%add3A_774] : memref<8192xf32, #tpu.memory_space<vmem>>[vector<16xi32>], vector<16xf32>,
          %mul3A_830 = arith.mulf %bitcast3A_81, %bitcast3A_790 : vector<16xf32>
          %mul3A_831 = arith.mulf %bitcast3A_96, %bitcast3A_809 : vector<16xf32>
          %add3A_832 = arith.addf %mul3A_830, %mul3A_831 : vector<16xf32>
          %mul3A_833 = arith.mulf %bitcast3A_111, %bitcast3A_828 : vector<16xf32>
          %add3A_834 = arith.addf %add3A_832, %mul3A_833 : vector<16xf32>
          %neg3A_835 = arith.constant 0.000000e+00 : f32
          %neg3A_836 = vector.broadcast %neg3A_835 : f32 to vector<16xf32>
          %neg3A_837 = arith.subf %neg3A_836, %gather3A_829 : vector<16xf32>
          %mul3A_838 = arith.constant 2.000000e+00 : f32
          %mul3A_839 = vector.broadcast %mul3A_838 : f32 to vector<16xf32>
          %mul3A_840 = arith.mulf %mul3A_839, %add3A_834 : vector<16xf32>
          %add3A_841 = arith.addf %neg3A_837, %mul3A_840 : vector<16xf32>
          %sub3A_842 = arith.subf %add3A_841, %add3A_68 : vector<16xf32>
          %ge3A_843 = arith.cmpf oge, %sub3A_842, %sub3A_121 : vector<16xf32>
          %convert_element_type3A_844 = arith.extui %ge3A_843 : vector<16xi1> to vector<16xi32>
          %broadcast_in_dim3A_845 = arith.constant true
          %broadcast_in_dim3A_846 = vector.broadcast %broadcast_in_dim3A_845 : i1 to vector<16xi1>
          %masked_cumsum3A_847 = tpu.scan <sum>, %convert_element_type3A_844 masked %broadcast_in_dim3A_846 : vector<16xi32>, vector<16xi1> -> vector<16xi32>
          %add3A_848 = arith.addi %add3A_770, %masked_cumsum3A_847 : vector<16xi32>
          %sub3A_849 = arith.constant 1 : i32
          %sub3A_850 = vector.broadcast %sub3A_849 : i32 to vector<16xi32>
          %sub3A_851 = arith.subi %add3A_848, %sub3A_850 : vector<16xi32>
          %min3A_852 = arith.constant 1279 : i32
          %min3A_853 = vector.broadcast %min3A_852 : i32 to vector<16xi32>
          %min3A_854 = arith.minsi %sub3A_851, %min3A_853 : vector<16xi32>
          tpu.vector_store_idx %arg12[%min3A_854], %sub3A_842 masked %ge3A_843 : memref<1296xf32, #tpu.memory_space<vmem>>[vector<16xi32>], vector<16xf32>, vector<16xi1>
          tpu.vector_store_idx %arg13[%min3A_854], %add3A_774 masked %ge3A_843 : memref<1296xi32, #tpu.memory_space<vmem>>[vector<16xi32>], vector<16xi32>, vector<16xi1>
          %all_reduce_population_count3A_855 = tpu.all_reduce %ge3A_843 {dim = 0 : i64, kind = #tpu.reduction_kind<sum>} : vector<16xi1> -> vector<16xi32>
          %add3A_856 = arith.addi %add3A_770, %all_reduce_population_count3A_855 : vector<16xi32>
          %add3A_857 = arith.constant 112 : i32
          %add3A_858 = vector.broadcast %add3A_857 : i32 to vector<16xi32>
          %add3A_859 = arith.addi %mul3A_258, %add3A_858 : vector<16xi32>
          %add3A_860 = arith.addi %add3A_859, %iota3A : vector<16xi32>
          %gather3A_861 = tpu.vector_load_idx %arg7[%broadcast_in_dim3A_37, %add3A_860] : memref<5x8192xf32, #tpu.memory_space<vmem>>[vector<16xi32>, vector<16xi32>], vector<16xf32>,
          %bitcast3A_862 = vector.bitcast %gather3A_861 : vector<16xf32> to vector<16xi32>
          %add3A_863 = arith.constant 32767 : i32
          %add3A_864 = vector.broadcast %add3A_863 : i32 to vector<16xi32>
          %add3A_865 = arith.addi %bitcast3A_862, %add3A_864 : vector<16xi32>
          %shift_right_arithmetic3A_866 = arith.constant 16 : i32
          %shift_right_arithmetic3A_867 = vector.broadcast %shift_right_arithmetic3A_866 : i32 to vector<16xi32>
          %shift_right_arithmetic3A_868 = arith.shrsi %bitcast3A_862, %shift_right_arithmetic3A_867 : vector<16xi32>
          %and3A_869 = arith.constant 1 : i32
          %and3A_870 = vector.broadcast %and3A_869 : i32 to vector<16xi32>
          %and3A_871 = arith.andi %shift_right_arithmetic3A_868, %and3A_870 : vector<16xi32>
          %add3A_872 = arith.addi %add3A_865, %and3A_871 : vector<16xi32>
          %and3A_873 = arith.constant -65536 : i32
          %and3A_874 = vector.broadcast %and3A_873 : i32 to vector<16xi32>
          %and3A_875 = arith.andi %add3A_872, %and3A_874 : vector<16xi32>
          %bitcast3A_876 = vector.bitcast %and3A_875 : vector<16xi32> to vector<16xf32>
          %add3A_877 = arith.constant 1 : i32
          %add3A_878 = vector.broadcast %add3A_877 : i32 to vector<16xi32>
          %add3A_879 = arith.addi %broadcast_in_dim3A_37, %add3A_878 : vector<16xi32>
          %gather3A_880 = tpu.vector_load_idx %arg7[%add3A_879, %add3A_860] : memref<5x8192xf32, #tpu.memory_space<vmem>>[vector<16xi32>, vector<16xi32>], vector<16xf32>,
          %bitcast3A_881 = vector.bitcast %gather3A_880 : vector<16xf32> to vector<16xi32>
          %add3A_882 = arith.constant 32767 : i32
          %add3A_883 = vector.broadcast %add3A_882 : i32 to vector<16xi32>
          %add3A_884 = arith.addi %bitcast3A_881, %add3A_883 : vector<16xi32>
          %shift_right_arithmetic3A_885 = arith.constant 16 : i32
          %shift_right_arithmetic3A_886 = vector.broadcast %shift_right_arithmetic3A_885 : i32 to vector<16xi32>
          %shift_right_arithmetic3A_887 = arith.shrsi %bitcast3A_881, %shift_right_arithmetic3A_886 : vector<16xi32>
          %and3A_888 = arith.constant 1 : i32
          %and3A_889 = vector.broadcast %and3A_888 : i32 to vector<16xi32>
          %and3A_890 = arith.andi %shift_right_arithmetic3A_887, %and3A_889 : vector<16xi32>
          %add3A_891 = arith.addi %add3A_884, %and3A_890 : vector<16xi32>
          %and3A_892 = arith.constant -65536 : i32
          %and3A_893 = vector.broadcast %and3A_892 : i32 to vector<16xi32>
          %and3A_894 = arith.andi %add3A_891, %and3A_893 : vector<16xi32>
          %bitcast3A_895 = vector.bitcast %and3A_894 : vector<16xi32> to vector<16xf32>
          %add3A_896 = arith.constant 2 : i32
          %add3A_897 = vector.broadcast %add3A_896 : i32 to vector<16xi32>
          %add3A_898 = arith.addi %broadcast_in_dim3A_37, %add3A_897 : vector<16xi32>
          %gather3A_899 = tpu.vector_load_idx %arg7[%add3A_898, %add3A_860] : memref<5x8192xf32, #tpu.memory_space<vmem>>[vector<16xi32>, vector<16xi32>], vector<16xf32>,
          %bitcast3A_900 = vector.bitcast %gather3A_899 : vector<16xf32> to vector<16xi32>
          %add3A_901 = arith.constant 32767 : i32
          %add3A_902 = vector.broadcast %add3A_901 : i32 to vector<16xi32>
          %add3A_903 = arith.addi %bitcast3A_900, %add3A_902 : vector<16xi32>
          %shift_right_arithmetic3A_904 = arith.constant 16 : i32
          %shift_right_arithmetic3A_905 = vector.broadcast %shift_right_arithmetic3A_904 : i32 to vector<16xi32>
          %shift_right_arithmetic3A_906 = arith.shrsi %bitcast3A_900, %shift_right_arithmetic3A_905 : vector<16xi32>
          %and3A_907 = arith.constant 1 : i32
          %and3A_908 = vector.broadcast %and3A_907 : i32 to vector<16xi32>
          %and3A_909 = arith.andi %shift_right_arithmetic3A_906, %and3A_908 : vector<16xi32>
          %add3A_910 = arith.addi %add3A_903, %and3A_909 : vector<16xi32>
          %and3A_911 = arith.constant -65536 : i32
          %and3A_912 = vector.broadcast %and3A_911 : i32 to vector<16xi32>
          %and3A_913 = arith.andi %add3A_910, %and3A_912 : vector<16xi32>
          %bitcast3A_914 = vector.bitcast %and3A_913 : vector<16xi32> to vector<16xf32>
          %gather3A_915 = tpu.vector_load_idx %arg8[%add3A_860] : memref<8192xf32, #tpu.memory_space<vmem>>[vector<16xi32>], vector<16xf32>,
          %mul3A_916 = arith.mulf %bitcast3A_81, %bitcast3A_876 : vector<16xf32>
          %mul3A_917 = arith.mulf %bitcast3A_96, %bitcast3A_895 : vector<16xf32>
          %add3A_918 = arith.addf %mul3A_916, %mul3A_917 : vector<16xf32>
          %mul3A_919 = arith.mulf %bitcast3A_111, %bitcast3A_914 : vector<16xf32>
          %add3A_920 = arith.addf %add3A_918, %mul3A_919 : vector<16xf32>
          %neg3A_921 = arith.constant 0.000000e+00 : f32
          %neg3A_922 = vector.broadcast %neg3A_921 : f32 to vector<16xf32>
          %neg3A_923 = arith.subf %neg3A_922, %gather3A_915 : vector<16xf32>
          %mul3A_924 = arith.constant 2.000000e+00 : f32
          %mul3A_925 = vector.broadcast %mul3A_924 : f32 to vector<16xf32>
          %mul3A_926 = arith.mulf %mul3A_925, %add3A_920 : vector<16xf32>
          %add3A_927 = arith.addf %neg3A_923, %mul3A_926 : vector<16xf32>
          %sub3A_928 = arith.subf %add3A_927, %add3A_68 : vector<16xf32>
          %ge3A_929 = arith.cmpf oge, %sub3A_928, %sub3A_121 : vector<16xf32>
          %convert_element_type3A_930 = arith.extui %ge3A_929 : vector<16xi1> to vector<16xi32>
          %broadcast_in_dim3A_931 = arith.constant true
          %broadcast_in_dim3A_932 = vector.broadcast %broadcast_in_dim3A_931 : i1 to vector<16xi1>
          %masked_cumsum3A_933 = tpu.scan <sum>, %convert_element_type3A_930 masked %broadcast_in_dim3A_932 : vector<16xi32>, vector<16xi1> -> vector<16xi32>
          %add3A_934 = arith.addi %add3A_856, %masked_cumsum3A_933 : vector<16xi32>
          %sub3A_935 = arith.constant 1 : i32
          %sub3A_936 = vector.broadcast %sub3A_935 : i32 to vector<16xi32>
          %sub3A_937 = arith.subi %add3A_934, %sub3A_936 : vector<16xi32>
          %min3A_938 = arith.constant 1279 : i32
          %min3A_939 = vector.broadcast %min3A_938 : i32 to vector<16xi32>
          %min3A_940 = arith.minsi %sub3A_937, %min3A_939 : vector<16xi32>
          tpu.vector_store_idx %arg12[%min3A_940], %sub3A_928 masked %ge3A_929 : memref<1296xf32, #tpu.memory_space<vmem>>[vector<16xi32>], vector<16xf32>, vector<16xi1>
          tpu.vector_store_idx %arg13[%min3A_940], %add3A_860 masked %ge3A_929 : memref<1296xi32, #tpu.memory_space<vmem>>[vector<16xi32>], vector<16xi32>, vector<16xi1>
          %all_reduce_population_count3A_941 = tpu.all_reduce %ge3A_929 {dim = 0 : i64, kind = #tpu.reduction_kind<sum>} : vector<16xi1> -> vector<16xi32>
          %add3A_942 = arith.addi %add3A_856, %all_reduce_population_count3A_941 : vector<16xi32>
          scf.yield %add3A_942 : vector<16xi32>
        }
        %scan3A_251 = arith.constant 64 : i32
        scf.yield %scan3A_250 : vector<16xi32>
      } else {
        scf.yield %while3A_123#1 : vector<16xi32>
      }
      %reduce_max3A = arith.constant true
      %reduce_max3A_128 = vector.broadcast %reduce_max3A : i1 to vector<16xi1>
      %reduce_max3A_129 = arith.constant -2147483648 : i32
      %reduce_max3A_130 = vector.broadcast %reduce_max3A_129 : i32 to vector<16xi32>
      %reduce_max3A_131 = arith.xori %cond3A_127, %reduce_max3A_130 : vector<16xi32>
      %reduce_max3A_132 = tpu.scan <max>, %reduce_max3A_131 masked %reduce_max3A_128 : vector<16xi32>, vector<16xi1> -> vector<16xi32>
      %reduce_max3A_133 = arith.xori %reduce_max3A_132, %reduce_max3A_130 : vector<16xi32>
      %reduce_max3A_134 = vector.extract %reduce_max3A_133[15] : i32 from vector<16xi32>
      %min3A = arith.constant 1280 : i32
      %min3A_135 = arith.minsi %reduce_max3A_134, %min3A : i32
      %add3A_136 = arith.constant 15 : i32
      %add3A_137 = arith.addi %min3A_135, %add3A_136 : i32
      %jit3A_138 = arith.constant 16 : i32
      %div3A_139 = arith.divsi %add3A_137, %jit3A_138 : i32
      %sign3A_140 = arith.constant 0 : i32
      %sign3A_141 = arith.cmpi sgt, %add3A_137, %sign3A_140 : i32
      %sign3A_142 = arith.extui %sign3A_141 : i1 to i32
      %sign3A_143 = arith.constant 0 : i32
      %sign3A_144 = arith.cmpi slt, %add3A_137, %sign3A_143 : i32
      %sign3A_145 = arith.extui %sign3A_144 : i1 to i32
      %sign3A_146 = arith.subi %sign3A_142, %sign3A_145 : i32
      %sign3A_147 = arith.constant 0 : i32
      %sign3A_148 = arith.cmpi sgt, %jit3A_138, %sign3A_147 : i32
      %sign3A_149 = arith.extui %sign3A_148 : i1 to i32
      %sign3A_150 = arith.constant 0 : i32
      %sign3A_151 = arith.cmpi slt, %jit3A_138, %sign3A_150 : i32
      %sign3A_152 = arith.extui %sign3A_151 : i1 to i32
      %sign3A_153 = arith.subi %sign3A_149, %sign3A_152 : i32
      %ne3A_154 = arith.cmpi ne, %sign3A_146, %sign3A_153 : i32
      %rem3A_155 = arith.remsi %add3A_137, %jit3A_138 : i32
      %ne3A_156 = arith.constant 0 : i32
      %ne3A_157 = arith.cmpi ne, %rem3A_155, %ne3A_156 : i32
      %and3A_158 = arith.andi %ne3A_154, %ne3A_157 : i1
      %sub3A_159 = arith.constant 1 : i32
      %sub3A_160 = arith.subi %div3A_139, %sub3A_159 : i32
      %select_n3A_161 = arith.select %and3A_158, %sub3A_160, %div3A_139 : i32
      %sub3A_162 = arith.constant 1 : i32
      %sub3A_163 = arith.subi %select_n3A_161, %sub3A_162 : i32
      %mul3A_164 = arith.constant 16 : i32
      %mul3A_165 = arith.muli %sub3A_163, %mul3A_164 : i32
      %get3A = arith.index_cast %mul3A_165 : i32 to index
      %get3A_166 = tpu.vector_load %arg12[%get3A] {strides = array<i32>} : memref<1296xf32, #tpu.memory_space<vmem>>, vector<16xf32>,
      %sub3A_167 = arith.subi %min3A_135, %mul3A_165 : i32
      %lt3A_168 = vector.broadcast %sub3A_167 : i32 to vector<16xi32>
      %lt3A_169 = arith.cmpi slt, %iota3A, %lt3A_168 : vector<16xi32>
      %jit3A_170 = arith.constant 0xFF800000 : f32
      %broadcast_in_dim3A_171 = vector.broadcast %jit3A_170 : f32 to vector<16xf32>
      %select_n3A_172 = arith.select %lt3A_169, %get3A_166, %broadcast_in_dim3A_171 : vector<16xi1>, vector<16xf32>
      %swap3A = arith.index_cast %mul3A_165 : i32 to index
      %swap3A_173 = tpu.vector_load %arg12[%swap3A] {strides = array<i32>} : memref<1296xf32, #tpu.memory_space<vmem>>, vector<16xf32>,
      tpu.vector_store %arg12[%swap3A], %select_n3A_172 {strides = array<i32>} : memref<1296xf32, #tpu.memory_space<vmem>>, vector<16xf32>,
      %get3A_174 = arith.constant 0 : index
      %get3A_175 = tpu.vector_load %arg12[%get3A_174] {strides = array<i32>} : memref<1296xf32, #tpu.memory_space<vmem>>, vector<16xf32>,
      %get3A_176 = arith.constant 0 : index
      %get3A_177 = tpu.vector_load %arg13[%get3A_176] {strides = array<i32>} : memref<1296xi32, #tpu.memory_space<vmem>>, vector<16xi32>,
      %masked_sort3A = arith.constant dense<true> : vector<16xi1>
      %masked_sort3A_178, %masked_sort3A_179, %masked_sort3A_180 = tpu.sort %get3A_175, %get3A_177 masked %masked_sort3A : (vector<16xf32>, vector<16xi32>, vector<16xi1>) -> (vector<16xi1>, vector<16xf32>, vector<16xi32>)
      %while3A_181 = arith.constant 1 : i32
      %while3A_182 = arith.subi %select_n3A_161, %while3A_181 : i32
      %while3A_183 = arith.addi %while3A_181, %while3A_182 : i32
      %while3A_184 = arith.constant 1 : i32
      %while3A_185 = arith.divsi %while3A_182, %while3A_184 : i32
      %while3A_186 = arith.muli %while3A_185, %while3A_184 : i32
      %while3A_187 = arith.addi %while3A_181, %while3A_186 : i32
      %while3A_188 = arith.constant 1 : i32
      %while3A_189:2 = scf.for %while3A_246 = %while3A_181 to %while3A_187 step %while3A_188 iter_args(%while3A_247 = %masked_sort3A_179, %while3A_248 = %masked_sort3A_180) -> (vector<16xf32>, vector<16xi32>)  : i32 {
        %mul3A_249 = arith.constant 16 : i32
        %mul3A_250 = arith.muli %while3A_246, %mul3A_249 : i32
        %get3A_251 = arith.index_cast %mul3A_250 : i32 to index
        %get3A_252 = tpu.vector_load %arg12[%get3A_251] {strides = array<i32>} : memref<1296xf32, #tpu.memory_space<vmem>>, vector<16xf32>,
        %get3A_253 = arith.index_cast %mul3A_250 : i32 to index
        %get3A_254 = tpu.vector_load %arg13[%get3A_253] {strides = array<i32>} : memref<1296xi32, #tpu.memory_space<vmem>>, vector<16xi32>,
        %masked_sort3A_255 = arith.constant dense<true> : vector<16xi1>
        %masked_sort3A_256, %masked_sort3A_257, %masked_sort3A_258 = tpu.sort %get3A_252, %get3A_254 masked %masked_sort3A_255 {descending = true} : (vector<16xf32>, vector<16xi32>, vector<16xi1>) -> (vector<16xi1>, vector<16xf32>, vector<16xi32>)
        %ge3A = arith.cmpf oge, %while3A_247, %masked_sort3A_257 : vector<16xf32>
        %select_n3A_259 = arith.select %ge3A, %while3A_247, %masked_sort3A_257 : vector<16xi1>, vector<16xf32>
        %select_n3A_260 = arith.select %ge3A, %while3A_248, %masked_sort3A_258 : vector<16xi1>, vector<16xi32>
        %masked_sort3A_261 = arith.constant dense<true> : vector<16xi1>
        %masked_sort3A_262, %masked_sort3A_263, %masked_sort3A_264 = tpu.sort %select_n3A_259, %select_n3A_260 masked %masked_sort3A_261 : (vector<16xf32>, vector<16xi32>, vector<16xi1>) -> (vector<16xi1>, vector<16xf32>, vector<16xi32>)
        scf.yield %masked_sort3A_263, %masked_sort3A_264 : vector<16xf32>, vector<16xi32>
      }
      %while3A_190 = arith.constant 1 : i32
      %while3A_191:2 = scf.for %while3A_246 = %while3A_187 to %while3A_183 step %while3A_190 iter_args(%while3A_247 = %while3A_189#0, %while3A_248 = %while3A_189#1) -> (vector<16xf32>, vector<16xi32>)  : i32 {
        %mul3A_249 = arith.constant 16 : i32
        %mul3A_250 = arith.muli %while3A_246, %mul3A_249 : i32
        %get3A_251 = arith.index_cast %mul3A_250 : i32 to index
        %get3A_252 = tpu.vector_load %arg12[%get3A_251] {strides = array<i32>} : memref<1296xf32, #tpu.memory_space<vmem>>, vector<16xf32>,
        %get3A_253 = arith.index_cast %mul3A_250 : i32 to index
        %get3A_254 = tpu.vector_load %arg13[%get3A_253] {strides = array<i32>} : memref<1296xi32, #tpu.memory_space<vmem>>, vector<16xi32>,
        %masked_sort3A_255 = arith.constant dense<true> : vector<16xi1>
        %masked_sort3A_256, %masked_sort3A_257, %masked_sort3A_258 = tpu.sort %get3A_252, %get3A_254 masked %masked_sort3A_255 {descending = true} : (vector<16xf32>, vector<16xi32>, vector<16xi1>) -> (vector<16xi1>, vector<16xf32>, vector<16xi32>)
        %ge3A = arith.cmpf oge, %while3A_247, %masked_sort3A_257 : vector<16xf32>
        %select_n3A_259 = arith.select %ge3A, %while3A_247, %masked_sort3A_257 : vector<16xi1>, vector<16xf32>
        %select_n3A_260 = arith.select %ge3A, %while3A_248, %masked_sort3A_258 : vector<16xi1>, vector<16xi32>
        %masked_sort3A_261 = arith.constant dense<true> : vector<16xi1>
        %masked_sort3A_262, %masked_sort3A_263, %masked_sort3A_264 = tpu.sort %select_n3A_259, %select_n3A_260 masked %masked_sort3A_261 : (vector<16xf32>, vector<16xi32>, vector<16xi1>) -> (vector<16xi1>, vector<16xf32>, vector<16xi32>)
        scf.yield %masked_sort3A_263, %masked_sort3A_264 : vector<16xf32>, vector<16xi32>
      }
      %rev3A = arith.constant 15 : i32
      %rev3A_192 = vector.broadcast %rev3A : i32 to vector<16xi32>
      %rev3A_193 = tpu.iota {dimensions = array<i32: 0>} : vector<16xi32>
      %rev3A_194 = arith.subi %rev3A_192, %rev3A_193 : vector<16xi32>
      %rev3A_195 = tpu.dynamic_gather %while3A_191#1[%rev3A_194] in [0] : vector<16xi32>, vector<16xi32> -> vector<16xi32>
      %and3A_196 = arith.constant 127 : i32
      %and3A_197 = arith.andi %scan3A_51, %and3A_196 : i32
      %add3A_198 = vector.broadcast %and3A_197 : i32 to vector<16xi32>
      %add3A_199 = arith.addi %broadcast_in_dim3A_37, %add3A_198 : vector<16xi32>
      %add3A_200 = arith.constant 0 : i32
      %add3A_201 = vector.broadcast %add3A_200 : i32 to vector<16xi32>
      %add3A_202 = arith.addi %broadcast_in_dim3A_37, %add3A_201 : vector<16xi32>
      %gather3A_203 = tpu.vector_load_idx %arg7[%add3A_202, %rev3A_195] : memref<5x8192xf32, #tpu.memory_space<vmem>>[vector<16xi32>, vector<16xi32>], vector<16xf32>,
      %add3A_204 = arith.constant 0 : i32
      %add3A_205 = vector.broadcast %add3A_204 : i32 to vector<16xi32>
      %add3A_206 = arith.addi %broadcast_in_dim3A_37, %add3A_205 : vector<16xi32>
      tpu.vector_store_idx %arg14[%add3A_206, %iota3A, %add3A_199], %gather3A_203 : memref<5x16x128xf32, #tpu.memory_space<vmem>>[vector<16xi32>, vector<16xi32>, vector<16xi32>], vector<16xf32>,
      %add3A_207 = arith.constant 1 : i32
      %add3A_208 = vector.broadcast %add3A_207 : i32 to vector<16xi32>
      %add3A_209 = arith.addi %broadcast_in_dim3A_37, %add3A_208 : vector<16xi32>
      %gather3A_210 = tpu.vector_load_idx %arg7[%add3A_209, %rev3A_195] : memref<5x8192xf32, #tpu.memory_space<vmem>>[vector<16xi32>, vector<16xi32>], vector<16xf32>,
      %add3A_211 = arith.constant 1 : i32
      %add3A_212 = vector.broadcast %add3A_211 : i32 to vector<16xi32>
      %add3A_213 = arith.addi %broadcast_in_dim3A_37, %add3A_212 : vector<16xi32>
      tpu.vector_store_idx %arg14[%add3A_213, %iota3A, %add3A_199], %gather3A_210 : memref<5x16x128xf32, #tpu.memory_space<vmem>>[vector<16xi32>, vector<16xi32>, vector<16xi32>], vector<16xf32>,
      %add3A_214 = arith.constant 2 : i32
      %add3A_215 = vector.broadcast %add3A_214 : i32 to vector<16xi32>
      %add3A_216 = arith.addi %broadcast_in_dim3A_37, %add3A_215 : vector<16xi32>
      %gather3A_217 = tpu.vector_load_idx %arg7[%add3A_216, %rev3A_195] : memref<5x8192xf32, #tpu.memory_space<vmem>>[vector<16xi32>, vector<16xi32>], vector<16xf32>,
      %add3A_218 = arith.constant 2 : i32
      %add3A_219 = vector.broadcast %add3A_218 : i32 to vector<16xi32>
      %add3A_220 = arith.addi %broadcast_in_dim3A_37, %add3A_219 : vector<16xi32>
      tpu.vector_store_idx %arg14[%add3A_220, %iota3A, %add3A_199], %gather3A_217 : memref<5x16x128xf32, #tpu.memory_space<vmem>>[vector<16xi32>, vector<16xi32>, vector<16xi32>], vector<16xf32>,
      %add3A_221 = arith.constant 3 : i32
      %add3A_222 = vector.broadcast %add3A_221 : i32 to vector<16xi32>
      %add3A_223 = arith.addi %broadcast_in_dim3A_37, %add3A_222 : vector<16xi32>
      %gather3A_224 = tpu.vector_load_idx %arg7[%add3A_223, %rev3A_195] : memref<5x8192xf32, #tpu.memory_space<vmem>>[vector<16xi32>, vector<16xi32>], vector<16xf32>,
      %add3A_225 = arith.constant 3 : i32
      %add3A_226 = vector.broadcast %add3A_225 : i32 to vector<16xi32>
      %add3A_227 = arith.addi %broadcast_in_dim3A_37, %add3A_226 : vector<16xi32>
      tpu.vector_store_idx %arg14[%add3A_227, %iota3A, %add3A_199], %gather3A_224 : memref<5x16x128xf32, #tpu.memory_space<vmem>>[vector<16xi32>, vector<16xi32>, vector<16xi32>], vector<16xf32>,
      %add3A_228 = arith.constant 4 : i32
      %add3A_229 = vector.broadcast %add3A_228 : i32 to vector<16xi32>
      %add3A_230 = arith.addi %broadcast_in_dim3A_37, %add3A_229 : vector<16xi32>
      %gather3A_231 = tpu.vector_load_idx %arg7[%add3A_230, %rev3A_195] : memref<5x8192xf32, #tpu.memory_space<vmem>>[vector<16xi32>, vector<16xi32>], vector<16xf32>,
      %add3A_232 = arith.constant 4 : i32
      %add3A_233 = vector.broadcast %add3A_232 : i32 to vector<16xi32>
      %add3A_234 = arith.addi %broadcast_in_dim3A_37, %add3A_233 : vector<16xi32>
      tpu.vector_store_idx %arg14[%add3A_234, %iota3A, %add3A_199], %gather3A_231 : memref<5x16x128xf32, #tpu.memory_space<vmem>>[vector<16xi32>, vector<16xi32>, vector<16xi32>], vector<16xf32>,
      %eq3A_235 = arith.constant 127 : i32
      %eq3A_236 = arith.cmpi eq, %scan3A_51, %eq3A_235 : i32
      %convert_element_type3A_237 = arith.extui %eq3A_236 : i1 to i32
      %cond3A_238 = arith.constant 0 : i32
      %cond3A_239 = arith.cmpi ne, %convert_element_type3A_237, %cond3A_238 : i32
      scf.if %cond3A_239 {
        "tpu.region"() ({
          %run_scoped3A = tpu.sem_alloc : memref<!tpu.dma_semaphore, #tpu.memory_space<semaphore_mem>>
          %dma_start3A = arith.constant 0 : i32
          %dma_start3A_246 = arith.constant 0 : i32
          %dma_start3A_247 = tpu.memref_slice %arg6[%select_n3A, %dma_start3A, %dma_start3A_246, %select_n3A_32] : memref<4x5x16x2048xf32, #tpu.memory_space<hbm>> -> memref<1x5x16x128xf32, #tpu.memory_space<hbm>>
          %dma_start3A_248 = tpu.memref_squeeze %dma_start3A_247 : memref<1x5x16x128xf32, #tpu.memory_space<hbm>> -> memref<5x16x128xf32, #tpu.memory_space<hbm>>
          %dma_start3A_249 = arith.constant 0 : i32
          %dma_start3A_250 = arith.constant 0 : i32
          %dma_start3A_251 = tpu.memref_slice %arg6[%select_n3A, %dma_start3A_249, %dma_start3A_250, %select_n3A_32] : memref<4x5x16x2048xf32, #tpu.memory_space<hbm>> -> memref<1x5x16x128xf32, #tpu.memory_space<hbm>>
          %dma_start3A_252 = tpu.memref_squeeze %dma_start3A_251 : memref<1x5x16x128xf32, #tpu.memory_space<hbm>> -> memref<5x16x128xf32, #tpu.memory_space<hbm>>
          tpu.enqueue_dma source(%arg14 : memref<5x16x128xf32, #tpu.memory_space<vmem>>) target(%dma_start3A_252 : memref<5x16x128xf32, #tpu.memory_space<hbm>>) target_semaphore(%run_scoped3A : memref<!tpu.dma_semaphore, #tpu.memory_space<semaphore_mem>>)
          %dma_wait3A = arith.constant 0 : i32
          %dma_wait3A_253 = arith.constant 0 : i32
          %dma_wait3A_254 = tpu.memref_slice %arg6[%select_n3A, %dma_wait3A, %dma_wait3A_253, %select_n3A_32] : memref<4x5x16x2048xf32, #tpu.memory_space<hbm>> -> memref<1x5x16x128xf32, #tpu.memory_space<hbm>>
          %dma_wait3A_255 = tpu.memref_squeeze %dma_wait3A_254 : memref<1x5x16x128xf32, #tpu.memory_space<hbm>> -> memref<5x16x128xf32, #tpu.memory_space<hbm>>
          %dma_wait3A_256 = arith.constant 0 : i32
          %dma_wait3A_257 = arith.constant 0 : i32
          %dma_wait3A_258 = tpu.memref_slice %arg6[%select_n3A, %dma_wait3A_256, %dma_wait3A_257, %select_n3A_32] : memref<4x5x16x2048xf32, #tpu.memory_space<hbm>> -> memref<1x5x16x128xf32, #tpu.memory_space<hbm>>
          %dma_wait3A_259 = tpu.memref_squeeze %dma_wait3A_258 : memref<1x5x16x128xf32, #tpu.memory_space<hbm>> -> memref<5x16x128xf32, #tpu.memory_space<hbm>>
          tpu.wait_dma2 semaphore(%run_scoped3A : memref<!tpu.dma_semaphore, #tpu.memory_space<semaphore_mem>>) src(%arg14 : memref<5x16x128xf32, #tpu.memory_space<vmem>>) dst(%dma_wait3A_259 : memref<5x16x128xf32, #tpu.memory_space<hbm>>)
          tpu.yield
        }) : () -> ()
      } else {
      }
      %eq3A_240 = arith.constant 255 : i32
      %eq3A_241 = arith.cmpi eq, %scan3A_51, %eq3A_240 : i32
      %convert_element_type3A_242 = arith.extui %eq3A_241 : i1 to i32
      %cond3A_243 = arith.constant 0 : i32
      %cond3A_244 = arith.cmpi ne, %convert_element_type3A_242, %cond3A_243 : i32
      scf.if %cond3A_244 {
        %add3A_246 = arith.constant 128 : i32
        %add3A_247 = arith.addi %select_n3A_32, %add3A_246 : i32
        "tpu.region"() ({
          %run_scoped3A = tpu.sem_alloc : memref<!tpu.dma_semaphore, #tpu.memory_space<semaphore_mem>>
          %dma_start3A = arith.constant 0 : i32
          %dma_start3A_248 = arith.constant 0 : i32
          %dma_start3A_249 = tpu.memref_slice %arg6[%select_n3A, %dma_start3A, %dma_start3A_248, %add3A_247] : memref<4x5x16x2048xf32, #tpu.memory_space<hbm>> -> memref<1x5x16x128xf32, #tpu.memory_space<hbm>>
          %dma_start3A_250 = tpu.memref_squeeze %dma_start3A_249 : memref<1x5x16x128xf32, #tpu.memory_space<hbm>> -> memref<5x16x128xf32, #tpu.memory_space<hbm>>
          %dma_start3A_251 = arith.constant 0 : i32
          %dma_start3A_252 = arith.constant 0 : i32
          %dma_start3A_253 = tpu.memref_slice %arg6[%select_n3A, %dma_start3A_251, %dma_start3A_252, %add3A_247] : memref<4x5x16x2048xf32, #tpu.memory_space<hbm>> -> memref<1x5x16x128xf32, #tpu.memory_space<hbm>>
          %dma_start3A_254 = tpu.memref_squeeze %dma_start3A_253 : memref<1x5x16x128xf32, #tpu.memory_space<hbm>> -> memref<5x16x128xf32, #tpu.memory_space<hbm>>
          tpu.enqueue_dma source(%arg14 : memref<5x16x128xf32, #tpu.memory_space<vmem>>) target(%dma_start3A_254 : memref<5x16x128xf32, #tpu.memory_space<hbm>>) target_semaphore(%run_scoped3A : memref<!tpu.dma_semaphore, #tpu.memory_space<semaphore_mem>>)
          %dma_wait3A = arith.constant 0 : i32
          %dma_wait3A_255 = arith.constant 0 : i32
          %dma_wait3A_256 = tpu.memref_slice %arg6[%select_n3A, %dma_wait3A, %dma_wait3A_255, %add3A_247] : memref<4x5x16x2048xf32, #tpu.memory_space<hbm>> -> memref<1x5x16x128xf32, #tpu.memory_space<hbm>>
          %dma_wait3A_257 = tpu.memref_squeeze %dma_wait3A_256 : memref<1x5x16x128xf32, #tpu.memory_space<hbm>> -> memref<5x16x128xf32, #tpu.memory_space<hbm>>
          %dma_wait3A_258 = arith.constant 0 : i32
          %dma_wait3A_259 = arith.constant 0 : i32
          %dma_wait3A_260 = tpu.memref_slice %arg6[%select_n3A, %dma_wait3A_258, %dma_wait3A_259, %add3A_247] : memref<4x5x16x2048xf32, #tpu.memory_space<hbm>> -> memref<1x5x16x128xf32, #tpu.memory_space<hbm>>
          %dma_wait3A_261 = tpu.memref_squeeze %dma_wait3A_260 : memref<1x5x16x128xf32, #tpu.memory_space<hbm>> -> memref<5x16x128xf32, #tpu.memory_space<hbm>>
          tpu.wait_dma2 semaphore(%run_scoped3A : memref<!tpu.dma_semaphore, #tpu.memory_space<semaphore_mem>>) src(%arg14 : memref<5x16x128xf32, #tpu.memory_space<vmem>>) dst(%dma_wait3A_261 : memref<5x16x128xf32, #tpu.memory_space<hbm>>)
          tpu.yield
        }) : () -> ()
      } else {
      }
      %scan3A_245 = arith.constant 0 : i32
      scf.yield %scan3A_245 : i32
    }
    %scan3A_50 = arith.constant 256 : i32
    return
  }
}

module attributes {stable_mosaic.version = 14 : i64} {
  func.func @_tc_body(%arg0: i32, %arg1: i32, %arg2: memref<1x5x8192xf32, #tpu.memory_space<vmem>>, %arg3: memref<1x1x128xi32, #tpu.memory_space<vmem>>, %arg4: memref<1x128x24xf32, #tpu.memory_space<vmem>>, %arg5: memref<1x128x24xi32, #tpu.memory_space<vmem>>) attributes {dimension_semantics = [#tpu.dimension_semantics<arbitrary>, #tpu.dimension_semantics<arbitrary>], iteration_bounds = array<i64: 4, 16>, scalar_prefetch = 0 : i64, scratch_operands = 0 : i64, tpu.core_type = #tpu.core_type<tc>, window_params = [{transform_indices = @transform_0, window_bounds = array<i64: 1, 5, 8192>}, {transform_indices = @transform_1, window_bounds = array<i64: 1, 1, 128>}, {transform_indices = @transform_2, window_bounds = array<i64: 1, 128, 24>}, {transform_indices = @transform_3, window_bounds = array<i64: 1, 128, 24>}]} {
    %get3A = arith.constant 0 : index
    %get3A_0 = arith.constant 0 : index
    %get3A_1 = arith.constant 0 : index
    %get3A_2 = vector.load %arg2[%get3A, %get3A_0, %get3A_1] : memref<1x5x8192xf32, #tpu.memory_space<vmem>>, vector<1x5x8192xf32>
    %get3A_3 = vector.shape_cast %get3A_2 : vector<1x5x8192xf32> to vector<5x8192xf32>
    %slice3A = vector.extract_strided_slice %get3A_3 {offsets = [0, 0], sizes = [3, 8192], strides = [1, 1]} : vector<5x8192xf32> to vector<3x8192xf32>
    %get3A_4 = arith.constant 0 : index
    %get3A_5 = arith.constant 0 : index
    %get3A_6 = arith.constant 0 : index
    %get3A_7 = vector.load %arg3[%get3A_4, %get3A_5, %get3A_6] : memref<1x1x128xi32, #tpu.memory_space<vmem>>, vector<1x1x128xi32>
    %get3A_8 = vector.shape_cast %get3A_7 : vector<1x1x128xi32> to vector<128xi32>
    %iota3A = tpu.iota {dimensions = array<i32: 1>} : vector<128x128xi32>
    %iota3A_9 = tpu.iota {dimensions = array<i32: 1>} : vector<128x64xi32>
    %jit3A = arith.constant 128 : i32
    %eq3A = arith.constant 0 : i32
    %eq3A_10 = arith.cmpi eq, %jit3A, %eq3A : i32
    %jit3A_11 = arith.constant 1 : i32
    %select_n3A = arith.select %eq3A_10, %jit3A_11, %jit3A : i32
    %rem3A = vector.broadcast %select_n3A : i32 to vector<128xi32>
    %rem3A_12 = arith.remsi %get3A_8, %rem3A : vector<128xi32>
    %ne3A = arith.constant 0 : i32
    %ne3A_13 = vector.broadcast %ne3A : i32 to vector<128xi32>
    %ne3A_14 = arith.cmpi ne, %rem3A_12, %ne3A_13 : vector<128xi32>
    %lt3A = arith.constant 0 : i32
    %lt3A_15 = vector.broadcast %lt3A : i32 to vector<128xi32>
    %lt3A_16 = arith.cmpi slt, %rem3A_12, %lt3A_15 : vector<128xi32>
    %lt3A_17 = arith.constant 0 : i32
    %lt3A_18 = arith.cmpi slt, %select_n3A, %lt3A_17 : i32
    %ne3A_19 = vector.broadcast %lt3A_18 : i1 to vector<128xi1>
    %ne3A_20 = vector.broadcast %ne3A_19 : vector<128xi1> to vector<128xi1>
    %ne3A_21 = arith.xori %lt3A_16, %ne3A_20 : vector<128xi1>
    %and3A = arith.andi %ne3A_21, %ne3A_14 : vector<128xi1>
    %add3A = vector.broadcast %select_n3A : i32 to vector<128xi32>
    %add3A_22 = arith.addi %rem3A_12, %add3A : vector<128xi32>
    %select_n3A_23 = arith.select %and3A, %add3A_22, %rem3A_12 : vector<128xi1>, vector<128xi32>
    %broadcast_in_dim3A = vector.shape_cast %select_n3A_23 : vector<128xi32> to vector<128x1xi32>
    %eq3A_24 = vector.broadcast %broadcast_in_dim3A : vector<128x1xi32> to vector<128x128xi32>
    %eq3A_25 = arith.cmpi eq, %iota3A, %eq3A_24 : vector<128x128xi32>
    %convert_element_type3A = arith.extui %eq3A_25 : vector<128x128xi1> to vector<128x128xi32>
    %convert_element_type3A_26 = arith.sitofp %convert_element_type3A : vector<128x128xi32> to vector<128x128xf32>
    %jit3A_27 = arith.constant 128 : i32
    %div3A = vector.broadcast %jit3A_27 : i32 to vector<128xi32>
    %div3A_28 = arith.divsi %get3A_8, %div3A : vector<128xi32>
    %sign3A = arith.constant 0 : i32
    %sign3A_29 = vector.broadcast %sign3A : i32 to vector<128xi32>
    %sign3A_30 = arith.cmpi sgt, %get3A_8, %sign3A_29 : vector<128xi32>
    %sign3A_31 = arith.extui %sign3A_30 : vector<128xi1> to vector<128xi32>
    %sign3A_32 = arith.constant 0 : i32
    %sign3A_33 = vector.broadcast %sign3A_32 : i32 to vector<128xi32>
    %sign3A_34 = arith.cmpi slt, %get3A_8, %sign3A_33 : vector<128xi32>
    %sign3A_35 = arith.extui %sign3A_34 : vector<128xi1> to vector<128xi32>
    %sign3A_36 = arith.subi %sign3A_31, %sign3A_35 : vector<128xi32>
    %sign3A_37 = arith.constant 0 : i32
    %sign3A_38 = arith.cmpi sgt, %jit3A_27, %sign3A_37 : i32
    %sign3A_39 = arith.extui %sign3A_38 : i1 to i32
    %sign3A_40 = arith.constant 0 : i32
    %sign3A_41 = arith.cmpi slt, %jit3A_27, %sign3A_40 : i32
    %sign3A_42 = arith.extui %sign3A_41 : i1 to i32
    %sign3A_43 = arith.subi %sign3A_39, %sign3A_42 : i32
    %ne3A_44 = vector.broadcast %sign3A_43 : i32 to vector<128xi32>
    %ne3A_45 = arith.cmpi ne, %sign3A_36, %ne3A_44 : vector<128xi32>
    %rem3A_46 = vector.broadcast %jit3A_27 : i32 to vector<128xi32>
    %rem3A_47 = arith.remsi %get3A_8, %rem3A_46 : vector<128xi32>
    %ne3A_48 = arith.constant 0 : i32
    %ne3A_49 = vector.broadcast %ne3A_48 : i32 to vector<128xi32>
    %ne3A_50 = arith.cmpi ne, %rem3A_47, %ne3A_49 : vector<128xi32>
    %and3A_51 = arith.andi %ne3A_45, %ne3A_50 : vector<128xi1>
    %sub3A = arith.constant 1 : i32
    %sub3A_52 = vector.broadcast %sub3A : i32 to vector<128xi32>
    %sub3A_53 = arith.subi %div3A_28, %sub3A_52 : vector<128xi32>
    %select_n3A_54 = arith.select %and3A_51, %sub3A_53, %div3A_28 : vector<128xi1>, vector<128xi32>
    %broadcast_in_dim3A_55 = vector.shape_cast %select_n3A_54 : vector<128xi32> to vector<128x1xi32>
    %eq3A_56 = vector.broadcast %broadcast_in_dim3A_55 : vector<128x1xi32> to vector<128x64xi32>
    %eq3A_57 = arith.cmpi eq, %iota3A_9, %eq3A_56 : vector<128x64xi32>
    %convert_element_type3A_58 = arith.extui %eq3A_57 : vector<128x64xi1> to vector<128x64xi32>
    %convert_element_type3A_59 = arith.sitofp %convert_element_type3A_58 : vector<128x64xi32> to vector<128x64xf32>
    %reshape3A = vector.shape_cast %slice3A : vector<3x8192xf32> to vector<3x64x128xf32>
    %slice3A_60 = vector.extract_strided_slice %reshape3A {offsets = [0, 0, 0], sizes = [1, 64, 128], strides = [1, 1, 1]} : vector<3x64x128xf32> to vector<1x64x128xf32>
    %squeeze3A = vector.shape_cast %slice3A_60 : vector<1x64x128xf32> to vector<64x128xf32>
    %dot_general3A = arith.constant dense<0.000000e+00> : vector<128x64xf32>
    %dot_general3A_61 = tpu.matmul %convert_element_type3A_26, %squeeze3A, %dot_general3A {dimension_numbers = #tpu.dot_dimension_numbers<[1], [1], [0], [0], [0, 0, 1, 0], [], []>, precision = #tpu.contract_precision<fp32>, transpose_lhs_hint = false} : vector<128x128xf32>, vector<64x128xf32>, vector<128x64xf32> -> vector<128x64xf32>
    %mul3A = arith.mulf %dot_general3A_61, %convert_element_type3A_59 : vector<128x64xf32>
    %reduce_sum3A = arith.constant dense<0.000000e+00> : vector<128xf32>
    %reduce_sum3A_62 = vector.multi_reduction <add>, %mul3A, %reduce_sum3A [1] : vector<128x64xf32> to vector<128xf32>
    %slice3A_63 = vector.extract_strided_slice %reshape3A {offsets = [1, 0, 0], sizes = [1, 64, 128], strides = [1, 1, 1]} : vector<3x64x128xf32> to vector<1x64x128xf32>
    %squeeze3A_64 = vector.shape_cast %slice3A_63 : vector<1x64x128xf32> to vector<64x128xf32>
    %dot_general3A_65 = arith.constant dense<0.000000e+00> : vector<128x64xf32>
    %dot_general3A_66 = tpu.matmul %convert_element_type3A_26, %squeeze3A_64, %dot_general3A_65 {dimension_numbers = #tpu.dot_dimension_numbers<[1], [1], [0], [0], [0, 0, 1, 0], [], []>, precision = #tpu.contract_precision<fp32>, transpose_lhs_hint = false} : vector<128x128xf32>, vector<64x128xf32>, vector<128x64xf32> -> vector<128x64xf32>
    %mul3A_67 = arith.mulf %dot_general3A_66, %convert_element_type3A_59 : vector<128x64xf32>
    %reduce_sum3A_68 = arith.constant dense<0.000000e+00> : vector<128xf32>
    %reduce_sum3A_69 = vector.multi_reduction <add>, %mul3A_67, %reduce_sum3A_68 [1] : vector<128x64xf32> to vector<128xf32>
    %slice3A_70 = vector.extract_strided_slice %reshape3A {offsets = [2, 0, 0], sizes = [1, 64, 128], strides = [1, 1, 1]} : vector<3x64x128xf32> to vector<1x64x128xf32>
    %squeeze3A_71 = vector.shape_cast %slice3A_70 : vector<1x64x128xf32> to vector<64x128xf32>
    %dot_general3A_72 = arith.constant dense<0.000000e+00> : vector<128x64xf32>
    %dot_general3A_73 = tpu.matmul %convert_element_type3A_26, %squeeze3A_71, %dot_general3A_72 {dimension_numbers = #tpu.dot_dimension_numbers<[1], [1], [0], [0], [0, 0, 1, 0], [], []>, precision = #tpu.contract_precision<fp32>, transpose_lhs_hint = false} : vector<128x128xf32>, vector<64x128xf32>, vector<128x64xf32> -> vector<128x64xf32>
    %mul3A_74 = arith.mulf %dot_general3A_73, %convert_element_type3A_59 : vector<128x64xf32>
    %reduce_sum3A_75 = arith.constant dense<0.000000e+00> : vector<128xf32>
    %reduce_sum3A_76 = vector.multi_reduction <add>, %mul3A_74, %reduce_sum3A_75 [1] : vector<128x64xf32> to vector<128xf32>
    %stack3A = vector.shape_cast %reduce_sum3A_62 : vector<128xf32> to vector<128x1xf32>
    %stack3A_77 = vector.shape_cast %reduce_sum3A_69 : vector<128xf32> to vector<128x1xf32>
    %stack3A_78 = vector.shape_cast %reduce_sum3A_76 : vector<128xf32> to vector<128x1xf32>
    %stack3A_79 = tpu.concatenate %stack3A, %stack3A_77, %stack3A_78 in 1 : vector<128x1xf32>, vector<128x1xf32>, vector<128x1xf32> -> vector<128x3xf32>
    %mul3A_80 = arith.mulf %slice3A, %slice3A : vector<3x8192xf32>
    %reduce_sum3A_81 = arith.constant dense<0.000000e+00> : vector<8192xf32>
    %reduce_sum3A_82 = vector.multi_reduction <add>, %mul3A_80, %reduce_sum3A_81 [0] : vector<3x8192xf32> to vector<8192xf32>
    %broadcast_in_dim3A_83 = vector.shape_cast %reduce_sum3A_82 : vector<8192xf32> to vector<1x8192xf32>
    %mul3A_84 = arith.mulf %stack3A_79, %stack3A_79 : vector<128x3xf32>
    %reduce_sum3A_85 = arith.constant dense<0.000000e+00> : vector<128xf32>
    %reduce_sum3A_86 = vector.multi_reduction <add>, %mul3A_84, %reduce_sum3A_85 [1] : vector<128x3xf32> to vector<128xf32>
    %iota3A_87 = tpu.iota {dimensions = array<i32: 1>} : vector<1x64xi32>
    %slice3A_88 = vector.extract_strided_slice %slice3A {offsets = [0, 0], sizes = [3, 128], strides = [1, 1]} : vector<3x8192xf32> to vector<3x128xf32>
    %dot_general3A_89 = arith.constant dense<0.000000e+00> : vector<128x128xf32>
    %dot_general3A_90 = tpu.matmul %stack3A_79, %slice3A_88, %dot_general3A_89 {dimension_numbers = #tpu.dot_dimension_numbers<[1], [0], [0], [1], [0, 0, 1, 1], [], []>, transpose_lhs_hint = false} : vector<128x3xf32>, vector<3x128xf32>, vector<128x128xf32> -> vector<128x128xf32>
    %mul3A_91 = arith.constant -2.000000e+00 : f32
    %mul3A_92 = vector.broadcast %mul3A_91 : f32 to vector<128x128xf32>
    %mul3A_93 = arith.mulf %mul3A_92, %dot_general3A_90 : vector<128x128xf32>
    %slice3A_94 = vector.extract_strided_slice %broadcast_in_dim3A_83 {offsets = [0, 0], sizes = [1, 128], strides = [1, 1]} : vector<1x8192xf32> to vector<1x128xf32>
    %neg3A = arith.constant 0.000000e+00 : f32
    %neg3A_95 = vector.broadcast %neg3A : f32 to vector<1x128xf32>
    %neg3A_96 = arith.subf %neg3A_95, %slice3A_94 : vector<1x128xf32>
    %sub3A_97 = vector.broadcast %neg3A_96 : vector<1x128xf32> to vector<128x128xf32>
    %sub3A_98 = arith.subf %sub3A_97, %mul3A_93 : vector<128x128xf32>
    %broadcast_in_dim3A_99 = vector.shape_cast %reduce_sum3A_86 : vector<128xf32> to vector<128x1xf32>
    %sub3A_100 = vector.broadcast %broadcast_in_dim3A_99 : vector<128x1xf32> to vector<128x128xf32>
    %sub3A_101 = arith.subf %sub3A_98, %sub3A_100 : vector<128x128xf32>
    %reduce_max3A = arith.constant dense<0xFF800000> : vector<128xf32>
    %reduce_max3A_102 = vector.multi_reduction <maximumf>, %sub3A_101, %reduce_max3A [1] : vector<128x128xf32> to vector<128xf32>
    %broadcast_in_dim3A_103 = vector.shape_cast %reduce_max3A_102 : vector<128xf32> to vector<128x1xf32>
    %eq3A_104 = arith.constant 0 : i32
    %eq3A_105 = vector.broadcast %eq3A_104 : i32 to vector<1x64xi32>
    %eq3A_106 = arith.cmpi eq, %iota3A_87, %eq3A_105 : vector<1x64xi32>
    %convert_element_type3A_107 = arith.extui %eq3A_106 : vector<1x64xi1> to vector<1x64xi32>
    %convert_element_type3A_108 = arith.sitofp %convert_element_type3A_107 : vector<1x64xi32> to vector<1x64xf32>
    %mul3A_109 = vector.broadcast %broadcast_in_dim3A_103 : vector<128x1xf32> to vector<128x64xf32>
    %mul3A_110 = vector.broadcast %convert_element_type3A_108 : vector<1x64xf32> to vector<128x64xf32>
    %mul3A_111 = arith.mulf %mul3A_109, %mul3A_110 : vector<128x64xf32>
    %slice3A_112 = vector.extract_strided_slice %slice3A {offsets = [0, 128], sizes = [3, 128], strides = [1, 1]} : vector<3x8192xf32> to vector<3x128xf32>
    %dot_general3A_113 = arith.constant dense<0.000000e+00> : vector<128x128xf32>
    %dot_general3A_114 = tpu.matmul %stack3A_79, %slice3A_112, %dot_general3A_113 {dimension_numbers = #tpu.dot_dimension_numbers<[1], [0], [0], [1], [0, 0, 1, 1], [], []>, transpose_lhs_hint = false} : vector<128x3xf32>, vector<3x128xf32>, vector<128x128xf32> -> vector<128x128xf32>
    %mul3A_115 = arith.constant -2.000000e+00 : f32
    %mul3A_116 = vector.broadcast %mul3A_115 : f32 to vector<128x128xf32>
    %mul3A_117 = arith.mulf %mul3A_116, %dot_general3A_114 : vector<128x128xf32>
    %slice3A_118 = vector.extract_strided_slice %broadcast_in_dim3A_83 {offsets = [0, 128], sizes = [1, 128], strides = [1, 1]} : vector<1x8192xf32> to vector<1x128xf32>
    %neg3A_119 = arith.constant 0.000000e+00 : f32
    %neg3A_120 = vector.broadcast %neg3A_119 : f32 to vector<1x128xf32>
    %neg3A_121 = arith.subf %neg3A_120, %slice3A_118 : vector<1x128xf32>
    %sub3A_122 = vector.broadcast %neg3A_121 : vector<1x128xf32> to vector<128x128xf32>
    %sub3A_123 = arith.subf %sub3A_122, %mul3A_117 : vector<128x128xf32>
    %broadcast_in_dim3A_124 = vector.shape_cast %reduce_sum3A_86 : vector<128xf32> to vector<128x1xf32>
    %sub3A_125 = vector.broadcast %broadcast_in_dim3A_124 : vector<128x1xf32> to vector<128x128xf32>
    %sub3A_126 = arith.subf %sub3A_123, %sub3A_125 : vector<128x128xf32>
    %reduce_max3A_127 = arith.constant dense<0xFF800000> : vector<128xf32>
    %reduce_max3A_128 = vector.multi_reduction <maximumf>, %sub3A_126, %reduce_max3A_127 [1] : vector<128x128xf32> to vector<128xf32>
    %broadcast_in_dim3A_129 = vector.shape_cast %reduce_max3A_128 : vector<128xf32> to vector<128x1xf32>
    %eq3A_130 = arith.constant 1 : i32
    %eq3A_131 = vector.broadcast %eq3A_130 : i32 to vector<1x64xi32>
    %eq3A_132 = arith.cmpi eq, %iota3A_87, %eq3A_131 : vector<1x64xi32>
    %convert_element_type3A_133 = arith.extui %eq3A_132 : vector<1x64xi1> to vector<1x64xi32>
    %convert_element_type3A_134 = arith.sitofp %convert_element_type3A_133 : vector<1x64xi32> to vector<1x64xf32>
    %mul3A_135 = vector.broadcast %broadcast_in_dim3A_129 : vector<128x1xf32> to vector<128x64xf32>
    %mul3A_136 = vector.broadcast %convert_element_type3A_134 : vector<1x64xf32> to vector<128x64xf32>
    %mul3A_137 = arith.mulf %mul3A_135, %mul3A_136 : vector<128x64xf32>
    %add3A_138 = arith.addf %mul3A_111, %mul3A_137 : vector<128x64xf32>
    %slice3A_139 = vector.extract_strided_slice %slice3A {offsets = [0, 256], sizes = [3, 128], strides = [1, 1]} : vector<3x8192xf32> to vector<3x128xf32>
    %dot_general3A_140 = arith.constant dense<0.000000e+00> : vector<128x128xf32>
    %dot_general3A_141 = tpu.matmul %stack3A_79, %slice3A_139, %dot_general3A_140 {dimension_numbers = #tpu.dot_dimension_numbers<[1], [0], [0], [1], [0, 0, 1, 1], [], []>, transpose_lhs_hint = false} : vector<128x3xf32>, vector<3x128xf32>, vector<128x128xf32> -> vector<128x128xf32>
    %mul3A_142 = arith.constant -2.000000e+00 : f32
    %mul3A_143 = vector.broadcast %mul3A_142 : f32 to vector<128x128xf32>
    %mul3A_144 = arith.mulf %mul3A_143, %dot_general3A_141 : vector<128x128xf32>
    %slice3A_145 = vector.extract_strided_slice %broadcast_in_dim3A_83 {offsets = [0, 256], sizes = [1, 128], strides = [1, 1]} : vector<1x8192xf32> to vector<1x128xf32>
    %neg3A_146 = arith.constant 0.000000e+00 : f32
    %neg3A_147 = vector.broadcast %neg3A_146 : f32 to vector<1x128xf32>
    %neg3A_148 = arith.subf %neg3A_147, %slice3A_145 : vector<1x128xf32>
    %sub3A_149 = vector.broadcast %neg3A_148 : vector<1x128xf32> to vector<128x128xf32>
    %sub3A_150 = arith.subf %sub3A_149, %mul3A_144 : vector<128x128xf32>
    %broadcast_in_dim3A_151 = vector.shape_cast %reduce_sum3A_86 : vector<128xf32> to vector<128x1xf32>
    %sub3A_152 = vector.broadcast %broadcast_in_dim3A_151 : vector<128x1xf32> to vector<128x128xf32>
    %sub3A_153 = arith.subf %sub3A_150, %sub3A_152 : vector<128x128xf32>
    %reduce_max3A_154 = arith.constant dense<0xFF800000> : vector<128xf32>
    %reduce_max3A_155 = vector.multi_reduction <maximumf>, %sub3A_153, %reduce_max3A_154 [1] : vector<128x128xf32> to vector<128xf32>
    %broadcast_in_dim3A_156 = vector.shape_cast %reduce_max3A_155 : vector<128xf32> to vector<128x1xf32>
    %eq3A_157 = arith.constant 2 : i32
    %eq3A_158 = vector.broadcast %eq3A_157 : i32 to vector<1x64xi32>
    %eq3A_159 = arith.cmpi eq, %iota3A_87, %eq3A_158 : vector<1x64xi32>
    %convert_element_type3A_160 = arith.extui %eq3A_159 : vector<1x64xi1> to vector<1x64xi32>
    %convert_element_type3A_161 = arith.sitofp %convert_element_type3A_160 : vector<1x64xi32> to vector<1x64xf32>
    %mul3A_162 = vector.broadcast %broadcast_in_dim3A_156 : vector<128x1xf32> to vector<128x64xf32>
    %mul3A_163 = vector.broadcast %convert_element_type3A_161 : vector<1x64xf32> to vector<128x64xf32>
    %mul3A_164 = arith.mulf %mul3A_162, %mul3A_163 : vector<128x64xf32>
    %add3A_165 = arith.addf %add3A_138, %mul3A_164 : vector<128x64xf32>
    %slice3A_166 = vector.extract_strided_slice %slice3A {offsets = [0, 384], sizes = [3, 128], strides = [1, 1]} : vector<3x8192xf32> to vector<3x128xf32>
    %dot_general3A_167 = arith.constant dense<0.000000e+00> : vector<128x128xf32>
    %dot_general3A_168 = tpu.matmul %stack3A_79, %slice3A_166, %dot_general3A_167 {dimension_numbers = #tpu.dot_dimension_numbers<[1], [0], [0], [1], [0, 0, 1, 1], [], []>, transpose_lhs_hint = false} : vector<128x3xf32>, vector<3x128xf32>, vector<128x128xf32> -> vector<128x128xf32>
    %mul3A_169 = arith.constant -2.000000e+00 : f32
    %mul3A_170 = vector.broadcast %mul3A_169 : f32 to vector<128x128xf32>
    %mul3A_171 = arith.mulf %mul3A_170, %dot_general3A_168 : vector<128x128xf32>
    %slice3A_172 = vector.extract_strided_slice %broadcast_in_dim3A_83 {offsets = [0, 384], sizes = [1, 128], strides = [1, 1]} : vector<1x8192xf32> to vector<1x128xf32>
    %neg3A_173 = arith.constant 0.000000e+00 : f32
    %neg3A_174 = vector.broadcast %neg3A_173 : f32 to vector<1x128xf32>
    %neg3A_175 = arith.subf %neg3A_174, %slice3A_172 : vector<1x128xf32>
    %sub3A_176 = vector.broadcast %neg3A_175 : vector<1x128xf32> to vector<128x128xf32>
    %sub3A_177 = arith.subf %sub3A_176, %mul3A_171 : vector<128x128xf32>
    %broadcast_in_dim3A_178 = vector.shape_cast %reduce_sum3A_86 : vector<128xf32> to vector<128x1xf32>
    %sub3A_179 = vector.broadcast %broadcast_in_dim3A_178 : vector<128x1xf32> to vector<128x128xf32>
    %sub3A_180 = arith.subf %sub3A_177, %sub3A_179 : vector<128x128xf32>
    %reduce_max3A_181 = arith.constant dense<0xFF800000> : vector<128xf32>
    %reduce_max3A_182 = vector.multi_reduction <maximumf>, %sub3A_180, %reduce_max3A_181 [1] : vector<128x128xf32> to vector<128xf32>
    %broadcast_in_dim3A_183 = vector.shape_cast %reduce_max3A_182 : vector<128xf32> to vector<128x1xf32>
    %eq3A_184 = arith.constant 3 : i32
    %eq3A_185 = vector.broadcast %eq3A_184 : i32 to vector<1x64xi32>
    %eq3A_186 = arith.cmpi eq, %iota3A_87, %eq3A_185 : vector<1x64xi32>
    %convert_element_type3A_187 = arith.extui %eq3A_186 : vector<1x64xi1> to vector<1x64xi32>
    %convert_element_type3A_188 = arith.sitofp %convert_element_type3A_187 : vector<1x64xi32> to vector<1x64xf32>
    %mul3A_189 = vector.broadcast %broadcast_in_dim3A_183 : vector<128x1xf32> to vector<128x64xf32>
    %mul3A_190 = vector.broadcast %convert_element_type3A_188 : vector<1x64xf32> to vector<128x64xf32>
    %mul3A_191 = arith.mulf %mul3A_189, %mul3A_190 : vector<128x64xf32>
    %add3A_192 = arith.addf %add3A_165, %mul3A_191 : vector<128x64xf32>
    %slice3A_193 = vector.extract_strided_slice %slice3A {offsets = [0, 512], sizes = [3, 128], strides = [1, 1]} : vector<3x8192xf32> to vector<3x128xf32>
    %dot_general3A_194 = arith.constant dense<0.000000e+00> : vector<128x128xf32>
    %dot_general3A_195 = tpu.matmul %stack3A_79, %slice3A_193, %dot_general3A_194 {dimension_numbers = #tpu.dot_dimension_numbers<[1], [0], [0], [1], [0, 0, 1, 1], [], []>, transpose_lhs_hint = false} : vector<128x3xf32>, vector<3x128xf32>, vector<128x128xf32> -> vector<128x128xf32>
    %mul3A_196 = arith.constant -2.000000e+00 : f32
    %mul3A_197 = vector.broadcast %mul3A_196 : f32 to vector<128x128xf32>
    %mul3A_198 = arith.mulf %mul3A_197, %dot_general3A_195 : vector<128x128xf32>
    %slice3A_199 = vector.extract_strided_slice %broadcast_in_dim3A_83 {offsets = [0, 512], sizes = [1, 128], strides = [1, 1]} : vector<1x8192xf32> to vector<1x128xf32>
    %neg3A_200 = arith.constant 0.000000e+00 : f32
    %neg3A_201 = vector.broadcast %neg3A_200 : f32 to vector<1x128xf32>
    %neg3A_202 = arith.subf %neg3A_201, %slice3A_199 : vector<1x128xf32>
    %sub3A_203 = vector.broadcast %neg3A_202 : vector<1x128xf32> to vector<128x128xf32>
    %sub3A_204 = arith.subf %sub3A_203, %mul3A_198 : vector<128x128xf32>
    %broadcast_in_dim3A_205 = vector.shape_cast %reduce_sum3A_86 : vector<128xf32> to vector<128x1xf32>
    %sub3A_206 = vector.broadcast %broadcast_in_dim3A_205 : vector<128x1xf32> to vector<128x128xf32>
    %sub3A_207 = arith.subf %sub3A_204, %sub3A_206 : vector<128x128xf32>
    %reduce_max3A_208 = arith.constant dense<0xFF800000> : vector<128xf32>
    %reduce_max3A_209 = vector.multi_reduction <maximumf>, %sub3A_207, %reduce_max3A_208 [1] : vector<128x128xf32> to vector<128xf32>
    %broadcast_in_dim3A_210 = vector.shape_cast %reduce_max3A_209 : vector<128xf32> to vector<128x1xf32>
    %eq3A_211 = arith.constant 4 : i32
    %eq3A_212 = vector.broadcast %eq3A_211 : i32 to vector<1x64xi32>
    %eq3A_213 = arith.cmpi eq, %iota3A_87, %eq3A_212 : vector<1x64xi32>
    %convert_element_type3A_214 = arith.extui %eq3A_213 : vector<1x64xi1> to vector<1x64xi32>
    %convert_element_type3A_215 = arith.sitofp %convert_element_type3A_214 : vector<1x64xi32> to vector<1x64xf32>
    %mul3A_216 = vector.broadcast %broadcast_in_dim3A_210 : vector<128x1xf32> to vector<128x64xf32>
    %mul3A_217 = vector.broadcast %convert_element_type3A_215 : vector<1x64xf32> to vector<128x64xf32>
    %mul3A_218 = arith.mulf %mul3A_216, %mul3A_217 : vector<128x64xf32>
    %add3A_219 = arith.addf %add3A_192, %mul3A_218 : vector<128x64xf32>
    %slice3A_220 = vector.extract_strided_slice %slice3A {offsets = [0, 640], sizes = [3, 128], strides = [1, 1]} : vector<3x8192xf32> to vector<3x128xf32>
    %dot_general3A_221 = arith.constant dense<0.000000e+00> : vector<128x128xf32>
    %dot_general3A_222 = tpu.matmul %stack3A_79, %slice3A_220, %dot_general3A_221 {dimension_numbers = #tpu.dot_dimension_numbers<[1], [0], [0], [1], [0, 0, 1, 1], [], []>, transpose_lhs_hint = false} : vector<128x3xf32>, vector<3x128xf32>, vector<128x128xf32> -> vector<128x128xf32>
    %mul3A_223 = arith.constant -2.000000e+00 : f32
    %mul3A_224 = vector.broadcast %mul3A_223 : f32 to vector<128x128xf32>
    %mul3A_225 = arith.mulf %mul3A_224, %dot_general3A_222 : vector<128x128xf32>
    %slice3A_226 = vector.extract_strided_slice %broadcast_in_dim3A_83 {offsets = [0, 640], sizes = [1, 128], strides = [1, 1]} : vector<1x8192xf32> to vector<1x128xf32>
    %neg3A_227 = arith.constant 0.000000e+00 : f32
    %neg3A_228 = vector.broadcast %neg3A_227 : f32 to vector<1x128xf32>
    %neg3A_229 = arith.subf %neg3A_228, %slice3A_226 : vector<1x128xf32>
    %sub3A_230 = vector.broadcast %neg3A_229 : vector<1x128xf32> to vector<128x128xf32>
    %sub3A_231 = arith.subf %sub3A_230, %mul3A_225 : vector<128x128xf32>
    %broadcast_in_dim3A_232 = vector.shape_cast %reduce_sum3A_86 : vector<128xf32> to vector<128x1xf32>
    %sub3A_233 = vector.broadcast %broadcast_in_dim3A_232 : vector<128x1xf32> to vector<128x128xf32>
    %sub3A_234 = arith.subf %sub3A_231, %sub3A_233 : vector<128x128xf32>
    %reduce_max3A_235 = arith.constant dense<0xFF800000> : vector<128xf32>
    %reduce_max3A_236 = vector.multi_reduction <maximumf>, %sub3A_234, %reduce_max3A_235 [1] : vector<128x128xf32> to vector<128xf32>
    %broadcast_in_dim3A_237 = vector.shape_cast %reduce_max3A_236 : vector<128xf32> to vector<128x1xf32>
    %eq3A_238 = arith.constant 5 : i32
    %eq3A_239 = vector.broadcast %eq3A_238 : i32 to vector<1x64xi32>
    %eq3A_240 = arith.cmpi eq, %iota3A_87, %eq3A_239 : vector<1x64xi32>
    %convert_element_type3A_241 = arith.extui %eq3A_240 : vector<1x64xi1> to vector<1x64xi32>
    %convert_element_type3A_242 = arith.sitofp %convert_element_type3A_241 : vector<1x64xi32> to vector<1x64xf32>
    %mul3A_243 = vector.broadcast %broadcast_in_dim3A_237 : vector<128x1xf32> to vector<128x64xf32>
    %mul3A_244 = vector.broadcast %convert_element_type3A_242 : vector<1x64xf32> to vector<128x64xf32>
    %mul3A_245 = arith.mulf %mul3A_243, %mul3A_244 : vector<128x64xf32>
    %add3A_246 = arith.addf %add3A_219, %mul3A_245 : vector<128x64xf32>
    %slice3A_247 = vector.extract_strided_slice %slice3A {offsets = [0, 768], sizes = [3, 128], strides = [1, 1]} : vector<3x8192xf32> to vector<3x128xf32>
    %dot_general3A_248 = arith.constant dense<0.000000e+00> : vector<128x128xf32>
    %dot_general3A_249 = tpu.matmul %stack3A_79, %slice3A_247, %dot_general3A_248 {dimension_numbers = #tpu.dot_dimension_numbers<[1], [0], [0], [1], [0, 0, 1, 1], [], []>, transpose_lhs_hint = false} : vector<128x3xf32>, vector<3x128xf32>, vector<128x128xf32> -> vector<128x128xf32>
    %mul3A_250 = arith.constant -2.000000e+00 : f32
    %mul3A_251 = vector.broadcast %mul3A_250 : f32 to vector<128x128xf32>
    %mul3A_252 = arith.mulf %mul3A_251, %dot_general3A_249 : vector<128x128xf32>
    %slice3A_253 = vector.extract_strided_slice %broadcast_in_dim3A_83 {offsets = [0, 768], sizes = [1, 128], strides = [1, 1]} : vector<1x8192xf32> to vector<1x128xf32>
    %neg3A_254 = arith.constant 0.000000e+00 : f32
    %neg3A_255 = vector.broadcast %neg3A_254 : f32 to vector<1x128xf32>
    %neg3A_256 = arith.subf %neg3A_255, %slice3A_253 : vector<1x128xf32>
    %sub3A_257 = vector.broadcast %neg3A_256 : vector<1x128xf32> to vector<128x128xf32>
    %sub3A_258 = arith.subf %sub3A_257, %mul3A_252 : vector<128x128xf32>
    %broadcast_in_dim3A_259 = vector.shape_cast %reduce_sum3A_86 : vector<128xf32> to vector<128x1xf32>
    %sub3A_260 = vector.broadcast %broadcast_in_dim3A_259 : vector<128x1xf32> to vector<128x128xf32>
    %sub3A_261 = arith.subf %sub3A_258, %sub3A_260 : vector<128x128xf32>
    %reduce_max3A_262 = arith.constant dense<0xFF800000> : vector<128xf32>
    %reduce_max3A_263 = vector.multi_reduction <maximumf>, %sub3A_261, %reduce_max3A_262 [1] : vector<128x128xf32> to vector<128xf32>
    %broadcast_in_dim3A_264 = vector.shape_cast %reduce_max3A_263 : vector<128xf32> to vector<128x1xf32>
    %eq3A_265 = arith.constant 6 : i32
    %eq3A_266 = vector.broadcast %eq3A_265 : i32 to vector<1x64xi32>
    %eq3A_267 = arith.cmpi eq, %iota3A_87, %eq3A_266 : vector<1x64xi32>
    %convert_element_type3A_268 = arith.extui %eq3A_267 : vector<1x64xi1> to vector<1x64xi32>
    %convert_element_type3A_269 = arith.sitofp %convert_element_type3A_268 : vector<1x64xi32> to vector<1x64xf32>
    %mul3A_270 = vector.broadcast %broadcast_in_dim3A_264 : vector<128x1xf32> to vector<128x64xf32>
    %mul3A_271 = vector.broadcast %convert_element_type3A_269 : vector<1x64xf32> to vector<128x64xf32>
    %mul3A_272 = arith.mulf %mul3A_270, %mul3A_271 : vector<128x64xf32>
    %add3A_273 = arith.addf %add3A_246, %mul3A_272 : vector<128x64xf32>
    %slice3A_274 = vector.extract_strided_slice %slice3A {offsets = [0, 896], sizes = [3, 128], strides = [1, 1]} : vector<3x8192xf32> to vector<3x128xf32>
    %dot_general3A_275 = arith.constant dense<0.000000e+00> : vector<128x128xf32>
    %dot_general3A_276 = tpu.matmul %stack3A_79, %slice3A_274, %dot_general3A_275 {dimension_numbers = #tpu.dot_dimension_numbers<[1], [0], [0], [1], [0, 0, 1, 1], [], []>, transpose_lhs_hint = false} : vector<128x3xf32>, vector<3x128xf32>, vector<128x128xf32> -> vector<128x128xf32>
    %mul3A_277 = arith.constant -2.000000e+00 : f32
    %mul3A_278 = vector.broadcast %mul3A_277 : f32 to vector<128x128xf32>
    %mul3A_279 = arith.mulf %mul3A_278, %dot_general3A_276 : vector<128x128xf32>
    %slice3A_280 = vector.extract_strided_slice %broadcast_in_dim3A_83 {offsets = [0, 896], sizes = [1, 128], strides = [1, 1]} : vector<1x8192xf32> to vector<1x128xf32>
    %neg3A_281 = arith.constant 0.000000e+00 : f32
    %neg3A_282 = vector.broadcast %neg3A_281 : f32 to vector<1x128xf32>
    %neg3A_283 = arith.subf %neg3A_282, %slice3A_280 : vector<1x128xf32>
    %sub3A_284 = vector.broadcast %neg3A_283 : vector<1x128xf32> to vector<128x128xf32>
    %sub3A_285 = arith.subf %sub3A_284, %mul3A_279 : vector<128x128xf32>
    %broadcast_in_dim3A_286 = vector.shape_cast %reduce_sum3A_86 : vector<128xf32> to vector<128x1xf32>
    %sub3A_287 = vector.broadcast %broadcast_in_dim3A_286 : vector<128x1xf32> to vector<128x128xf32>
    %sub3A_288 = arith.subf %sub3A_285, %sub3A_287 : vector<128x128xf32>
    %reduce_max3A_289 = arith.constant dense<0xFF800000> : vector<128xf32>
    %reduce_max3A_290 = vector.multi_reduction <maximumf>, %sub3A_288, %reduce_max3A_289 [1] : vector<128x128xf32> to vector<128xf32>
    %broadcast_in_dim3A_291 = vector.shape_cast %reduce_max3A_290 : vector<128xf32> to vector<128x1xf32>
    %eq3A_292 = arith.constant 7 : i32
    %eq3A_293 = vector.broadcast %eq3A_292 : i32 to vector<1x64xi32>
    %eq3A_294 = arith.cmpi eq, %iota3A_87, %eq3A_293 : vector<1x64xi32>
    %convert_element_type3A_295 = arith.extui %eq3A_294 : vector<1x64xi1> to vector<1x64xi32>
    %convert_element_type3A_296 = arith.sitofp %convert_element_type3A_295 : vector<1x64xi32> to vector<1x64xf32>
    %mul3A_297 = vector.broadcast %broadcast_in_dim3A_291 : vector<128x1xf32> to vector<128x64xf32>
    %mul3A_298 = vector.broadcast %convert_element_type3A_296 : vector<1x64xf32> to vector<128x64xf32>
    %mul3A_299 = arith.mulf %mul3A_297, %mul3A_298 : vector<128x64xf32>
    %add3A_300 = arith.addf %add3A_273, %mul3A_299 : vector<128x64xf32>
    %slice3A_301 = vector.extract_strided_slice %slice3A {offsets = [0, 1024], sizes = [3, 128], strides = [1, 1]} : vector<3x8192xf32> to vector<3x128xf32>
    %dot_general3A_302 = arith.constant dense<0.000000e+00> : vector<128x128xf32>
    %dot_general3A_303 = tpu.matmul %stack3A_79, %slice3A_301, %dot_general3A_302 {dimension_numbers = #tpu.dot_dimension_numbers<[1], [0], [0], [1], [0, 0, 1, 1], [], []>, transpose_lhs_hint = false} : vector<128x3xf32>, vector<3x128xf32>, vector<128x128xf32> -> vector<128x128xf32>
    %mul3A_304 = arith.constant -2.000000e+00 : f32
    %mul3A_305 = vector.broadcast %mul3A_304 : f32 to vector<128x128xf32>
    %mul3A_306 = arith.mulf %mul3A_305, %dot_general3A_303 : vector<128x128xf32>
    %slice3A_307 = vector.extract_strided_slice %broadcast_in_dim3A_83 {offsets = [0, 1024], sizes = [1, 128], strides = [1, 1]} : vector<1x8192xf32> to vector<1x128xf32>
    %neg3A_308 = arith.constant 0.000000e+00 : f32
    %neg3A_309 = vector.broadcast %neg3A_308 : f32 to vector<1x128xf32>
    %neg3A_310 = arith.subf %neg3A_309, %slice3A_307 : vector<1x128xf32>
    %sub3A_311 = vector.broadcast %neg3A_310 : vector<1x128xf32> to vector<128x128xf32>
    %sub3A_312 = arith.subf %sub3A_311, %mul3A_306 : vector<128x128xf32>
    %broadcast_in_dim3A_313 = vector.shape_cast %reduce_sum3A_86 : vector<128xf32> to vector<128x1xf32>
    %sub3A_314 = vector.broadcast %broadcast_in_dim3A_313 : vector<128x1xf32> to vector<128x128xf32>
    %sub3A_315 = arith.subf %sub3A_312, %sub3A_314 : vector<128x128xf32>
    %reduce_max3A_316 = arith.constant dense<0xFF800000> : vector<128xf32>
    %reduce_max3A_317 = vector.multi_reduction <maximumf>, %sub3A_315, %reduce_max3A_316 [1] : vector<128x128xf32> to vector<128xf32>
    %broadcast_in_dim3A_318 = vector.shape_cast %reduce_max3A_317 : vector<128xf32> to vector<128x1xf32>
    %eq3A_319 = arith.constant 8 : i32
    %eq3A_320 = vector.broadcast %eq3A_319 : i32 to vector<1x64xi32>
    %eq3A_321 = arith.cmpi eq, %iota3A_87, %eq3A_320 : vector<1x64xi32>
    %convert_element_type3A_322 = arith.extui %eq3A_321 : vector<1x64xi1> to vector<1x64xi32>
    %convert_element_type3A_323 = arith.sitofp %convert_element_type3A_322 : vector<1x64xi32> to vector<1x64xf32>
    %mul3A_324 = vector.broadcast %broadcast_in_dim3A_318 : vector<128x1xf32> to vector<128x64xf32>
    %mul3A_325 = vector.broadcast %convert_element_type3A_323 : vector<1x64xf32> to vector<128x64xf32>
    %mul3A_326 = arith.mulf %mul3A_324, %mul3A_325 : vector<128x64xf32>
    %add3A_327 = arith.addf %add3A_300, %mul3A_326 : vector<128x64xf32>
    %slice3A_328 = vector.extract_strided_slice %slice3A {offsets = [0, 1152], sizes = [3, 128], strides = [1, 1]} : vector<3x8192xf32> to vector<3x128xf32>
    %dot_general3A_329 = arith.constant dense<0.000000e+00> : vector<128x128xf32>
    %dot_general3A_330 = tpu.matmul %stack3A_79, %slice3A_328, %dot_general3A_329 {dimension_numbers = #tpu.dot_dimension_numbers<[1], [0], [0], [1], [0, 0, 1, 1], [], []>, transpose_lhs_hint = false} : vector<128x3xf32>, vector<3x128xf32>, vector<128x128xf32> -> vector<128x128xf32>
    %mul3A_331 = arith.constant -2.000000e+00 : f32
    %mul3A_332 = vector.broadcast %mul3A_331 : f32 to vector<128x128xf32>
    %mul3A_333 = arith.mulf %mul3A_332, %dot_general3A_330 : vector<128x128xf32>
    %slice3A_334 = vector.extract_strided_slice %broadcast_in_dim3A_83 {offsets = [0, 1152], sizes = [1, 128], strides = [1, 1]} : vector<1x8192xf32> to vector<1x128xf32>
    %neg3A_335 = arith.constant 0.000000e+00 : f32
    %neg3A_336 = vector.broadcast %neg3A_335 : f32 to vector<1x128xf32>
    %neg3A_337 = arith.subf %neg3A_336, %slice3A_334 : vector<1x128xf32>
    %sub3A_338 = vector.broadcast %neg3A_337 : vector<1x128xf32> to vector<128x128xf32>
    %sub3A_339 = arith.subf %sub3A_338, %mul3A_333 : vector<128x128xf32>
    %broadcast_in_dim3A_340 = vector.shape_cast %reduce_sum3A_86 : vector<128xf32> to vector<128x1xf32>
    %sub3A_341 = vector.broadcast %broadcast_in_dim3A_340 : vector<128x1xf32> to vector<128x128xf32>
    %sub3A_342 = arith.subf %sub3A_339, %sub3A_341 : vector<128x128xf32>
    %reduce_max3A_343 = arith.constant dense<0xFF800000> : vector<128xf32>
    %reduce_max3A_344 = vector.multi_reduction <maximumf>, %sub3A_342, %reduce_max3A_343 [1] : vector<128x128xf32> to vector<128xf32>
    %broadcast_in_dim3A_345 = vector.shape_cast %reduce_max3A_344 : vector<128xf32> to vector<128x1xf32>
    %eq3A_346 = arith.constant 9 : i32
    %eq3A_347 = vector.broadcast %eq3A_346 : i32 to vector<1x64xi32>
    %eq3A_348 = arith.cmpi eq, %iota3A_87, %eq3A_347 : vector<1x64xi32>
    %convert_element_type3A_349 = arith.extui %eq3A_348 : vector<1x64xi1> to vector<1x64xi32>
    %convert_element_type3A_350 = arith.sitofp %convert_element_type3A_349 : vector<1x64xi32> to vector<1x64xf32>
    %mul3A_351 = vector.broadcast %broadcast_in_dim3A_345 : vector<128x1xf32> to vector<128x64xf32>
    %mul3A_352 = vector.broadcast %convert_element_type3A_350 : vector<1x64xf32> to vector<128x64xf32>
    %mul3A_353 = arith.mulf %mul3A_351, %mul3A_352 : vector<128x64xf32>
    %add3A_354 = arith.addf %add3A_327, %mul3A_353 : vector<128x64xf32>
    %slice3A_355 = vector.extract_strided_slice %slice3A {offsets = [0, 1280], sizes = [3, 128], strides = [1, 1]} : vector<3x8192xf32> to vector<3x128xf32>
    %dot_general3A_356 = arith.constant dense<0.000000e+00> : vector<128x128xf32>
    %dot_general3A_357 = tpu.matmul %stack3A_79, %slice3A_355, %dot_general3A_356 {dimension_numbers = #tpu.dot_dimension_numbers<[1], [0], [0], [1], [0, 0, 1, 1], [], []>, transpose_lhs_hint = false} : vector<128x3xf32>, vector<3x128xf32>, vector<128x128xf32> -> vector<128x128xf32>
    %mul3A_358 = arith.constant -2.000000e+00 : f32
    %mul3A_359 = vector.broadcast %mul3A_358 : f32 to vector<128x128xf32>
    %mul3A_360 = arith.mulf %mul3A_359, %dot_general3A_357 : vector<128x128xf32>
    %slice3A_361 = vector.extract_strided_slice %broadcast_in_dim3A_83 {offsets = [0, 1280], sizes = [1, 128], strides = [1, 1]} : vector<1x8192xf32> to vector<1x128xf32>
    %neg3A_362 = arith.constant 0.000000e+00 : f32
    %neg3A_363 = vector.broadcast %neg3A_362 : f32 to vector<1x128xf32>
    %neg3A_364 = arith.subf %neg3A_363, %slice3A_361 : vector<1x128xf32>
    %sub3A_365 = vector.broadcast %neg3A_364 : vector<1x128xf32> to vector<128x128xf32>
    %sub3A_366 = arith.subf %sub3A_365, %mul3A_360 : vector<128x128xf32>
    %broadcast_in_dim3A_367 = vector.shape_cast %reduce_sum3A_86 : vector<128xf32> to vector<128x1xf32>
    %sub3A_368 = vector.broadcast %broadcast_in_dim3A_367 : vector<128x1xf32> to vector<128x128xf32>
    %sub3A_369 = arith.subf %sub3A_366, %sub3A_368 : vector<128x128xf32>
    %reduce_max3A_370 = arith.constant dense<0xFF800000> : vector<128xf32>
    %reduce_max3A_371 = vector.multi_reduction <maximumf>, %sub3A_369, %reduce_max3A_370 [1] : vector<128x128xf32> to vector<128xf32>
    %broadcast_in_dim3A_372 = vector.shape_cast %reduce_max3A_371 : vector<128xf32> to vector<128x1xf32>
    %eq3A_373 = arith.constant 10 : i32
    %eq3A_374 = vector.broadcast %eq3A_373 : i32 to vector<1x64xi32>
    %eq3A_375 = arith.cmpi eq, %iota3A_87, %eq3A_374 : vector<1x64xi32>
    %convert_element_type3A_376 = arith.extui %eq3A_375 : vector<1x64xi1> to vector<1x64xi32>
    %convert_element_type3A_377 = arith.sitofp %convert_element_type3A_376 : vector<1x64xi32> to vector<1x64xf32>
    %mul3A_378 = vector.broadcast %broadcast_in_dim3A_372 : vector<128x1xf32> to vector<128x64xf32>
    %mul3A_379 = vector.broadcast %convert_element_type3A_377 : vector<1x64xf32> to vector<128x64xf32>
    %mul3A_380 = arith.mulf %mul3A_378, %mul3A_379 : vector<128x64xf32>
    %add3A_381 = arith.addf %add3A_354, %mul3A_380 : vector<128x64xf32>
    %slice3A_382 = vector.extract_strided_slice %slice3A {offsets = [0, 1408], sizes = [3, 128], strides = [1, 1]} : vector<3x8192xf32> to vector<3x128xf32>
    %dot_general3A_383 = arith.constant dense<0.000000e+00> : vector<128x128xf32>
    %dot_general3A_384 = tpu.matmul %stack3A_79, %slice3A_382, %dot_general3A_383 {dimension_numbers = #tpu.dot_dimension_numbers<[1], [0], [0], [1], [0, 0, 1, 1], [], []>, transpose_lhs_hint = false} : vector<128x3xf32>, vector<3x128xf32>, vector<128x128xf32> -> vector<128x128xf32>
    %mul3A_385 = arith.constant -2.000000e+00 : f32
    %mul3A_386 = vector.broadcast %mul3A_385 : f32 to vector<128x128xf32>
    %mul3A_387 = arith.mulf %mul3A_386, %dot_general3A_384 : vector<128x128xf32>
    %slice3A_388 = vector.extract_strided_slice %broadcast_in_dim3A_83 {offsets = [0, 1408], sizes = [1, 128], strides = [1, 1]} : vector<1x8192xf32> to vector<1x128xf32>
    %neg3A_389 = arith.constant 0.000000e+00 : f32
    %neg3A_390 = vector.broadcast %neg3A_389 : f32 to vector<1x128xf32>
    %neg3A_391 = arith.subf %neg3A_390, %slice3A_388 : vector<1x128xf32>
    %sub3A_392 = vector.broadcast %neg3A_391 : vector<1x128xf32> to vector<128x128xf32>
    %sub3A_393 = arith.subf %sub3A_392, %mul3A_387 : vector<128x128xf32>
    %broadcast_in_dim3A_394 = vector.shape_cast %reduce_sum3A_86 : vector<128xf32> to vector<128x1xf32>
    %sub3A_395 = vector.broadcast %broadcast_in_dim3A_394 : vector<128x1xf32> to vector<128x128xf32>
    %sub3A_396 = arith.subf %sub3A_393, %sub3A_395 : vector<128x128xf32>
    %reduce_max3A_397 = arith.constant dense<0xFF800000> : vector<128xf32>
    %reduce_max3A_398 = vector.multi_reduction <maximumf>, %sub3A_396, %reduce_max3A_397 [1] : vector<128x128xf32> to vector<128xf32>
    %broadcast_in_dim3A_399 = vector.shape_cast %reduce_max3A_398 : vector<128xf32> to vector<128x1xf32>
    %eq3A_400 = arith.constant 11 : i32
    %eq3A_401 = vector.broadcast %eq3A_400 : i32 to vector<1x64xi32>
    %eq3A_402 = arith.cmpi eq, %iota3A_87, %eq3A_401 : vector<1x64xi32>
    %convert_element_type3A_403 = arith.extui %eq3A_402 : vector<1x64xi1> to vector<1x64xi32>
    %convert_element_type3A_404 = arith.sitofp %convert_element_type3A_403 : vector<1x64xi32> to vector<1x64xf32>
    %mul3A_405 = vector.broadcast %broadcast_in_dim3A_399 : vector<128x1xf32> to vector<128x64xf32>
    %mul3A_406 = vector.broadcast %convert_element_type3A_404 : vector<1x64xf32> to vector<128x64xf32>
    %mul3A_407 = arith.mulf %mul3A_405, %mul3A_406 : vector<128x64xf32>
    %add3A_408 = arith.addf %add3A_381, %mul3A_407 : vector<128x64xf32>
    %slice3A_409 = vector.extract_strided_slice %slice3A {offsets = [0, 1536], sizes = [3, 128], strides = [1, 1]} : vector<3x8192xf32> to vector<3x128xf32>
    %dot_general3A_410 = arith.constant dense<0.000000e+00> : vector<128x128xf32>
    %dot_general3A_411 = tpu.matmul %stack3A_79, %slice3A_409, %dot_general3A_410 {dimension_numbers = #tpu.dot_dimension_numbers<[1], [0], [0], [1], [0, 0, 1, 1], [], []>, transpose_lhs_hint = false} : vector<128x3xf32>, vector<3x128xf32>, vector<128x128xf32> -> vector<128x128xf32>
    %mul3A_412 = arith.constant -2.000000e+00 : f32
    %mul3A_413 = vector.broadcast %mul3A_412 : f32 to vector<128x128xf32>
    %mul3A_414 = arith.mulf %mul3A_413, %dot_general3A_411 : vector<128x128xf32>
    %slice3A_415 = vector.extract_strided_slice %broadcast_in_dim3A_83 {offsets = [0, 1536], sizes = [1, 128], strides = [1, 1]} : vector<1x8192xf32> to vector<1x128xf32>
    %neg3A_416 = arith.constant 0.000000e+00 : f32
    %neg3A_417 = vector.broadcast %neg3A_416 : f32 to vector<1x128xf32>
    %neg3A_418 = arith.subf %neg3A_417, %slice3A_415 : vector<1x128xf32>
    %sub3A_419 = vector.broadcast %neg3A_418 : vector<1x128xf32> to vector<128x128xf32>
    %sub3A_420 = arith.subf %sub3A_419, %mul3A_414 : vector<128x128xf32>
    %broadcast_in_dim3A_421 = vector.shape_cast %reduce_sum3A_86 : vector<128xf32> to vector<128x1xf32>
    %sub3A_422 = vector.broadcast %broadcast_in_dim3A_421 : vector<128x1xf32> to vector<128x128xf32>
    %sub3A_423 = arith.subf %sub3A_420, %sub3A_422 : vector<128x128xf32>
    %reduce_max3A_424 = arith.constant dense<0xFF800000> : vector<128xf32>
    %reduce_max3A_425 = vector.multi_reduction <maximumf>, %sub3A_423, %reduce_max3A_424 [1] : vector<128x128xf32> to vector<128xf32>
    %broadcast_in_dim3A_426 = vector.shape_cast %reduce_max3A_425 : vector<128xf32> to vector<128x1xf32>
    %eq3A_427 = arith.constant 12 : i32
    %eq3A_428 = vector.broadcast %eq3A_427 : i32 to vector<1x64xi32>
    %eq3A_429 = arith.cmpi eq, %iota3A_87, %eq3A_428 : vector<1x64xi32>
    %convert_element_type3A_430 = arith.extui %eq3A_429 : vector<1x64xi1> to vector<1x64xi32>
    %convert_element_type3A_431 = arith.sitofp %convert_element_type3A_430 : vector<1x64xi32> to vector<1x64xf32>
    %mul3A_432 = vector.broadcast %broadcast_in_dim3A_426 : vector<128x1xf32> to vector<128x64xf32>
    %mul3A_433 = vector.broadcast %convert_element_type3A_431 : vector<1x64xf32> to vector<128x64xf32>
    %mul3A_434 = arith.mulf %mul3A_432, %mul3A_433 : vector<128x64xf32>
    %add3A_435 = arith.addf %add3A_408, %mul3A_434 : vector<128x64xf32>
    %slice3A_436 = vector.extract_strided_slice %slice3A {offsets = [0, 1664], sizes = [3, 128], strides = [1, 1]} : vector<3x8192xf32> to vector<3x128xf32>
    %dot_general3A_437 = arith.constant dense<0.000000e+00> : vector<128x128xf32>
    %dot_general3A_438 = tpu.matmul %stack3A_79, %slice3A_436, %dot_general3A_437 {dimension_numbers = #tpu.dot_dimension_numbers<[1], [0], [0], [1], [0, 0, 1, 1], [], []>, transpose_lhs_hint = false} : vector<128x3xf32>, vector<3x128xf32>, vector<128x128xf32> -> vector<128x128xf32>
    %mul3A_439 = arith.constant -2.000000e+00 : f32
    %mul3A_440 = vector.broadcast %mul3A_439 : f32 to vector<128x128xf32>
    %mul3A_441 = arith.mulf %mul3A_440, %dot_general3A_438 : vector<128x128xf32>
    %slice3A_442 = vector.extract_strided_slice %broadcast_in_dim3A_83 {offsets = [0, 1664], sizes = [1, 128], strides = [1, 1]} : vector<1x8192xf32> to vector<1x128xf32>
    %neg3A_443 = arith.constant 0.000000e+00 : f32
    %neg3A_444 = vector.broadcast %neg3A_443 : f32 to vector<1x128xf32>
    %neg3A_445 = arith.subf %neg3A_444, %slice3A_442 : vector<1x128xf32>
    %sub3A_446 = vector.broadcast %neg3A_445 : vector<1x128xf32> to vector<128x128xf32>
    %sub3A_447 = arith.subf %sub3A_446, %mul3A_441 : vector<128x128xf32>
    %broadcast_in_dim3A_448 = vector.shape_cast %reduce_sum3A_86 : vector<128xf32> to vector<128x1xf32>
    %sub3A_449 = vector.broadcast %broadcast_in_dim3A_448 : vector<128x1xf32> to vector<128x128xf32>
    %sub3A_450 = arith.subf %sub3A_447, %sub3A_449 : vector<128x128xf32>
    %reduce_max3A_451 = arith.constant dense<0xFF800000> : vector<128xf32>
    %reduce_max3A_452 = vector.multi_reduction <maximumf>, %sub3A_450, %reduce_max3A_451 [1] : vector<128x128xf32> to vector<128xf32>
    %broadcast_in_dim3A_453 = vector.shape_cast %reduce_max3A_452 : vector<128xf32> to vector<128x1xf32>
    %eq3A_454 = arith.constant 13 : i32
    %eq3A_455 = vector.broadcast %eq3A_454 : i32 to vector<1x64xi32>
    %eq3A_456 = arith.cmpi eq, %iota3A_87, %eq3A_455 : vector<1x64xi32>
    %convert_element_type3A_457 = arith.extui %eq3A_456 : vector<1x64xi1> to vector<1x64xi32>
    %convert_element_type3A_458 = arith.sitofp %convert_element_type3A_457 : vector<1x64xi32> to vector<1x64xf32>
    %mul3A_459 = vector.broadcast %broadcast_in_dim3A_453 : vector<128x1xf32> to vector<128x64xf32>
    %mul3A_460 = vector.broadcast %convert_element_type3A_458 : vector<1x64xf32> to vector<128x64xf32>
    %mul3A_461 = arith.mulf %mul3A_459, %mul3A_460 : vector<128x64xf32>
    %add3A_462 = arith.addf %add3A_435, %mul3A_461 : vector<128x64xf32>
    %slice3A_463 = vector.extract_strided_slice %slice3A {offsets = [0, 1792], sizes = [3, 128], strides = [1, 1]} : vector<3x8192xf32> to vector<3x128xf32>
    %dot_general3A_464 = arith.constant dense<0.000000e+00> : vector<128x128xf32>
    %dot_general3A_465 = tpu.matmul %stack3A_79, %slice3A_463, %dot_general3A_464 {dimension_numbers = #tpu.dot_dimension_numbers<[1], [0], [0], [1], [0, 0, 1, 1], [], []>, transpose_lhs_hint = false} : vector<128x3xf32>, vector<3x128xf32>, vector<128x128xf32> -> vector<128x128xf32>
    %mul3A_466 = arith.constant -2.000000e+00 : f32
    %mul3A_467 = vector.broadcast %mul3A_466 : f32 to vector<128x128xf32>
    %mul3A_468 = arith.mulf %mul3A_467, %dot_general3A_465 : vector<128x128xf32>
    %slice3A_469 = vector.extract_strided_slice %broadcast_in_dim3A_83 {offsets = [0, 1792], sizes = [1, 128], strides = [1, 1]} : vector<1x8192xf32> to vector<1x128xf32>
    %neg3A_470 = arith.constant 0.000000e+00 : f32
    %neg3A_471 = vector.broadcast %neg3A_470 : f32 to vector<1x128xf32>
    %neg3A_472 = arith.subf %neg3A_471, %slice3A_469 : vector<1x128xf32>
    %sub3A_473 = vector.broadcast %neg3A_472 : vector<1x128xf32> to vector<128x128xf32>
    %sub3A_474 = arith.subf %sub3A_473, %mul3A_468 : vector<128x128xf32>
    %broadcast_in_dim3A_475 = vector.shape_cast %reduce_sum3A_86 : vector<128xf32> to vector<128x1xf32>
    %sub3A_476 = vector.broadcast %broadcast_in_dim3A_475 : vector<128x1xf32> to vector<128x128xf32>
    %sub3A_477 = arith.subf %sub3A_474, %sub3A_476 : vector<128x128xf32>
    %reduce_max3A_478 = arith.constant dense<0xFF800000> : vector<128xf32>
    %reduce_max3A_479 = vector.multi_reduction <maximumf>, %sub3A_477, %reduce_max3A_478 [1] : vector<128x128xf32> to vector<128xf32>
    %broadcast_in_dim3A_480 = vector.shape_cast %reduce_max3A_479 : vector<128xf32> to vector<128x1xf32>
    %eq3A_481 = arith.constant 14 : i32
    %eq3A_482 = vector.broadcast %eq3A_481 : i32 to vector<1x64xi32>
    %eq3A_483 = arith.cmpi eq, %iota3A_87, %eq3A_482 : vector<1x64xi32>
    %convert_element_type3A_484 = arith.extui %eq3A_483 : vector<1x64xi1> to vector<1x64xi32>
    %convert_element_type3A_485 = arith.sitofp %convert_element_type3A_484 : vector<1x64xi32> to vector<1x64xf32>
    %mul3A_486 = vector.broadcast %broadcast_in_dim3A_480 : vector<128x1xf32> to vector<128x64xf32>
    %mul3A_487 = vector.broadcast %convert_element_type3A_485 : vector<1x64xf32> to vector<128x64xf32>
    %mul3A_488 = arith.mulf %mul3A_486, %mul3A_487 : vector<128x64xf32>
    %add3A_489 = arith.addf %add3A_462, %mul3A_488 : vector<128x64xf32>
    %slice3A_490 = vector.extract_strided_slice %slice3A {offsets = [0, 1920], sizes = [3, 128], strides = [1, 1]} : vector<3x8192xf32> to vector<3x128xf32>
    %dot_general3A_491 = arith.constant dense<0.000000e+00> : vector<128x128xf32>
    %dot_general3A_492 = tpu.matmul %stack3A_79, %slice3A_490, %dot_general3A_491 {dimension_numbers = #tpu.dot_dimension_numbers<[1], [0], [0], [1], [0, 0, 1, 1], [], []>, transpose_lhs_hint = false} : vector<128x3xf32>, vector<3x128xf32>, vector<128x128xf32> -> vector<128x128xf32>
    %mul3A_493 = arith.constant -2.000000e+00 : f32
    %mul3A_494 = vector.broadcast %mul3A_493 : f32 to vector<128x128xf32>
    %mul3A_495 = arith.mulf %mul3A_494, %dot_general3A_492 : vector<128x128xf32>
    %slice3A_496 = vector.extract_strided_slice %broadcast_in_dim3A_83 {offsets = [0, 1920], sizes = [1, 128], strides = [1, 1]} : vector<1x8192xf32> to vector<1x128xf32>
    %neg3A_497 = arith.constant 0.000000e+00 : f32
    %neg3A_498 = vector.broadcast %neg3A_497 : f32 to vector<1x128xf32>
    %neg3A_499 = arith.subf %neg3A_498, %slice3A_496 : vector<1x128xf32>
    %sub3A_500 = vector.broadcast %neg3A_499 : vector<1x128xf32> to vector<128x128xf32>
    %sub3A_501 = arith.subf %sub3A_500, %mul3A_495 : vector<128x128xf32>
    %broadcast_in_dim3A_502 = vector.shape_cast %reduce_sum3A_86 : vector<128xf32> to vector<128x1xf32>
    %sub3A_503 = vector.broadcast %broadcast_in_dim3A_502 : vector<128x1xf32> to vector<128x128xf32>
    %sub3A_504 = arith.subf %sub3A_501, %sub3A_503 : vector<128x128xf32>
    %reduce_max3A_505 = arith.constant dense<0xFF800000> : vector<128xf32>
    %reduce_max3A_506 = vector.multi_reduction <maximumf>, %sub3A_504, %reduce_max3A_505 [1] : vector<128x128xf32> to vector<128xf32>
    %broadcast_in_dim3A_507 = vector.shape_cast %reduce_max3A_506 : vector<128xf32> to vector<128x1xf32>
    %eq3A_508 = arith.constant 15 : i32
    %eq3A_509 = vector.broadcast %eq3A_508 : i32 to vector<1x64xi32>
    %eq3A_510 = arith.cmpi eq, %iota3A_87, %eq3A_509 : vector<1x64xi32>
    %convert_element_type3A_511 = arith.extui %eq3A_510 : vector<1x64xi1> to vector<1x64xi32>
    %convert_element_type3A_512 = arith.sitofp %convert_element_type3A_511 : vector<1x64xi32> to vector<1x64xf32>
    %mul3A_513 = vector.broadcast %broadcast_in_dim3A_507 : vector<128x1xf32> to vector<128x64xf32>
    %mul3A_514 = vector.broadcast %convert_element_type3A_512 : vector<1x64xf32> to vector<128x64xf32>
    %mul3A_515 = arith.mulf %mul3A_513, %mul3A_514 : vector<128x64xf32>
    %add3A_516 = arith.addf %add3A_489, %mul3A_515 : vector<128x64xf32>
    %slice3A_517 = vector.extract_strided_slice %slice3A {offsets = [0, 2048], sizes = [3, 128], strides = [1, 1]} : vector<3x8192xf32> to vector<3x128xf32>
    %dot_general3A_518 = arith.constant dense<0.000000e+00> : vector<128x128xf32>
    %dot_general3A_519 = tpu.matmul %stack3A_79, %slice3A_517, %dot_general3A_518 {dimension_numbers = #tpu.dot_dimension_numbers<[1], [0], [0], [1], [0, 0, 1, 1], [], []>, transpose_lhs_hint = false} : vector<128x3xf32>, vector<3x128xf32>, vector<128x128xf32> -> vector<128x128xf32>
    %mul3A_520 = arith.constant -2.000000e+00 : f32
    %mul3A_521 = vector.broadcast %mul3A_520 : f32 to vector<128x128xf32>
    %mul3A_522 = arith.mulf %mul3A_521, %dot_general3A_519 : vector<128x128xf32>
    %slice3A_523 = vector.extract_strided_slice %broadcast_in_dim3A_83 {offsets = [0, 2048], sizes = [1, 128], strides = [1, 1]} : vector<1x8192xf32> to vector<1x128xf32>
    %neg3A_524 = arith.constant 0.000000e+00 : f32
    %neg3A_525 = vector.broadcast %neg3A_524 : f32 to vector<1x128xf32>
    %neg3A_526 = arith.subf %neg3A_525, %slice3A_523 : vector<1x128xf32>
    %sub3A_527 = vector.broadcast %neg3A_526 : vector<1x128xf32> to vector<128x128xf32>
    %sub3A_528 = arith.subf %sub3A_527, %mul3A_522 : vector<128x128xf32>
    %broadcast_in_dim3A_529 = vector.shape_cast %reduce_sum3A_86 : vector<128xf32> to vector<128x1xf32>
    %sub3A_530 = vector.broadcast %broadcast_in_dim3A_529 : vector<128x1xf32> to vector<128x128xf32>
    %sub3A_531 = arith.subf %sub3A_528, %sub3A_530 : vector<128x128xf32>
    %reduce_max3A_532 = arith.constant dense<0xFF800000> : vector<128xf32>
    %reduce_max3A_533 = vector.multi_reduction <maximumf>, %sub3A_531, %reduce_max3A_532 [1] : vector<128x128xf32> to vector<128xf32>
    %broadcast_in_dim3A_534 = vector.shape_cast %reduce_max3A_533 : vector<128xf32> to vector<128x1xf32>
    %eq3A_535 = arith.constant 16 : i32
    %eq3A_536 = vector.broadcast %eq3A_535 : i32 to vector<1x64xi32>
    %eq3A_537 = arith.cmpi eq, %iota3A_87, %eq3A_536 : vector<1x64xi32>
    %convert_element_type3A_538 = arith.extui %eq3A_537 : vector<1x64xi1> to vector<1x64xi32>
    %convert_element_type3A_539 = arith.sitofp %convert_element_type3A_538 : vector<1x64xi32> to vector<1x64xf32>
    %mul3A_540 = vector.broadcast %broadcast_in_dim3A_534 : vector<128x1xf32> to vector<128x64xf32>
    %mul3A_541 = vector.broadcast %convert_element_type3A_539 : vector<1x64xf32> to vector<128x64xf32>
    %mul3A_542 = arith.mulf %mul3A_540, %mul3A_541 : vector<128x64xf32>
    %add3A_543 = arith.addf %add3A_516, %mul3A_542 : vector<128x64xf32>
    %slice3A_544 = vector.extract_strided_slice %slice3A {offsets = [0, 2176], sizes = [3, 128], strides = [1, 1]} : vector<3x8192xf32> to vector<3x128xf32>
    %dot_general3A_545 = arith.constant dense<0.000000e+00> : vector<128x128xf32>
    %dot_general3A_546 = tpu.matmul %stack3A_79, %slice3A_544, %dot_general3A_545 {dimension_numbers = #tpu.dot_dimension_numbers<[1], [0], [0], [1], [0, 0, 1, 1], [], []>, transpose_lhs_hint = false} : vector<128x3xf32>, vector<3x128xf32>, vector<128x128xf32> -> vector<128x128xf32>
    %mul3A_547 = arith.constant -2.000000e+00 : f32
    %mul3A_548 = vector.broadcast %mul3A_547 : f32 to vector<128x128xf32>
    %mul3A_549 = arith.mulf %mul3A_548, %dot_general3A_546 : vector<128x128xf32>
    %slice3A_550 = vector.extract_strided_slice %broadcast_in_dim3A_83 {offsets = [0, 2176], sizes = [1, 128], strides = [1, 1]} : vector<1x8192xf32> to vector<1x128xf32>
    %neg3A_551 = arith.constant 0.000000e+00 : f32
    %neg3A_552 = vector.broadcast %neg3A_551 : f32 to vector<1x128xf32>
    %neg3A_553 = arith.subf %neg3A_552, %slice3A_550 : vector<1x128xf32>
    %sub3A_554 = vector.broadcast %neg3A_553 : vector<1x128xf32> to vector<128x128xf32>
    %sub3A_555 = arith.subf %sub3A_554, %mul3A_549 : vector<128x128xf32>
    %broadcast_in_dim3A_556 = vector.shape_cast %reduce_sum3A_86 : vector<128xf32> to vector<128x1xf32>
    %sub3A_557 = vector.broadcast %broadcast_in_dim3A_556 : vector<128x1xf32> to vector<128x128xf32>
    %sub3A_558 = arith.subf %sub3A_555, %sub3A_557 : vector<128x128xf32>
    %reduce_max3A_559 = arith.constant dense<0xFF800000> : vector<128xf32>
    %reduce_max3A_560 = vector.multi_reduction <maximumf>, %sub3A_558, %reduce_max3A_559 [1] : vector<128x128xf32> to vector<128xf32>
    %broadcast_in_dim3A_561 = vector.shape_cast %reduce_max3A_560 : vector<128xf32> to vector<128x1xf32>
    %eq3A_562 = arith.constant 17 : i32
    %eq3A_563 = vector.broadcast %eq3A_562 : i32 to vector<1x64xi32>
    %eq3A_564 = arith.cmpi eq, %iota3A_87, %eq3A_563 : vector<1x64xi32>
    %convert_element_type3A_565 = arith.extui %eq3A_564 : vector<1x64xi1> to vector<1x64xi32>
    %convert_element_type3A_566 = arith.sitofp %convert_element_type3A_565 : vector<1x64xi32> to vector<1x64xf32>
    %mul3A_567 = vector.broadcast %broadcast_in_dim3A_561 : vector<128x1xf32> to vector<128x64xf32>
    %mul3A_568 = vector.broadcast %convert_element_type3A_566 : vector<1x64xf32> to vector<128x64xf32>
    %mul3A_569 = arith.mulf %mul3A_567, %mul3A_568 : vector<128x64xf32>
    %add3A_570 = arith.addf %add3A_543, %mul3A_569 : vector<128x64xf32>
    %slice3A_571 = vector.extract_strided_slice %slice3A {offsets = [0, 2304], sizes = [3, 128], strides = [1, 1]} : vector<3x8192xf32> to vector<3x128xf32>
    %dot_general3A_572 = arith.constant dense<0.000000e+00> : vector<128x128xf32>
    %dot_general3A_573 = tpu.matmul %stack3A_79, %slice3A_571, %dot_general3A_572 {dimension_numbers = #tpu.dot_dimension_numbers<[1], [0], [0], [1], [0, 0, 1, 1], [], []>, transpose_lhs_hint = false} : vector<128x3xf32>, vector<3x128xf32>, vector<128x128xf32> -> vector<128x128xf32>
    %mul3A_574 = arith.constant -2.000000e+00 : f32
    %mul3A_575 = vector.broadcast %mul3A_574 : f32 to vector<128x128xf32>
    %mul3A_576 = arith.mulf %mul3A_575, %dot_general3A_573 : vector<128x128xf32>
    %slice3A_577 = vector.extract_strided_slice %broadcast_in_dim3A_83 {offsets = [0, 2304], sizes = [1, 128], strides = [1, 1]} : vector<1x8192xf32> to vector<1x128xf32>
    %neg3A_578 = arith.constant 0.000000e+00 : f32
    %neg3A_579 = vector.broadcast %neg3A_578 : f32 to vector<1x128xf32>
    %neg3A_580 = arith.subf %neg3A_579, %slice3A_577 : vector<1x128xf32>
    %sub3A_581 = vector.broadcast %neg3A_580 : vector<1x128xf32> to vector<128x128xf32>
    %sub3A_582 = arith.subf %sub3A_581, %mul3A_576 : vector<128x128xf32>
    %broadcast_in_dim3A_583 = vector.shape_cast %reduce_sum3A_86 : vector<128xf32> to vector<128x1xf32>
    %sub3A_584 = vector.broadcast %broadcast_in_dim3A_583 : vector<128x1xf32> to vector<128x128xf32>
    %sub3A_585 = arith.subf %sub3A_582, %sub3A_584 : vector<128x128xf32>
    %reduce_max3A_586 = arith.constant dense<0xFF800000> : vector<128xf32>
    %reduce_max3A_587 = vector.multi_reduction <maximumf>, %sub3A_585, %reduce_max3A_586 [1] : vector<128x128xf32> to vector<128xf32>
    %broadcast_in_dim3A_588 = vector.shape_cast %reduce_max3A_587 : vector<128xf32> to vector<128x1xf32>
    %eq3A_589 = arith.constant 18 : i32
    %eq3A_590 = vector.broadcast %eq3A_589 : i32 to vector<1x64xi32>
    %eq3A_591 = arith.cmpi eq, %iota3A_87, %eq3A_590 : vector<1x64xi32>
    %convert_element_type3A_592 = arith.extui %eq3A_591 : vector<1x64xi1> to vector<1x64xi32>
    %convert_element_type3A_593 = arith.sitofp %convert_element_type3A_592 : vector<1x64xi32> to vector<1x64xf32>
    %mul3A_594 = vector.broadcast %broadcast_in_dim3A_588 : vector<128x1xf32> to vector<128x64xf32>
    %mul3A_595 = vector.broadcast %convert_element_type3A_593 : vector<1x64xf32> to vector<128x64xf32>
    %mul3A_596 = arith.mulf %mul3A_594, %mul3A_595 : vector<128x64xf32>
    %add3A_597 = arith.addf %add3A_570, %mul3A_596 : vector<128x64xf32>
    %slice3A_598 = vector.extract_strided_slice %slice3A {offsets = [0, 2432], sizes = [3, 128], strides = [1, 1]} : vector<3x8192xf32> to vector<3x128xf32>
    %dot_general3A_599 = arith.constant dense<0.000000e+00> : vector<128x128xf32>
    %dot_general3A_600 = tpu.matmul %stack3A_79, %slice3A_598, %dot_general3A_599 {dimension_numbers = #tpu.dot_dimension_numbers<[1], [0], [0], [1], [0, 0, 1, 1], [], []>, transpose_lhs_hint = false} : vector<128x3xf32>, vector<3x128xf32>, vector<128x128xf32> -> vector<128x128xf32>
    %mul3A_601 = arith.constant -2.000000e+00 : f32
    %mul3A_602 = vector.broadcast %mul3A_601 : f32 to vector<128x128xf32>
    %mul3A_603 = arith.mulf %mul3A_602, %dot_general3A_600 : vector<128x128xf32>
    %slice3A_604 = vector.extract_strided_slice %broadcast_in_dim3A_83 {offsets = [0, 2432], sizes = [1, 128], strides = [1, 1]} : vector<1x8192xf32> to vector<1x128xf32>
    %neg3A_605 = arith.constant 0.000000e+00 : f32
    %neg3A_606 = vector.broadcast %neg3A_605 : f32 to vector<1x128xf32>
    %neg3A_607 = arith.subf %neg3A_606, %slice3A_604 : vector<1x128xf32>
    %sub3A_608 = vector.broadcast %neg3A_607 : vector<1x128xf32> to vector<128x128xf32>
    %sub3A_609 = arith.subf %sub3A_608, %mul3A_603 : vector<128x128xf32>
    %broadcast_in_dim3A_610 = vector.shape_cast %reduce_sum3A_86 : vector<128xf32> to vector<128x1xf32>
    %sub3A_611 = vector.broadcast %broadcast_in_dim3A_610 : vector<128x1xf32> to vector<128x128xf32>
    %sub3A_612 = arith.subf %sub3A_609, %sub3A_611 : vector<128x128xf32>
    %reduce_max3A_613 = arith.constant dense<0xFF800000> : vector<128xf32>
    %reduce_max3A_614 = vector.multi_reduction <maximumf>, %sub3A_612, %reduce_max3A_613 [1] : vector<128x128xf32> to vector<128xf32>
    %broadcast_in_dim3A_615 = vector.shape_cast %reduce_max3A_614 : vector<128xf32> to vector<128x1xf32>
    %eq3A_616 = arith.constant 19 : i32
    %eq3A_617 = vector.broadcast %eq3A_616 : i32 to vector<1x64xi32>
    %eq3A_618 = arith.cmpi eq, %iota3A_87, %eq3A_617 : vector<1x64xi32>
    %convert_element_type3A_619 = arith.extui %eq3A_618 : vector<1x64xi1> to vector<1x64xi32>
    %convert_element_type3A_620 = arith.sitofp %convert_element_type3A_619 : vector<1x64xi32> to vector<1x64xf32>
    %mul3A_621 = vector.broadcast %broadcast_in_dim3A_615 : vector<128x1xf32> to vector<128x64xf32>
    %mul3A_622 = vector.broadcast %convert_element_type3A_620 : vector<1x64xf32> to vector<128x64xf32>
    %mul3A_623 = arith.mulf %mul3A_621, %mul3A_622 : vector<128x64xf32>
    %add3A_624 = arith.addf %add3A_597, %mul3A_623 : vector<128x64xf32>
    %slice3A_625 = vector.extract_strided_slice %slice3A {offsets = [0, 2560], sizes = [3, 128], strides = [1, 1]} : vector<3x8192xf32> to vector<3x128xf32>
    %dot_general3A_626 = arith.constant dense<0.000000e+00> : vector<128x128xf32>
    %dot_general3A_627 = tpu.matmul %stack3A_79, %slice3A_625, %dot_general3A_626 {dimension_numbers = #tpu.dot_dimension_numbers<[1], [0], [0], [1], [0, 0, 1, 1], [], []>, transpose_lhs_hint = false} : vector<128x3xf32>, vector<3x128xf32>, vector<128x128xf32> -> vector<128x128xf32>
    %mul3A_628 = arith.constant -2.000000e+00 : f32
    %mul3A_629 = vector.broadcast %mul3A_628 : f32 to vector<128x128xf32>
    %mul3A_630 = arith.mulf %mul3A_629, %dot_general3A_627 : vector<128x128xf32>
    %slice3A_631 = vector.extract_strided_slice %broadcast_in_dim3A_83 {offsets = [0, 2560], sizes = [1, 128], strides = [1, 1]} : vector<1x8192xf32> to vector<1x128xf32>
    %neg3A_632 = arith.constant 0.000000e+00 : f32
    %neg3A_633 = vector.broadcast %neg3A_632 : f32 to vector<1x128xf32>
    %neg3A_634 = arith.subf %neg3A_633, %slice3A_631 : vector<1x128xf32>
    %sub3A_635 = vector.broadcast %neg3A_634 : vector<1x128xf32> to vector<128x128xf32>
    %sub3A_636 = arith.subf %sub3A_635, %mul3A_630 : vector<128x128xf32>
    %broadcast_in_dim3A_637 = vector.shape_cast %reduce_sum3A_86 : vector<128xf32> to vector<128x1xf32>
    %sub3A_638 = vector.broadcast %broadcast_in_dim3A_637 : vector<128x1xf32> to vector<128x128xf32>
    %sub3A_639 = arith.subf %sub3A_636, %sub3A_638 : vector<128x128xf32>
    %reduce_max3A_640 = arith.constant dense<0xFF800000> : vector<128xf32>
    %reduce_max3A_641 = vector.multi_reduction <maximumf>, %sub3A_639, %reduce_max3A_640 [1] : vector<128x128xf32> to vector<128xf32>
    %broadcast_in_dim3A_642 = vector.shape_cast %reduce_max3A_641 : vector<128xf32> to vector<128x1xf32>
    %eq3A_643 = arith.constant 20 : i32
    %eq3A_644 = vector.broadcast %eq3A_643 : i32 to vector<1x64xi32>
    %eq3A_645 = arith.cmpi eq, %iota3A_87, %eq3A_644 : vector<1x64xi32>
    %convert_element_type3A_646 = arith.extui %eq3A_645 : vector<1x64xi1> to vector<1x64xi32>
    %convert_element_type3A_647 = arith.sitofp %convert_element_type3A_646 : vector<1x64xi32> to vector<1x64xf32>
    %mul3A_648 = vector.broadcast %broadcast_in_dim3A_642 : vector<128x1xf32> to vector<128x64xf32>
    %mul3A_649 = vector.broadcast %convert_element_type3A_647 : vector<1x64xf32> to vector<128x64xf32>
    %mul3A_650 = arith.mulf %mul3A_648, %mul3A_649 : vector<128x64xf32>
    %add3A_651 = arith.addf %add3A_624, %mul3A_650 : vector<128x64xf32>
    %slice3A_652 = vector.extract_strided_slice %slice3A {offsets = [0, 2688], sizes = [3, 128], strides = [1, 1]} : vector<3x8192xf32> to vector<3x128xf32>
    %dot_general3A_653 = arith.constant dense<0.000000e+00> : vector<128x128xf32>
    %dot_general3A_654 = tpu.matmul %stack3A_79, %slice3A_652, %dot_general3A_653 {dimension_numbers = #tpu.dot_dimension_numbers<[1], [0], [0], [1], [0, 0, 1, 1], [], []>, transpose_lhs_hint = false} : vector<128x3xf32>, vector<3x128xf32>, vector<128x128xf32> -> vector<128x128xf32>
    %mul3A_655 = arith.constant -2.000000e+00 : f32
    %mul3A_656 = vector.broadcast %mul3A_655 : f32 to vector<128x128xf32>
    %mul3A_657 = arith.mulf %mul3A_656, %dot_general3A_654 : vector<128x128xf32>
    %slice3A_658 = vector.extract_strided_slice %broadcast_in_dim3A_83 {offsets = [0, 2688], sizes = [1, 128], strides = [1, 1]} : vector<1x8192xf32> to vector<1x128xf32>
    %neg3A_659 = arith.constant 0.000000e+00 : f32
    %neg3A_660 = vector.broadcast %neg3A_659 : f32 to vector<1x128xf32>
    %neg3A_661 = arith.subf %neg3A_660, %slice3A_658 : vector<1x128xf32>
    %sub3A_662 = vector.broadcast %neg3A_661 : vector<1x128xf32> to vector<128x128xf32>
    %sub3A_663 = arith.subf %sub3A_662, %mul3A_657 : vector<128x128xf32>
    %broadcast_in_dim3A_664 = vector.shape_cast %reduce_sum3A_86 : vector<128xf32> to vector<128x1xf32>
    %sub3A_665 = vector.broadcast %broadcast_in_dim3A_664 : vector<128x1xf32> to vector<128x128xf32>
    %sub3A_666 = arith.subf %sub3A_663, %sub3A_665 : vector<128x128xf32>
    %reduce_max3A_667 = arith.constant dense<0xFF800000> : vector<128xf32>
    %reduce_max3A_668 = vector.multi_reduction <maximumf>, %sub3A_666, %reduce_max3A_667 [1] : vector<128x128xf32> to vector<128xf32>
    %broadcast_in_dim3A_669 = vector.shape_cast %reduce_max3A_668 : vector<128xf32> to vector<128x1xf32>
    %eq3A_670 = arith.constant 21 : i32
    %eq3A_671 = vector.broadcast %eq3A_670 : i32 to vector<1x64xi32>
    %eq3A_672 = arith.cmpi eq, %iota3A_87, %eq3A_671 : vector<1x64xi32>
    %convert_element_type3A_673 = arith.extui %eq3A_672 : vector<1x64xi1> to vector<1x64xi32>
    %convert_element_type3A_674 = arith.sitofp %convert_element_type3A_673 : vector<1x64xi32> to vector<1x64xf32>
    %mul3A_675 = vector.broadcast %broadcast_in_dim3A_669 : vector<128x1xf32> to vector<128x64xf32>
    %mul3A_676 = vector.broadcast %convert_element_type3A_674 : vector<1x64xf32> to vector<128x64xf32>
    %mul3A_677 = arith.mulf %mul3A_675, %mul3A_676 : vector<128x64xf32>
    %add3A_678 = arith.addf %add3A_651, %mul3A_677 : vector<128x64xf32>
    %slice3A_679 = vector.extract_strided_slice %slice3A {offsets = [0, 2816], sizes = [3, 128], strides = [1, 1]} : vector<3x8192xf32> to vector<3x128xf32>
    %dot_general3A_680 = arith.constant dense<0.000000e+00> : vector<128x128xf32>
    %dot_general3A_681 = tpu.matmul %stack3A_79, %slice3A_679, %dot_general3A_680 {dimension_numbers = #tpu.dot_dimension_numbers<[1], [0], [0], [1], [0, 0, 1, 1], [], []>, transpose_lhs_hint = false} : vector<128x3xf32>, vector<3x128xf32>, vector<128x128xf32> -> vector<128x128xf32>
    %mul3A_682 = arith.constant -2.000000e+00 : f32
    %mul3A_683 = vector.broadcast %mul3A_682 : f32 to vector<128x128xf32>
    %mul3A_684 = arith.mulf %mul3A_683, %dot_general3A_681 : vector<128x128xf32>
    %slice3A_685 = vector.extract_strided_slice %broadcast_in_dim3A_83 {offsets = [0, 2816], sizes = [1, 128], strides = [1, 1]} : vector<1x8192xf32> to vector<1x128xf32>
    %neg3A_686 = arith.constant 0.000000e+00 : f32
    %neg3A_687 = vector.broadcast %neg3A_686 : f32 to vector<1x128xf32>
    %neg3A_688 = arith.subf %neg3A_687, %slice3A_685 : vector<1x128xf32>
    %sub3A_689 = vector.broadcast %neg3A_688 : vector<1x128xf32> to vector<128x128xf32>
    %sub3A_690 = arith.subf %sub3A_689, %mul3A_684 : vector<128x128xf32>
    %broadcast_in_dim3A_691 = vector.shape_cast %reduce_sum3A_86 : vector<128xf32> to vector<128x1xf32>
    %sub3A_692 = vector.broadcast %broadcast_in_dim3A_691 : vector<128x1xf32> to vector<128x128xf32>
    %sub3A_693 = arith.subf %sub3A_690, %sub3A_692 : vector<128x128xf32>
    %reduce_max3A_694 = arith.constant dense<0xFF800000> : vector<128xf32>
    %reduce_max3A_695 = vector.multi_reduction <maximumf>, %sub3A_693, %reduce_max3A_694 [1] : vector<128x128xf32> to vector<128xf32>
    %broadcast_in_dim3A_696 = vector.shape_cast %reduce_max3A_695 : vector<128xf32> to vector<128x1xf32>
    %eq3A_697 = arith.constant 22 : i32
    %eq3A_698 = vector.broadcast %eq3A_697 : i32 to vector<1x64xi32>
    %eq3A_699 = arith.cmpi eq, %iota3A_87, %eq3A_698 : vector<1x64xi32>
    %convert_element_type3A_700 = arith.extui %eq3A_699 : vector<1x64xi1> to vector<1x64xi32>
    %convert_element_type3A_701 = arith.sitofp %convert_element_type3A_700 : vector<1x64xi32> to vector<1x64xf32>
    %mul3A_702 = vector.broadcast %broadcast_in_dim3A_696 : vector<128x1xf32> to vector<128x64xf32>
    %mul3A_703 = vector.broadcast %convert_element_type3A_701 : vector<1x64xf32> to vector<128x64xf32>
    %mul3A_704 = arith.mulf %mul3A_702, %mul3A_703 : vector<128x64xf32>
    %add3A_705 = arith.addf %add3A_678, %mul3A_704 : vector<128x64xf32>
    %slice3A_706 = vector.extract_strided_slice %slice3A {offsets = [0, 2944], sizes = [3, 128], strides = [1, 1]} : vector<3x8192xf32> to vector<3x128xf32>
    %dot_general3A_707 = arith.constant dense<0.000000e+00> : vector<128x128xf32>
    %dot_general3A_708 = tpu.matmul %stack3A_79, %slice3A_706, %dot_general3A_707 {dimension_numbers = #tpu.dot_dimension_numbers<[1], [0], [0], [1], [0, 0, 1, 1], [], []>, transpose_lhs_hint = false} : vector<128x3xf32>, vector<3x128xf32>, vector<128x128xf32> -> vector<128x128xf32>
    %mul3A_709 = arith.constant -2.000000e+00 : f32
    %mul3A_710 = vector.broadcast %mul3A_709 : f32 to vector<128x128xf32>
    %mul3A_711 = arith.mulf %mul3A_710, %dot_general3A_708 : vector<128x128xf32>
    %slice3A_712 = vector.extract_strided_slice %broadcast_in_dim3A_83 {offsets = [0, 2944], sizes = [1, 128], strides = [1, 1]} : vector<1x8192xf32> to vector<1x128xf32>
    %neg3A_713 = arith.constant 0.000000e+00 : f32
    %neg3A_714 = vector.broadcast %neg3A_713 : f32 to vector<1x128xf32>
    %neg3A_715 = arith.subf %neg3A_714, %slice3A_712 : vector<1x128xf32>
    %sub3A_716 = vector.broadcast %neg3A_715 : vector<1x128xf32> to vector<128x128xf32>
    %sub3A_717 = arith.subf %sub3A_716, %mul3A_711 : vector<128x128xf32>
    %broadcast_in_dim3A_718 = vector.shape_cast %reduce_sum3A_86 : vector<128xf32> to vector<128x1xf32>
    %sub3A_719 = vector.broadcast %broadcast_in_dim3A_718 : vector<128x1xf32> to vector<128x128xf32>
    %sub3A_720 = arith.subf %sub3A_717, %sub3A_719 : vector<128x128xf32>
    %reduce_max3A_721 = arith.constant dense<0xFF800000> : vector<128xf32>
    %reduce_max3A_722 = vector.multi_reduction <maximumf>, %sub3A_720, %reduce_max3A_721 [1] : vector<128x128xf32> to vector<128xf32>
    %broadcast_in_dim3A_723 = vector.shape_cast %reduce_max3A_722 : vector<128xf32> to vector<128x1xf32>
    %eq3A_724 = arith.constant 23 : i32
    %eq3A_725 = vector.broadcast %eq3A_724 : i32 to vector<1x64xi32>
    %eq3A_726 = arith.cmpi eq, %iota3A_87, %eq3A_725 : vector<1x64xi32>
    %convert_element_type3A_727 = arith.extui %eq3A_726 : vector<1x64xi1> to vector<1x64xi32>
    %convert_element_type3A_728 = arith.sitofp %convert_element_type3A_727 : vector<1x64xi32> to vector<1x64xf32>
    %mul3A_729 = vector.broadcast %broadcast_in_dim3A_723 : vector<128x1xf32> to vector<128x64xf32>
    %mul3A_730 = vector.broadcast %convert_element_type3A_728 : vector<1x64xf32> to vector<128x64xf32>
    %mul3A_731 = arith.mulf %mul3A_729, %mul3A_730 : vector<128x64xf32>
    %add3A_732 = arith.addf %add3A_705, %mul3A_731 : vector<128x64xf32>
    %slice3A_733 = vector.extract_strided_slice %slice3A {offsets = [0, 3072], sizes = [3, 128], strides = [1, 1]} : vector<3x8192xf32> to vector<3x128xf32>
    %dot_general3A_734 = arith.constant dense<0.000000e+00> : vector<128x128xf32>
    %dot_general3A_735 = tpu.matmul %stack3A_79, %slice3A_733, %dot_general3A_734 {dimension_numbers = #tpu.dot_dimension_numbers<[1], [0], [0], [1], [0, 0, 1, 1], [], []>, transpose_lhs_hint = false} : vector<128x3xf32>, vector<3x128xf32>, vector<128x128xf32> -> vector<128x128xf32>
    %mul3A_736 = arith.constant -2.000000e+00 : f32
    %mul3A_737 = vector.broadcast %mul3A_736 : f32 to vector<128x128xf32>
    %mul3A_738 = arith.mulf %mul3A_737, %dot_general3A_735 : vector<128x128xf32>
    %slice3A_739 = vector.extract_strided_slice %broadcast_in_dim3A_83 {offsets = [0, 3072], sizes = [1, 128], strides = [1, 1]} : vector<1x8192xf32> to vector<1x128xf32>
    %neg3A_740 = arith.constant 0.000000e+00 : f32
    %neg3A_741 = vector.broadcast %neg3A_740 : f32 to vector<1x128xf32>
    %neg3A_742 = arith.subf %neg3A_741, %slice3A_739 : vector<1x128xf32>
    %sub3A_743 = vector.broadcast %neg3A_742 : vector<1x128xf32> to vector<128x128xf32>
    %sub3A_744 = arith.subf %sub3A_743, %mul3A_738 : vector<128x128xf32>
    %broadcast_in_dim3A_745 = vector.shape_cast %reduce_sum3A_86 : vector<128xf32> to vector<128x1xf32>
    %sub3A_746 = vector.broadcast %broadcast_in_dim3A_745 : vector<128x1xf32> to vector<128x128xf32>
    %sub3A_747 = arith.subf %sub3A_744, %sub3A_746 : vector<128x128xf32>
    %reduce_max3A_748 = arith.constant dense<0xFF800000> : vector<128xf32>
    %reduce_max3A_749 = vector.multi_reduction <maximumf>, %sub3A_747, %reduce_max3A_748 [1] : vector<128x128xf32> to vector<128xf32>
    %broadcast_in_dim3A_750 = vector.shape_cast %reduce_max3A_749 : vector<128xf32> to vector<128x1xf32>
    %eq3A_751 = arith.constant 24 : i32
    %eq3A_752 = vector.broadcast %eq3A_751 : i32 to vector<1x64xi32>
    %eq3A_753 = arith.cmpi eq, %iota3A_87, %eq3A_752 : vector<1x64xi32>
    %convert_element_type3A_754 = arith.extui %eq3A_753 : vector<1x64xi1> to vector<1x64xi32>
    %convert_element_type3A_755 = arith.sitofp %convert_element_type3A_754 : vector<1x64xi32> to vector<1x64xf32>
    %mul3A_756 = vector.broadcast %broadcast_in_dim3A_750 : vector<128x1xf32> to vector<128x64xf32>
    %mul3A_757 = vector.broadcast %convert_element_type3A_755 : vector<1x64xf32> to vector<128x64xf32>
    %mul3A_758 = arith.mulf %mul3A_756, %mul3A_757 : vector<128x64xf32>
    %add3A_759 = arith.addf %add3A_732, %mul3A_758 : vector<128x64xf32>
    %slice3A_760 = vector.extract_strided_slice %slice3A {offsets = [0, 3200], sizes = [3, 128], strides = [1, 1]} : vector<3x8192xf32> to vector<3x128xf32>
    %dot_general3A_761 = arith.constant dense<0.000000e+00> : vector<128x128xf32>
    %dot_general3A_762 = tpu.matmul %stack3A_79, %slice3A_760, %dot_general3A_761 {dimension_numbers = #tpu.dot_dimension_numbers<[1], [0], [0], [1], [0, 0, 1, 1], [], []>, transpose_lhs_hint = false} : vector<128x3xf32>, vector<3x128xf32>, vector<128x128xf32> -> vector<128x128xf32>
    %mul3A_763 = arith.constant -2.000000e+00 : f32
    %mul3A_764 = vector.broadcast %mul3A_763 : f32 to vector<128x128xf32>
    %mul3A_765 = arith.mulf %mul3A_764, %dot_general3A_762 : vector<128x128xf32>
    %slice3A_766 = vector.extract_strided_slice %broadcast_in_dim3A_83 {offsets = [0, 3200], sizes = [1, 128], strides = [1, 1]} : vector<1x8192xf32> to vector<1x128xf32>
    %neg3A_767 = arith.constant 0.000000e+00 : f32
    %neg3A_768 = vector.broadcast %neg3A_767 : f32 to vector<1x128xf32>
    %neg3A_769 = arith.subf %neg3A_768, %slice3A_766 : vector<1x128xf32>
    %sub3A_770 = vector.broadcast %neg3A_769 : vector<1x128xf32> to vector<128x128xf32>
    %sub3A_771 = arith.subf %sub3A_770, %mul3A_765 : vector<128x128xf32>
    %broadcast_in_dim3A_772 = vector.shape_cast %reduce_sum3A_86 : vector<128xf32> to vector<128x1xf32>
    %sub3A_773 = vector.broadcast %broadcast_in_dim3A_772 : vector<128x1xf32> to vector<128x128xf32>
    %sub3A_774 = arith.subf %sub3A_771, %sub3A_773 : vector<128x128xf32>
    %reduce_max3A_775 = arith.constant dense<0xFF800000> : vector<128xf32>
    %reduce_max3A_776 = vector.multi_reduction <maximumf>, %sub3A_774, %reduce_max3A_775 [1] : vector<128x128xf32> to vector<128xf32>
    %broadcast_in_dim3A_777 = vector.shape_cast %reduce_max3A_776 : vector<128xf32> to vector<128x1xf32>
    %eq3A_778 = arith.constant 25 : i32
    %eq3A_779 = vector.broadcast %eq3A_778 : i32 to vector<1x64xi32>
    %eq3A_780 = arith.cmpi eq, %iota3A_87, %eq3A_779 : vector<1x64xi32>
    %convert_element_type3A_781 = arith.extui %eq3A_780 : vector<1x64xi1> to vector<1x64xi32>
    %convert_element_type3A_782 = arith.sitofp %convert_element_type3A_781 : vector<1x64xi32> to vector<1x64xf32>
    %mul3A_783 = vector.broadcast %broadcast_in_dim3A_777 : vector<128x1xf32> to vector<128x64xf32>
    %mul3A_784 = vector.broadcast %convert_element_type3A_782 : vector<1x64xf32> to vector<128x64xf32>
    %mul3A_785 = arith.mulf %mul3A_783, %mul3A_784 : vector<128x64xf32>
    %add3A_786 = arith.addf %add3A_759, %mul3A_785 : vector<128x64xf32>
    %slice3A_787 = vector.extract_strided_slice %slice3A {offsets = [0, 3328], sizes = [3, 128], strides = [1, 1]} : vector<3x8192xf32> to vector<3x128xf32>
    %dot_general3A_788 = arith.constant dense<0.000000e+00> : vector<128x128xf32>
    %dot_general3A_789 = tpu.matmul %stack3A_79, %slice3A_787, %dot_general3A_788 {dimension_numbers = #tpu.dot_dimension_numbers<[1], [0], [0], [1], [0, 0, 1, 1], [], []>, transpose_lhs_hint = false} : vector<128x3xf32>, vector<3x128xf32>, vector<128x128xf32> -> vector<128x128xf32>
    %mul3A_790 = arith.constant -2.000000e+00 : f32
    %mul3A_791 = vector.broadcast %mul3A_790 : f32 to vector<128x128xf32>
    %mul3A_792 = arith.mulf %mul3A_791, %dot_general3A_789 : vector<128x128xf32>
    %slice3A_793 = vector.extract_strided_slice %broadcast_in_dim3A_83 {offsets = [0, 3328], sizes = [1, 128], strides = [1, 1]} : vector<1x8192xf32> to vector<1x128xf32>
    %neg3A_794 = arith.constant 0.000000e+00 : f32
    %neg3A_795 = vector.broadcast %neg3A_794 : f32 to vector<1x128xf32>
    %neg3A_796 = arith.subf %neg3A_795, %slice3A_793 : vector<1x128xf32>
    %sub3A_797 = vector.broadcast %neg3A_796 : vector<1x128xf32> to vector<128x128xf32>
    %sub3A_798 = arith.subf %sub3A_797, %mul3A_792 : vector<128x128xf32>
    %broadcast_in_dim3A_799 = vector.shape_cast %reduce_sum3A_86 : vector<128xf32> to vector<128x1xf32>
    %sub3A_800 = vector.broadcast %broadcast_in_dim3A_799 : vector<128x1xf32> to vector<128x128xf32>
    %sub3A_801 = arith.subf %sub3A_798, %sub3A_800 : vector<128x128xf32>
    %reduce_max3A_802 = arith.constant dense<0xFF800000> : vector<128xf32>
    %reduce_max3A_803 = vector.multi_reduction <maximumf>, %sub3A_801, %reduce_max3A_802 [1] : vector<128x128xf32> to vector<128xf32>
    %broadcast_in_dim3A_804 = vector.shape_cast %reduce_max3A_803 : vector<128xf32> to vector<128x1xf32>
    %eq3A_805 = arith.constant 26 : i32
    %eq3A_806 = vector.broadcast %eq3A_805 : i32 to vector<1x64xi32>
    %eq3A_807 = arith.cmpi eq, %iota3A_87, %eq3A_806 : vector<1x64xi32>
    %convert_element_type3A_808 = arith.extui %eq3A_807 : vector<1x64xi1> to vector<1x64xi32>
    %convert_element_type3A_809 = arith.sitofp %convert_element_type3A_808 : vector<1x64xi32> to vector<1x64xf32>
    %mul3A_810 = vector.broadcast %broadcast_in_dim3A_804 : vector<128x1xf32> to vector<128x64xf32>
    %mul3A_811 = vector.broadcast %convert_element_type3A_809 : vector<1x64xf32> to vector<128x64xf32>
    %mul3A_812 = arith.mulf %mul3A_810, %mul3A_811 : vector<128x64xf32>
    %add3A_813 = arith.addf %add3A_786, %mul3A_812 : vector<128x64xf32>
    %slice3A_814 = vector.extract_strided_slice %slice3A {offsets = [0, 3456], sizes = [3, 128], strides = [1, 1]} : vector<3x8192xf32> to vector<3x128xf32>
    %dot_general3A_815 = arith.constant dense<0.000000e+00> : vector<128x128xf32>
    %dot_general3A_816 = tpu.matmul %stack3A_79, %slice3A_814, %dot_general3A_815 {dimension_numbers = #tpu.dot_dimension_numbers<[1], [0], [0], [1], [0, 0, 1, 1], [], []>, transpose_lhs_hint = false} : vector<128x3xf32>, vector<3x128xf32>, vector<128x128xf32> -> vector<128x128xf32>
    %mul3A_817 = arith.constant -2.000000e+00 : f32
    %mul3A_818 = vector.broadcast %mul3A_817 : f32 to vector<128x128xf32>
    %mul3A_819 = arith.mulf %mul3A_818, %dot_general3A_816 : vector<128x128xf32>
    %slice3A_820 = vector.extract_strided_slice %broadcast_in_dim3A_83 {offsets = [0, 3456], sizes = [1, 128], strides = [1, 1]} : vector<1x8192xf32> to vector<1x128xf32>
    %neg3A_821 = arith.constant 0.000000e+00 : f32
    %neg3A_822 = vector.broadcast %neg3A_821 : f32 to vector<1x128xf32>
    %neg3A_823 = arith.subf %neg3A_822, %slice3A_820 : vector<1x128xf32>
    %sub3A_824 = vector.broadcast %neg3A_823 : vector<1x128xf32> to vector<128x128xf32>
    %sub3A_825 = arith.subf %sub3A_824, %mul3A_819 : vector<128x128xf32>
    %broadcast_in_dim3A_826 = vector.shape_cast %reduce_sum3A_86 : vector<128xf32> to vector<128x1xf32>
    %sub3A_827 = vector.broadcast %broadcast_in_dim3A_826 : vector<128x1xf32> to vector<128x128xf32>
    %sub3A_828 = arith.subf %sub3A_825, %sub3A_827 : vector<128x128xf32>
    %reduce_max3A_829 = arith.constant dense<0xFF800000> : vector<128xf32>
    %reduce_max3A_830 = vector.multi_reduction <maximumf>, %sub3A_828, %reduce_max3A_829 [1] : vector<128x128xf32> to vector<128xf32>
    %broadcast_in_dim3A_831 = vector.shape_cast %reduce_max3A_830 : vector<128xf32> to vector<128x1xf32>
    %eq3A_832 = arith.constant 27 : i32
    %eq3A_833 = vector.broadcast %eq3A_832 : i32 to vector<1x64xi32>
    %eq3A_834 = arith.cmpi eq, %iota3A_87, %eq3A_833 : vector<1x64xi32>
    %convert_element_type3A_835 = arith.extui %eq3A_834 : vector<1x64xi1> to vector<1x64xi32>
    %convert_element_type3A_836 = arith.sitofp %convert_element_type3A_835 : vector<1x64xi32> to vector<1x64xf32>
    %mul3A_837 = vector.broadcast %broadcast_in_dim3A_831 : vector<128x1xf32> to vector<128x64xf32>
    %mul3A_838 = vector.broadcast %convert_element_type3A_836 : vector<1x64xf32> to vector<128x64xf32>
    %mul3A_839 = arith.mulf %mul3A_837, %mul3A_838 : vector<128x64xf32>
    %add3A_840 = arith.addf %add3A_813, %mul3A_839 : vector<128x64xf32>
    %slice3A_841 = vector.extract_strided_slice %slice3A {offsets = [0, 3584], sizes = [3, 128], strides = [1, 1]} : vector<3x8192xf32> to vector<3x128xf32>
    %dot_general3A_842 = arith.constant dense<0.000000e+00> : vector<128x128xf32>
    %dot_general3A_843 = tpu.matmul %stack3A_79, %slice3A_841, %dot_general3A_842 {dimension_numbers = #tpu.dot_dimension_numbers<[1], [0], [0], [1], [0, 0, 1, 1], [], []>, transpose_lhs_hint = false} : vector<128x3xf32>, vector<3x128xf32>, vector<128x128xf32> -> vector<128x128xf32>
    %mul3A_844 = arith.constant -2.000000e+00 : f32
    %mul3A_845 = vector.broadcast %mul3A_844 : f32 to vector<128x128xf32>
    %mul3A_846 = arith.mulf %mul3A_845, %dot_general3A_843 : vector<128x128xf32>
    %slice3A_847 = vector.extract_strided_slice %broadcast_in_dim3A_83 {offsets = [0, 3584], sizes = [1, 128], strides = [1, 1]} : vector<1x8192xf32> to vector<1x128xf32>
    %neg3A_848 = arith.constant 0.000000e+00 : f32
    %neg3A_849 = vector.broadcast %neg3A_848 : f32 to vector<1x128xf32>
    %neg3A_850 = arith.subf %neg3A_849, %slice3A_847 : vector<1x128xf32>
    %sub3A_851 = vector.broadcast %neg3A_850 : vector<1x128xf32> to vector<128x128xf32>
    %sub3A_852 = arith.subf %sub3A_851, %mul3A_846 : vector<128x128xf32>
    %broadcast_in_dim3A_853 = vector.shape_cast %reduce_sum3A_86 : vector<128xf32> to vector<128x1xf32>
    %sub3A_854 = vector.broadcast %broadcast_in_dim3A_853 : vector<128x1xf32> to vector<128x128xf32>
    %sub3A_855 = arith.subf %sub3A_852, %sub3A_854 : vector<128x128xf32>
    %reduce_max3A_856 = arith.constant dense<0xFF800000> : vector<128xf32>
    %reduce_max3A_857 = vector.multi_reduction <maximumf>, %sub3A_855, %reduce_max3A_856 [1] : vector<128x128xf32> to vector<128xf32>
    %broadcast_in_dim3A_858 = vector.shape_cast %reduce_max3A_857 : vector<128xf32> to vector<128x1xf32>
    %eq3A_859 = arith.constant 28 : i32
    %eq3A_860 = vector.broadcast %eq3A_859 : i32 to vector<1x64xi32>
    %eq3A_861 = arith.cmpi eq, %iota3A_87, %eq3A_860 : vector<1x64xi32>
    %convert_element_type3A_862 = arith.extui %eq3A_861 : vector<1x64xi1> to vector<1x64xi32>
    %convert_element_type3A_863 = arith.sitofp %convert_element_type3A_862 : vector<1x64xi32> to vector<1x64xf32>
    %mul3A_864 = vector.broadcast %broadcast_in_dim3A_858 : vector<128x1xf32> to vector<128x64xf32>
    %mul3A_865 = vector.broadcast %convert_element_type3A_863 : vector<1x64xf32> to vector<128x64xf32>
    %mul3A_866 = arith.mulf %mul3A_864, %mul3A_865 : vector<128x64xf32>
    %add3A_867 = arith.addf %add3A_840, %mul3A_866 : vector<128x64xf32>
    %slice3A_868 = vector.extract_strided_slice %slice3A {offsets = [0, 3712], sizes = [3, 128], strides = [1, 1]} : vector<3x8192xf32> to vector<3x128xf32>
    %dot_general3A_869 = arith.constant dense<0.000000e+00> : vector<128x128xf32>
    %dot_general3A_870 = tpu.matmul %stack3A_79, %slice3A_868, %dot_general3A_869 {dimension_numbers = #tpu.dot_dimension_numbers<[1], [0], [0], [1], [0, 0, 1, 1], [], []>, transpose_lhs_hint = false} : vector<128x3xf32>, vector<3x128xf32>, vector<128x128xf32> -> vector<128x128xf32>
    %mul3A_871 = arith.constant -2.000000e+00 : f32
    %mul3A_872 = vector.broadcast %mul3A_871 : f32 to vector<128x128xf32>
    %mul3A_873 = arith.mulf %mul3A_872, %dot_general3A_870 : vector<128x128xf32>
    %slice3A_874 = vector.extract_strided_slice %broadcast_in_dim3A_83 {offsets = [0, 3712], sizes = [1, 128], strides = [1, 1]} : vector<1x8192xf32> to vector<1x128xf32>
    %neg3A_875 = arith.constant 0.000000e+00 : f32
    %neg3A_876 = vector.broadcast %neg3A_875 : f32 to vector<1x128xf32>
    %neg3A_877 = arith.subf %neg3A_876, %slice3A_874 : vector<1x128xf32>
    %sub3A_878 = vector.broadcast %neg3A_877 : vector<1x128xf32> to vector<128x128xf32>
    %sub3A_879 = arith.subf %sub3A_878, %mul3A_873 : vector<128x128xf32>
    %broadcast_in_dim3A_880 = vector.shape_cast %reduce_sum3A_86 : vector<128xf32> to vector<128x1xf32>
    %sub3A_881 = vector.broadcast %broadcast_in_dim3A_880 : vector<128x1xf32> to vector<128x128xf32>
    %sub3A_882 = arith.subf %sub3A_879, %sub3A_881 : vector<128x128xf32>
    %reduce_max3A_883 = arith.constant dense<0xFF800000> : vector<128xf32>
    %reduce_max3A_884 = vector.multi_reduction <maximumf>, %sub3A_882, %reduce_max3A_883 [1] : vector<128x128xf32> to vector<128xf32>
    %broadcast_in_dim3A_885 = vector.shape_cast %reduce_max3A_884 : vector<128xf32> to vector<128x1xf32>
    %eq3A_886 = arith.constant 29 : i32
    %eq3A_887 = vector.broadcast %eq3A_886 : i32 to vector<1x64xi32>
    %eq3A_888 = arith.cmpi eq, %iota3A_87, %eq3A_887 : vector<1x64xi32>
    %convert_element_type3A_889 = arith.extui %eq3A_888 : vector<1x64xi1> to vector<1x64xi32>
    %convert_element_type3A_890 = arith.sitofp %convert_element_type3A_889 : vector<1x64xi32> to vector<1x64xf32>
    %mul3A_891 = vector.broadcast %broadcast_in_dim3A_885 : vector<128x1xf32> to vector<128x64xf32>
    %mul3A_892 = vector.broadcast %convert_element_type3A_890 : vector<1x64xf32> to vector<128x64xf32>
    %mul3A_893 = arith.mulf %mul3A_891, %mul3A_892 : vector<128x64xf32>
    %add3A_894 = arith.addf %add3A_867, %mul3A_893 : vector<128x64xf32>
    %slice3A_895 = vector.extract_strided_slice %slice3A {offsets = [0, 3840], sizes = [3, 128], strides = [1, 1]} : vector<3x8192xf32> to vector<3x128xf32>
    %dot_general3A_896 = arith.constant dense<0.000000e+00> : vector<128x128xf32>
    %dot_general3A_897 = tpu.matmul %stack3A_79, %slice3A_895, %dot_general3A_896 {dimension_numbers = #tpu.dot_dimension_numbers<[1], [0], [0], [1], [0, 0, 1, 1], [], []>, transpose_lhs_hint = false} : vector<128x3xf32>, vector<3x128xf32>, vector<128x128xf32> -> vector<128x128xf32>
    %mul3A_898 = arith.constant -2.000000e+00 : f32
    %mul3A_899 = vector.broadcast %mul3A_898 : f32 to vector<128x128xf32>
    %mul3A_900 = arith.mulf %mul3A_899, %dot_general3A_897 : vector<128x128xf32>
    %slice3A_901 = vector.extract_strided_slice %broadcast_in_dim3A_83 {offsets = [0, 3840], sizes = [1, 128], strides = [1, 1]} : vector<1x8192xf32> to vector<1x128xf32>
    %neg3A_902 = arith.constant 0.000000e+00 : f32
    %neg3A_903 = vector.broadcast %neg3A_902 : f32 to vector<1x128xf32>
    %neg3A_904 = arith.subf %neg3A_903, %slice3A_901 : vector<1x128xf32>
    %sub3A_905 = vector.broadcast %neg3A_904 : vector<1x128xf32> to vector<128x128xf32>
    %sub3A_906 = arith.subf %sub3A_905, %mul3A_900 : vector<128x128xf32>
    %broadcast_in_dim3A_907 = vector.shape_cast %reduce_sum3A_86 : vector<128xf32> to vector<128x1xf32>
    %sub3A_908 = vector.broadcast %broadcast_in_dim3A_907 : vector<128x1xf32> to vector<128x128xf32>
    %sub3A_909 = arith.subf %sub3A_906, %sub3A_908 : vector<128x128xf32>
    %reduce_max3A_910 = arith.constant dense<0xFF800000> : vector<128xf32>
    %reduce_max3A_911 = vector.multi_reduction <maximumf>, %sub3A_909, %reduce_max3A_910 [1] : vector<128x128xf32> to vector<128xf32>
    %broadcast_in_dim3A_912 = vector.shape_cast %reduce_max3A_911 : vector<128xf32> to vector<128x1xf32>
    %eq3A_913 = arith.constant 30 : i32
    %eq3A_914 = vector.broadcast %eq3A_913 : i32 to vector<1x64xi32>
    %eq3A_915 = arith.cmpi eq, %iota3A_87, %eq3A_914 : vector<1x64xi32>
    %convert_element_type3A_916 = arith.extui %eq3A_915 : vector<1x64xi1> to vector<1x64xi32>
    %convert_element_type3A_917 = arith.sitofp %convert_element_type3A_916 : vector<1x64xi32> to vector<1x64xf32>
    %mul3A_918 = vector.broadcast %broadcast_in_dim3A_912 : vector<128x1xf32> to vector<128x64xf32>
    %mul3A_919 = vector.broadcast %convert_element_type3A_917 : vector<1x64xf32> to vector<128x64xf32>
    %mul3A_920 = arith.mulf %mul3A_918, %mul3A_919 : vector<128x64xf32>
    %add3A_921 = arith.addf %add3A_894, %mul3A_920 : vector<128x64xf32>
    %slice3A_922 = vector.extract_strided_slice %slice3A {offsets = [0, 3968], sizes = [3, 128], strides = [1, 1]} : vector<3x8192xf32> to vector<3x128xf32>
    %dot_general3A_923 = arith.constant dense<0.000000e+00> : vector<128x128xf32>
    %dot_general3A_924 = tpu.matmul %stack3A_79, %slice3A_922, %dot_general3A_923 {dimension_numbers = #tpu.dot_dimension_numbers<[1], [0], [0], [1], [0, 0, 1, 1], [], []>, transpose_lhs_hint = false} : vector<128x3xf32>, vector<3x128xf32>, vector<128x128xf32> -> vector<128x128xf32>
    %mul3A_925 = arith.constant -2.000000e+00 : f32
    %mul3A_926 = vector.broadcast %mul3A_925 : f32 to vector<128x128xf32>
    %mul3A_927 = arith.mulf %mul3A_926, %dot_general3A_924 : vector<128x128xf32>
    %slice3A_928 = vector.extract_strided_slice %broadcast_in_dim3A_83 {offsets = [0, 3968], sizes = [1, 128], strides = [1, 1]} : vector<1x8192xf32> to vector<1x128xf32>
    %neg3A_929 = arith.constant 0.000000e+00 : f32
    %neg3A_930 = vector.broadcast %neg3A_929 : f32 to vector<1x128xf32>
    %neg3A_931 = arith.subf %neg3A_930, %slice3A_928 : vector<1x128xf32>
    %sub3A_932 = vector.broadcast %neg3A_931 : vector<1x128xf32> to vector<128x128xf32>
    %sub3A_933 = arith.subf %sub3A_932, %mul3A_927 : vector<128x128xf32>
    %broadcast_in_dim3A_934 = vector.shape_cast %reduce_sum3A_86 : vector<128xf32> to vector<128x1xf32>
    %sub3A_935 = vector.broadcast %broadcast_in_dim3A_934 : vector<128x1xf32> to vector<128x128xf32>
    %sub3A_936 = arith.subf %sub3A_933, %sub3A_935 : vector<128x128xf32>
    %reduce_max3A_937 = arith.constant dense<0xFF800000> : vector<128xf32>
    %reduce_max3A_938 = vector.multi_reduction <maximumf>, %sub3A_936, %reduce_max3A_937 [1] : vector<128x128xf32> to vector<128xf32>
    %broadcast_in_dim3A_939 = vector.shape_cast %reduce_max3A_938 : vector<128xf32> to vector<128x1xf32>
    %eq3A_940 = arith.constant 31 : i32
    %eq3A_941 = vector.broadcast %eq3A_940 : i32 to vector<1x64xi32>
    %eq3A_942 = arith.cmpi eq, %iota3A_87, %eq3A_941 : vector<1x64xi32>
    %convert_element_type3A_943 = arith.extui %eq3A_942 : vector<1x64xi1> to vector<1x64xi32>
    %convert_element_type3A_944 = arith.sitofp %convert_element_type3A_943 : vector<1x64xi32> to vector<1x64xf32>
    %mul3A_945 = vector.broadcast %broadcast_in_dim3A_939 : vector<128x1xf32> to vector<128x64xf32>
    %mul3A_946 = vector.broadcast %convert_element_type3A_944 : vector<1x64xf32> to vector<128x64xf32>
    %mul3A_947 = arith.mulf %mul3A_945, %mul3A_946 : vector<128x64xf32>
    %add3A_948 = arith.addf %add3A_921, %mul3A_947 : vector<128x64xf32>
    %slice3A_949 = vector.extract_strided_slice %slice3A {offsets = [0, 4096], sizes = [3, 128], strides = [1, 1]} : vector<3x8192xf32> to vector<3x128xf32>
    %dot_general3A_950 = arith.constant dense<0.000000e+00> : vector<128x128xf32>
    %dot_general3A_951 = tpu.matmul %stack3A_79, %slice3A_949, %dot_general3A_950 {dimension_numbers = #tpu.dot_dimension_numbers<[1], [0], [0], [1], [0, 0, 1, 1], [], []>, transpose_lhs_hint = false} : vector<128x3xf32>, vector<3x128xf32>, vector<128x128xf32> -> vector<128x128xf32>
    %mul3A_952 = arith.constant -2.000000e+00 : f32
    %mul3A_953 = vector.broadcast %mul3A_952 : f32 to vector<128x128xf32>
    %mul3A_954 = arith.mulf %mul3A_953, %dot_general3A_951 : vector<128x128xf32>
    %slice3A_955 = vector.extract_strided_slice %broadcast_in_dim3A_83 {offsets = [0, 4096], sizes = [1, 128], strides = [1, 1]} : vector<1x8192xf32> to vector<1x128xf32>
    %neg3A_956 = arith.constant 0.000000e+00 : f32
    %neg3A_957 = vector.broadcast %neg3A_956 : f32 to vector<1x128xf32>
    %neg3A_958 = arith.subf %neg3A_957, %slice3A_955 : vector<1x128xf32>
    %sub3A_959 = vector.broadcast %neg3A_958 : vector<1x128xf32> to vector<128x128xf32>
    %sub3A_960 = arith.subf %sub3A_959, %mul3A_954 : vector<128x128xf32>
    %broadcast_in_dim3A_961 = vector.shape_cast %reduce_sum3A_86 : vector<128xf32> to vector<128x1xf32>
    %sub3A_962 = vector.broadcast %broadcast_in_dim3A_961 : vector<128x1xf32> to vector<128x128xf32>
    %sub3A_963 = arith.subf %sub3A_960, %sub3A_962 : vector<128x128xf32>
    %reduce_max3A_964 = arith.constant dense<0xFF800000> : vector<128xf32>
    %reduce_max3A_965 = vector.multi_reduction <maximumf>, %sub3A_963, %reduce_max3A_964 [1] : vector<128x128xf32> to vector<128xf32>
    %broadcast_in_dim3A_966 = vector.shape_cast %reduce_max3A_965 : vector<128xf32> to vector<128x1xf32>
    %eq3A_967 = arith.constant 32 : i32
    %eq3A_968 = vector.broadcast %eq3A_967 : i32 to vector<1x64xi32>
    %eq3A_969 = arith.cmpi eq, %iota3A_87, %eq3A_968 : vector<1x64xi32>
    %convert_element_type3A_970 = arith.extui %eq3A_969 : vector<1x64xi1> to vector<1x64xi32>
    %convert_element_type3A_971 = arith.sitofp %convert_element_type3A_970 : vector<1x64xi32> to vector<1x64xf32>
    %mul3A_972 = vector.broadcast %broadcast_in_dim3A_966 : vector<128x1xf32> to vector<128x64xf32>
    %mul3A_973 = vector.broadcast %convert_element_type3A_971 : vector<1x64xf32> to vector<128x64xf32>
    %mul3A_974 = arith.mulf %mul3A_972, %mul3A_973 : vector<128x64xf32>
    %add3A_975 = arith.addf %add3A_948, %mul3A_974 : vector<128x64xf32>
    %slice3A_976 = vector.extract_strided_slice %slice3A {offsets = [0, 4224], sizes = [3, 128], strides = [1, 1]} : vector<3x8192xf32> to vector<3x128xf32>
    %dot_general3A_977 = arith.constant dense<0.000000e+00> : vector<128x128xf32>
    %dot_general3A_978 = tpu.matmul %stack3A_79, %slice3A_976, %dot_general3A_977 {dimension_numbers = #tpu.dot_dimension_numbers<[1], [0], [0], [1], [0, 0, 1, 1], [], []>, transpose_lhs_hint = false} : vector<128x3xf32>, vector<3x128xf32>, vector<128x128xf32> -> vector<128x128xf32>
    %mul3A_979 = arith.constant -2.000000e+00 : f32
    %mul3A_980 = vector.broadcast %mul3A_979 : f32 to vector<128x128xf32>
    %mul3A_981 = arith.mulf %mul3A_980, %dot_general3A_978 : vector<128x128xf32>
    %slice3A_982 = vector.extract_strided_slice %broadcast_in_dim3A_83 {offsets = [0, 4224], sizes = [1, 128], strides = [1, 1]} : vector<1x8192xf32> to vector<1x128xf32>
    %neg3A_983 = arith.constant 0.000000e+00 : f32
    %neg3A_984 = vector.broadcast %neg3A_983 : f32 to vector<1x128xf32>
    %neg3A_985 = arith.subf %neg3A_984, %slice3A_982 : vector<1x128xf32>
    %sub3A_986 = vector.broadcast %neg3A_985 : vector<1x128xf32> to vector<128x128xf32>
    %sub3A_987 = arith.subf %sub3A_986, %mul3A_981 : vector<128x128xf32>
    %broadcast_in_dim3A_988 = vector.shape_cast %reduce_sum3A_86 : vector<128xf32> to vector<128x1xf32>
    %sub3A_989 = vector.broadcast %broadcast_in_dim3A_988 : vector<128x1xf32> to vector<128x128xf32>
    %sub3A_990 = arith.subf %sub3A_987, %sub3A_989 : vector<128x128xf32>
    %reduce_max3A_991 = arith.constant dense<0xFF800000> : vector<128xf32>
    %reduce_max3A_992 = vector.multi_reduction <maximumf>, %sub3A_990, %reduce_max3A_991 [1] : vector<128x128xf32> to vector<128xf32>
    %broadcast_in_dim3A_993 = vector.shape_cast %reduce_max3A_992 : vector<128xf32> to vector<128x1xf32>
    %eq3A_994 = arith.constant 33 : i32
    %eq3A_995 = vector.broadcast %eq3A_994 : i32 to vector<1x64xi32>
    %eq3A_996 = arith.cmpi eq, %iota3A_87, %eq3A_995 : vector<1x64xi32>
    %convert_element_type3A_997 = arith.extui %eq3A_996 : vector<1x64xi1> to vector<1x64xi32>
    %convert_element_type3A_998 = arith.sitofp %convert_element_type3A_997 : vector<1x64xi32> to vector<1x64xf32>
    %mul3A_999 = vector.broadcast %broadcast_in_dim3A_993 : vector<128x1xf32> to vector<128x64xf32>
    %mul3A_1000 = vector.broadcast %convert_element_type3A_998 : vector<1x64xf32> to vector<128x64xf32>
    %mul3A_1001 = arith.mulf %mul3A_999, %mul3A_1000 : vector<128x64xf32>
    %add3A_1002 = arith.addf %add3A_975, %mul3A_1001 : vector<128x64xf32>
    %slice3A_1003 = vector.extract_strided_slice %slice3A {offsets = [0, 4352], sizes = [3, 128], strides = [1, 1]} : vector<3x8192xf32> to vector<3x128xf32>
    %dot_general3A_1004 = arith.constant dense<0.000000e+00> : vector<128x128xf32>
    %dot_general3A_1005 = tpu.matmul %stack3A_79, %slice3A_1003, %dot_general3A_1004 {dimension_numbers = #tpu.dot_dimension_numbers<[1], [0], [0], [1], [0, 0, 1, 1], [], []>, transpose_lhs_hint = false} : vector<128x3xf32>, vector<3x128xf32>, vector<128x128xf32> -> vector<128x128xf32>
    %mul3A_1006 = arith.constant -2.000000e+00 : f32
    %mul3A_1007 = vector.broadcast %mul3A_1006 : f32 to vector<128x128xf32>
    %mul3A_1008 = arith.mulf %mul3A_1007, %dot_general3A_1005 : vector<128x128xf32>
    %slice3A_1009 = vector.extract_strided_slice %broadcast_in_dim3A_83 {offsets = [0, 4352], sizes = [1, 128], strides = [1, 1]} : vector<1x8192xf32> to vector<1x128xf32>
    %neg3A_1010 = arith.constant 0.000000e+00 : f32
    %neg3A_1011 = vector.broadcast %neg3A_1010 : f32 to vector<1x128xf32>
    %neg3A_1012 = arith.subf %neg3A_1011, %slice3A_1009 : vector<1x128xf32>
    %sub3A_1013 = vector.broadcast %neg3A_1012 : vector<1x128xf32> to vector<128x128xf32>
    %sub3A_1014 = arith.subf %sub3A_1013, %mul3A_1008 : vector<128x128xf32>
    %broadcast_in_dim3A_1015 = vector.shape_cast %reduce_sum3A_86 : vector<128xf32> to vector<128x1xf32>
    %sub3A_1016 = vector.broadcast %broadcast_in_dim3A_1015 : vector<128x1xf32> to vector<128x128xf32>
    %sub3A_1017 = arith.subf %sub3A_1014, %sub3A_1016 : vector<128x128xf32>
    %reduce_max3A_1018 = arith.constant dense<0xFF800000> : vector<128xf32>
    %reduce_max3A_1019 = vector.multi_reduction <maximumf>, %sub3A_1017, %reduce_max3A_1018 [1] : vector<128x128xf32> to vector<128xf32>
    %broadcast_in_dim3A_1020 = vector.shape_cast %reduce_max3A_1019 : vector<128xf32> to vector<128x1xf32>
    %eq3A_1021 = arith.constant 34 : i32
    %eq3A_1022 = vector.broadcast %eq3A_1021 : i32 to vector<1x64xi32>
    %eq3A_1023 = arith.cmpi eq, %iota3A_87, %eq3A_1022 : vector<1x64xi32>
    %convert_element_type3A_1024 = arith.extui %eq3A_1023 : vector<1x64xi1> to vector<1x64xi32>
    %convert_element_type3A_1025 = arith.sitofp %convert_element_type3A_1024 : vector<1x64xi32> to vector<1x64xf32>
    %mul3A_1026 = vector.broadcast %broadcast_in_dim3A_1020 : vector<128x1xf32> to vector<128x64xf32>
    %mul3A_1027 = vector.broadcast %convert_element_type3A_1025 : vector<1x64xf32> to vector<128x64xf32>
    %mul3A_1028 = arith.mulf %mul3A_1026, %mul3A_1027 : vector<128x64xf32>
    %add3A_1029 = arith.addf %add3A_1002, %mul3A_1028 : vector<128x64xf32>
    %slice3A_1030 = vector.extract_strided_slice %slice3A {offsets = [0, 4480], sizes = [3, 128], strides = [1, 1]} : vector<3x8192xf32> to vector<3x128xf32>
    %dot_general3A_1031 = arith.constant dense<0.000000e+00> : vector<128x128xf32>
    %dot_general3A_1032 = tpu.matmul %stack3A_79, %slice3A_1030, %dot_general3A_1031 {dimension_numbers = #tpu.dot_dimension_numbers<[1], [0], [0], [1], [0, 0, 1, 1], [], []>, transpose_lhs_hint = false} : vector<128x3xf32>, vector<3x128xf32>, vector<128x128xf32> -> vector<128x128xf32>
    %mul3A_1033 = arith.constant -2.000000e+00 : f32
    %mul3A_1034 = vector.broadcast %mul3A_1033 : f32 to vector<128x128xf32>
    %mul3A_1035 = arith.mulf %mul3A_1034, %dot_general3A_1032 : vector<128x128xf32>
    %slice3A_1036 = vector.extract_strided_slice %broadcast_in_dim3A_83 {offsets = [0, 4480], sizes = [1, 128], strides = [1, 1]} : vector<1x8192xf32> to vector<1x128xf32>
    %neg3A_1037 = arith.constant 0.000000e+00 : f32
    %neg3A_1038 = vector.broadcast %neg3A_1037 : f32 to vector<1x128xf32>
    %neg3A_1039 = arith.subf %neg3A_1038, %slice3A_1036 : vector<1x128xf32>
    %sub3A_1040 = vector.broadcast %neg3A_1039 : vector<1x128xf32> to vector<128x128xf32>
    %sub3A_1041 = arith.subf %sub3A_1040, %mul3A_1035 : vector<128x128xf32>
    %broadcast_in_dim3A_1042 = vector.shape_cast %reduce_sum3A_86 : vector<128xf32> to vector<128x1xf32>
    %sub3A_1043 = vector.broadcast %broadcast_in_dim3A_1042 : vector<128x1xf32> to vector<128x128xf32>
    %sub3A_1044 = arith.subf %sub3A_1041, %sub3A_1043 : vector<128x128xf32>
    %reduce_max3A_1045 = arith.constant dense<0xFF800000> : vector<128xf32>
    %reduce_max3A_1046 = vector.multi_reduction <maximumf>, %sub3A_1044, %reduce_max3A_1045 [1] : vector<128x128xf32> to vector<128xf32>
    %broadcast_in_dim3A_1047 = vector.shape_cast %reduce_max3A_1046 : vector<128xf32> to vector<128x1xf32>
    %eq3A_1048 = arith.constant 35 : i32
    %eq3A_1049 = vector.broadcast %eq3A_1048 : i32 to vector<1x64xi32>
    %eq3A_1050 = arith.cmpi eq, %iota3A_87, %eq3A_1049 : vector<1x64xi32>
    %convert_element_type3A_1051 = arith.extui %eq3A_1050 : vector<1x64xi1> to vector<1x64xi32>
    %convert_element_type3A_1052 = arith.sitofp %convert_element_type3A_1051 : vector<1x64xi32> to vector<1x64xf32>
    %mul3A_1053 = vector.broadcast %broadcast_in_dim3A_1047 : vector<128x1xf32> to vector<128x64xf32>
    %mul3A_1054 = vector.broadcast %convert_element_type3A_1052 : vector<1x64xf32> to vector<128x64xf32>
    %mul3A_1055 = arith.mulf %mul3A_1053, %mul3A_1054 : vector<128x64xf32>
    %add3A_1056 = arith.addf %add3A_1029, %mul3A_1055 : vector<128x64xf32>
    %slice3A_1057 = vector.extract_strided_slice %slice3A {offsets = [0, 4608], sizes = [3, 128], strides = [1, 1]} : vector<3x8192xf32> to vector<3x128xf32>
    %dot_general3A_1058 = arith.constant dense<0.000000e+00> : vector<128x128xf32>
    %dot_general3A_1059 = tpu.matmul %stack3A_79, %slice3A_1057, %dot_general3A_1058 {dimension_numbers = #tpu.dot_dimension_numbers<[1], [0], [0], [1], [0, 0, 1, 1], [], []>, transpose_lhs_hint = false} : vector<128x3xf32>, vector<3x128xf32>, vector<128x128xf32> -> vector<128x128xf32>
    %mul3A_1060 = arith.constant -2.000000e+00 : f32
    %mul3A_1061 = vector.broadcast %mul3A_1060 : f32 to vector<128x128xf32>
    %mul3A_1062 = arith.mulf %mul3A_1061, %dot_general3A_1059 : vector<128x128xf32>
    %slice3A_1063 = vector.extract_strided_slice %broadcast_in_dim3A_83 {offsets = [0, 4608], sizes = [1, 128], strides = [1, 1]} : vector<1x8192xf32> to vector<1x128xf32>
    %neg3A_1064 = arith.constant 0.000000e+00 : f32
    %neg3A_1065 = vector.broadcast %neg3A_1064 : f32 to vector<1x128xf32>
    %neg3A_1066 = arith.subf %neg3A_1065, %slice3A_1063 : vector<1x128xf32>
    %sub3A_1067 = vector.broadcast %neg3A_1066 : vector<1x128xf32> to vector<128x128xf32>
    %sub3A_1068 = arith.subf %sub3A_1067, %mul3A_1062 : vector<128x128xf32>
    %broadcast_in_dim3A_1069 = vector.shape_cast %reduce_sum3A_86 : vector<128xf32> to vector<128x1xf32>
    %sub3A_1070 = vector.broadcast %broadcast_in_dim3A_1069 : vector<128x1xf32> to vector<128x128xf32>
    %sub3A_1071 = arith.subf %sub3A_1068, %sub3A_1070 : vector<128x128xf32>
    %reduce_max3A_1072 = arith.constant dense<0xFF800000> : vector<128xf32>
    %reduce_max3A_1073 = vector.multi_reduction <maximumf>, %sub3A_1071, %reduce_max3A_1072 [1] : vector<128x128xf32> to vector<128xf32>
    %broadcast_in_dim3A_1074 = vector.shape_cast %reduce_max3A_1073 : vector<128xf32> to vector<128x1xf32>
    %eq3A_1075 = arith.constant 36 : i32
    %eq3A_1076 = vector.broadcast %eq3A_1075 : i32 to vector<1x64xi32>
    %eq3A_1077 = arith.cmpi eq, %iota3A_87, %eq3A_1076 : vector<1x64xi32>
    %convert_element_type3A_1078 = arith.extui %eq3A_1077 : vector<1x64xi1> to vector<1x64xi32>
    %convert_element_type3A_1079 = arith.sitofp %convert_element_type3A_1078 : vector<1x64xi32> to vector<1x64xf32>
    %mul3A_1080 = vector.broadcast %broadcast_in_dim3A_1074 : vector<128x1xf32> to vector<128x64xf32>
    %mul3A_1081 = vector.broadcast %convert_element_type3A_1079 : vector<1x64xf32> to vector<128x64xf32>
    %mul3A_1082 = arith.mulf %mul3A_1080, %mul3A_1081 : vector<128x64xf32>
    %add3A_1083 = arith.addf %add3A_1056, %mul3A_1082 : vector<128x64xf32>
    %slice3A_1084 = vector.extract_strided_slice %slice3A {offsets = [0, 4736], sizes = [3, 128], strides = [1, 1]} : vector<3x8192xf32> to vector<3x128xf32>
    %dot_general3A_1085 = arith.constant dense<0.000000e+00> : vector<128x128xf32>
    %dot_general3A_1086 = tpu.matmul %stack3A_79, %slice3A_1084, %dot_general3A_1085 {dimension_numbers = #tpu.dot_dimension_numbers<[1], [0], [0], [1], [0, 0, 1, 1], [], []>, transpose_lhs_hint = false} : vector<128x3xf32>, vector<3x128xf32>, vector<128x128xf32> -> vector<128x128xf32>
    %mul3A_1087 = arith.constant -2.000000e+00 : f32
    %mul3A_1088 = vector.broadcast %mul3A_1087 : f32 to vector<128x128xf32>
    %mul3A_1089 = arith.mulf %mul3A_1088, %dot_general3A_1086 : vector<128x128xf32>
    %slice3A_1090 = vector.extract_strided_slice %broadcast_in_dim3A_83 {offsets = [0, 4736], sizes = [1, 128], strides = [1, 1]} : vector<1x8192xf32> to vector<1x128xf32>
    %neg3A_1091 = arith.constant 0.000000e+00 : f32
    %neg3A_1092 = vector.broadcast %neg3A_1091 : f32 to vector<1x128xf32>
    %neg3A_1093 = arith.subf %neg3A_1092, %slice3A_1090 : vector<1x128xf32>
    %sub3A_1094 = vector.broadcast %neg3A_1093 : vector<1x128xf32> to vector<128x128xf32>
    %sub3A_1095 = arith.subf %sub3A_1094, %mul3A_1089 : vector<128x128xf32>
    %broadcast_in_dim3A_1096 = vector.shape_cast %reduce_sum3A_86 : vector<128xf32> to vector<128x1xf32>
    %sub3A_1097 = vector.broadcast %broadcast_in_dim3A_1096 : vector<128x1xf32> to vector<128x128xf32>
    %sub3A_1098 = arith.subf %sub3A_1095, %sub3A_1097 : vector<128x128xf32>
    %reduce_max3A_1099 = arith.constant dense<0xFF800000> : vector<128xf32>
    %reduce_max3A_1100 = vector.multi_reduction <maximumf>, %sub3A_1098, %reduce_max3A_1099 [1] : vector<128x128xf32> to vector<128xf32>
    %broadcast_in_dim3A_1101 = vector.shape_cast %reduce_max3A_1100 : vector<128xf32> to vector<128x1xf32>
    %eq3A_1102 = arith.constant 37 : i32
    %eq3A_1103 = vector.broadcast %eq3A_1102 : i32 to vector<1x64xi32>
    %eq3A_1104 = arith.cmpi eq, %iota3A_87, %eq3A_1103 : vector<1x64xi32>
    %convert_element_type3A_1105 = arith.extui %eq3A_1104 : vector<1x64xi1> to vector<1x64xi32>
    %convert_element_type3A_1106 = arith.sitofp %convert_element_type3A_1105 : vector<1x64xi32> to vector<1x64xf32>
    %mul3A_1107 = vector.broadcast %broadcast_in_dim3A_1101 : vector<128x1xf32> to vector<128x64xf32>
    %mul3A_1108 = vector.broadcast %convert_element_type3A_1106 : vector<1x64xf32> to vector<128x64xf32>
    %mul3A_1109 = arith.mulf %mul3A_1107, %mul3A_1108 : vector<128x64xf32>
    %add3A_1110 = arith.addf %add3A_1083, %mul3A_1109 : vector<128x64xf32>
    %slice3A_1111 = vector.extract_strided_slice %slice3A {offsets = [0, 4864], sizes = [3, 128], strides = [1, 1]} : vector<3x8192xf32> to vector<3x128xf32>
    %dot_general3A_1112 = arith.constant dense<0.000000e+00> : vector<128x128xf32>
    %dot_general3A_1113 = tpu.matmul %stack3A_79, %slice3A_1111, %dot_general3A_1112 {dimension_numbers = #tpu.dot_dimension_numbers<[1], [0], [0], [1], [0, 0, 1, 1], [], []>, transpose_lhs_hint = false} : vector<128x3xf32>, vector<3x128xf32>, vector<128x128xf32> -> vector<128x128xf32>
    %mul3A_1114 = arith.constant -2.000000e+00 : f32
    %mul3A_1115 = vector.broadcast %mul3A_1114 : f32 to vector<128x128xf32>
    %mul3A_1116 = arith.mulf %mul3A_1115, %dot_general3A_1113 : vector<128x128xf32>
    %slice3A_1117 = vector.extract_strided_slice %broadcast_in_dim3A_83 {offsets = [0, 4864], sizes = [1, 128], strides = [1, 1]} : vector<1x8192xf32> to vector<1x128xf32>
    %neg3A_1118 = arith.constant 0.000000e+00 : f32
    %neg3A_1119 = vector.broadcast %neg3A_1118 : f32 to vector<1x128xf32>
    %neg3A_1120 = arith.subf %neg3A_1119, %slice3A_1117 : vector<1x128xf32>
    %sub3A_1121 = vector.broadcast %neg3A_1120 : vector<1x128xf32> to vector<128x128xf32>
    %sub3A_1122 = arith.subf %sub3A_1121, %mul3A_1116 : vector<128x128xf32>
    %broadcast_in_dim3A_1123 = vector.shape_cast %reduce_sum3A_86 : vector<128xf32> to vector<128x1xf32>
    %sub3A_1124 = vector.broadcast %broadcast_in_dim3A_1123 : vector<128x1xf32> to vector<128x128xf32>
    %sub3A_1125 = arith.subf %sub3A_1122, %sub3A_1124 : vector<128x128xf32>
    %reduce_max3A_1126 = arith.constant dense<0xFF800000> : vector<128xf32>
    %reduce_max3A_1127 = vector.multi_reduction <maximumf>, %sub3A_1125, %reduce_max3A_1126 [1] : vector<128x128xf32> to vector<128xf32>
    %broadcast_in_dim3A_1128 = vector.shape_cast %reduce_max3A_1127 : vector<128xf32> to vector<128x1xf32>
    %eq3A_1129 = arith.constant 38 : i32
    %eq3A_1130 = vector.broadcast %eq3A_1129 : i32 to vector<1x64xi32>
    %eq3A_1131 = arith.cmpi eq, %iota3A_87, %eq3A_1130 : vector<1x64xi32>
    %convert_element_type3A_1132 = arith.extui %eq3A_1131 : vector<1x64xi1> to vector<1x64xi32>
    %convert_element_type3A_1133 = arith.sitofp %convert_element_type3A_1132 : vector<1x64xi32> to vector<1x64xf32>
    %mul3A_1134 = vector.broadcast %broadcast_in_dim3A_1128 : vector<128x1xf32> to vector<128x64xf32>
    %mul3A_1135 = vector.broadcast %convert_element_type3A_1133 : vector<1x64xf32> to vector<128x64xf32>
    %mul3A_1136 = arith.mulf %mul3A_1134, %mul3A_1135 : vector<128x64xf32>
    %add3A_1137 = arith.addf %add3A_1110, %mul3A_1136 : vector<128x64xf32>
    %slice3A_1138 = vector.extract_strided_slice %slice3A {offsets = [0, 4992], sizes = [3, 128], strides = [1, 1]} : vector<3x8192xf32> to vector<3x128xf32>
    %dot_general3A_1139 = arith.constant dense<0.000000e+00> : vector<128x128xf32>
    %dot_general3A_1140 = tpu.matmul %stack3A_79, %slice3A_1138, %dot_general3A_1139 {dimension_numbers = #tpu.dot_dimension_numbers<[1], [0], [0], [1], [0, 0, 1, 1], [], []>, transpose_lhs_hint = false} : vector<128x3xf32>, vector<3x128xf32>, vector<128x128xf32> -> vector<128x128xf32>
    %mul3A_1141 = arith.constant -2.000000e+00 : f32
    %mul3A_1142 = vector.broadcast %mul3A_1141 : f32 to vector<128x128xf32>
    %mul3A_1143 = arith.mulf %mul3A_1142, %dot_general3A_1140 : vector<128x128xf32>
    %slice3A_1144 = vector.extract_strided_slice %broadcast_in_dim3A_83 {offsets = [0, 4992], sizes = [1, 128], strides = [1, 1]} : vector<1x8192xf32> to vector<1x128xf32>
    %neg3A_1145 = arith.constant 0.000000e+00 : f32
    %neg3A_1146 = vector.broadcast %neg3A_1145 : f32 to vector<1x128xf32>
    %neg3A_1147 = arith.subf %neg3A_1146, %slice3A_1144 : vector<1x128xf32>
    %sub3A_1148 = vector.broadcast %neg3A_1147 : vector<1x128xf32> to vector<128x128xf32>
    %sub3A_1149 = arith.subf %sub3A_1148, %mul3A_1143 : vector<128x128xf32>
    %broadcast_in_dim3A_1150 = vector.shape_cast %reduce_sum3A_86 : vector<128xf32> to vector<128x1xf32>
    %sub3A_1151 = vector.broadcast %broadcast_in_dim3A_1150 : vector<128x1xf32> to vector<128x128xf32>
    %sub3A_1152 = arith.subf %sub3A_1149, %sub3A_1151 : vector<128x128xf32>
    %reduce_max3A_1153 = arith.constant dense<0xFF800000> : vector<128xf32>
    %reduce_max3A_1154 = vector.multi_reduction <maximumf>, %sub3A_1152, %reduce_max3A_1153 [1] : vector<128x128xf32> to vector<128xf32>
    %broadcast_in_dim3A_1155 = vector.shape_cast %reduce_max3A_1154 : vector<128xf32> to vector<128x1xf32>
    %eq3A_1156 = arith.constant 39 : i32
    %eq3A_1157 = vector.broadcast %eq3A_1156 : i32 to vector<1x64xi32>
    %eq3A_1158 = arith.cmpi eq, %iota3A_87, %eq3A_1157 : vector<1x64xi32>
    %convert_element_type3A_1159 = arith.extui %eq3A_1158 : vector<1x64xi1> to vector<1x64xi32>
    %convert_element_type3A_1160 = arith.sitofp %convert_element_type3A_1159 : vector<1x64xi32> to vector<1x64xf32>
    %mul3A_1161 = vector.broadcast %broadcast_in_dim3A_1155 : vector<128x1xf32> to vector<128x64xf32>
    %mul3A_1162 = vector.broadcast %convert_element_type3A_1160 : vector<1x64xf32> to vector<128x64xf32>
    %mul3A_1163 = arith.mulf %mul3A_1161, %mul3A_1162 : vector<128x64xf32>
    %add3A_1164 = arith.addf %add3A_1137, %mul3A_1163 : vector<128x64xf32>
    %slice3A_1165 = vector.extract_strided_slice %slice3A {offsets = [0, 5120], sizes = [3, 128], strides = [1, 1]} : vector<3x8192xf32> to vector<3x128xf32>
    %dot_general3A_1166 = arith.constant dense<0.000000e+00> : vector<128x128xf32>
    %dot_general3A_1167 = tpu.matmul %stack3A_79, %slice3A_1165, %dot_general3A_1166 {dimension_numbers = #tpu.dot_dimension_numbers<[1], [0], [0], [1], [0, 0, 1, 1], [], []>, transpose_lhs_hint = false} : vector<128x3xf32>, vector<3x128xf32>, vector<128x128xf32> -> vector<128x128xf32>
    %mul3A_1168 = arith.constant -2.000000e+00 : f32
    %mul3A_1169 = vector.broadcast %mul3A_1168 : f32 to vector<128x128xf32>
    %mul3A_1170 = arith.mulf %mul3A_1169, %dot_general3A_1167 : vector<128x128xf32>
    %slice3A_1171 = vector.extract_strided_slice %broadcast_in_dim3A_83 {offsets = [0, 5120], sizes = [1, 128], strides = [1, 1]} : vector<1x8192xf32> to vector<1x128xf32>
    %neg3A_1172 = arith.constant 0.000000e+00 : f32
    %neg3A_1173 = vector.broadcast %neg3A_1172 : f32 to vector<1x128xf32>
    %neg3A_1174 = arith.subf %neg3A_1173, %slice3A_1171 : vector<1x128xf32>
    %sub3A_1175 = vector.broadcast %neg3A_1174 : vector<1x128xf32> to vector<128x128xf32>
    %sub3A_1176 = arith.subf %sub3A_1175, %mul3A_1170 : vector<128x128xf32>
    %broadcast_in_dim3A_1177 = vector.shape_cast %reduce_sum3A_86 : vector<128xf32> to vector<128x1xf32>
    %sub3A_1178 = vector.broadcast %broadcast_in_dim3A_1177 : vector<128x1xf32> to vector<128x128xf32>
    %sub3A_1179 = arith.subf %sub3A_1176, %sub3A_1178 : vector<128x128xf32>
    %reduce_max3A_1180 = arith.constant dense<0xFF800000> : vector<128xf32>
    %reduce_max3A_1181 = vector.multi_reduction <maximumf>, %sub3A_1179, %reduce_max3A_1180 [1] : vector<128x128xf32> to vector<128xf32>
    %broadcast_in_dim3A_1182 = vector.shape_cast %reduce_max3A_1181 : vector<128xf32> to vector<128x1xf32>
    %eq3A_1183 = arith.constant 40 : i32
    %eq3A_1184 = vector.broadcast %eq3A_1183 : i32 to vector<1x64xi32>
    %eq3A_1185 = arith.cmpi eq, %iota3A_87, %eq3A_1184 : vector<1x64xi32>
    %convert_element_type3A_1186 = arith.extui %eq3A_1185 : vector<1x64xi1> to vector<1x64xi32>
    %convert_element_type3A_1187 = arith.sitofp %convert_element_type3A_1186 : vector<1x64xi32> to vector<1x64xf32>
    %mul3A_1188 = vector.broadcast %broadcast_in_dim3A_1182 : vector<128x1xf32> to vector<128x64xf32>
    %mul3A_1189 = vector.broadcast %convert_element_type3A_1187 : vector<1x64xf32> to vector<128x64xf32>
    %mul3A_1190 = arith.mulf %mul3A_1188, %mul3A_1189 : vector<128x64xf32>
    %add3A_1191 = arith.addf %add3A_1164, %mul3A_1190 : vector<128x64xf32>
    %slice3A_1192 = vector.extract_strided_slice %slice3A {offsets = [0, 5248], sizes = [3, 128], strides = [1, 1]} : vector<3x8192xf32> to vector<3x128xf32>
    %dot_general3A_1193 = arith.constant dense<0.000000e+00> : vector<128x128xf32>
    %dot_general3A_1194 = tpu.matmul %stack3A_79, %slice3A_1192, %dot_general3A_1193 {dimension_numbers = #tpu.dot_dimension_numbers<[1], [0], [0], [1], [0, 0, 1, 1], [], []>, transpose_lhs_hint = false} : vector<128x3xf32>, vector<3x128xf32>, vector<128x128xf32> -> vector<128x128xf32>
    %mul3A_1195 = arith.constant -2.000000e+00 : f32
    %mul3A_1196 = vector.broadcast %mul3A_1195 : f32 to vector<128x128xf32>
    %mul3A_1197 = arith.mulf %mul3A_1196, %dot_general3A_1194 : vector<128x128xf32>
    %slice3A_1198 = vector.extract_strided_slice %broadcast_in_dim3A_83 {offsets = [0, 5248], sizes = [1, 128], strides = [1, 1]} : vector<1x8192xf32> to vector<1x128xf32>
    %neg3A_1199 = arith.constant 0.000000e+00 : f32
    %neg3A_1200 = vector.broadcast %neg3A_1199 : f32 to vector<1x128xf32>
    %neg3A_1201 = arith.subf %neg3A_1200, %slice3A_1198 : vector<1x128xf32>
    %sub3A_1202 = vector.broadcast %neg3A_1201 : vector<1x128xf32> to vector<128x128xf32>
    %sub3A_1203 = arith.subf %sub3A_1202, %mul3A_1197 : vector<128x128xf32>
    %broadcast_in_dim3A_1204 = vector.shape_cast %reduce_sum3A_86 : vector<128xf32> to vector<128x1xf32>
    %sub3A_1205 = vector.broadcast %broadcast_in_dim3A_1204 : vector<128x1xf32> to vector<128x128xf32>
    %sub3A_1206 = arith.subf %sub3A_1203, %sub3A_1205 : vector<128x128xf32>
    %reduce_max3A_1207 = arith.constant dense<0xFF800000> : vector<128xf32>
    %reduce_max3A_1208 = vector.multi_reduction <maximumf>, %sub3A_1206, %reduce_max3A_1207 [1] : vector<128x128xf32> to vector<128xf32>
    %broadcast_in_dim3A_1209 = vector.shape_cast %reduce_max3A_1208 : vector<128xf32> to vector<128x1xf32>
    %eq3A_1210 = arith.constant 41 : i32
    %eq3A_1211 = vector.broadcast %eq3A_1210 : i32 to vector<1x64xi32>
    %eq3A_1212 = arith.cmpi eq, %iota3A_87, %eq3A_1211 : vector<1x64xi32>
    %convert_element_type3A_1213 = arith.extui %eq3A_1212 : vector<1x64xi1> to vector<1x64xi32>
    %convert_element_type3A_1214 = arith.sitofp %convert_element_type3A_1213 : vector<1x64xi32> to vector<1x64xf32>
    %mul3A_1215 = vector.broadcast %broadcast_in_dim3A_1209 : vector<128x1xf32> to vector<128x64xf32>
    %mul3A_1216 = vector.broadcast %convert_element_type3A_1214 : vector<1x64xf32> to vector<128x64xf32>
    %mul3A_1217 = arith.mulf %mul3A_1215, %mul3A_1216 : vector<128x64xf32>
    %add3A_1218 = arith.addf %add3A_1191, %mul3A_1217 : vector<128x64xf32>
    %slice3A_1219 = vector.extract_strided_slice %slice3A {offsets = [0, 5376], sizes = [3, 128], strides = [1, 1]} : vector<3x8192xf32> to vector<3x128xf32>
    %dot_general3A_1220 = arith.constant dense<0.000000e+00> : vector<128x128xf32>
    %dot_general3A_1221 = tpu.matmul %stack3A_79, %slice3A_1219, %dot_general3A_1220 {dimension_numbers = #tpu.dot_dimension_numbers<[1], [0], [0], [1], [0, 0, 1, 1], [], []>, transpose_lhs_hint = false} : vector<128x3xf32>, vector<3x128xf32>, vector<128x128xf32> -> vector<128x128xf32>
    %mul3A_1222 = arith.constant -2.000000e+00 : f32
    %mul3A_1223 = vector.broadcast %mul3A_1222 : f32 to vector<128x128xf32>
    %mul3A_1224 = arith.mulf %mul3A_1223, %dot_general3A_1221 : vector<128x128xf32>
    %slice3A_1225 = vector.extract_strided_slice %broadcast_in_dim3A_83 {offsets = [0, 5376], sizes = [1, 128], strides = [1, 1]} : vector<1x8192xf32> to vector<1x128xf32>
    %neg3A_1226 = arith.constant 0.000000e+00 : f32
    %neg3A_1227 = vector.broadcast %neg3A_1226 : f32 to vector<1x128xf32>
    %neg3A_1228 = arith.subf %neg3A_1227, %slice3A_1225 : vector<1x128xf32>
    %sub3A_1229 = vector.broadcast %neg3A_1228 : vector<1x128xf32> to vector<128x128xf32>
    %sub3A_1230 = arith.subf %sub3A_1229, %mul3A_1224 : vector<128x128xf32>
    %broadcast_in_dim3A_1231 = vector.shape_cast %reduce_sum3A_86 : vector<128xf32> to vector<128x1xf32>
    %sub3A_1232 = vector.broadcast %broadcast_in_dim3A_1231 : vector<128x1xf32> to vector<128x128xf32>
    %sub3A_1233 = arith.subf %sub3A_1230, %sub3A_1232 : vector<128x128xf32>
    %reduce_max3A_1234 = arith.constant dense<0xFF800000> : vector<128xf32>
    %reduce_max3A_1235 = vector.multi_reduction <maximumf>, %sub3A_1233, %reduce_max3A_1234 [1] : vector<128x128xf32> to vector<128xf32>
    %broadcast_in_dim3A_1236 = vector.shape_cast %reduce_max3A_1235 : vector<128xf32> to vector<128x1xf32>
    %eq3A_1237 = arith.constant 42 : i32
    %eq3A_1238 = vector.broadcast %eq3A_1237 : i32 to vector<1x64xi32>
    %eq3A_1239 = arith.cmpi eq, %iota3A_87, %eq3A_1238 : vector<1x64xi32>
    %convert_element_type3A_1240 = arith.extui %eq3A_1239 : vector<1x64xi1> to vector<1x64xi32>
    %convert_element_type3A_1241 = arith.sitofp %convert_element_type3A_1240 : vector<1x64xi32> to vector<1x64xf32>
    %mul3A_1242 = vector.broadcast %broadcast_in_dim3A_1236 : vector<128x1xf32> to vector<128x64xf32>
    %mul3A_1243 = vector.broadcast %convert_element_type3A_1241 : vector<1x64xf32> to vector<128x64xf32>
    %mul3A_1244 = arith.mulf %mul3A_1242, %mul3A_1243 : vector<128x64xf32>
    %add3A_1245 = arith.addf %add3A_1218, %mul3A_1244 : vector<128x64xf32>
    %slice3A_1246 = vector.extract_strided_slice %slice3A {offsets = [0, 5504], sizes = [3, 128], strides = [1, 1]} : vector<3x8192xf32> to vector<3x128xf32>
    %dot_general3A_1247 = arith.constant dense<0.000000e+00> : vector<128x128xf32>
    %dot_general3A_1248 = tpu.matmul %stack3A_79, %slice3A_1246, %dot_general3A_1247 {dimension_numbers = #tpu.dot_dimension_numbers<[1], [0], [0], [1], [0, 0, 1, 1], [], []>, transpose_lhs_hint = false} : vector<128x3xf32>, vector<3x128xf32>, vector<128x128xf32> -> vector<128x128xf32>
    %mul3A_1249 = arith.constant -2.000000e+00 : f32
    %mul3A_1250 = vector.broadcast %mul3A_1249 : f32 to vector<128x128xf32>
    %mul3A_1251 = arith.mulf %mul3A_1250, %dot_general3A_1248 : vector<128x128xf32>
    %slice3A_1252 = vector.extract_strided_slice %broadcast_in_dim3A_83 {offsets = [0, 5504], sizes = [1, 128], strides = [1, 1]} : vector<1x8192xf32> to vector<1x128xf32>
    %neg3A_1253 = arith.constant 0.000000e+00 : f32
    %neg3A_1254 = vector.broadcast %neg3A_1253 : f32 to vector<1x128xf32>
    %neg3A_1255 = arith.subf %neg3A_1254, %slice3A_1252 : vector<1x128xf32>
    %sub3A_1256 = vector.broadcast %neg3A_1255 : vector<1x128xf32> to vector<128x128xf32>
    %sub3A_1257 = arith.subf %sub3A_1256, %mul3A_1251 : vector<128x128xf32>
    %broadcast_in_dim3A_1258 = vector.shape_cast %reduce_sum3A_86 : vector<128xf32> to vector<128x1xf32>
    %sub3A_1259 = vector.broadcast %broadcast_in_dim3A_1258 : vector<128x1xf32> to vector<128x128xf32>
    %sub3A_1260 = arith.subf %sub3A_1257, %sub3A_1259 : vector<128x128xf32>
    %reduce_max3A_1261 = arith.constant dense<0xFF800000> : vector<128xf32>
    %reduce_max3A_1262 = vector.multi_reduction <maximumf>, %sub3A_1260, %reduce_max3A_1261 [1] : vector<128x128xf32> to vector<128xf32>
    %broadcast_in_dim3A_1263 = vector.shape_cast %reduce_max3A_1262 : vector<128xf32> to vector<128x1xf32>
    %eq3A_1264 = arith.constant 43 : i32
    %eq3A_1265 = vector.broadcast %eq3A_1264 : i32 to vector<1x64xi32>
    %eq3A_1266 = arith.cmpi eq, %iota3A_87, %eq3A_1265 : vector<1x64xi32>
    %convert_element_type3A_1267 = arith.extui %eq3A_1266 : vector<1x64xi1> to vector<1x64xi32>
    %convert_element_type3A_1268 = arith.sitofp %convert_element_type3A_1267 : vector<1x64xi32> to vector<1x64xf32>
    %mul3A_1269 = vector.broadcast %broadcast_in_dim3A_1263 : vector<128x1xf32> to vector<128x64xf32>
    %mul3A_1270 = vector.broadcast %convert_element_type3A_1268 : vector<1x64xf32> to vector<128x64xf32>
    %mul3A_1271 = arith.mulf %mul3A_1269, %mul3A_1270 : vector<128x64xf32>
    %add3A_1272 = arith.addf %add3A_1245, %mul3A_1271 : vector<128x64xf32>
    %slice3A_1273 = vector.extract_strided_slice %slice3A {offsets = [0, 5632], sizes = [3, 128], strides = [1, 1]} : vector<3x8192xf32> to vector<3x128xf32>
    %dot_general3A_1274 = arith.constant dense<0.000000e+00> : vector<128x128xf32>
    %dot_general3A_1275 = tpu.matmul %stack3A_79, %slice3A_1273, %dot_general3A_1274 {dimension_numbers = #tpu.dot_dimension_numbers<[1], [0], [0], [1], [0, 0, 1, 1], [], []>, transpose_lhs_hint = false} : vector<128x3xf32>, vector<3x128xf32>, vector<128x128xf32> -> vector<128x128xf32>
    %mul3A_1276 = arith.constant -2.000000e+00 : f32
    %mul3A_1277 = vector.broadcast %mul3A_1276 : f32 to vector<128x128xf32>
    %mul3A_1278 = arith.mulf %mul3A_1277, %dot_general3A_1275 : vector<128x128xf32>
    %slice3A_1279 = vector.extract_strided_slice %broadcast_in_dim3A_83 {offsets = [0, 5632], sizes = [1, 128], strides = [1, 1]} : vector<1x8192xf32> to vector<1x128xf32>
    %neg3A_1280 = arith.constant 0.000000e+00 : f32
    %neg3A_1281 = vector.broadcast %neg3A_1280 : f32 to vector<1x128xf32>
    %neg3A_1282 = arith.subf %neg3A_1281, %slice3A_1279 : vector<1x128xf32>
    %sub3A_1283 = vector.broadcast %neg3A_1282 : vector<1x128xf32> to vector<128x128xf32>
    %sub3A_1284 = arith.subf %sub3A_1283, %mul3A_1278 : vector<128x128xf32>
    %broadcast_in_dim3A_1285 = vector.shape_cast %reduce_sum3A_86 : vector<128xf32> to vector<128x1xf32>
    %sub3A_1286 = vector.broadcast %broadcast_in_dim3A_1285 : vector<128x1xf32> to vector<128x128xf32>
    %sub3A_1287 = arith.subf %sub3A_1284, %sub3A_1286 : vector<128x128xf32>
    %reduce_max3A_1288 = arith.constant dense<0xFF800000> : vector<128xf32>
    %reduce_max3A_1289 = vector.multi_reduction <maximumf>, %sub3A_1287, %reduce_max3A_1288 [1] : vector<128x128xf32> to vector<128xf32>
    %broadcast_in_dim3A_1290 = vector.shape_cast %reduce_max3A_1289 : vector<128xf32> to vector<128x1xf32>
    %eq3A_1291 = arith.constant 44 : i32
    %eq3A_1292 = vector.broadcast %eq3A_1291 : i32 to vector<1x64xi32>
    %eq3A_1293 = arith.cmpi eq, %iota3A_87, %eq3A_1292 : vector<1x64xi32>
    %convert_element_type3A_1294 = arith.extui %eq3A_1293 : vector<1x64xi1> to vector<1x64xi32>
    %convert_element_type3A_1295 = arith.sitofp %convert_element_type3A_1294 : vector<1x64xi32> to vector<1x64xf32>
    %mul3A_1296 = vector.broadcast %broadcast_in_dim3A_1290 : vector<128x1xf32> to vector<128x64xf32>
    %mul3A_1297 = vector.broadcast %convert_element_type3A_1295 : vector<1x64xf32> to vector<128x64xf32>
    %mul3A_1298 = arith.mulf %mul3A_1296, %mul3A_1297 : vector<128x64xf32>
    %add3A_1299 = arith.addf %add3A_1272, %mul3A_1298 : vector<128x64xf32>
    %slice3A_1300 = vector.extract_strided_slice %slice3A {offsets = [0, 5760], sizes = [3, 128], strides = [1, 1]} : vector<3x8192xf32> to vector<3x128xf32>
    %dot_general3A_1301 = arith.constant dense<0.000000e+00> : vector<128x128xf32>
    %dot_general3A_1302 = tpu.matmul %stack3A_79, %slice3A_1300, %dot_general3A_1301 {dimension_numbers = #tpu.dot_dimension_numbers<[1], [0], [0], [1], [0, 0, 1, 1], [], []>, transpose_lhs_hint = false} : vector<128x3xf32>, vector<3x128xf32>, vector<128x128xf32> -> vector<128x128xf32>
    %mul3A_1303 = arith.constant -2.000000e+00 : f32
    %mul3A_1304 = vector.broadcast %mul3A_1303 : f32 to vector<128x128xf32>
    %mul3A_1305 = arith.mulf %mul3A_1304, %dot_general3A_1302 : vector<128x128xf32>
    %slice3A_1306 = vector.extract_strided_slice %broadcast_in_dim3A_83 {offsets = [0, 5760], sizes = [1, 128], strides = [1, 1]} : vector<1x8192xf32> to vector<1x128xf32>
    %neg3A_1307 = arith.constant 0.000000e+00 : f32
    %neg3A_1308 = vector.broadcast %neg3A_1307 : f32 to vector<1x128xf32>
    %neg3A_1309 = arith.subf %neg3A_1308, %slice3A_1306 : vector<1x128xf32>
    %sub3A_1310 = vector.broadcast %neg3A_1309 : vector<1x128xf32> to vector<128x128xf32>
    %sub3A_1311 = arith.subf %sub3A_1310, %mul3A_1305 : vector<128x128xf32>
    %broadcast_in_dim3A_1312 = vector.shape_cast %reduce_sum3A_86 : vector<128xf32> to vector<128x1xf32>
    %sub3A_1313 = vector.broadcast %broadcast_in_dim3A_1312 : vector<128x1xf32> to vector<128x128xf32>
    %sub3A_1314 = arith.subf %sub3A_1311, %sub3A_1313 : vector<128x128xf32>
    %reduce_max3A_1315 = arith.constant dense<0xFF800000> : vector<128xf32>
    %reduce_max3A_1316 = vector.multi_reduction <maximumf>, %sub3A_1314, %reduce_max3A_1315 [1] : vector<128x128xf32> to vector<128xf32>
    %broadcast_in_dim3A_1317 = vector.shape_cast %reduce_max3A_1316 : vector<128xf32> to vector<128x1xf32>
    %eq3A_1318 = arith.constant 45 : i32
    %eq3A_1319 = vector.broadcast %eq3A_1318 : i32 to vector<1x64xi32>
    %eq3A_1320 = arith.cmpi eq, %iota3A_87, %eq3A_1319 : vector<1x64xi32>
    %convert_element_type3A_1321 = arith.extui %eq3A_1320 : vector<1x64xi1> to vector<1x64xi32>
    %convert_element_type3A_1322 = arith.sitofp %convert_element_type3A_1321 : vector<1x64xi32> to vector<1x64xf32>
    %mul3A_1323 = vector.broadcast %broadcast_in_dim3A_1317 : vector<128x1xf32> to vector<128x64xf32>
    %mul3A_1324 = vector.broadcast %convert_element_type3A_1322 : vector<1x64xf32> to vector<128x64xf32>
    %mul3A_1325 = arith.mulf %mul3A_1323, %mul3A_1324 : vector<128x64xf32>
    %add3A_1326 = arith.addf %add3A_1299, %mul3A_1325 : vector<128x64xf32>
    %slice3A_1327 = vector.extract_strided_slice %slice3A {offsets = [0, 5888], sizes = [3, 128], strides = [1, 1]} : vector<3x8192xf32> to vector<3x128xf32>
    %dot_general3A_1328 = arith.constant dense<0.000000e+00> : vector<128x128xf32>
    %dot_general3A_1329 = tpu.matmul %stack3A_79, %slice3A_1327, %dot_general3A_1328 {dimension_numbers = #tpu.dot_dimension_numbers<[1], [0], [0], [1], [0, 0, 1, 1], [], []>, transpose_lhs_hint = false} : vector<128x3xf32>, vector<3x128xf32>, vector<128x128xf32> -> vector<128x128xf32>
    %mul3A_1330 = arith.constant -2.000000e+00 : f32
    %mul3A_1331 = vector.broadcast %mul3A_1330 : f32 to vector<128x128xf32>
    %mul3A_1332 = arith.mulf %mul3A_1331, %dot_general3A_1329 : vector<128x128xf32>
    %slice3A_1333 = vector.extract_strided_slice %broadcast_in_dim3A_83 {offsets = [0, 5888], sizes = [1, 128], strides = [1, 1]} : vector<1x8192xf32> to vector<1x128xf32>
    %neg3A_1334 = arith.constant 0.000000e+00 : f32
    %neg3A_1335 = vector.broadcast %neg3A_1334 : f32 to vector<1x128xf32>
    %neg3A_1336 = arith.subf %neg3A_1335, %slice3A_1333 : vector<1x128xf32>
    %sub3A_1337 = vector.broadcast %neg3A_1336 : vector<1x128xf32> to vector<128x128xf32>
    %sub3A_1338 = arith.subf %sub3A_1337, %mul3A_1332 : vector<128x128xf32>
    %broadcast_in_dim3A_1339 = vector.shape_cast %reduce_sum3A_86 : vector<128xf32> to vector<128x1xf32>
    %sub3A_1340 = vector.broadcast %broadcast_in_dim3A_1339 : vector<128x1xf32> to vector<128x128xf32>
    %sub3A_1341 = arith.subf %sub3A_1338, %sub3A_1340 : vector<128x128xf32>
    %reduce_max3A_1342 = arith.constant dense<0xFF800000> : vector<128xf32>
    %reduce_max3A_1343 = vector.multi_reduction <maximumf>, %sub3A_1341, %reduce_max3A_1342 [1] : vector<128x128xf32> to vector<128xf32>
    %broadcast_in_dim3A_1344 = vector.shape_cast %reduce_max3A_1343 : vector<128xf32> to vector<128x1xf32>
    %eq3A_1345 = arith.constant 46 : i32
    %eq3A_1346 = vector.broadcast %eq3A_1345 : i32 to vector<1x64xi32>
    %eq3A_1347 = arith.cmpi eq, %iota3A_87, %eq3A_1346 : vector<1x64xi32>
    %convert_element_type3A_1348 = arith.extui %eq3A_1347 : vector<1x64xi1> to vector<1x64xi32>
    %convert_element_type3A_1349 = arith.sitofp %convert_element_type3A_1348 : vector<1x64xi32> to vector<1x64xf32>
    %mul3A_1350 = vector.broadcast %broadcast_in_dim3A_1344 : vector<128x1xf32> to vector<128x64xf32>
    %mul3A_1351 = vector.broadcast %convert_element_type3A_1349 : vector<1x64xf32> to vector<128x64xf32>
    %mul3A_1352 = arith.mulf %mul3A_1350, %mul3A_1351 : vector<128x64xf32>
    %add3A_1353 = arith.addf %add3A_1326, %mul3A_1352 : vector<128x64xf32>
    %slice3A_1354 = vector.extract_strided_slice %slice3A {offsets = [0, 6016], sizes = [3, 128], strides = [1, 1]} : vector<3x8192xf32> to vector<3x128xf32>
    %dot_general3A_1355 = arith.constant dense<0.000000e+00> : vector<128x128xf32>
    %dot_general3A_1356 = tpu.matmul %stack3A_79, %slice3A_1354, %dot_general3A_1355 {dimension_numbers = #tpu.dot_dimension_numbers<[1], [0], [0], [1], [0, 0, 1, 1], [], []>, transpose_lhs_hint = false} : vector<128x3xf32>, vector<3x128xf32>, vector<128x128xf32> -> vector<128x128xf32>
    %mul3A_1357 = arith.constant -2.000000e+00 : f32
    %mul3A_1358 = vector.broadcast %mul3A_1357 : f32 to vector<128x128xf32>
    %mul3A_1359 = arith.mulf %mul3A_1358, %dot_general3A_1356 : vector<128x128xf32>
    %slice3A_1360 = vector.extract_strided_slice %broadcast_in_dim3A_83 {offsets = [0, 6016], sizes = [1, 128], strides = [1, 1]} : vector<1x8192xf32> to vector<1x128xf32>
    %neg3A_1361 = arith.constant 0.000000e+00 : f32
    %neg3A_1362 = vector.broadcast %neg3A_1361 : f32 to vector<1x128xf32>
    %neg3A_1363 = arith.subf %neg3A_1362, %slice3A_1360 : vector<1x128xf32>
    %sub3A_1364 = vector.broadcast %neg3A_1363 : vector<1x128xf32> to vector<128x128xf32>
    %sub3A_1365 = arith.subf %sub3A_1364, %mul3A_1359 : vector<128x128xf32>
    %broadcast_in_dim3A_1366 = vector.shape_cast %reduce_sum3A_86 : vector<128xf32> to vector<128x1xf32>
    %sub3A_1367 = vector.broadcast %broadcast_in_dim3A_1366 : vector<128x1xf32> to vector<128x128xf32>
    %sub3A_1368 = arith.subf %sub3A_1365, %sub3A_1367 : vector<128x128xf32>
    %reduce_max3A_1369 = arith.constant dense<0xFF800000> : vector<128xf32>
    %reduce_max3A_1370 = vector.multi_reduction <maximumf>, %sub3A_1368, %reduce_max3A_1369 [1] : vector<128x128xf32> to vector<128xf32>
    %broadcast_in_dim3A_1371 = vector.shape_cast %reduce_max3A_1370 : vector<128xf32> to vector<128x1xf32>
    %eq3A_1372 = arith.constant 47 : i32
    %eq3A_1373 = vector.broadcast %eq3A_1372 : i32 to vector<1x64xi32>
    %eq3A_1374 = arith.cmpi eq, %iota3A_87, %eq3A_1373 : vector<1x64xi32>
    %convert_element_type3A_1375 = arith.extui %eq3A_1374 : vector<1x64xi1> to vector<1x64xi32>
    %convert_element_type3A_1376 = arith.sitofp %convert_element_type3A_1375 : vector<1x64xi32> to vector<1x64xf32>
    %mul3A_1377 = vector.broadcast %broadcast_in_dim3A_1371 : vector<128x1xf32> to vector<128x64xf32>
    %mul3A_1378 = vector.broadcast %convert_element_type3A_1376 : vector<1x64xf32> to vector<128x64xf32>
    %mul3A_1379 = arith.mulf %mul3A_1377, %mul3A_1378 : vector<128x64xf32>
    %add3A_1380 = arith.addf %add3A_1353, %mul3A_1379 : vector<128x64xf32>
    %slice3A_1381 = vector.extract_strided_slice %slice3A {offsets = [0, 6144], sizes = [3, 128], strides = [1, 1]} : vector<3x8192xf32> to vector<3x128xf32>
    %dot_general3A_1382 = arith.constant dense<0.000000e+00> : vector<128x128xf32>
    %dot_general3A_1383 = tpu.matmul %stack3A_79, %slice3A_1381, %dot_general3A_1382 {dimension_numbers = #tpu.dot_dimension_numbers<[1], [0], [0], [1], [0, 0, 1, 1], [], []>, transpose_lhs_hint = false} : vector<128x3xf32>, vector<3x128xf32>, vector<128x128xf32> -> vector<128x128xf32>
    %mul3A_1384 = arith.constant -2.000000e+00 : f32
    %mul3A_1385 = vector.broadcast %mul3A_1384 : f32 to vector<128x128xf32>
    %mul3A_1386 = arith.mulf %mul3A_1385, %dot_general3A_1383 : vector<128x128xf32>
    %slice3A_1387 = vector.extract_strided_slice %broadcast_in_dim3A_83 {offsets = [0, 6144], sizes = [1, 128], strides = [1, 1]} : vector<1x8192xf32> to vector<1x128xf32>
    %neg3A_1388 = arith.constant 0.000000e+00 : f32
    %neg3A_1389 = vector.broadcast %neg3A_1388 : f32 to vector<1x128xf32>
    %neg3A_1390 = arith.subf %neg3A_1389, %slice3A_1387 : vector<1x128xf32>
    %sub3A_1391 = vector.broadcast %neg3A_1390 : vector<1x128xf32> to vector<128x128xf32>
    %sub3A_1392 = arith.subf %sub3A_1391, %mul3A_1386 : vector<128x128xf32>
    %broadcast_in_dim3A_1393 = vector.shape_cast %reduce_sum3A_86 : vector<128xf32> to vector<128x1xf32>
    %sub3A_1394 = vector.broadcast %broadcast_in_dim3A_1393 : vector<128x1xf32> to vector<128x128xf32>
    %sub3A_1395 = arith.subf %sub3A_1392, %sub3A_1394 : vector<128x128xf32>
    %reduce_max3A_1396 = arith.constant dense<0xFF800000> : vector<128xf32>
    %reduce_max3A_1397 = vector.multi_reduction <maximumf>, %sub3A_1395, %reduce_max3A_1396 [1] : vector<128x128xf32> to vector<128xf32>
    %broadcast_in_dim3A_1398 = vector.shape_cast %reduce_max3A_1397 : vector<128xf32> to vector<128x1xf32>
    %eq3A_1399 = arith.constant 48 : i32
    %eq3A_1400 = vector.broadcast %eq3A_1399 : i32 to vector<1x64xi32>
    %eq3A_1401 = arith.cmpi eq, %iota3A_87, %eq3A_1400 : vector<1x64xi32>
    %convert_element_type3A_1402 = arith.extui %eq3A_1401 : vector<1x64xi1> to vector<1x64xi32>
    %convert_element_type3A_1403 = arith.sitofp %convert_element_type3A_1402 : vector<1x64xi32> to vector<1x64xf32>
    %mul3A_1404 = vector.broadcast %broadcast_in_dim3A_1398 : vector<128x1xf32> to vector<128x64xf32>
    %mul3A_1405 = vector.broadcast %convert_element_type3A_1403 : vector<1x64xf32> to vector<128x64xf32>
    %mul3A_1406 = arith.mulf %mul3A_1404, %mul3A_1405 : vector<128x64xf32>
    %add3A_1407 = arith.addf %add3A_1380, %mul3A_1406 : vector<128x64xf32>
    %slice3A_1408 = vector.extract_strided_slice %slice3A {offsets = [0, 6272], sizes = [3, 128], strides = [1, 1]} : vector<3x8192xf32> to vector<3x128xf32>
    %dot_general3A_1409 = arith.constant dense<0.000000e+00> : vector<128x128xf32>
    %dot_general3A_1410 = tpu.matmul %stack3A_79, %slice3A_1408, %dot_general3A_1409 {dimension_numbers = #tpu.dot_dimension_numbers<[1], [0], [0], [1], [0, 0, 1, 1], [], []>, transpose_lhs_hint = false} : vector<128x3xf32>, vector<3x128xf32>, vector<128x128xf32> -> vector<128x128xf32>
    %mul3A_1411 = arith.constant -2.000000e+00 : f32
    %mul3A_1412 = vector.broadcast %mul3A_1411 : f32 to vector<128x128xf32>
    %mul3A_1413 = arith.mulf %mul3A_1412, %dot_general3A_1410 : vector<128x128xf32>
    %slice3A_1414 = vector.extract_strided_slice %broadcast_in_dim3A_83 {offsets = [0, 6272], sizes = [1, 128], strides = [1, 1]} : vector<1x8192xf32> to vector<1x128xf32>
    %neg3A_1415 = arith.constant 0.000000e+00 : f32
    %neg3A_1416 = vector.broadcast %neg3A_1415 : f32 to vector<1x128xf32>
    %neg3A_1417 = arith.subf %neg3A_1416, %slice3A_1414 : vector<1x128xf32>
    %sub3A_1418 = vector.broadcast %neg3A_1417 : vector<1x128xf32> to vector<128x128xf32>
    %sub3A_1419 = arith.subf %sub3A_1418, %mul3A_1413 : vector<128x128xf32>
    %broadcast_in_dim3A_1420 = vector.shape_cast %reduce_sum3A_86 : vector<128xf32> to vector<128x1xf32>
    %sub3A_1421 = vector.broadcast %broadcast_in_dim3A_1420 : vector<128x1xf32> to vector<128x128xf32>
    %sub3A_1422 = arith.subf %sub3A_1419, %sub3A_1421 : vector<128x128xf32>
    %reduce_max3A_1423 = arith.constant dense<0xFF800000> : vector<128xf32>
    %reduce_max3A_1424 = vector.multi_reduction <maximumf>, %sub3A_1422, %reduce_max3A_1423 [1] : vector<128x128xf32> to vector<128xf32>
    %broadcast_in_dim3A_1425 = vector.shape_cast %reduce_max3A_1424 : vector<128xf32> to vector<128x1xf32>
    %eq3A_1426 = arith.constant 49 : i32
    %eq3A_1427 = vector.broadcast %eq3A_1426 : i32 to vector<1x64xi32>
    %eq3A_1428 = arith.cmpi eq, %iota3A_87, %eq3A_1427 : vector<1x64xi32>
    %convert_element_type3A_1429 = arith.extui %eq3A_1428 : vector<1x64xi1> to vector<1x64xi32>
    %convert_element_type3A_1430 = arith.sitofp %convert_element_type3A_1429 : vector<1x64xi32> to vector<1x64xf32>
    %mul3A_1431 = vector.broadcast %broadcast_in_dim3A_1425 : vector<128x1xf32> to vector<128x64xf32>
    %mul3A_1432 = vector.broadcast %convert_element_type3A_1430 : vector<1x64xf32> to vector<128x64xf32>
    %mul3A_1433 = arith.mulf %mul3A_1431, %mul3A_1432 : vector<128x64xf32>
    %add3A_1434 = arith.addf %add3A_1407, %mul3A_1433 : vector<128x64xf32>
    %slice3A_1435 = vector.extract_strided_slice %slice3A {offsets = [0, 6400], sizes = [3, 128], strides = [1, 1]} : vector<3x8192xf32> to vector<3x128xf32>
    %dot_general3A_1436 = arith.constant dense<0.000000e+00> : vector<128x128xf32>
    %dot_general3A_1437 = tpu.matmul %stack3A_79, %slice3A_1435, %dot_general3A_1436 {dimension_numbers = #tpu.dot_dimension_numbers<[1], [0], [0], [1], [0, 0, 1, 1], [], []>, transpose_lhs_hint = false} : vector<128x3xf32>, vector<3x128xf32>, vector<128x128xf32> -> vector<128x128xf32>
    %mul3A_1438 = arith.constant -2.000000e+00 : f32
    %mul3A_1439 = vector.broadcast %mul3A_1438 : f32 to vector<128x128xf32>
    %mul3A_1440 = arith.mulf %mul3A_1439, %dot_general3A_1437 : vector<128x128xf32>
    %slice3A_1441 = vector.extract_strided_slice %broadcast_in_dim3A_83 {offsets = [0, 6400], sizes = [1, 128], strides = [1, 1]} : vector<1x8192xf32> to vector<1x128xf32>
    %neg3A_1442 = arith.constant 0.000000e+00 : f32
    %neg3A_1443 = vector.broadcast %neg3A_1442 : f32 to vector<1x128xf32>
    %neg3A_1444 = arith.subf %neg3A_1443, %slice3A_1441 : vector<1x128xf32>
    %sub3A_1445 = vector.broadcast %neg3A_1444 : vector<1x128xf32> to vector<128x128xf32>
    %sub3A_1446 = arith.subf %sub3A_1445, %mul3A_1440 : vector<128x128xf32>
    %broadcast_in_dim3A_1447 = vector.shape_cast %reduce_sum3A_86 : vector<128xf32> to vector<128x1xf32>
    %sub3A_1448 = vector.broadcast %broadcast_in_dim3A_1447 : vector<128x1xf32> to vector<128x128xf32>
    %sub3A_1449 = arith.subf %sub3A_1446, %sub3A_1448 : vector<128x128xf32>
    %reduce_max3A_1450 = arith.constant dense<0xFF800000> : vector<128xf32>
    %reduce_max3A_1451 = vector.multi_reduction <maximumf>, %sub3A_1449, %reduce_max3A_1450 [1] : vector<128x128xf32> to vector<128xf32>
    %broadcast_in_dim3A_1452 = vector.shape_cast %reduce_max3A_1451 : vector<128xf32> to vector<128x1xf32>
    %eq3A_1453 = arith.constant 50 : i32
    %eq3A_1454 = vector.broadcast %eq3A_1453 : i32 to vector<1x64xi32>
    %eq3A_1455 = arith.cmpi eq, %iota3A_87, %eq3A_1454 : vector<1x64xi32>
    %convert_element_type3A_1456 = arith.extui %eq3A_1455 : vector<1x64xi1> to vector<1x64xi32>
    %convert_element_type3A_1457 = arith.sitofp %convert_element_type3A_1456 : vector<1x64xi32> to vector<1x64xf32>
    %mul3A_1458 = vector.broadcast %broadcast_in_dim3A_1452 : vector<128x1xf32> to vector<128x64xf32>
    %mul3A_1459 = vector.broadcast %convert_element_type3A_1457 : vector<1x64xf32> to vector<128x64xf32>
    %mul3A_1460 = arith.mulf %mul3A_1458, %mul3A_1459 : vector<128x64xf32>
    %add3A_1461 = arith.addf %add3A_1434, %mul3A_1460 : vector<128x64xf32>
    %slice3A_1462 = vector.extract_strided_slice %slice3A {offsets = [0, 6528], sizes = [3, 128], strides = [1, 1]} : vector<3x8192xf32> to vector<3x128xf32>
    %dot_general3A_1463 = arith.constant dense<0.000000e+00> : vector<128x128xf32>
    %dot_general3A_1464 = tpu.matmul %stack3A_79, %slice3A_1462, %dot_general3A_1463 {dimension_numbers = #tpu.dot_dimension_numbers<[1], [0], [0], [1], [0, 0, 1, 1], [], []>, transpose_lhs_hint = false} : vector<128x3xf32>, vector<3x128xf32>, vector<128x128xf32> -> vector<128x128xf32>
    %mul3A_1465 = arith.constant -2.000000e+00 : f32
    %mul3A_1466 = vector.broadcast %mul3A_1465 : f32 to vector<128x128xf32>
    %mul3A_1467 = arith.mulf %mul3A_1466, %dot_general3A_1464 : vector<128x128xf32>
    %slice3A_1468 = vector.extract_strided_slice %broadcast_in_dim3A_83 {offsets = [0, 6528], sizes = [1, 128], strides = [1, 1]} : vector<1x8192xf32> to vector<1x128xf32>
    %neg3A_1469 = arith.constant 0.000000e+00 : f32
    %neg3A_1470 = vector.broadcast %neg3A_1469 : f32 to vector<1x128xf32>
    %neg3A_1471 = arith.subf %neg3A_1470, %slice3A_1468 : vector<1x128xf32>
    %sub3A_1472 = vector.broadcast %neg3A_1471 : vector<1x128xf32> to vector<128x128xf32>
    %sub3A_1473 = arith.subf %sub3A_1472, %mul3A_1467 : vector<128x128xf32>
    %broadcast_in_dim3A_1474 = vector.shape_cast %reduce_sum3A_86 : vector<128xf32> to vector<128x1xf32>
    %sub3A_1475 = vector.broadcast %broadcast_in_dim3A_1474 : vector<128x1xf32> to vector<128x128xf32>
    %sub3A_1476 = arith.subf %sub3A_1473, %sub3A_1475 : vector<128x128xf32>
    %reduce_max3A_1477 = arith.constant dense<0xFF800000> : vector<128xf32>
    %reduce_max3A_1478 = vector.multi_reduction <maximumf>, %sub3A_1476, %reduce_max3A_1477 [1] : vector<128x128xf32> to vector<128xf32>
    %broadcast_in_dim3A_1479 = vector.shape_cast %reduce_max3A_1478 : vector<128xf32> to vector<128x1xf32>
    %eq3A_1480 = arith.constant 51 : i32
    %eq3A_1481 = vector.broadcast %eq3A_1480 : i32 to vector<1x64xi32>
    %eq3A_1482 = arith.cmpi eq, %iota3A_87, %eq3A_1481 : vector<1x64xi32>
    %convert_element_type3A_1483 = arith.extui %eq3A_1482 : vector<1x64xi1> to vector<1x64xi32>
    %convert_element_type3A_1484 = arith.sitofp %convert_element_type3A_1483 : vector<1x64xi32> to vector<1x64xf32>
    %mul3A_1485 = vector.broadcast %broadcast_in_dim3A_1479 : vector<128x1xf32> to vector<128x64xf32>
    %mul3A_1486 = vector.broadcast %convert_element_type3A_1484 : vector<1x64xf32> to vector<128x64xf32>
    %mul3A_1487 = arith.mulf %mul3A_1485, %mul3A_1486 : vector<128x64xf32>
    %add3A_1488 = arith.addf %add3A_1461, %mul3A_1487 : vector<128x64xf32>
    %slice3A_1489 = vector.extract_strided_slice %slice3A {offsets = [0, 6656], sizes = [3, 128], strides = [1, 1]} : vector<3x8192xf32> to vector<3x128xf32>
    %dot_general3A_1490 = arith.constant dense<0.000000e+00> : vector<128x128xf32>
    %dot_general3A_1491 = tpu.matmul %stack3A_79, %slice3A_1489, %dot_general3A_1490 {dimension_numbers = #tpu.dot_dimension_numbers<[1], [0], [0], [1], [0, 0, 1, 1], [], []>, transpose_lhs_hint = false} : vector<128x3xf32>, vector<3x128xf32>, vector<128x128xf32> -> vector<128x128xf32>
    %mul3A_1492 = arith.constant -2.000000e+00 : f32
    %mul3A_1493 = vector.broadcast %mul3A_1492 : f32 to vector<128x128xf32>
    %mul3A_1494 = arith.mulf %mul3A_1493, %dot_general3A_1491 : vector<128x128xf32>
    %slice3A_1495 = vector.extract_strided_slice %broadcast_in_dim3A_83 {offsets = [0, 6656], sizes = [1, 128], strides = [1, 1]} : vector<1x8192xf32> to vector<1x128xf32>
    %neg3A_1496 = arith.constant 0.000000e+00 : f32
    %neg3A_1497 = vector.broadcast %neg3A_1496 : f32 to vector<1x128xf32>
    %neg3A_1498 = arith.subf %neg3A_1497, %slice3A_1495 : vector<1x128xf32>
    %sub3A_1499 = vector.broadcast %neg3A_1498 : vector<1x128xf32> to vector<128x128xf32>
    %sub3A_1500 = arith.subf %sub3A_1499, %mul3A_1494 : vector<128x128xf32>
    %broadcast_in_dim3A_1501 = vector.shape_cast %reduce_sum3A_86 : vector<128xf32> to vector<128x1xf32>
    %sub3A_1502 = vector.broadcast %broadcast_in_dim3A_1501 : vector<128x1xf32> to vector<128x128xf32>
    %sub3A_1503 = arith.subf %sub3A_1500, %sub3A_1502 : vector<128x128xf32>
    %reduce_max3A_1504 = arith.constant dense<0xFF800000> : vector<128xf32>
    %reduce_max3A_1505 = vector.multi_reduction <maximumf>, %sub3A_1503, %reduce_max3A_1504 [1] : vector<128x128xf32> to vector<128xf32>
    %broadcast_in_dim3A_1506 = vector.shape_cast %reduce_max3A_1505 : vector<128xf32> to vector<128x1xf32>
    %eq3A_1507 = arith.constant 52 : i32
    %eq3A_1508 = vector.broadcast %eq3A_1507 : i32 to vector<1x64xi32>
    %eq3A_1509 = arith.cmpi eq, %iota3A_87, %eq3A_1508 : vector<1x64xi32>
    %convert_element_type3A_1510 = arith.extui %eq3A_1509 : vector<1x64xi1> to vector<1x64xi32>
    %convert_element_type3A_1511 = arith.sitofp %convert_element_type3A_1510 : vector<1x64xi32> to vector<1x64xf32>
    %mul3A_1512 = vector.broadcast %broadcast_in_dim3A_1506 : vector<128x1xf32> to vector<128x64xf32>
    %mul3A_1513 = vector.broadcast %convert_element_type3A_1511 : vector<1x64xf32> to vector<128x64xf32>
    %mul3A_1514 = arith.mulf %mul3A_1512, %mul3A_1513 : vector<128x64xf32>
    %add3A_1515 = arith.addf %add3A_1488, %mul3A_1514 : vector<128x64xf32>
    %slice3A_1516 = vector.extract_strided_slice %slice3A {offsets = [0, 6784], sizes = [3, 128], strides = [1, 1]} : vector<3x8192xf32> to vector<3x128xf32>
    %dot_general3A_1517 = arith.constant dense<0.000000e+00> : vector<128x128xf32>
    %dot_general3A_1518 = tpu.matmul %stack3A_79, %slice3A_1516, %dot_general3A_1517 {dimension_numbers = #tpu.dot_dimension_numbers<[1], [0], [0], [1], [0, 0, 1, 1], [], []>, transpose_lhs_hint = false} : vector<128x3xf32>, vector<3x128xf32>, vector<128x128xf32> -> vector<128x128xf32>
    %mul3A_1519 = arith.constant -2.000000e+00 : f32
    %mul3A_1520 = vector.broadcast %mul3A_1519 : f32 to vector<128x128xf32>
    %mul3A_1521 = arith.mulf %mul3A_1520, %dot_general3A_1518 : vector<128x128xf32>
    %slice3A_1522 = vector.extract_strided_slice %broadcast_in_dim3A_83 {offsets = [0, 6784], sizes = [1, 128], strides = [1, 1]} : vector<1x8192xf32> to vector<1x128xf32>
    %neg3A_1523 = arith.constant 0.000000e+00 : f32
    %neg3A_1524 = vector.broadcast %neg3A_1523 : f32 to vector<1x128xf32>
    %neg3A_1525 = arith.subf %neg3A_1524, %slice3A_1522 : vector<1x128xf32>
    %sub3A_1526 = vector.broadcast %neg3A_1525 : vector<1x128xf32> to vector<128x128xf32>
    %sub3A_1527 = arith.subf %sub3A_1526, %mul3A_1521 : vector<128x128xf32>
    %broadcast_in_dim3A_1528 = vector.shape_cast %reduce_sum3A_86 : vector<128xf32> to vector<128x1xf32>
    %sub3A_1529 = vector.broadcast %broadcast_in_dim3A_1528 : vector<128x1xf32> to vector<128x128xf32>
    %sub3A_1530 = arith.subf %sub3A_1527, %sub3A_1529 : vector<128x128xf32>
    %reduce_max3A_1531 = arith.constant dense<0xFF800000> : vector<128xf32>
    %reduce_max3A_1532 = vector.multi_reduction <maximumf>, %sub3A_1530, %reduce_max3A_1531 [1] : vector<128x128xf32> to vector<128xf32>
    %broadcast_in_dim3A_1533 = vector.shape_cast %reduce_max3A_1532 : vector<128xf32> to vector<128x1xf32>
    %eq3A_1534 = arith.constant 53 : i32
    %eq3A_1535 = vector.broadcast %eq3A_1534 : i32 to vector<1x64xi32>
    %eq3A_1536 = arith.cmpi eq, %iota3A_87, %eq3A_1535 : vector<1x64xi32>
    %convert_element_type3A_1537 = arith.extui %eq3A_1536 : vector<1x64xi1> to vector<1x64xi32>
    %convert_element_type3A_1538 = arith.sitofp %convert_element_type3A_1537 : vector<1x64xi32> to vector<1x64xf32>
    %mul3A_1539 = vector.broadcast %broadcast_in_dim3A_1533 : vector<128x1xf32> to vector<128x64xf32>
    %mul3A_1540 = vector.broadcast %convert_element_type3A_1538 : vector<1x64xf32> to vector<128x64xf32>
    %mul3A_1541 = arith.mulf %mul3A_1539, %mul3A_1540 : vector<128x64xf32>
    %add3A_1542 = arith.addf %add3A_1515, %mul3A_1541 : vector<128x64xf32>
    %slice3A_1543 = vector.extract_strided_slice %slice3A {offsets = [0, 6912], sizes = [3, 128], strides = [1, 1]} : vector<3x8192xf32> to vector<3x128xf32>
    %dot_general3A_1544 = arith.constant dense<0.000000e+00> : vector<128x128xf32>
    %dot_general3A_1545 = tpu.matmul %stack3A_79, %slice3A_1543, %dot_general3A_1544 {dimension_numbers = #tpu.dot_dimension_numbers<[1], [0], [0], [1], [0, 0, 1, 1], [], []>, transpose_lhs_hint = false} : vector<128x3xf32>, vector<3x128xf32>, vector<128x128xf32> -> vector<128x128xf32>
    %mul3A_1546 = arith.constant -2.000000e+00 : f32
    %mul3A_1547 = vector.broadcast %mul3A_1546 : f32 to vector<128x128xf32>
    %mul3A_1548 = arith.mulf %mul3A_1547, %dot_general3A_1545 : vector<128x128xf32>
    %slice3A_1549 = vector.extract_strided_slice %broadcast_in_dim3A_83 {offsets = [0, 6912], sizes = [1, 128], strides = [1, 1]} : vector<1x8192xf32> to vector<1x128xf32>
    %neg3A_1550 = arith.constant 0.000000e+00 : f32
    %neg3A_1551 = vector.broadcast %neg3A_1550 : f32 to vector<1x128xf32>
    %neg3A_1552 = arith.subf %neg3A_1551, %slice3A_1549 : vector<1x128xf32>
    %sub3A_1553 = vector.broadcast %neg3A_1552 : vector<1x128xf32> to vector<128x128xf32>
    %sub3A_1554 = arith.subf %sub3A_1553, %mul3A_1548 : vector<128x128xf32>
    %broadcast_in_dim3A_1555 = vector.shape_cast %reduce_sum3A_86 : vector<128xf32> to vector<128x1xf32>
    %sub3A_1556 = vector.broadcast %broadcast_in_dim3A_1555 : vector<128x1xf32> to vector<128x128xf32>
    %sub3A_1557 = arith.subf %sub3A_1554, %sub3A_1556 : vector<128x128xf32>
    %reduce_max3A_1558 = arith.constant dense<0xFF800000> : vector<128xf32>
    %reduce_max3A_1559 = vector.multi_reduction <maximumf>, %sub3A_1557, %reduce_max3A_1558 [1] : vector<128x128xf32> to vector<128xf32>
    %broadcast_in_dim3A_1560 = vector.shape_cast %reduce_max3A_1559 : vector<128xf32> to vector<128x1xf32>
    %eq3A_1561 = arith.constant 54 : i32
    %eq3A_1562 = vector.broadcast %eq3A_1561 : i32 to vector<1x64xi32>
    %eq3A_1563 = arith.cmpi eq, %iota3A_87, %eq3A_1562 : vector<1x64xi32>
    %convert_element_type3A_1564 = arith.extui %eq3A_1563 : vector<1x64xi1> to vector<1x64xi32>
    %convert_element_type3A_1565 = arith.sitofp %convert_element_type3A_1564 : vector<1x64xi32> to vector<1x64xf32>
    %mul3A_1566 = vector.broadcast %broadcast_in_dim3A_1560 : vector<128x1xf32> to vector<128x64xf32>
    %mul3A_1567 = vector.broadcast %convert_element_type3A_1565 : vector<1x64xf32> to vector<128x64xf32>
    %mul3A_1568 = arith.mulf %mul3A_1566, %mul3A_1567 : vector<128x64xf32>
    %add3A_1569 = arith.addf %add3A_1542, %mul3A_1568 : vector<128x64xf32>
    %slice3A_1570 = vector.extract_strided_slice %slice3A {offsets = [0, 7040], sizes = [3, 128], strides = [1, 1]} : vector<3x8192xf32> to vector<3x128xf32>
    %dot_general3A_1571 = arith.constant dense<0.000000e+00> : vector<128x128xf32>
    %dot_general3A_1572 = tpu.matmul %stack3A_79, %slice3A_1570, %dot_general3A_1571 {dimension_numbers = #tpu.dot_dimension_numbers<[1], [0], [0], [1], [0, 0, 1, 1], [], []>, transpose_lhs_hint = false} : vector<128x3xf32>, vector<3x128xf32>, vector<128x128xf32> -> vector<128x128xf32>
    %mul3A_1573 = arith.constant -2.000000e+00 : f32
    %mul3A_1574 = vector.broadcast %mul3A_1573 : f32 to vector<128x128xf32>
    %mul3A_1575 = arith.mulf %mul3A_1574, %dot_general3A_1572 : vector<128x128xf32>
    %slice3A_1576 = vector.extract_strided_slice %broadcast_in_dim3A_83 {offsets = [0, 7040], sizes = [1, 128], strides = [1, 1]} : vector<1x8192xf32> to vector<1x128xf32>
    %neg3A_1577 = arith.constant 0.000000e+00 : f32
    %neg3A_1578 = vector.broadcast %neg3A_1577 : f32 to vector<1x128xf32>
    %neg3A_1579 = arith.subf %neg3A_1578, %slice3A_1576 : vector<1x128xf32>
    %sub3A_1580 = vector.broadcast %neg3A_1579 : vector<1x128xf32> to vector<128x128xf32>
    %sub3A_1581 = arith.subf %sub3A_1580, %mul3A_1575 : vector<128x128xf32>
    %broadcast_in_dim3A_1582 = vector.shape_cast %reduce_sum3A_86 : vector<128xf32> to vector<128x1xf32>
    %sub3A_1583 = vector.broadcast %broadcast_in_dim3A_1582 : vector<128x1xf32> to vector<128x128xf32>
    %sub3A_1584 = arith.subf %sub3A_1581, %sub3A_1583 : vector<128x128xf32>
    %reduce_max3A_1585 = arith.constant dense<0xFF800000> : vector<128xf32>
    %reduce_max3A_1586 = vector.multi_reduction <maximumf>, %sub3A_1584, %reduce_max3A_1585 [1] : vector<128x128xf32> to vector<128xf32>
    %broadcast_in_dim3A_1587 = vector.shape_cast %reduce_max3A_1586 : vector<128xf32> to vector<128x1xf32>
    %eq3A_1588 = arith.constant 55 : i32
    %eq3A_1589 = vector.broadcast %eq3A_1588 : i32 to vector<1x64xi32>
    %eq3A_1590 = arith.cmpi eq, %iota3A_87, %eq3A_1589 : vector<1x64xi32>
    %convert_element_type3A_1591 = arith.extui %eq3A_1590 : vector<1x64xi1> to vector<1x64xi32>
    %convert_element_type3A_1592 = arith.sitofp %convert_element_type3A_1591 : vector<1x64xi32> to vector<1x64xf32>
    %mul3A_1593 = vector.broadcast %broadcast_in_dim3A_1587 : vector<128x1xf32> to vector<128x64xf32>
    %mul3A_1594 = vector.broadcast %convert_element_type3A_1592 : vector<1x64xf32> to vector<128x64xf32>
    %mul3A_1595 = arith.mulf %mul3A_1593, %mul3A_1594 : vector<128x64xf32>
    %add3A_1596 = arith.addf %add3A_1569, %mul3A_1595 : vector<128x64xf32>
    %slice3A_1597 = vector.extract_strided_slice %slice3A {offsets = [0, 7168], sizes = [3, 128], strides = [1, 1]} : vector<3x8192xf32> to vector<3x128xf32>
    %dot_general3A_1598 = arith.constant dense<0.000000e+00> : vector<128x128xf32>
    %dot_general3A_1599 = tpu.matmul %stack3A_79, %slice3A_1597, %dot_general3A_1598 {dimension_numbers = #tpu.dot_dimension_numbers<[1], [0], [0], [1], [0, 0, 1, 1], [], []>, transpose_lhs_hint = false} : vector<128x3xf32>, vector<3x128xf32>, vector<128x128xf32> -> vector<128x128xf32>
    %mul3A_1600 = arith.constant -2.000000e+00 : f32
    %mul3A_1601 = vector.broadcast %mul3A_1600 : f32 to vector<128x128xf32>
    %mul3A_1602 = arith.mulf %mul3A_1601, %dot_general3A_1599 : vector<128x128xf32>
    %slice3A_1603 = vector.extract_strided_slice %broadcast_in_dim3A_83 {offsets = [0, 7168], sizes = [1, 128], strides = [1, 1]} : vector<1x8192xf32> to vector<1x128xf32>
    %neg3A_1604 = arith.constant 0.000000e+00 : f32
    %neg3A_1605 = vector.broadcast %neg3A_1604 : f32 to vector<1x128xf32>
    %neg3A_1606 = arith.subf %neg3A_1605, %slice3A_1603 : vector<1x128xf32>
    %sub3A_1607 = vector.broadcast %neg3A_1606 : vector<1x128xf32> to vector<128x128xf32>
    %sub3A_1608 = arith.subf %sub3A_1607, %mul3A_1602 : vector<128x128xf32>
    %broadcast_in_dim3A_1609 = vector.shape_cast %reduce_sum3A_86 : vector<128xf32> to vector<128x1xf32>
    %sub3A_1610 = vector.broadcast %broadcast_in_dim3A_1609 : vector<128x1xf32> to vector<128x128xf32>
    %sub3A_1611 = arith.subf %sub3A_1608, %sub3A_1610 : vector<128x128xf32>
    %reduce_max3A_1612 = arith.constant dense<0xFF800000> : vector<128xf32>
    %reduce_max3A_1613 = vector.multi_reduction <maximumf>, %sub3A_1611, %reduce_max3A_1612 [1] : vector<128x128xf32> to vector<128xf32>
    %broadcast_in_dim3A_1614 = vector.shape_cast %reduce_max3A_1613 : vector<128xf32> to vector<128x1xf32>
    %eq3A_1615 = arith.constant 56 : i32
    %eq3A_1616 = vector.broadcast %eq3A_1615 : i32 to vector<1x64xi32>
    %eq3A_1617 = arith.cmpi eq, %iota3A_87, %eq3A_1616 : vector<1x64xi32>
    %convert_element_type3A_1618 = arith.extui %eq3A_1617 : vector<1x64xi1> to vector<1x64xi32>
    %convert_element_type3A_1619 = arith.sitofp %convert_element_type3A_1618 : vector<1x64xi32> to vector<1x64xf32>
    %mul3A_1620 = vector.broadcast %broadcast_in_dim3A_1614 : vector<128x1xf32> to vector<128x64xf32>
    %mul3A_1621 = vector.broadcast %convert_element_type3A_1619 : vector<1x64xf32> to vector<128x64xf32>
    %mul3A_1622 = arith.mulf %mul3A_1620, %mul3A_1621 : vector<128x64xf32>
    %add3A_1623 = arith.addf %add3A_1596, %mul3A_1622 : vector<128x64xf32>
    %slice3A_1624 = vector.extract_strided_slice %slice3A {offsets = [0, 7296], sizes = [3, 128], strides = [1, 1]} : vector<3x8192xf32> to vector<3x128xf32>
    %dot_general3A_1625 = arith.constant dense<0.000000e+00> : vector<128x128xf32>
    %dot_general3A_1626 = tpu.matmul %stack3A_79, %slice3A_1624, %dot_general3A_1625 {dimension_numbers = #tpu.dot_dimension_numbers<[1], [0], [0], [1], [0, 0, 1, 1], [], []>, transpose_lhs_hint = false} : vector<128x3xf32>, vector<3x128xf32>, vector<128x128xf32> -> vector<128x128xf32>
    %mul3A_1627 = arith.constant -2.000000e+00 : f32
    %mul3A_1628 = vector.broadcast %mul3A_1627 : f32 to vector<128x128xf32>
    %mul3A_1629 = arith.mulf %mul3A_1628, %dot_general3A_1626 : vector<128x128xf32>
    %slice3A_1630 = vector.extract_strided_slice %broadcast_in_dim3A_83 {offsets = [0, 7296], sizes = [1, 128], strides = [1, 1]} : vector<1x8192xf32> to vector<1x128xf32>
    %neg3A_1631 = arith.constant 0.000000e+00 : f32
    %neg3A_1632 = vector.broadcast %neg3A_1631 : f32 to vector<1x128xf32>
    %neg3A_1633 = arith.subf %neg3A_1632, %slice3A_1630 : vector<1x128xf32>
    %sub3A_1634 = vector.broadcast %neg3A_1633 : vector<1x128xf32> to vector<128x128xf32>
    %sub3A_1635 = arith.subf %sub3A_1634, %mul3A_1629 : vector<128x128xf32>
    %broadcast_in_dim3A_1636 = vector.shape_cast %reduce_sum3A_86 : vector<128xf32> to vector<128x1xf32>
    %sub3A_1637 = vector.broadcast %broadcast_in_dim3A_1636 : vector<128x1xf32> to vector<128x128xf32>
    %sub3A_1638 = arith.subf %sub3A_1635, %sub3A_1637 : vector<128x128xf32>
    %reduce_max3A_1639 = arith.constant dense<0xFF800000> : vector<128xf32>
    %reduce_max3A_1640 = vector.multi_reduction <maximumf>, %sub3A_1638, %reduce_max3A_1639 [1] : vector<128x128xf32> to vector<128xf32>
    %broadcast_in_dim3A_1641 = vector.shape_cast %reduce_max3A_1640 : vector<128xf32> to vector<128x1xf32>
    %eq3A_1642 = arith.constant 57 : i32
    %eq3A_1643 = vector.broadcast %eq3A_1642 : i32 to vector<1x64xi32>
    %eq3A_1644 = arith.cmpi eq, %iota3A_87, %eq3A_1643 : vector<1x64xi32>
    %convert_element_type3A_1645 = arith.extui %eq3A_1644 : vector<1x64xi1> to vector<1x64xi32>
    %convert_element_type3A_1646 = arith.sitofp %convert_element_type3A_1645 : vector<1x64xi32> to vector<1x64xf32>
    %mul3A_1647 = vector.broadcast %broadcast_in_dim3A_1641 : vector<128x1xf32> to vector<128x64xf32>
    %mul3A_1648 = vector.broadcast %convert_element_type3A_1646 : vector<1x64xf32> to vector<128x64xf32>
    %mul3A_1649 = arith.mulf %mul3A_1647, %mul3A_1648 : vector<128x64xf32>
    %add3A_1650 = arith.addf %add3A_1623, %mul3A_1649 : vector<128x64xf32>
    %slice3A_1651 = vector.extract_strided_slice %slice3A {offsets = [0, 7424], sizes = [3, 128], strides = [1, 1]} : vector<3x8192xf32> to vector<3x128xf32>
    %dot_general3A_1652 = arith.constant dense<0.000000e+00> : vector<128x128xf32>
    %dot_general3A_1653 = tpu.matmul %stack3A_79, %slice3A_1651, %dot_general3A_1652 {dimension_numbers = #tpu.dot_dimension_numbers<[1], [0], [0], [1], [0, 0, 1, 1], [], []>, transpose_lhs_hint = false} : vector<128x3xf32>, vector<3x128xf32>, vector<128x128xf32> -> vector<128x128xf32>
    %mul3A_1654 = arith.constant -2.000000e+00 : f32
    %mul3A_1655 = vector.broadcast %mul3A_1654 : f32 to vector<128x128xf32>
    %mul3A_1656 = arith.mulf %mul3A_1655, %dot_general3A_1653 : vector<128x128xf32>
    %slice3A_1657 = vector.extract_strided_slice %broadcast_in_dim3A_83 {offsets = [0, 7424], sizes = [1, 128], strides = [1, 1]} : vector<1x8192xf32> to vector<1x128xf32>
    %neg3A_1658 = arith.constant 0.000000e+00 : f32
    %neg3A_1659 = vector.broadcast %neg3A_1658 : f32 to vector<1x128xf32>
    %neg3A_1660 = arith.subf %neg3A_1659, %slice3A_1657 : vector<1x128xf32>
    %sub3A_1661 = vector.broadcast %neg3A_1660 : vector<1x128xf32> to vector<128x128xf32>
    %sub3A_1662 = arith.subf %sub3A_1661, %mul3A_1656 : vector<128x128xf32>
    %broadcast_in_dim3A_1663 = vector.shape_cast %reduce_sum3A_86 : vector<128xf32> to vector<128x1xf32>
    %sub3A_1664 = vector.broadcast %broadcast_in_dim3A_1663 : vector<128x1xf32> to vector<128x128xf32>
    %sub3A_1665 = arith.subf %sub3A_1662, %sub3A_1664 : vector<128x128xf32>
    %reduce_max3A_1666 = arith.constant dense<0xFF800000> : vector<128xf32>
    %reduce_max3A_1667 = vector.multi_reduction <maximumf>, %sub3A_1665, %reduce_max3A_1666 [1] : vector<128x128xf32> to vector<128xf32>
    %broadcast_in_dim3A_1668 = vector.shape_cast %reduce_max3A_1667 : vector<128xf32> to vector<128x1xf32>
    %eq3A_1669 = arith.constant 58 : i32
    %eq3A_1670 = vector.broadcast %eq3A_1669 : i32 to vector<1x64xi32>
    %eq3A_1671 = arith.cmpi eq, %iota3A_87, %eq3A_1670 : vector<1x64xi32>
    %convert_element_type3A_1672 = arith.extui %eq3A_1671 : vector<1x64xi1> to vector<1x64xi32>
    %convert_element_type3A_1673 = arith.sitofp %convert_element_type3A_1672 : vector<1x64xi32> to vector<1x64xf32>
    %mul3A_1674 = vector.broadcast %broadcast_in_dim3A_1668 : vector<128x1xf32> to vector<128x64xf32>
    %mul3A_1675 = vector.broadcast %convert_element_type3A_1673 : vector<1x64xf32> to vector<128x64xf32>
    %mul3A_1676 = arith.mulf %mul3A_1674, %mul3A_1675 : vector<128x64xf32>
    %add3A_1677 = arith.addf %add3A_1650, %mul3A_1676 : vector<128x64xf32>
    %slice3A_1678 = vector.extract_strided_slice %slice3A {offsets = [0, 7552], sizes = [3, 128], strides = [1, 1]} : vector<3x8192xf32> to vector<3x128xf32>
    %dot_general3A_1679 = arith.constant dense<0.000000e+00> : vector<128x128xf32>
    %dot_general3A_1680 = tpu.matmul %stack3A_79, %slice3A_1678, %dot_general3A_1679 {dimension_numbers = #tpu.dot_dimension_numbers<[1], [0], [0], [1], [0, 0, 1, 1], [], []>, transpose_lhs_hint = false} : vector<128x3xf32>, vector<3x128xf32>, vector<128x128xf32> -> vector<128x128xf32>
    %mul3A_1681 = arith.constant -2.000000e+00 : f32
    %mul3A_1682 = vector.broadcast %mul3A_1681 : f32 to vector<128x128xf32>
    %mul3A_1683 = arith.mulf %mul3A_1682, %dot_general3A_1680 : vector<128x128xf32>
    %slice3A_1684 = vector.extract_strided_slice %broadcast_in_dim3A_83 {offsets = [0, 7552], sizes = [1, 128], strides = [1, 1]} : vector<1x8192xf32> to vector<1x128xf32>
    %neg3A_1685 = arith.constant 0.000000e+00 : f32
    %neg3A_1686 = vector.broadcast %neg3A_1685 : f32 to vector<1x128xf32>
    %neg3A_1687 = arith.subf %neg3A_1686, %slice3A_1684 : vector<1x128xf32>
    %sub3A_1688 = vector.broadcast %neg3A_1687 : vector<1x128xf32> to vector<128x128xf32>
    %sub3A_1689 = arith.subf %sub3A_1688, %mul3A_1683 : vector<128x128xf32>
    %broadcast_in_dim3A_1690 = vector.shape_cast %reduce_sum3A_86 : vector<128xf32> to vector<128x1xf32>
    %sub3A_1691 = vector.broadcast %broadcast_in_dim3A_1690 : vector<128x1xf32> to vector<128x128xf32>
    %sub3A_1692 = arith.subf %sub3A_1689, %sub3A_1691 : vector<128x128xf32>
    %reduce_max3A_1693 = arith.constant dense<0xFF800000> : vector<128xf32>
    %reduce_max3A_1694 = vector.multi_reduction <maximumf>, %sub3A_1692, %reduce_max3A_1693 [1] : vector<128x128xf32> to vector<128xf32>
    %broadcast_in_dim3A_1695 = vector.shape_cast %reduce_max3A_1694 : vector<128xf32> to vector<128x1xf32>
    %eq3A_1696 = arith.constant 59 : i32
    %eq3A_1697 = vector.broadcast %eq3A_1696 : i32 to vector<1x64xi32>
    %eq3A_1698 = arith.cmpi eq, %iota3A_87, %eq3A_1697 : vector<1x64xi32>
    %convert_element_type3A_1699 = arith.extui %eq3A_1698 : vector<1x64xi1> to vector<1x64xi32>
    %convert_element_type3A_1700 = arith.sitofp %convert_element_type3A_1699 : vector<1x64xi32> to vector<1x64xf32>
    %mul3A_1701 = vector.broadcast %broadcast_in_dim3A_1695 : vector<128x1xf32> to vector<128x64xf32>
    %mul3A_1702 = vector.broadcast %convert_element_type3A_1700 : vector<1x64xf32> to vector<128x64xf32>
    %mul3A_1703 = arith.mulf %mul3A_1701, %mul3A_1702 : vector<128x64xf32>
    %add3A_1704 = arith.addf %add3A_1677, %mul3A_1703 : vector<128x64xf32>
    %slice3A_1705 = vector.extract_strided_slice %slice3A {offsets = [0, 7680], sizes = [3, 128], strides = [1, 1]} : vector<3x8192xf32> to vector<3x128xf32>
    %dot_general3A_1706 = arith.constant dense<0.000000e+00> : vector<128x128xf32>
    %dot_general3A_1707 = tpu.matmul %stack3A_79, %slice3A_1705, %dot_general3A_1706 {dimension_numbers = #tpu.dot_dimension_numbers<[1], [0], [0], [1], [0, 0, 1, 1], [], []>, transpose_lhs_hint = false} : vector<128x3xf32>, vector<3x128xf32>, vector<128x128xf32> -> vector<128x128xf32>
    %mul3A_1708 = arith.constant -2.000000e+00 : f32
    %mul3A_1709 = vector.broadcast %mul3A_1708 : f32 to vector<128x128xf32>
    %mul3A_1710 = arith.mulf %mul3A_1709, %dot_general3A_1707 : vector<128x128xf32>
    %slice3A_1711 = vector.extract_strided_slice %broadcast_in_dim3A_83 {offsets = [0, 7680], sizes = [1, 128], strides = [1, 1]} : vector<1x8192xf32> to vector<1x128xf32>
    %neg3A_1712 = arith.constant 0.000000e+00 : f32
    %neg3A_1713 = vector.broadcast %neg3A_1712 : f32 to vector<1x128xf32>
    %neg3A_1714 = arith.subf %neg3A_1713, %slice3A_1711 : vector<1x128xf32>
    %sub3A_1715 = vector.broadcast %neg3A_1714 : vector<1x128xf32> to vector<128x128xf32>
    %sub3A_1716 = arith.subf %sub3A_1715, %mul3A_1710 : vector<128x128xf32>
    %broadcast_in_dim3A_1717 = vector.shape_cast %reduce_sum3A_86 : vector<128xf32> to vector<128x1xf32>
    %sub3A_1718 = vector.broadcast %broadcast_in_dim3A_1717 : vector<128x1xf32> to vector<128x128xf32>
    %sub3A_1719 = arith.subf %sub3A_1716, %sub3A_1718 : vector<128x128xf32>
    %reduce_max3A_1720 = arith.constant dense<0xFF800000> : vector<128xf32>
    %reduce_max3A_1721 = vector.multi_reduction <maximumf>, %sub3A_1719, %reduce_max3A_1720 [1] : vector<128x128xf32> to vector<128xf32>
    %broadcast_in_dim3A_1722 = vector.shape_cast %reduce_max3A_1721 : vector<128xf32> to vector<128x1xf32>
    %eq3A_1723 = arith.constant 60 : i32
    %eq3A_1724 = vector.broadcast %eq3A_1723 : i32 to vector<1x64xi32>
    %eq3A_1725 = arith.cmpi eq, %iota3A_87, %eq3A_1724 : vector<1x64xi32>
    %convert_element_type3A_1726 = arith.extui %eq3A_1725 : vector<1x64xi1> to vector<1x64xi32>
    %convert_element_type3A_1727 = arith.sitofp %convert_element_type3A_1726 : vector<1x64xi32> to vector<1x64xf32>
    %mul3A_1728 = vector.broadcast %broadcast_in_dim3A_1722 : vector<128x1xf32> to vector<128x64xf32>
    %mul3A_1729 = vector.broadcast %convert_element_type3A_1727 : vector<1x64xf32> to vector<128x64xf32>
    %mul3A_1730 = arith.mulf %mul3A_1728, %mul3A_1729 : vector<128x64xf32>
    %add3A_1731 = arith.addf %add3A_1704, %mul3A_1730 : vector<128x64xf32>
    %slice3A_1732 = vector.extract_strided_slice %slice3A {offsets = [0, 7808], sizes = [3, 128], strides = [1, 1]} : vector<3x8192xf32> to vector<3x128xf32>
    %dot_general3A_1733 = arith.constant dense<0.000000e+00> : vector<128x128xf32>
    %dot_general3A_1734 = tpu.matmul %stack3A_79, %slice3A_1732, %dot_general3A_1733 {dimension_numbers = #tpu.dot_dimension_numbers<[1], [0], [0], [1], [0, 0, 1, 1], [], []>, transpose_lhs_hint = false} : vector<128x3xf32>, vector<3x128xf32>, vector<128x128xf32> -> vector<128x128xf32>
    %mul3A_1735 = arith.constant -2.000000e+00 : f32
    %mul3A_1736 = vector.broadcast %mul3A_1735 : f32 to vector<128x128xf32>
    %mul3A_1737 = arith.mulf %mul3A_1736, %dot_general3A_1734 : vector<128x128xf32>
    %slice3A_1738 = vector.extract_strided_slice %broadcast_in_dim3A_83 {offsets = [0, 7808], sizes = [1, 128], strides = [1, 1]} : vector<1x8192xf32> to vector<1x128xf32>
    %neg3A_1739 = arith.constant 0.000000e+00 : f32
    %neg3A_1740 = vector.broadcast %neg3A_1739 : f32 to vector<1x128xf32>
    %neg3A_1741 = arith.subf %neg3A_1740, %slice3A_1738 : vector<1x128xf32>
    %sub3A_1742 = vector.broadcast %neg3A_1741 : vector<1x128xf32> to vector<128x128xf32>
    %sub3A_1743 = arith.subf %sub3A_1742, %mul3A_1737 : vector<128x128xf32>
    %broadcast_in_dim3A_1744 = vector.shape_cast %reduce_sum3A_86 : vector<128xf32> to vector<128x1xf32>
    %sub3A_1745 = vector.broadcast %broadcast_in_dim3A_1744 : vector<128x1xf32> to vector<128x128xf32>
    %sub3A_1746 = arith.subf %sub3A_1743, %sub3A_1745 : vector<128x128xf32>
    %reduce_max3A_1747 = arith.constant dense<0xFF800000> : vector<128xf32>
    %reduce_max3A_1748 = vector.multi_reduction <maximumf>, %sub3A_1746, %reduce_max3A_1747 [1] : vector<128x128xf32> to vector<128xf32>
    %broadcast_in_dim3A_1749 = vector.shape_cast %reduce_max3A_1748 : vector<128xf32> to vector<128x1xf32>
    %eq3A_1750 = arith.constant 61 : i32
    %eq3A_1751 = vector.broadcast %eq3A_1750 : i32 to vector<1x64xi32>
    %eq3A_1752 = arith.cmpi eq, %iota3A_87, %eq3A_1751 : vector<1x64xi32>
    %convert_element_type3A_1753 = arith.extui %eq3A_1752 : vector<1x64xi1> to vector<1x64xi32>
    %convert_element_type3A_1754 = arith.sitofp %convert_element_type3A_1753 : vector<1x64xi32> to vector<1x64xf32>
    %mul3A_1755 = vector.broadcast %broadcast_in_dim3A_1749 : vector<128x1xf32> to vector<128x64xf32>
    %mul3A_1756 = vector.broadcast %convert_element_type3A_1754 : vector<1x64xf32> to vector<128x64xf32>
    %mul3A_1757 = arith.mulf %mul3A_1755, %mul3A_1756 : vector<128x64xf32>
    %add3A_1758 = arith.addf %add3A_1731, %mul3A_1757 : vector<128x64xf32>
    %slice3A_1759 = vector.extract_strided_slice %slice3A {offsets = [0, 7936], sizes = [3, 128], strides = [1, 1]} : vector<3x8192xf32> to vector<3x128xf32>
    %dot_general3A_1760 = arith.constant dense<0.000000e+00> : vector<128x128xf32>
    %dot_general3A_1761 = tpu.matmul %stack3A_79, %slice3A_1759, %dot_general3A_1760 {dimension_numbers = #tpu.dot_dimension_numbers<[1], [0], [0], [1], [0, 0, 1, 1], [], []>, transpose_lhs_hint = false} : vector<128x3xf32>, vector<3x128xf32>, vector<128x128xf32> -> vector<128x128xf32>
    %mul3A_1762 = arith.constant -2.000000e+00 : f32
    %mul3A_1763 = vector.broadcast %mul3A_1762 : f32 to vector<128x128xf32>
    %mul3A_1764 = arith.mulf %mul3A_1763, %dot_general3A_1761 : vector<128x128xf32>
    %slice3A_1765 = vector.extract_strided_slice %broadcast_in_dim3A_83 {offsets = [0, 7936], sizes = [1, 128], strides = [1, 1]} : vector<1x8192xf32> to vector<1x128xf32>
    %neg3A_1766 = arith.constant 0.000000e+00 : f32
    %neg3A_1767 = vector.broadcast %neg3A_1766 : f32 to vector<1x128xf32>
    %neg3A_1768 = arith.subf %neg3A_1767, %slice3A_1765 : vector<1x128xf32>
    %sub3A_1769 = vector.broadcast %neg3A_1768 : vector<1x128xf32> to vector<128x128xf32>
    %sub3A_1770 = arith.subf %sub3A_1769, %mul3A_1764 : vector<128x128xf32>
    %broadcast_in_dim3A_1771 = vector.shape_cast %reduce_sum3A_86 : vector<128xf32> to vector<128x1xf32>
    %sub3A_1772 = vector.broadcast %broadcast_in_dim3A_1771 : vector<128x1xf32> to vector<128x128xf32>
    %sub3A_1773 = arith.subf %sub3A_1770, %sub3A_1772 : vector<128x128xf32>
    %reduce_max3A_1774 = arith.constant dense<0xFF800000> : vector<128xf32>
    %reduce_max3A_1775 = vector.multi_reduction <maximumf>, %sub3A_1773, %reduce_max3A_1774 [1] : vector<128x128xf32> to vector<128xf32>
    %broadcast_in_dim3A_1776 = vector.shape_cast %reduce_max3A_1775 : vector<128xf32> to vector<128x1xf32>
    %eq3A_1777 = arith.constant 62 : i32
    %eq3A_1778 = vector.broadcast %eq3A_1777 : i32 to vector<1x64xi32>
    %eq3A_1779 = arith.cmpi eq, %iota3A_87, %eq3A_1778 : vector<1x64xi32>
    %convert_element_type3A_1780 = arith.extui %eq3A_1779 : vector<1x64xi1> to vector<1x64xi32>
    %convert_element_type3A_1781 = arith.sitofp %convert_element_type3A_1780 : vector<1x64xi32> to vector<1x64xf32>
    %mul3A_1782 = vector.broadcast %broadcast_in_dim3A_1776 : vector<128x1xf32> to vector<128x64xf32>
    %mul3A_1783 = vector.broadcast %convert_element_type3A_1781 : vector<1x64xf32> to vector<128x64xf32>
    %mul3A_1784 = arith.mulf %mul3A_1782, %mul3A_1783 : vector<128x64xf32>
    %add3A_1785 = arith.addf %add3A_1758, %mul3A_1784 : vector<128x64xf32>
    %slice3A_1786 = vector.extract_strided_slice %slice3A {offsets = [0, 8064], sizes = [3, 128], strides = [1, 1]} : vector<3x8192xf32> to vector<3x128xf32>
    %dot_general3A_1787 = arith.constant dense<0.000000e+00> : vector<128x128xf32>
    %dot_general3A_1788 = tpu.matmul %stack3A_79, %slice3A_1786, %dot_general3A_1787 {dimension_numbers = #tpu.dot_dimension_numbers<[1], [0], [0], [1], [0, 0, 1, 1], [], []>, transpose_lhs_hint = false} : vector<128x3xf32>, vector<3x128xf32>, vector<128x128xf32> -> vector<128x128xf32>
    %mul3A_1789 = arith.constant -2.000000e+00 : f32
    %mul3A_1790 = vector.broadcast %mul3A_1789 : f32 to vector<128x128xf32>
    %mul3A_1791 = arith.mulf %mul3A_1790, %dot_general3A_1788 : vector<128x128xf32>
    %slice3A_1792 = vector.extract_strided_slice %broadcast_in_dim3A_83 {offsets = [0, 8064], sizes = [1, 128], strides = [1, 1]} : vector<1x8192xf32> to vector<1x128xf32>
    %neg3A_1793 = arith.constant 0.000000e+00 : f32
    %neg3A_1794 = vector.broadcast %neg3A_1793 : f32 to vector<1x128xf32>
    %neg3A_1795 = arith.subf %neg3A_1794, %slice3A_1792 : vector<1x128xf32>
    %sub3A_1796 = vector.broadcast %neg3A_1795 : vector<1x128xf32> to vector<128x128xf32>
    %sub3A_1797 = arith.subf %sub3A_1796, %mul3A_1791 : vector<128x128xf32>
    %broadcast_in_dim3A_1798 = vector.shape_cast %reduce_sum3A_86 : vector<128xf32> to vector<128x1xf32>
    %sub3A_1799 = vector.broadcast %broadcast_in_dim3A_1798 : vector<128x1xf32> to vector<128x128xf32>
    %sub3A_1800 = arith.subf %sub3A_1797, %sub3A_1799 : vector<128x128xf32>
    %reduce_max3A_1801 = arith.constant dense<0xFF800000> : vector<128xf32>
    %reduce_max3A_1802 = vector.multi_reduction <maximumf>, %sub3A_1800, %reduce_max3A_1801 [1] : vector<128x128xf32> to vector<128xf32>
    %broadcast_in_dim3A_1803 = vector.shape_cast %reduce_max3A_1802 : vector<128xf32> to vector<128x1xf32>
    %eq3A_1804 = arith.constant 63 : i32
    %eq3A_1805 = vector.broadcast %eq3A_1804 : i32 to vector<1x64xi32>
    %eq3A_1806 = arith.cmpi eq, %iota3A_87, %eq3A_1805 : vector<1x64xi32>
    %convert_element_type3A_1807 = arith.extui %eq3A_1806 : vector<1x64xi1> to vector<1x64xi32>
    %convert_element_type3A_1808 = arith.sitofp %convert_element_type3A_1807 : vector<1x64xi32> to vector<1x64xf32>
    %mul3A_1809 = vector.broadcast %broadcast_in_dim3A_1803 : vector<128x1xf32> to vector<128x64xf32>
    %mul3A_1810 = vector.broadcast %convert_element_type3A_1808 : vector<1x64xf32> to vector<128x64xf32>
    %mul3A_1811 = arith.mulf %mul3A_1809, %mul3A_1810 : vector<128x64xf32>
    %add3A_1812 = arith.addf %add3A_1785, %mul3A_1811 : vector<128x64xf32>
    %iota3A_1813 = tpu.iota {dimensions = array<i32: 1>} : vector<128x64xi32>
    %iota3A_1814 = tpu.iota {dimensions = array<i32: 1>} : vector<1x24xi32>
    %broadcast_in_dim3A_1815 = arith.constant 0.000000e+00 : f32
    %broadcast_in_dim3A_1816 = vector.broadcast %broadcast_in_dim3A_1815 : f32 to vector<128x24xf32>
    %broadcast_in_dim3A_1817 = arith.constant 0 : i32
    %broadcast_in_dim3A_1818 = vector.broadcast %broadcast_in_dim3A_1817 : i32 to vector<128x24xi32>
    %reduce_max3A_1819 = arith.constant dense<0xFF800000> : vector<128xf32>
    %reduce_max3A_1820 = vector.multi_reduction <maximumf>, %add3A_1812, %reduce_max3A_1819 [1] : vector<128x64xf32> to vector<128xf32>
    %broadcast_in_dim3A_1821 = vector.shape_cast %reduce_max3A_1820 : vector<128xf32> to vector<128x1xf32>
    %eq3A_1822 = vector.broadcast %broadcast_in_dim3A_1821 : vector<128x1xf32> to vector<128x64xf32>
    %eq3A_1823 = arith.cmpf oeq, %add3A_1812, %eq3A_1822 : vector<128x64xf32>
    %jit3A_1824 = arith.constant 64 : i32
    %broadcast_in_dim3A_1825 = vector.broadcast %jit3A_1824 : i32 to vector<128x64xi32>
    %select_n3A_1826 = arith.select %eq3A_1823, %iota3A_1813, %broadcast_in_dim3A_1825 : vector<128x64xi1>, vector<128x64xi32>
    %reduce_min3A = arith.constant dense<2147483647> : vector<128xi32>
    %reduce_min3A_1827 = vector.multi_reduction <minsi>, %select_n3A_1826, %reduce_min3A [1] : vector<128x64xi32> to vector<128xi32>
    %eq3A_1828 = arith.constant 0 : i32
    %eq3A_1829 = vector.broadcast %eq3A_1828 : i32 to vector<1x24xi32>
    %eq3A_1830 = arith.cmpi eq, %iota3A_1814, %eq3A_1829 : vector<1x24xi32>
    %broadcast_in_dim3A_1831 = vector.shape_cast %reduce_max3A_1820 : vector<128xf32> to vector<128x1xf32>
    %convert_element_type3A_1832 = arith.extui %eq3A_1830 : vector<1x24xi1> to vector<1x24xi32>
    %convert_element_type3A_1833 = arith.sitofp %convert_element_type3A_1832 : vector<1x24xi32> to vector<1x24xf32>
    %mul3A_1834 = vector.broadcast %broadcast_in_dim3A_1831 : vector<128x1xf32> to vector<128x24xf32>
    %mul3A_1835 = vector.broadcast %convert_element_type3A_1833 : vector<1x24xf32> to vector<128x24xf32>
    %mul3A_1836 = arith.mulf %mul3A_1834, %mul3A_1835 : vector<128x24xf32>
    %add3A_1837 = arith.addf %broadcast_in_dim3A_1816, %mul3A_1836 : vector<128x24xf32>
    %broadcast_in_dim3A_1838 = vector.shape_cast %reduce_min3A_1827 : vector<128xi32> to vector<128x1xi32>
    %convert_element_type3A_1839 = arith.extui %eq3A_1830 : vector<1x24xi1> to vector<1x24xi32>
    %mul3A_1840 = vector.broadcast %broadcast_in_dim3A_1838 : vector<128x1xi32> to vector<128x24xi32>
    %mul3A_1841 = vector.broadcast %convert_element_type3A_1839 : vector<1x24xi32> to vector<128x24xi32>
    %mul3A_1842 = arith.muli %mul3A_1840, %mul3A_1841 : vector<128x24xi32>
    %add3A_1843 = arith.addi %broadcast_in_dim3A_1818, %mul3A_1842 : vector<128x24xi32>
    %broadcast_in_dim3A_1844 = vector.shape_cast %reduce_min3A_1827 : vector<128xi32> to vector<128x1xi32>
    %eq3A_1845 = vector.broadcast %broadcast_in_dim3A_1844 : vector<128x1xi32> to vector<128x64xi32>
    %eq3A_1846 = arith.cmpi eq, %iota3A_1813, %eq3A_1845 : vector<128x64xi32>
    %jit3A_1847 = arith.constant 0xFF800000 : f32
    %broadcast_in_dim3A_1848 = vector.broadcast %jit3A_1847 : f32 to vector<128x64xf32>
    %select_n3A_1849 = arith.select %eq3A_1846, %broadcast_in_dim3A_1848, %add3A_1812 : vector<128x64xi1>, vector<128x64xf32>
    %reduce_max3A_1850 = arith.constant dense<0xFF800000> : vector<128xf32>
    %reduce_max3A_1851 = vector.multi_reduction <maximumf>, %select_n3A_1849, %reduce_max3A_1850 [1] : vector<128x64xf32> to vector<128xf32>
    %broadcast_in_dim3A_1852 = vector.shape_cast %reduce_max3A_1851 : vector<128xf32> to vector<128x1xf32>
    %eq3A_1853 = vector.broadcast %broadcast_in_dim3A_1852 : vector<128x1xf32> to vector<128x64xf32>
    %eq3A_1854 = arith.cmpf oeq, %select_n3A_1849, %eq3A_1853 : vector<128x64xf32>
    %jit3A_1855 = arith.constant 64 : i32
    %broadcast_in_dim3A_1856 = vector.broadcast %jit3A_1855 : i32 to vector<128x64xi32>
    %select_n3A_1857 = arith.select %eq3A_1854, %iota3A_1813, %broadcast_in_dim3A_1856 : vector<128x64xi1>, vector<128x64xi32>
    %reduce_min3A_1858 = arith.constant dense<2147483647> : vector<128xi32>
    %reduce_min3A_1859 = vector.multi_reduction <minsi>, %select_n3A_1857, %reduce_min3A_1858 [1] : vector<128x64xi32> to vector<128xi32>
    %eq3A_1860 = arith.constant 1 : i32
    %eq3A_1861 = vector.broadcast %eq3A_1860 : i32 to vector<1x24xi32>
    %eq3A_1862 = arith.cmpi eq, %iota3A_1814, %eq3A_1861 : vector<1x24xi32>
    %broadcast_in_dim3A_1863 = vector.shape_cast %reduce_max3A_1851 : vector<128xf32> to vector<128x1xf32>
    %convert_element_type3A_1864 = arith.extui %eq3A_1862 : vector<1x24xi1> to vector<1x24xi32>
    %convert_element_type3A_1865 = arith.sitofp %convert_element_type3A_1864 : vector<1x24xi32> to vector<1x24xf32>
    %mul3A_1866 = vector.broadcast %broadcast_in_dim3A_1863 : vector<128x1xf32> to vector<128x24xf32>
    %mul3A_1867 = vector.broadcast %convert_element_type3A_1865 : vector<1x24xf32> to vector<128x24xf32>
    %mul3A_1868 = arith.mulf %mul3A_1866, %mul3A_1867 : vector<128x24xf32>
    %add3A_1869 = arith.addf %add3A_1837, %mul3A_1868 : vector<128x24xf32>
    %broadcast_in_dim3A_1870 = vector.shape_cast %reduce_min3A_1859 : vector<128xi32> to vector<128x1xi32>
    %convert_element_type3A_1871 = arith.extui %eq3A_1862 : vector<1x24xi1> to vector<1x24xi32>
    %mul3A_1872 = vector.broadcast %broadcast_in_dim3A_1870 : vector<128x1xi32> to vector<128x24xi32>
    %mul3A_1873 = vector.broadcast %convert_element_type3A_1871 : vector<1x24xi32> to vector<128x24xi32>
    %mul3A_1874 = arith.muli %mul3A_1872, %mul3A_1873 : vector<128x24xi32>
    %add3A_1875 = arith.addi %add3A_1843, %mul3A_1874 : vector<128x24xi32>
    %broadcast_in_dim3A_1876 = vector.shape_cast %reduce_min3A_1859 : vector<128xi32> to vector<128x1xi32>
    %eq3A_1877 = vector.broadcast %broadcast_in_dim3A_1876 : vector<128x1xi32> to vector<128x64xi32>
    %eq3A_1878 = arith.cmpi eq, %iota3A_1813, %eq3A_1877 : vector<128x64xi32>
    %jit3A_1879 = arith.constant 0xFF800000 : f32
    %broadcast_in_dim3A_1880 = vector.broadcast %jit3A_1879 : f32 to vector<128x64xf32>
    %select_n3A_1881 = arith.select %eq3A_1878, %broadcast_in_dim3A_1880, %select_n3A_1849 : vector<128x64xi1>, vector<128x64xf32>
    %reduce_max3A_1882 = arith.constant dense<0xFF800000> : vector<128xf32>
    %reduce_max3A_1883 = vector.multi_reduction <maximumf>, %select_n3A_1881, %reduce_max3A_1882 [1] : vector<128x64xf32> to vector<128xf32>
    %broadcast_in_dim3A_1884 = vector.shape_cast %reduce_max3A_1883 : vector<128xf32> to vector<128x1xf32>
    %eq3A_1885 = vector.broadcast %broadcast_in_dim3A_1884 : vector<128x1xf32> to vector<128x64xf32>
    %eq3A_1886 = arith.cmpf oeq, %select_n3A_1881, %eq3A_1885 : vector<128x64xf32>
    %jit3A_1887 = arith.constant 64 : i32
    %broadcast_in_dim3A_1888 = vector.broadcast %jit3A_1887 : i32 to vector<128x64xi32>
    %select_n3A_1889 = arith.select %eq3A_1886, %iota3A_1813, %broadcast_in_dim3A_1888 : vector<128x64xi1>, vector<128x64xi32>
    %reduce_min3A_1890 = arith.constant dense<2147483647> : vector<128xi32>
    %reduce_min3A_1891 = vector.multi_reduction <minsi>, %select_n3A_1889, %reduce_min3A_1890 [1] : vector<128x64xi32> to vector<128xi32>
    %eq3A_1892 = arith.constant 2 : i32
    %eq3A_1893 = vector.broadcast %eq3A_1892 : i32 to vector<1x24xi32>
    %eq3A_1894 = arith.cmpi eq, %iota3A_1814, %eq3A_1893 : vector<1x24xi32>
    %broadcast_in_dim3A_1895 = vector.shape_cast %reduce_max3A_1883 : vector<128xf32> to vector<128x1xf32>
    %convert_element_type3A_1896 = arith.extui %eq3A_1894 : vector<1x24xi1> to vector<1x24xi32>
    %convert_element_type3A_1897 = arith.sitofp %convert_element_type3A_1896 : vector<1x24xi32> to vector<1x24xf32>
    %mul3A_1898 = vector.broadcast %broadcast_in_dim3A_1895 : vector<128x1xf32> to vector<128x24xf32>
    %mul3A_1899 = vector.broadcast %convert_element_type3A_1897 : vector<1x24xf32> to vector<128x24xf32>
    %mul3A_1900 = arith.mulf %mul3A_1898, %mul3A_1899 : vector<128x24xf32>
    %add3A_1901 = arith.addf %add3A_1869, %mul3A_1900 : vector<128x24xf32>
    %broadcast_in_dim3A_1902 = vector.shape_cast %reduce_min3A_1891 : vector<128xi32> to vector<128x1xi32>
    %convert_element_type3A_1903 = arith.extui %eq3A_1894 : vector<1x24xi1> to vector<1x24xi32>
    %mul3A_1904 = vector.broadcast %broadcast_in_dim3A_1902 : vector<128x1xi32> to vector<128x24xi32>
    %mul3A_1905 = vector.broadcast %convert_element_type3A_1903 : vector<1x24xi32> to vector<128x24xi32>
    %mul3A_1906 = arith.muli %mul3A_1904, %mul3A_1905 : vector<128x24xi32>
    %add3A_1907 = arith.addi %add3A_1875, %mul3A_1906 : vector<128x24xi32>
    %broadcast_in_dim3A_1908 = vector.shape_cast %reduce_min3A_1891 : vector<128xi32> to vector<128x1xi32>
    %eq3A_1909 = vector.broadcast %broadcast_in_dim3A_1908 : vector<128x1xi32> to vector<128x64xi32>
    %eq3A_1910 = arith.cmpi eq, %iota3A_1813, %eq3A_1909 : vector<128x64xi32>
    %jit3A_1911 = arith.constant 0xFF800000 : f32
    %broadcast_in_dim3A_1912 = vector.broadcast %jit3A_1911 : f32 to vector<128x64xf32>
    %select_n3A_1913 = arith.select %eq3A_1910, %broadcast_in_dim3A_1912, %select_n3A_1881 : vector<128x64xi1>, vector<128x64xf32>
    %reduce_max3A_1914 = arith.constant dense<0xFF800000> : vector<128xf32>
    %reduce_max3A_1915 = vector.multi_reduction <maximumf>, %select_n3A_1913, %reduce_max3A_1914 [1] : vector<128x64xf32> to vector<128xf32>
    %broadcast_in_dim3A_1916 = vector.shape_cast %reduce_max3A_1915 : vector<128xf32> to vector<128x1xf32>
    %eq3A_1917 = vector.broadcast %broadcast_in_dim3A_1916 : vector<128x1xf32> to vector<128x64xf32>
    %eq3A_1918 = arith.cmpf oeq, %select_n3A_1913, %eq3A_1917 : vector<128x64xf32>
    %jit3A_1919 = arith.constant 64 : i32
    %broadcast_in_dim3A_1920 = vector.broadcast %jit3A_1919 : i32 to vector<128x64xi32>
    %select_n3A_1921 = arith.select %eq3A_1918, %iota3A_1813, %broadcast_in_dim3A_1920 : vector<128x64xi1>, vector<128x64xi32>
    %reduce_min3A_1922 = arith.constant dense<2147483647> : vector<128xi32>
    %reduce_min3A_1923 = vector.multi_reduction <minsi>, %select_n3A_1921, %reduce_min3A_1922 [1] : vector<128x64xi32> to vector<128xi32>
    %eq3A_1924 = arith.constant 3 : i32
    %eq3A_1925 = vector.broadcast %eq3A_1924 : i32 to vector<1x24xi32>
    %eq3A_1926 = arith.cmpi eq, %iota3A_1814, %eq3A_1925 : vector<1x24xi32>
    %broadcast_in_dim3A_1927 = vector.shape_cast %reduce_max3A_1915 : vector<128xf32> to vector<128x1xf32>
    %convert_element_type3A_1928 = arith.extui %eq3A_1926 : vector<1x24xi1> to vector<1x24xi32>
    %convert_element_type3A_1929 = arith.sitofp %convert_element_type3A_1928 : vector<1x24xi32> to vector<1x24xf32>
    %mul3A_1930 = vector.broadcast %broadcast_in_dim3A_1927 : vector<128x1xf32> to vector<128x24xf32>
    %mul3A_1931 = vector.broadcast %convert_element_type3A_1929 : vector<1x24xf32> to vector<128x24xf32>
    %mul3A_1932 = arith.mulf %mul3A_1930, %mul3A_1931 : vector<128x24xf32>
    %add3A_1933 = arith.addf %add3A_1901, %mul3A_1932 : vector<128x24xf32>
    %broadcast_in_dim3A_1934 = vector.shape_cast %reduce_min3A_1923 : vector<128xi32> to vector<128x1xi32>
    %convert_element_type3A_1935 = arith.extui %eq3A_1926 : vector<1x24xi1> to vector<1x24xi32>
    %mul3A_1936 = vector.broadcast %broadcast_in_dim3A_1934 : vector<128x1xi32> to vector<128x24xi32>
    %mul3A_1937 = vector.broadcast %convert_element_type3A_1935 : vector<1x24xi32> to vector<128x24xi32>
    %mul3A_1938 = arith.muli %mul3A_1936, %mul3A_1937 : vector<128x24xi32>
    %add3A_1939 = arith.addi %add3A_1907, %mul3A_1938 : vector<128x24xi32>
    %broadcast_in_dim3A_1940 = vector.shape_cast %reduce_min3A_1923 : vector<128xi32> to vector<128x1xi32>
    %eq3A_1941 = vector.broadcast %broadcast_in_dim3A_1940 : vector<128x1xi32> to vector<128x64xi32>
    %eq3A_1942 = arith.cmpi eq, %iota3A_1813, %eq3A_1941 : vector<128x64xi32>
    %jit3A_1943 = arith.constant 0xFF800000 : f32
    %broadcast_in_dim3A_1944 = vector.broadcast %jit3A_1943 : f32 to vector<128x64xf32>
    %select_n3A_1945 = arith.select %eq3A_1942, %broadcast_in_dim3A_1944, %select_n3A_1913 : vector<128x64xi1>, vector<128x64xf32>
    %reduce_max3A_1946 = arith.constant dense<0xFF800000> : vector<128xf32>
    %reduce_max3A_1947 = vector.multi_reduction <maximumf>, %select_n3A_1945, %reduce_max3A_1946 [1] : vector<128x64xf32> to vector<128xf32>
    %broadcast_in_dim3A_1948 = vector.shape_cast %reduce_max3A_1947 : vector<128xf32> to vector<128x1xf32>
    %eq3A_1949 = vector.broadcast %broadcast_in_dim3A_1948 : vector<128x1xf32> to vector<128x64xf32>
    %eq3A_1950 = arith.cmpf oeq, %select_n3A_1945, %eq3A_1949 : vector<128x64xf32>
    %jit3A_1951 = arith.constant 64 : i32
    %broadcast_in_dim3A_1952 = vector.broadcast %jit3A_1951 : i32 to vector<128x64xi32>
    %select_n3A_1953 = arith.select %eq3A_1950, %iota3A_1813, %broadcast_in_dim3A_1952 : vector<128x64xi1>, vector<128x64xi32>
    %reduce_min3A_1954 = arith.constant dense<2147483647> : vector<128xi32>
    %reduce_min3A_1955 = vector.multi_reduction <minsi>, %select_n3A_1953, %reduce_min3A_1954 [1] : vector<128x64xi32> to vector<128xi32>
    %eq3A_1956 = arith.constant 4 : i32
    %eq3A_1957 = vector.broadcast %eq3A_1956 : i32 to vector<1x24xi32>
    %eq3A_1958 = arith.cmpi eq, %iota3A_1814, %eq3A_1957 : vector<1x24xi32>
    %broadcast_in_dim3A_1959 = vector.shape_cast %reduce_max3A_1947 : vector<128xf32> to vector<128x1xf32>
    %convert_element_type3A_1960 = arith.extui %eq3A_1958 : vector<1x24xi1> to vector<1x24xi32>
    %convert_element_type3A_1961 = arith.sitofp %convert_element_type3A_1960 : vector<1x24xi32> to vector<1x24xf32>
    %mul3A_1962 = vector.broadcast %broadcast_in_dim3A_1959 : vector<128x1xf32> to vector<128x24xf32>
    %mul3A_1963 = vector.broadcast %convert_element_type3A_1961 : vector<1x24xf32> to vector<128x24xf32>
    %mul3A_1964 = arith.mulf %mul3A_1962, %mul3A_1963 : vector<128x24xf32>
    %add3A_1965 = arith.addf %add3A_1933, %mul3A_1964 : vector<128x24xf32>
    %broadcast_in_dim3A_1966 = vector.shape_cast %reduce_min3A_1955 : vector<128xi32> to vector<128x1xi32>
    %convert_element_type3A_1967 = arith.extui %eq3A_1958 : vector<1x24xi1> to vector<1x24xi32>
    %mul3A_1968 = vector.broadcast %broadcast_in_dim3A_1966 : vector<128x1xi32> to vector<128x24xi32>
    %mul3A_1969 = vector.broadcast %convert_element_type3A_1967 : vector<1x24xi32> to vector<128x24xi32>
    %mul3A_1970 = arith.muli %mul3A_1968, %mul3A_1969 : vector<128x24xi32>
    %add3A_1971 = arith.addi %add3A_1939, %mul3A_1970 : vector<128x24xi32>
    %broadcast_in_dim3A_1972 = vector.shape_cast %reduce_min3A_1955 : vector<128xi32> to vector<128x1xi32>
    %eq3A_1973 = vector.broadcast %broadcast_in_dim3A_1972 : vector<128x1xi32> to vector<128x64xi32>
    %eq3A_1974 = arith.cmpi eq, %iota3A_1813, %eq3A_1973 : vector<128x64xi32>
    %jit3A_1975 = arith.constant 0xFF800000 : f32
    %broadcast_in_dim3A_1976 = vector.broadcast %jit3A_1975 : f32 to vector<128x64xf32>
    %select_n3A_1977 = arith.select %eq3A_1974, %broadcast_in_dim3A_1976, %select_n3A_1945 : vector<128x64xi1>, vector<128x64xf32>
    %reduce_max3A_1978 = arith.constant dense<0xFF800000> : vector<128xf32>
    %reduce_max3A_1979 = vector.multi_reduction <maximumf>, %select_n3A_1977, %reduce_max3A_1978 [1] : vector<128x64xf32> to vector<128xf32>
    %broadcast_in_dim3A_1980 = vector.shape_cast %reduce_max3A_1979 : vector<128xf32> to vector<128x1xf32>
    %eq3A_1981 = vector.broadcast %broadcast_in_dim3A_1980 : vector<128x1xf32> to vector<128x64xf32>
    %eq3A_1982 = arith.cmpf oeq, %select_n3A_1977, %eq3A_1981 : vector<128x64xf32>
    %jit3A_1983 = arith.constant 64 : i32
    %broadcast_in_dim3A_1984 = vector.broadcast %jit3A_1983 : i32 to vector<128x64xi32>
    %select_n3A_1985 = arith.select %eq3A_1982, %iota3A_1813, %broadcast_in_dim3A_1984 : vector<128x64xi1>, vector<128x64xi32>
    %reduce_min3A_1986 = arith.constant dense<2147483647> : vector<128xi32>
    %reduce_min3A_1987 = vector.multi_reduction <minsi>, %select_n3A_1985, %reduce_min3A_1986 [1] : vector<128x64xi32> to vector<128xi32>
    %eq3A_1988 = arith.constant 5 : i32
    %eq3A_1989 = vector.broadcast %eq3A_1988 : i32 to vector<1x24xi32>
    %eq3A_1990 = arith.cmpi eq, %iota3A_1814, %eq3A_1989 : vector<1x24xi32>
    %broadcast_in_dim3A_1991 = vector.shape_cast %reduce_max3A_1979 : vector<128xf32> to vector<128x1xf32>
    %convert_element_type3A_1992 = arith.extui %eq3A_1990 : vector<1x24xi1> to vector<1x24xi32>
    %convert_element_type3A_1993 = arith.sitofp %convert_element_type3A_1992 : vector<1x24xi32> to vector<1x24xf32>
    %mul3A_1994 = vector.broadcast %broadcast_in_dim3A_1991 : vector<128x1xf32> to vector<128x24xf32>
    %mul3A_1995 = vector.broadcast %convert_element_type3A_1993 : vector<1x24xf32> to vector<128x24xf32>
    %mul3A_1996 = arith.mulf %mul3A_1994, %mul3A_1995 : vector<128x24xf32>
    %add3A_1997 = arith.addf %add3A_1965, %mul3A_1996 : vector<128x24xf32>
    %broadcast_in_dim3A_1998 = vector.shape_cast %reduce_min3A_1987 : vector<128xi32> to vector<128x1xi32>
    %convert_element_type3A_1999 = arith.extui %eq3A_1990 : vector<1x24xi1> to vector<1x24xi32>
    %mul3A_2000 = vector.broadcast %broadcast_in_dim3A_1998 : vector<128x1xi32> to vector<128x24xi32>
    %mul3A_2001 = vector.broadcast %convert_element_type3A_1999 : vector<1x24xi32> to vector<128x24xi32>
    %mul3A_2002 = arith.muli %mul3A_2000, %mul3A_2001 : vector<128x24xi32>
    %add3A_2003 = arith.addi %add3A_1971, %mul3A_2002 : vector<128x24xi32>
    %broadcast_in_dim3A_2004 = vector.shape_cast %reduce_min3A_1987 : vector<128xi32> to vector<128x1xi32>
    %eq3A_2005 = vector.broadcast %broadcast_in_dim3A_2004 : vector<128x1xi32> to vector<128x64xi32>
    %eq3A_2006 = arith.cmpi eq, %iota3A_1813, %eq3A_2005 : vector<128x64xi32>
    %jit3A_2007 = arith.constant 0xFF800000 : f32
    %broadcast_in_dim3A_2008 = vector.broadcast %jit3A_2007 : f32 to vector<128x64xf32>
    %select_n3A_2009 = arith.select %eq3A_2006, %broadcast_in_dim3A_2008, %select_n3A_1977 : vector<128x64xi1>, vector<128x64xf32>
    %reduce_max3A_2010 = arith.constant dense<0xFF800000> : vector<128xf32>
    %reduce_max3A_2011 = vector.multi_reduction <maximumf>, %select_n3A_2009, %reduce_max3A_2010 [1] : vector<128x64xf32> to vector<128xf32>
    %broadcast_in_dim3A_2012 = vector.shape_cast %reduce_max3A_2011 : vector<128xf32> to vector<128x1xf32>
    %eq3A_2013 = vector.broadcast %broadcast_in_dim3A_2012 : vector<128x1xf32> to vector<128x64xf32>
    %eq3A_2014 = arith.cmpf oeq, %select_n3A_2009, %eq3A_2013 : vector<128x64xf32>
    %jit3A_2015 = arith.constant 64 : i32
    %broadcast_in_dim3A_2016 = vector.broadcast %jit3A_2015 : i32 to vector<128x64xi32>
    %select_n3A_2017 = arith.select %eq3A_2014, %iota3A_1813, %broadcast_in_dim3A_2016 : vector<128x64xi1>, vector<128x64xi32>
    %reduce_min3A_2018 = arith.constant dense<2147483647> : vector<128xi32>
    %reduce_min3A_2019 = vector.multi_reduction <minsi>, %select_n3A_2017, %reduce_min3A_2018 [1] : vector<128x64xi32> to vector<128xi32>
    %eq3A_2020 = arith.constant 6 : i32
    %eq3A_2021 = vector.broadcast %eq3A_2020 : i32 to vector<1x24xi32>
    %eq3A_2022 = arith.cmpi eq, %iota3A_1814, %eq3A_2021 : vector<1x24xi32>
    %broadcast_in_dim3A_2023 = vector.shape_cast %reduce_max3A_2011 : vector<128xf32> to vector<128x1xf32>
    %convert_element_type3A_2024 = arith.extui %eq3A_2022 : vector<1x24xi1> to vector<1x24xi32>
    %convert_element_type3A_2025 = arith.sitofp %convert_element_type3A_2024 : vector<1x24xi32> to vector<1x24xf32>
    %mul3A_2026 = vector.broadcast %broadcast_in_dim3A_2023 : vector<128x1xf32> to vector<128x24xf32>
    %mul3A_2027 = vector.broadcast %convert_element_type3A_2025 : vector<1x24xf32> to vector<128x24xf32>
    %mul3A_2028 = arith.mulf %mul3A_2026, %mul3A_2027 : vector<128x24xf32>
    %add3A_2029 = arith.addf %add3A_1997, %mul3A_2028 : vector<128x24xf32>
    %broadcast_in_dim3A_2030 = vector.shape_cast %reduce_min3A_2019 : vector<128xi32> to vector<128x1xi32>
    %convert_element_type3A_2031 = arith.extui %eq3A_2022 : vector<1x24xi1> to vector<1x24xi32>
    %mul3A_2032 = vector.broadcast %broadcast_in_dim3A_2030 : vector<128x1xi32> to vector<128x24xi32>
    %mul3A_2033 = vector.broadcast %convert_element_type3A_2031 : vector<1x24xi32> to vector<128x24xi32>
    %mul3A_2034 = arith.muli %mul3A_2032, %mul3A_2033 : vector<128x24xi32>
    %add3A_2035 = arith.addi %add3A_2003, %mul3A_2034 : vector<128x24xi32>
    %broadcast_in_dim3A_2036 = vector.shape_cast %reduce_min3A_2019 : vector<128xi32> to vector<128x1xi32>
    %eq3A_2037 = vector.broadcast %broadcast_in_dim3A_2036 : vector<128x1xi32> to vector<128x64xi32>
    %eq3A_2038 = arith.cmpi eq, %iota3A_1813, %eq3A_2037 : vector<128x64xi32>
    %jit3A_2039 = arith.constant 0xFF800000 : f32
    %broadcast_in_dim3A_2040 = vector.broadcast %jit3A_2039 : f32 to vector<128x64xf32>
    %select_n3A_2041 = arith.select %eq3A_2038, %broadcast_in_dim3A_2040, %select_n3A_2009 : vector<128x64xi1>, vector<128x64xf32>
    %reduce_max3A_2042 = arith.constant dense<0xFF800000> : vector<128xf32>
    %reduce_max3A_2043 = vector.multi_reduction <maximumf>, %select_n3A_2041, %reduce_max3A_2042 [1] : vector<128x64xf32> to vector<128xf32>
    %broadcast_in_dim3A_2044 = vector.shape_cast %reduce_max3A_2043 : vector<128xf32> to vector<128x1xf32>
    %eq3A_2045 = vector.broadcast %broadcast_in_dim3A_2044 : vector<128x1xf32> to vector<128x64xf32>
    %eq3A_2046 = arith.cmpf oeq, %select_n3A_2041, %eq3A_2045 : vector<128x64xf32>
    %jit3A_2047 = arith.constant 64 : i32
    %broadcast_in_dim3A_2048 = vector.broadcast %jit3A_2047 : i32 to vector<128x64xi32>
    %select_n3A_2049 = arith.select %eq3A_2046, %iota3A_1813, %broadcast_in_dim3A_2048 : vector<128x64xi1>, vector<128x64xi32>
    %reduce_min3A_2050 = arith.constant dense<2147483647> : vector<128xi32>
    %reduce_min3A_2051 = vector.multi_reduction <minsi>, %select_n3A_2049, %reduce_min3A_2050 [1] : vector<128x64xi32> to vector<128xi32>
    %eq3A_2052 = arith.constant 7 : i32
    %eq3A_2053 = vector.broadcast %eq3A_2052 : i32 to vector<1x24xi32>
    %eq3A_2054 = arith.cmpi eq, %iota3A_1814, %eq3A_2053 : vector<1x24xi32>
    %broadcast_in_dim3A_2055 = vector.shape_cast %reduce_max3A_2043 : vector<128xf32> to vector<128x1xf32>
    %convert_element_type3A_2056 = arith.extui %eq3A_2054 : vector<1x24xi1> to vector<1x24xi32>
    %convert_element_type3A_2057 = arith.sitofp %convert_element_type3A_2056 : vector<1x24xi32> to vector<1x24xf32>
    %mul3A_2058 = vector.broadcast %broadcast_in_dim3A_2055 : vector<128x1xf32> to vector<128x24xf32>
    %mul3A_2059 = vector.broadcast %convert_element_type3A_2057 : vector<1x24xf32> to vector<128x24xf32>
    %mul3A_2060 = arith.mulf %mul3A_2058, %mul3A_2059 : vector<128x24xf32>
    %add3A_2061 = arith.addf %add3A_2029, %mul3A_2060 : vector<128x24xf32>
    %broadcast_in_dim3A_2062 = vector.shape_cast %reduce_min3A_2051 : vector<128xi32> to vector<128x1xi32>
    %convert_element_type3A_2063 = arith.extui %eq3A_2054 : vector<1x24xi1> to vector<1x24xi32>
    %mul3A_2064 = vector.broadcast %broadcast_in_dim3A_2062 : vector<128x1xi32> to vector<128x24xi32>
    %mul3A_2065 = vector.broadcast %convert_element_type3A_2063 : vector<1x24xi32> to vector<128x24xi32>
    %mul3A_2066 = arith.muli %mul3A_2064, %mul3A_2065 : vector<128x24xi32>
    %add3A_2067 = arith.addi %add3A_2035, %mul3A_2066 : vector<128x24xi32>
    %broadcast_in_dim3A_2068 = vector.shape_cast %reduce_min3A_2051 : vector<128xi32> to vector<128x1xi32>
    %eq3A_2069 = vector.broadcast %broadcast_in_dim3A_2068 : vector<128x1xi32> to vector<128x64xi32>
    %eq3A_2070 = arith.cmpi eq, %iota3A_1813, %eq3A_2069 : vector<128x64xi32>
    %jit3A_2071 = arith.constant 0xFF800000 : f32
    %broadcast_in_dim3A_2072 = vector.broadcast %jit3A_2071 : f32 to vector<128x64xf32>
    %select_n3A_2073 = arith.select %eq3A_2070, %broadcast_in_dim3A_2072, %select_n3A_2041 : vector<128x64xi1>, vector<128x64xf32>
    %reduce_max3A_2074 = arith.constant dense<0xFF800000> : vector<128xf32>
    %reduce_max3A_2075 = vector.multi_reduction <maximumf>, %select_n3A_2073, %reduce_max3A_2074 [1] : vector<128x64xf32> to vector<128xf32>
    %broadcast_in_dim3A_2076 = vector.shape_cast %reduce_max3A_2075 : vector<128xf32> to vector<128x1xf32>
    %eq3A_2077 = vector.broadcast %broadcast_in_dim3A_2076 : vector<128x1xf32> to vector<128x64xf32>
    %eq3A_2078 = arith.cmpf oeq, %select_n3A_2073, %eq3A_2077 : vector<128x64xf32>
    %jit3A_2079 = arith.constant 64 : i32
    %broadcast_in_dim3A_2080 = vector.broadcast %jit3A_2079 : i32 to vector<128x64xi32>
    %select_n3A_2081 = arith.select %eq3A_2078, %iota3A_1813, %broadcast_in_dim3A_2080 : vector<128x64xi1>, vector<128x64xi32>
    %reduce_min3A_2082 = arith.constant dense<2147483647> : vector<128xi32>
    %reduce_min3A_2083 = vector.multi_reduction <minsi>, %select_n3A_2081, %reduce_min3A_2082 [1] : vector<128x64xi32> to vector<128xi32>
    %eq3A_2084 = arith.constant 8 : i32
    %eq3A_2085 = vector.broadcast %eq3A_2084 : i32 to vector<1x24xi32>
    %eq3A_2086 = arith.cmpi eq, %iota3A_1814, %eq3A_2085 : vector<1x24xi32>
    %broadcast_in_dim3A_2087 = vector.shape_cast %reduce_max3A_2075 : vector<128xf32> to vector<128x1xf32>
    %convert_element_type3A_2088 = arith.extui %eq3A_2086 : vector<1x24xi1> to vector<1x24xi32>
    %convert_element_type3A_2089 = arith.sitofp %convert_element_type3A_2088 : vector<1x24xi32> to vector<1x24xf32>
    %mul3A_2090 = vector.broadcast %broadcast_in_dim3A_2087 : vector<128x1xf32> to vector<128x24xf32>
    %mul3A_2091 = vector.broadcast %convert_element_type3A_2089 : vector<1x24xf32> to vector<128x24xf32>
    %mul3A_2092 = arith.mulf %mul3A_2090, %mul3A_2091 : vector<128x24xf32>
    %add3A_2093 = arith.addf %add3A_2061, %mul3A_2092 : vector<128x24xf32>
    %broadcast_in_dim3A_2094 = vector.shape_cast %reduce_min3A_2083 : vector<128xi32> to vector<128x1xi32>
    %convert_element_type3A_2095 = arith.extui %eq3A_2086 : vector<1x24xi1> to vector<1x24xi32>
    %mul3A_2096 = vector.broadcast %broadcast_in_dim3A_2094 : vector<128x1xi32> to vector<128x24xi32>
    %mul3A_2097 = vector.broadcast %convert_element_type3A_2095 : vector<1x24xi32> to vector<128x24xi32>
    %mul3A_2098 = arith.muli %mul3A_2096, %mul3A_2097 : vector<128x24xi32>
    %add3A_2099 = arith.addi %add3A_2067, %mul3A_2098 : vector<128x24xi32>
    %broadcast_in_dim3A_2100 = vector.shape_cast %reduce_min3A_2083 : vector<128xi32> to vector<128x1xi32>
    %eq3A_2101 = vector.broadcast %broadcast_in_dim3A_2100 : vector<128x1xi32> to vector<128x64xi32>
    %eq3A_2102 = arith.cmpi eq, %iota3A_1813, %eq3A_2101 : vector<128x64xi32>
    %jit3A_2103 = arith.constant 0xFF800000 : f32
    %broadcast_in_dim3A_2104 = vector.broadcast %jit3A_2103 : f32 to vector<128x64xf32>
    %select_n3A_2105 = arith.select %eq3A_2102, %broadcast_in_dim3A_2104, %select_n3A_2073 : vector<128x64xi1>, vector<128x64xf32>
    %reduce_max3A_2106 = arith.constant dense<0xFF800000> : vector<128xf32>
    %reduce_max3A_2107 = vector.multi_reduction <maximumf>, %select_n3A_2105, %reduce_max3A_2106 [1] : vector<128x64xf32> to vector<128xf32>
    %broadcast_in_dim3A_2108 = vector.shape_cast %reduce_max3A_2107 : vector<128xf32> to vector<128x1xf32>
    %eq3A_2109 = vector.broadcast %broadcast_in_dim3A_2108 : vector<128x1xf32> to vector<128x64xf32>
    %eq3A_2110 = arith.cmpf oeq, %select_n3A_2105, %eq3A_2109 : vector<128x64xf32>
    %jit3A_2111 = arith.constant 64 : i32
    %broadcast_in_dim3A_2112 = vector.broadcast %jit3A_2111 : i32 to vector<128x64xi32>
    %select_n3A_2113 = arith.select %eq3A_2110, %iota3A_1813, %broadcast_in_dim3A_2112 : vector<128x64xi1>, vector<128x64xi32>
    %reduce_min3A_2114 = arith.constant dense<2147483647> : vector<128xi32>
    %reduce_min3A_2115 = vector.multi_reduction <minsi>, %select_n3A_2113, %reduce_min3A_2114 [1] : vector<128x64xi32> to vector<128xi32>
    %eq3A_2116 = arith.constant 9 : i32
    %eq3A_2117 = vector.broadcast %eq3A_2116 : i32 to vector<1x24xi32>
    %eq3A_2118 = arith.cmpi eq, %iota3A_1814, %eq3A_2117 : vector<1x24xi32>
    %broadcast_in_dim3A_2119 = vector.shape_cast %reduce_max3A_2107 : vector<128xf32> to vector<128x1xf32>
    %convert_element_type3A_2120 = arith.extui %eq3A_2118 : vector<1x24xi1> to vector<1x24xi32>
    %convert_element_type3A_2121 = arith.sitofp %convert_element_type3A_2120 : vector<1x24xi32> to vector<1x24xf32>
    %mul3A_2122 = vector.broadcast %broadcast_in_dim3A_2119 : vector<128x1xf32> to vector<128x24xf32>
    %mul3A_2123 = vector.broadcast %convert_element_type3A_2121 : vector<1x24xf32> to vector<128x24xf32>
    %mul3A_2124 = arith.mulf %mul3A_2122, %mul3A_2123 : vector<128x24xf32>
    %add3A_2125 = arith.addf %add3A_2093, %mul3A_2124 : vector<128x24xf32>
    %broadcast_in_dim3A_2126 = vector.shape_cast %reduce_min3A_2115 : vector<128xi32> to vector<128x1xi32>
    %convert_element_type3A_2127 = arith.extui %eq3A_2118 : vector<1x24xi1> to vector<1x24xi32>
    %mul3A_2128 = vector.broadcast %broadcast_in_dim3A_2126 : vector<128x1xi32> to vector<128x24xi32>
    %mul3A_2129 = vector.broadcast %convert_element_type3A_2127 : vector<1x24xi32> to vector<128x24xi32>
    %mul3A_2130 = arith.muli %mul3A_2128, %mul3A_2129 : vector<128x24xi32>
    %add3A_2131 = arith.addi %add3A_2099, %mul3A_2130 : vector<128x24xi32>
    %broadcast_in_dim3A_2132 = vector.shape_cast %reduce_min3A_2115 : vector<128xi32> to vector<128x1xi32>
    %eq3A_2133 = vector.broadcast %broadcast_in_dim3A_2132 : vector<128x1xi32> to vector<128x64xi32>
    %eq3A_2134 = arith.cmpi eq, %iota3A_1813, %eq3A_2133 : vector<128x64xi32>
    %jit3A_2135 = arith.constant 0xFF800000 : f32
    %broadcast_in_dim3A_2136 = vector.broadcast %jit3A_2135 : f32 to vector<128x64xf32>
    %select_n3A_2137 = arith.select %eq3A_2134, %broadcast_in_dim3A_2136, %select_n3A_2105 : vector<128x64xi1>, vector<128x64xf32>
    %reduce_max3A_2138 = arith.constant dense<0xFF800000> : vector<128xf32>
    %reduce_max3A_2139 = vector.multi_reduction <maximumf>, %select_n3A_2137, %reduce_max3A_2138 [1] : vector<128x64xf32> to vector<128xf32>
    %broadcast_in_dim3A_2140 = vector.shape_cast %reduce_max3A_2139 : vector<128xf32> to vector<128x1xf32>
    %eq3A_2141 = vector.broadcast %broadcast_in_dim3A_2140 : vector<128x1xf32> to vector<128x64xf32>
    %eq3A_2142 = arith.cmpf oeq, %select_n3A_2137, %eq3A_2141 : vector<128x64xf32>
    %jit3A_2143 = arith.constant 64 : i32
    %broadcast_in_dim3A_2144 = vector.broadcast %jit3A_2143 : i32 to vector<128x64xi32>
    %select_n3A_2145 = arith.select %eq3A_2142, %iota3A_1813, %broadcast_in_dim3A_2144 : vector<128x64xi1>, vector<128x64xi32>
    %reduce_min3A_2146 = arith.constant dense<2147483647> : vector<128xi32>
    %reduce_min3A_2147 = vector.multi_reduction <minsi>, %select_n3A_2145, %reduce_min3A_2146 [1] : vector<128x64xi32> to vector<128xi32>
    %eq3A_2148 = arith.constant 10 : i32
    %eq3A_2149 = vector.broadcast %eq3A_2148 : i32 to vector<1x24xi32>
    %eq3A_2150 = arith.cmpi eq, %iota3A_1814, %eq3A_2149 : vector<1x24xi32>
    %broadcast_in_dim3A_2151 = vector.shape_cast %reduce_max3A_2139 : vector<128xf32> to vector<128x1xf32>
    %convert_element_type3A_2152 = arith.extui %eq3A_2150 : vector<1x24xi1> to vector<1x24xi32>
    %convert_element_type3A_2153 = arith.sitofp %convert_element_type3A_2152 : vector<1x24xi32> to vector<1x24xf32>
    %mul3A_2154 = vector.broadcast %broadcast_in_dim3A_2151 : vector<128x1xf32> to vector<128x24xf32>
    %mul3A_2155 = vector.broadcast %convert_element_type3A_2153 : vector<1x24xf32> to vector<128x24xf32>
    %mul3A_2156 = arith.mulf %mul3A_2154, %mul3A_2155 : vector<128x24xf32>
    %add3A_2157 = arith.addf %add3A_2125, %mul3A_2156 : vector<128x24xf32>
    %broadcast_in_dim3A_2158 = vector.shape_cast %reduce_min3A_2147 : vector<128xi32> to vector<128x1xi32>
    %convert_element_type3A_2159 = arith.extui %eq3A_2150 : vector<1x24xi1> to vector<1x24xi32>
    %mul3A_2160 = vector.broadcast %broadcast_in_dim3A_2158 : vector<128x1xi32> to vector<128x24xi32>
    %mul3A_2161 = vector.broadcast %convert_element_type3A_2159 : vector<1x24xi32> to vector<128x24xi32>
    %mul3A_2162 = arith.muli %mul3A_2160, %mul3A_2161 : vector<128x24xi32>
    %add3A_2163 = arith.addi %add3A_2131, %mul3A_2162 : vector<128x24xi32>
    %broadcast_in_dim3A_2164 = vector.shape_cast %reduce_min3A_2147 : vector<128xi32> to vector<128x1xi32>
    %eq3A_2165 = vector.broadcast %broadcast_in_dim3A_2164 : vector<128x1xi32> to vector<128x64xi32>
    %eq3A_2166 = arith.cmpi eq, %iota3A_1813, %eq3A_2165 : vector<128x64xi32>
    %jit3A_2167 = arith.constant 0xFF800000 : f32
    %broadcast_in_dim3A_2168 = vector.broadcast %jit3A_2167 : f32 to vector<128x64xf32>
    %select_n3A_2169 = arith.select %eq3A_2166, %broadcast_in_dim3A_2168, %select_n3A_2137 : vector<128x64xi1>, vector<128x64xf32>
    %reduce_max3A_2170 = arith.constant dense<0xFF800000> : vector<128xf32>
    %reduce_max3A_2171 = vector.multi_reduction <maximumf>, %select_n3A_2169, %reduce_max3A_2170 [1] : vector<128x64xf32> to vector<128xf32>
    %broadcast_in_dim3A_2172 = vector.shape_cast %reduce_max3A_2171 : vector<128xf32> to vector<128x1xf32>
    %eq3A_2173 = vector.broadcast %broadcast_in_dim3A_2172 : vector<128x1xf32> to vector<128x64xf32>
    %eq3A_2174 = arith.cmpf oeq, %select_n3A_2169, %eq3A_2173 : vector<128x64xf32>
    %jit3A_2175 = arith.constant 64 : i32
    %broadcast_in_dim3A_2176 = vector.broadcast %jit3A_2175 : i32 to vector<128x64xi32>
    %select_n3A_2177 = arith.select %eq3A_2174, %iota3A_1813, %broadcast_in_dim3A_2176 : vector<128x64xi1>, vector<128x64xi32>
    %reduce_min3A_2178 = arith.constant dense<2147483647> : vector<128xi32>
    %reduce_min3A_2179 = vector.multi_reduction <minsi>, %select_n3A_2177, %reduce_min3A_2178 [1] : vector<128x64xi32> to vector<128xi32>
    %eq3A_2180 = arith.constant 11 : i32
    %eq3A_2181 = vector.broadcast %eq3A_2180 : i32 to vector<1x24xi32>
    %eq3A_2182 = arith.cmpi eq, %iota3A_1814, %eq3A_2181 : vector<1x24xi32>
    %broadcast_in_dim3A_2183 = vector.shape_cast %reduce_max3A_2171 : vector<128xf32> to vector<128x1xf32>
    %convert_element_type3A_2184 = arith.extui %eq3A_2182 : vector<1x24xi1> to vector<1x24xi32>
    %convert_element_type3A_2185 = arith.sitofp %convert_element_type3A_2184 : vector<1x24xi32> to vector<1x24xf32>
    %mul3A_2186 = vector.broadcast %broadcast_in_dim3A_2183 : vector<128x1xf32> to vector<128x24xf32>
    %mul3A_2187 = vector.broadcast %convert_element_type3A_2185 : vector<1x24xf32> to vector<128x24xf32>
    %mul3A_2188 = arith.mulf %mul3A_2186, %mul3A_2187 : vector<128x24xf32>
    %add3A_2189 = arith.addf %add3A_2157, %mul3A_2188 : vector<128x24xf32>
    %broadcast_in_dim3A_2190 = vector.shape_cast %reduce_min3A_2179 : vector<128xi32> to vector<128x1xi32>
    %convert_element_type3A_2191 = arith.extui %eq3A_2182 : vector<1x24xi1> to vector<1x24xi32>
    %mul3A_2192 = vector.broadcast %broadcast_in_dim3A_2190 : vector<128x1xi32> to vector<128x24xi32>
    %mul3A_2193 = vector.broadcast %convert_element_type3A_2191 : vector<1x24xi32> to vector<128x24xi32>
    %mul3A_2194 = arith.muli %mul3A_2192, %mul3A_2193 : vector<128x24xi32>
    %add3A_2195 = arith.addi %add3A_2163, %mul3A_2194 : vector<128x24xi32>
    %broadcast_in_dim3A_2196 = vector.shape_cast %reduce_min3A_2179 : vector<128xi32> to vector<128x1xi32>
    %eq3A_2197 = vector.broadcast %broadcast_in_dim3A_2196 : vector<128x1xi32> to vector<128x64xi32>
    %eq3A_2198 = arith.cmpi eq, %iota3A_1813, %eq3A_2197 : vector<128x64xi32>
    %jit3A_2199 = arith.constant 0xFF800000 : f32
    %broadcast_in_dim3A_2200 = vector.broadcast %jit3A_2199 : f32 to vector<128x64xf32>
    %select_n3A_2201 = arith.select %eq3A_2198, %broadcast_in_dim3A_2200, %select_n3A_2169 : vector<128x64xi1>, vector<128x64xf32>
    %reduce_max3A_2202 = arith.constant dense<0xFF800000> : vector<128xf32>
    %reduce_max3A_2203 = vector.multi_reduction <maximumf>, %select_n3A_2201, %reduce_max3A_2202 [1] : vector<128x64xf32> to vector<128xf32>
    %broadcast_in_dim3A_2204 = vector.shape_cast %reduce_max3A_2203 : vector<128xf32> to vector<128x1xf32>
    %eq3A_2205 = vector.broadcast %broadcast_in_dim3A_2204 : vector<128x1xf32> to vector<128x64xf32>
    %eq3A_2206 = arith.cmpf oeq, %select_n3A_2201, %eq3A_2205 : vector<128x64xf32>
    %jit3A_2207 = arith.constant 64 : i32
    %broadcast_in_dim3A_2208 = vector.broadcast %jit3A_2207 : i32 to vector<128x64xi32>
    %select_n3A_2209 = arith.select %eq3A_2206, %iota3A_1813, %broadcast_in_dim3A_2208 : vector<128x64xi1>, vector<128x64xi32>
    %reduce_min3A_2210 = arith.constant dense<2147483647> : vector<128xi32>
    %reduce_min3A_2211 = vector.multi_reduction <minsi>, %select_n3A_2209, %reduce_min3A_2210 [1] : vector<128x64xi32> to vector<128xi32>
    %eq3A_2212 = arith.constant 12 : i32
    %eq3A_2213 = vector.broadcast %eq3A_2212 : i32 to vector<1x24xi32>
    %eq3A_2214 = arith.cmpi eq, %iota3A_1814, %eq3A_2213 : vector<1x24xi32>
    %broadcast_in_dim3A_2215 = vector.shape_cast %reduce_max3A_2203 : vector<128xf32> to vector<128x1xf32>
    %convert_element_type3A_2216 = arith.extui %eq3A_2214 : vector<1x24xi1> to vector<1x24xi32>
    %convert_element_type3A_2217 = arith.sitofp %convert_element_type3A_2216 : vector<1x24xi32> to vector<1x24xf32>
    %mul3A_2218 = vector.broadcast %broadcast_in_dim3A_2215 : vector<128x1xf32> to vector<128x24xf32>
    %mul3A_2219 = vector.broadcast %convert_element_type3A_2217 : vector<1x24xf32> to vector<128x24xf32>
    %mul3A_2220 = arith.mulf %mul3A_2218, %mul3A_2219 : vector<128x24xf32>
    %add3A_2221 = arith.addf %add3A_2189, %mul3A_2220 : vector<128x24xf32>
    %broadcast_in_dim3A_2222 = vector.shape_cast %reduce_min3A_2211 : vector<128xi32> to vector<128x1xi32>
    %convert_element_type3A_2223 = arith.extui %eq3A_2214 : vector<1x24xi1> to vector<1x24xi32>
    %mul3A_2224 = vector.broadcast %broadcast_in_dim3A_2222 : vector<128x1xi32> to vector<128x24xi32>
    %mul3A_2225 = vector.broadcast %convert_element_type3A_2223 : vector<1x24xi32> to vector<128x24xi32>
    %mul3A_2226 = arith.muli %mul3A_2224, %mul3A_2225 : vector<128x24xi32>
    %add3A_2227 = arith.addi %add3A_2195, %mul3A_2226 : vector<128x24xi32>
    %broadcast_in_dim3A_2228 = vector.shape_cast %reduce_min3A_2211 : vector<128xi32> to vector<128x1xi32>
    %eq3A_2229 = vector.broadcast %broadcast_in_dim3A_2228 : vector<128x1xi32> to vector<128x64xi32>
    %eq3A_2230 = arith.cmpi eq, %iota3A_1813, %eq3A_2229 : vector<128x64xi32>
    %jit3A_2231 = arith.constant 0xFF800000 : f32
    %broadcast_in_dim3A_2232 = vector.broadcast %jit3A_2231 : f32 to vector<128x64xf32>
    %select_n3A_2233 = arith.select %eq3A_2230, %broadcast_in_dim3A_2232, %select_n3A_2201 : vector<128x64xi1>, vector<128x64xf32>
    %reduce_max3A_2234 = arith.constant dense<0xFF800000> : vector<128xf32>
    %reduce_max3A_2235 = vector.multi_reduction <maximumf>, %select_n3A_2233, %reduce_max3A_2234 [1] : vector<128x64xf32> to vector<128xf32>
    %broadcast_in_dim3A_2236 = vector.shape_cast %reduce_max3A_2235 : vector<128xf32> to vector<128x1xf32>
    %eq3A_2237 = vector.broadcast %broadcast_in_dim3A_2236 : vector<128x1xf32> to vector<128x64xf32>
    %eq3A_2238 = arith.cmpf oeq, %select_n3A_2233, %eq3A_2237 : vector<128x64xf32>
    %jit3A_2239 = arith.constant 64 : i32
    %broadcast_in_dim3A_2240 = vector.broadcast %jit3A_2239 : i32 to vector<128x64xi32>
    %select_n3A_2241 = arith.select %eq3A_2238, %iota3A_1813, %broadcast_in_dim3A_2240 : vector<128x64xi1>, vector<128x64xi32>
    %reduce_min3A_2242 = arith.constant dense<2147483647> : vector<128xi32>
    %reduce_min3A_2243 = vector.multi_reduction <minsi>, %select_n3A_2241, %reduce_min3A_2242 [1] : vector<128x64xi32> to vector<128xi32>
    %eq3A_2244 = arith.constant 13 : i32
    %eq3A_2245 = vector.broadcast %eq3A_2244 : i32 to vector<1x24xi32>
    %eq3A_2246 = arith.cmpi eq, %iota3A_1814, %eq3A_2245 : vector<1x24xi32>
    %broadcast_in_dim3A_2247 = vector.shape_cast %reduce_max3A_2235 : vector<128xf32> to vector<128x1xf32>
    %convert_element_type3A_2248 = arith.extui %eq3A_2246 : vector<1x24xi1> to vector<1x24xi32>
    %convert_element_type3A_2249 = arith.sitofp %convert_element_type3A_2248 : vector<1x24xi32> to vector<1x24xf32>
    %mul3A_2250 = vector.broadcast %broadcast_in_dim3A_2247 : vector<128x1xf32> to vector<128x24xf32>
    %mul3A_2251 = vector.broadcast %convert_element_type3A_2249 : vector<1x24xf32> to vector<128x24xf32>
    %mul3A_2252 = arith.mulf %mul3A_2250, %mul3A_2251 : vector<128x24xf32>
    %add3A_2253 = arith.addf %add3A_2221, %mul3A_2252 : vector<128x24xf32>
    %broadcast_in_dim3A_2254 = vector.shape_cast %reduce_min3A_2243 : vector<128xi32> to vector<128x1xi32>
    %convert_element_type3A_2255 = arith.extui %eq3A_2246 : vector<1x24xi1> to vector<1x24xi32>
    %mul3A_2256 = vector.broadcast %broadcast_in_dim3A_2254 : vector<128x1xi32> to vector<128x24xi32>
    %mul3A_2257 = vector.broadcast %convert_element_type3A_2255 : vector<1x24xi32> to vector<128x24xi32>
    %mul3A_2258 = arith.muli %mul3A_2256, %mul3A_2257 : vector<128x24xi32>
    %add3A_2259 = arith.addi %add3A_2227, %mul3A_2258 : vector<128x24xi32>
    %broadcast_in_dim3A_2260 = vector.shape_cast %reduce_min3A_2243 : vector<128xi32> to vector<128x1xi32>
    %eq3A_2261 = vector.broadcast %broadcast_in_dim3A_2260 : vector<128x1xi32> to vector<128x64xi32>
    %eq3A_2262 = arith.cmpi eq, %iota3A_1813, %eq3A_2261 : vector<128x64xi32>
    %jit3A_2263 = arith.constant 0xFF800000 : f32
    %broadcast_in_dim3A_2264 = vector.broadcast %jit3A_2263 : f32 to vector<128x64xf32>
    %select_n3A_2265 = arith.select %eq3A_2262, %broadcast_in_dim3A_2264, %select_n3A_2233 : vector<128x64xi1>, vector<128x64xf32>
    %reduce_max3A_2266 = arith.constant dense<0xFF800000> : vector<128xf32>
    %reduce_max3A_2267 = vector.multi_reduction <maximumf>, %select_n3A_2265, %reduce_max3A_2266 [1] : vector<128x64xf32> to vector<128xf32>
    %broadcast_in_dim3A_2268 = vector.shape_cast %reduce_max3A_2267 : vector<128xf32> to vector<128x1xf32>
    %eq3A_2269 = vector.broadcast %broadcast_in_dim3A_2268 : vector<128x1xf32> to vector<128x64xf32>
    %eq3A_2270 = arith.cmpf oeq, %select_n3A_2265, %eq3A_2269 : vector<128x64xf32>
    %jit3A_2271 = arith.constant 64 : i32
    %broadcast_in_dim3A_2272 = vector.broadcast %jit3A_2271 : i32 to vector<128x64xi32>
    %select_n3A_2273 = arith.select %eq3A_2270, %iota3A_1813, %broadcast_in_dim3A_2272 : vector<128x64xi1>, vector<128x64xi32>
    %reduce_min3A_2274 = arith.constant dense<2147483647> : vector<128xi32>
    %reduce_min3A_2275 = vector.multi_reduction <minsi>, %select_n3A_2273, %reduce_min3A_2274 [1] : vector<128x64xi32> to vector<128xi32>
    %eq3A_2276 = arith.constant 14 : i32
    %eq3A_2277 = vector.broadcast %eq3A_2276 : i32 to vector<1x24xi32>
    %eq3A_2278 = arith.cmpi eq, %iota3A_1814, %eq3A_2277 : vector<1x24xi32>
    %broadcast_in_dim3A_2279 = vector.shape_cast %reduce_max3A_2267 : vector<128xf32> to vector<128x1xf32>
    %convert_element_type3A_2280 = arith.extui %eq3A_2278 : vector<1x24xi1> to vector<1x24xi32>
    %convert_element_type3A_2281 = arith.sitofp %convert_element_type3A_2280 : vector<1x24xi32> to vector<1x24xf32>
    %mul3A_2282 = vector.broadcast %broadcast_in_dim3A_2279 : vector<128x1xf32> to vector<128x24xf32>
    %mul3A_2283 = vector.broadcast %convert_element_type3A_2281 : vector<1x24xf32> to vector<128x24xf32>
    %mul3A_2284 = arith.mulf %mul3A_2282, %mul3A_2283 : vector<128x24xf32>
    %add3A_2285 = arith.addf %add3A_2253, %mul3A_2284 : vector<128x24xf32>
    %broadcast_in_dim3A_2286 = vector.shape_cast %reduce_min3A_2275 : vector<128xi32> to vector<128x1xi32>
    %convert_element_type3A_2287 = arith.extui %eq3A_2278 : vector<1x24xi1> to vector<1x24xi32>
    %mul3A_2288 = vector.broadcast %broadcast_in_dim3A_2286 : vector<128x1xi32> to vector<128x24xi32>
    %mul3A_2289 = vector.broadcast %convert_element_type3A_2287 : vector<1x24xi32> to vector<128x24xi32>
    %mul3A_2290 = arith.muli %mul3A_2288, %mul3A_2289 : vector<128x24xi32>
    %add3A_2291 = arith.addi %add3A_2259, %mul3A_2290 : vector<128x24xi32>
    %broadcast_in_dim3A_2292 = vector.shape_cast %reduce_min3A_2275 : vector<128xi32> to vector<128x1xi32>
    %eq3A_2293 = vector.broadcast %broadcast_in_dim3A_2292 : vector<128x1xi32> to vector<128x64xi32>
    %eq3A_2294 = arith.cmpi eq, %iota3A_1813, %eq3A_2293 : vector<128x64xi32>
    %jit3A_2295 = arith.constant 0xFF800000 : f32
    %broadcast_in_dim3A_2296 = vector.broadcast %jit3A_2295 : f32 to vector<128x64xf32>
    %select_n3A_2297 = arith.select %eq3A_2294, %broadcast_in_dim3A_2296, %select_n3A_2265 : vector<128x64xi1>, vector<128x64xf32>
    %reduce_max3A_2298 = arith.constant dense<0xFF800000> : vector<128xf32>
    %reduce_max3A_2299 = vector.multi_reduction <maximumf>, %select_n3A_2297, %reduce_max3A_2298 [1] : vector<128x64xf32> to vector<128xf32>
    %broadcast_in_dim3A_2300 = vector.shape_cast %reduce_max3A_2299 : vector<128xf32> to vector<128x1xf32>
    %eq3A_2301 = vector.broadcast %broadcast_in_dim3A_2300 : vector<128x1xf32> to vector<128x64xf32>
    %eq3A_2302 = arith.cmpf oeq, %select_n3A_2297, %eq3A_2301 : vector<128x64xf32>
    %jit3A_2303 = arith.constant 64 : i32
    %broadcast_in_dim3A_2304 = vector.broadcast %jit3A_2303 : i32 to vector<128x64xi32>
    %select_n3A_2305 = arith.select %eq3A_2302, %iota3A_1813, %broadcast_in_dim3A_2304 : vector<128x64xi1>, vector<128x64xi32>
    %reduce_min3A_2306 = arith.constant dense<2147483647> : vector<128xi32>
    %reduce_min3A_2307 = vector.multi_reduction <minsi>, %select_n3A_2305, %reduce_min3A_2306 [1] : vector<128x64xi32> to vector<128xi32>
    %eq3A_2308 = arith.constant 15 : i32
    %eq3A_2309 = vector.broadcast %eq3A_2308 : i32 to vector<1x24xi32>
    %eq3A_2310 = arith.cmpi eq, %iota3A_1814, %eq3A_2309 : vector<1x24xi32>
    %broadcast_in_dim3A_2311 = vector.shape_cast %reduce_max3A_2299 : vector<128xf32> to vector<128x1xf32>
    %convert_element_type3A_2312 = arith.extui %eq3A_2310 : vector<1x24xi1> to vector<1x24xi32>
    %convert_element_type3A_2313 = arith.sitofp %convert_element_type3A_2312 : vector<1x24xi32> to vector<1x24xf32>
    %mul3A_2314 = vector.broadcast %broadcast_in_dim3A_2311 : vector<128x1xf32> to vector<128x24xf32>
    %mul3A_2315 = vector.broadcast %convert_element_type3A_2313 : vector<1x24xf32> to vector<128x24xf32>
    %mul3A_2316 = arith.mulf %mul3A_2314, %mul3A_2315 : vector<128x24xf32>
    %add3A_2317 = arith.addf %add3A_2285, %mul3A_2316 : vector<128x24xf32>
    %broadcast_in_dim3A_2318 = vector.shape_cast %reduce_min3A_2307 : vector<128xi32> to vector<128x1xi32>
    %convert_element_type3A_2319 = arith.extui %eq3A_2310 : vector<1x24xi1> to vector<1x24xi32>
    %mul3A_2320 = vector.broadcast %broadcast_in_dim3A_2318 : vector<128x1xi32> to vector<128x24xi32>
    %mul3A_2321 = vector.broadcast %convert_element_type3A_2319 : vector<1x24xi32> to vector<128x24xi32>
    %mul3A_2322 = arith.muli %mul3A_2320, %mul3A_2321 : vector<128x24xi32>
    %add3A_2323 = arith.addi %add3A_2291, %mul3A_2322 : vector<128x24xi32>
    %broadcast_in_dim3A_2324 = vector.shape_cast %reduce_min3A_2307 : vector<128xi32> to vector<128x1xi32>
    %eq3A_2325 = vector.broadcast %broadcast_in_dim3A_2324 : vector<128x1xi32> to vector<128x64xi32>
    %eq3A_2326 = arith.cmpi eq, %iota3A_1813, %eq3A_2325 : vector<128x64xi32>
    %jit3A_2327 = arith.constant 0xFF800000 : f32
    %broadcast_in_dim3A_2328 = vector.broadcast %jit3A_2327 : f32 to vector<128x64xf32>
    %select_n3A_2329 = arith.select %eq3A_2326, %broadcast_in_dim3A_2328, %select_n3A_2297 : vector<128x64xi1>, vector<128x64xf32>
    %reduce_max3A_2330 = arith.constant dense<0xFF800000> : vector<128xf32>
    %reduce_max3A_2331 = vector.multi_reduction <maximumf>, %select_n3A_2329, %reduce_max3A_2330 [1] : vector<128x64xf32> to vector<128xf32>
    %broadcast_in_dim3A_2332 = vector.shape_cast %reduce_max3A_2331 : vector<128xf32> to vector<128x1xf32>
    %eq3A_2333 = vector.broadcast %broadcast_in_dim3A_2332 : vector<128x1xf32> to vector<128x64xf32>
    %eq3A_2334 = arith.cmpf oeq, %select_n3A_2329, %eq3A_2333 : vector<128x64xf32>
    %jit3A_2335 = arith.constant 64 : i32
    %broadcast_in_dim3A_2336 = vector.broadcast %jit3A_2335 : i32 to vector<128x64xi32>
    %select_n3A_2337 = arith.select %eq3A_2334, %iota3A_1813, %broadcast_in_dim3A_2336 : vector<128x64xi1>, vector<128x64xi32>
    %reduce_min3A_2338 = arith.constant dense<2147483647> : vector<128xi32>
    %reduce_min3A_2339 = vector.multi_reduction <minsi>, %select_n3A_2337, %reduce_min3A_2338 [1] : vector<128x64xi32> to vector<128xi32>
    %eq3A_2340 = arith.constant 16 : i32
    %eq3A_2341 = vector.broadcast %eq3A_2340 : i32 to vector<1x24xi32>
    %eq3A_2342 = arith.cmpi eq, %iota3A_1814, %eq3A_2341 : vector<1x24xi32>
    %broadcast_in_dim3A_2343 = vector.shape_cast %reduce_max3A_2331 : vector<128xf32> to vector<128x1xf32>
    %convert_element_type3A_2344 = arith.extui %eq3A_2342 : vector<1x24xi1> to vector<1x24xi32>
    %convert_element_type3A_2345 = arith.sitofp %convert_element_type3A_2344 : vector<1x24xi32> to vector<1x24xf32>
    %mul3A_2346 = vector.broadcast %broadcast_in_dim3A_2343 : vector<128x1xf32> to vector<128x24xf32>
    %mul3A_2347 = vector.broadcast %convert_element_type3A_2345 : vector<1x24xf32> to vector<128x24xf32>
    %mul3A_2348 = arith.mulf %mul3A_2346, %mul3A_2347 : vector<128x24xf32>
    %add3A_2349 = arith.addf %add3A_2317, %mul3A_2348 : vector<128x24xf32>
    %broadcast_in_dim3A_2350 = vector.shape_cast %reduce_min3A_2339 : vector<128xi32> to vector<128x1xi32>
    %convert_element_type3A_2351 = arith.extui %eq3A_2342 : vector<1x24xi1> to vector<1x24xi32>
    %mul3A_2352 = vector.broadcast %broadcast_in_dim3A_2350 : vector<128x1xi32> to vector<128x24xi32>
    %mul3A_2353 = vector.broadcast %convert_element_type3A_2351 : vector<1x24xi32> to vector<128x24xi32>
    %mul3A_2354 = arith.muli %mul3A_2352, %mul3A_2353 : vector<128x24xi32>
    %add3A_2355 = arith.addi %add3A_2323, %mul3A_2354 : vector<128x24xi32>
    %broadcast_in_dim3A_2356 = vector.shape_cast %reduce_min3A_2339 : vector<128xi32> to vector<128x1xi32>
    %eq3A_2357 = vector.broadcast %broadcast_in_dim3A_2356 : vector<128x1xi32> to vector<128x64xi32>
    %eq3A_2358 = arith.cmpi eq, %iota3A_1813, %eq3A_2357 : vector<128x64xi32>
    %jit3A_2359 = arith.constant 0xFF800000 : f32
    %broadcast_in_dim3A_2360 = vector.broadcast %jit3A_2359 : f32 to vector<128x64xf32>
    %select_n3A_2361 = arith.select %eq3A_2358, %broadcast_in_dim3A_2360, %select_n3A_2329 : vector<128x64xi1>, vector<128x64xf32>
    %reduce_max3A_2362 = arith.constant dense<0xFF800000> : vector<128xf32>
    %reduce_max3A_2363 = vector.multi_reduction <maximumf>, %select_n3A_2361, %reduce_max3A_2362 [1] : vector<128x64xf32> to vector<128xf32>
    %broadcast_in_dim3A_2364 = vector.shape_cast %reduce_max3A_2363 : vector<128xf32> to vector<128x1xf32>
    %eq3A_2365 = vector.broadcast %broadcast_in_dim3A_2364 : vector<128x1xf32> to vector<128x64xf32>
    %eq3A_2366 = arith.cmpf oeq, %select_n3A_2361, %eq3A_2365 : vector<128x64xf32>
    %jit3A_2367 = arith.constant 64 : i32
    %broadcast_in_dim3A_2368 = vector.broadcast %jit3A_2367 : i32 to vector<128x64xi32>
    %select_n3A_2369 = arith.select %eq3A_2366, %iota3A_1813, %broadcast_in_dim3A_2368 : vector<128x64xi1>, vector<128x64xi32>
    %reduce_min3A_2370 = arith.constant dense<2147483647> : vector<128xi32>
    %reduce_min3A_2371 = vector.multi_reduction <minsi>, %select_n3A_2369, %reduce_min3A_2370 [1] : vector<128x64xi32> to vector<128xi32>
    %eq3A_2372 = arith.constant 17 : i32
    %eq3A_2373 = vector.broadcast %eq3A_2372 : i32 to vector<1x24xi32>
    %eq3A_2374 = arith.cmpi eq, %iota3A_1814, %eq3A_2373 : vector<1x24xi32>
    %broadcast_in_dim3A_2375 = vector.shape_cast %reduce_max3A_2363 : vector<128xf32> to vector<128x1xf32>
    %convert_element_type3A_2376 = arith.extui %eq3A_2374 : vector<1x24xi1> to vector<1x24xi32>
    %convert_element_type3A_2377 = arith.sitofp %convert_element_type3A_2376 : vector<1x24xi32> to vector<1x24xf32>
    %mul3A_2378 = vector.broadcast %broadcast_in_dim3A_2375 : vector<128x1xf32> to vector<128x24xf32>
    %mul3A_2379 = vector.broadcast %convert_element_type3A_2377 : vector<1x24xf32> to vector<128x24xf32>
    %mul3A_2380 = arith.mulf %mul3A_2378, %mul3A_2379 : vector<128x24xf32>
    %add3A_2381 = arith.addf %add3A_2349, %mul3A_2380 : vector<128x24xf32>
    %broadcast_in_dim3A_2382 = vector.shape_cast %reduce_min3A_2371 : vector<128xi32> to vector<128x1xi32>
    %convert_element_type3A_2383 = arith.extui %eq3A_2374 : vector<1x24xi1> to vector<1x24xi32>
    %mul3A_2384 = vector.broadcast %broadcast_in_dim3A_2382 : vector<128x1xi32> to vector<128x24xi32>
    %mul3A_2385 = vector.broadcast %convert_element_type3A_2383 : vector<1x24xi32> to vector<128x24xi32>
    %mul3A_2386 = arith.muli %mul3A_2384, %mul3A_2385 : vector<128x24xi32>
    %add3A_2387 = arith.addi %add3A_2355, %mul3A_2386 : vector<128x24xi32>
    %broadcast_in_dim3A_2388 = vector.shape_cast %reduce_min3A_2371 : vector<128xi32> to vector<128x1xi32>
    %eq3A_2389 = vector.broadcast %broadcast_in_dim3A_2388 : vector<128x1xi32> to vector<128x64xi32>
    %eq3A_2390 = arith.cmpi eq, %iota3A_1813, %eq3A_2389 : vector<128x64xi32>
    %jit3A_2391 = arith.constant 0xFF800000 : f32
    %broadcast_in_dim3A_2392 = vector.broadcast %jit3A_2391 : f32 to vector<128x64xf32>
    %select_n3A_2393 = arith.select %eq3A_2390, %broadcast_in_dim3A_2392, %select_n3A_2361 : vector<128x64xi1>, vector<128x64xf32>
    %reduce_max3A_2394 = arith.constant dense<0xFF800000> : vector<128xf32>
    %reduce_max3A_2395 = vector.multi_reduction <maximumf>, %select_n3A_2393, %reduce_max3A_2394 [1] : vector<128x64xf32> to vector<128xf32>
    %broadcast_in_dim3A_2396 = vector.shape_cast %reduce_max3A_2395 : vector<128xf32> to vector<128x1xf32>
    %eq3A_2397 = vector.broadcast %broadcast_in_dim3A_2396 : vector<128x1xf32> to vector<128x64xf32>
    %eq3A_2398 = arith.cmpf oeq, %select_n3A_2393, %eq3A_2397 : vector<128x64xf32>
    %jit3A_2399 = arith.constant 64 : i32
    %broadcast_in_dim3A_2400 = vector.broadcast %jit3A_2399 : i32 to vector<128x64xi32>
    %select_n3A_2401 = arith.select %eq3A_2398, %iota3A_1813, %broadcast_in_dim3A_2400 : vector<128x64xi1>, vector<128x64xi32>
    %reduce_min3A_2402 = arith.constant dense<2147483647> : vector<128xi32>
    %reduce_min3A_2403 = vector.multi_reduction <minsi>, %select_n3A_2401, %reduce_min3A_2402 [1] : vector<128x64xi32> to vector<128xi32>
    %eq3A_2404 = arith.constant 18 : i32
    %eq3A_2405 = vector.broadcast %eq3A_2404 : i32 to vector<1x24xi32>
    %eq3A_2406 = arith.cmpi eq, %iota3A_1814, %eq3A_2405 : vector<1x24xi32>
    %broadcast_in_dim3A_2407 = vector.shape_cast %reduce_max3A_2395 : vector<128xf32> to vector<128x1xf32>
    %convert_element_type3A_2408 = arith.extui %eq3A_2406 : vector<1x24xi1> to vector<1x24xi32>
    %convert_element_type3A_2409 = arith.sitofp %convert_element_type3A_2408 : vector<1x24xi32> to vector<1x24xf32>
    %mul3A_2410 = vector.broadcast %broadcast_in_dim3A_2407 : vector<128x1xf32> to vector<128x24xf32>
    %mul3A_2411 = vector.broadcast %convert_element_type3A_2409 : vector<1x24xf32> to vector<128x24xf32>
    %mul3A_2412 = arith.mulf %mul3A_2410, %mul3A_2411 : vector<128x24xf32>
    %add3A_2413 = arith.addf %add3A_2381, %mul3A_2412 : vector<128x24xf32>
    %broadcast_in_dim3A_2414 = vector.shape_cast %reduce_min3A_2403 : vector<128xi32> to vector<128x1xi32>
    %convert_element_type3A_2415 = arith.extui %eq3A_2406 : vector<1x24xi1> to vector<1x24xi32>
    %mul3A_2416 = vector.broadcast %broadcast_in_dim3A_2414 : vector<128x1xi32> to vector<128x24xi32>
    %mul3A_2417 = vector.broadcast %convert_element_type3A_2415 : vector<1x24xi32> to vector<128x24xi32>
    %mul3A_2418 = arith.muli %mul3A_2416, %mul3A_2417 : vector<128x24xi32>
    %add3A_2419 = arith.addi %add3A_2387, %mul3A_2418 : vector<128x24xi32>
    %broadcast_in_dim3A_2420 = vector.shape_cast %reduce_min3A_2403 : vector<128xi32> to vector<128x1xi32>
    %eq3A_2421 = vector.broadcast %broadcast_in_dim3A_2420 : vector<128x1xi32> to vector<128x64xi32>
    %eq3A_2422 = arith.cmpi eq, %iota3A_1813, %eq3A_2421 : vector<128x64xi32>
    %jit3A_2423 = arith.constant 0xFF800000 : f32
    %broadcast_in_dim3A_2424 = vector.broadcast %jit3A_2423 : f32 to vector<128x64xf32>
    %select_n3A_2425 = arith.select %eq3A_2422, %broadcast_in_dim3A_2424, %select_n3A_2393 : vector<128x64xi1>, vector<128x64xf32>
    %reduce_max3A_2426 = arith.constant dense<0xFF800000> : vector<128xf32>
    %reduce_max3A_2427 = vector.multi_reduction <maximumf>, %select_n3A_2425, %reduce_max3A_2426 [1] : vector<128x64xf32> to vector<128xf32>
    %broadcast_in_dim3A_2428 = vector.shape_cast %reduce_max3A_2427 : vector<128xf32> to vector<128x1xf32>
    %eq3A_2429 = vector.broadcast %broadcast_in_dim3A_2428 : vector<128x1xf32> to vector<128x64xf32>
    %eq3A_2430 = arith.cmpf oeq, %select_n3A_2425, %eq3A_2429 : vector<128x64xf32>
    %jit3A_2431 = arith.constant 64 : i32
    %broadcast_in_dim3A_2432 = vector.broadcast %jit3A_2431 : i32 to vector<128x64xi32>
    %select_n3A_2433 = arith.select %eq3A_2430, %iota3A_1813, %broadcast_in_dim3A_2432 : vector<128x64xi1>, vector<128x64xi32>
    %reduce_min3A_2434 = arith.constant dense<2147483647> : vector<128xi32>
    %reduce_min3A_2435 = vector.multi_reduction <minsi>, %select_n3A_2433, %reduce_min3A_2434 [1] : vector<128x64xi32> to vector<128xi32>
    %eq3A_2436 = arith.constant 19 : i32
    %eq3A_2437 = vector.broadcast %eq3A_2436 : i32 to vector<1x24xi32>
    %eq3A_2438 = arith.cmpi eq, %iota3A_1814, %eq3A_2437 : vector<1x24xi32>
    %broadcast_in_dim3A_2439 = vector.shape_cast %reduce_max3A_2427 : vector<128xf32> to vector<128x1xf32>
    %convert_element_type3A_2440 = arith.extui %eq3A_2438 : vector<1x24xi1> to vector<1x24xi32>
    %convert_element_type3A_2441 = arith.sitofp %convert_element_type3A_2440 : vector<1x24xi32> to vector<1x24xf32>
    %mul3A_2442 = vector.broadcast %broadcast_in_dim3A_2439 : vector<128x1xf32> to vector<128x24xf32>
    %mul3A_2443 = vector.broadcast %convert_element_type3A_2441 : vector<1x24xf32> to vector<128x24xf32>
    %mul3A_2444 = arith.mulf %mul3A_2442, %mul3A_2443 : vector<128x24xf32>
    %add3A_2445 = arith.addf %add3A_2413, %mul3A_2444 : vector<128x24xf32>
    %broadcast_in_dim3A_2446 = vector.shape_cast %reduce_min3A_2435 : vector<128xi32> to vector<128x1xi32>
    %convert_element_type3A_2447 = arith.extui %eq3A_2438 : vector<1x24xi1> to vector<1x24xi32>
    %mul3A_2448 = vector.broadcast %broadcast_in_dim3A_2446 : vector<128x1xi32> to vector<128x24xi32>
    %mul3A_2449 = vector.broadcast %convert_element_type3A_2447 : vector<1x24xi32> to vector<128x24xi32>
    %mul3A_2450 = arith.muli %mul3A_2448, %mul3A_2449 : vector<128x24xi32>
    %add3A_2451 = arith.addi %add3A_2419, %mul3A_2450 : vector<128x24xi32>
    %broadcast_in_dim3A_2452 = vector.shape_cast %reduce_min3A_2435 : vector<128xi32> to vector<128x1xi32>
    %eq3A_2453 = vector.broadcast %broadcast_in_dim3A_2452 : vector<128x1xi32> to vector<128x64xi32>
    %eq3A_2454 = arith.cmpi eq, %iota3A_1813, %eq3A_2453 : vector<128x64xi32>
    %jit3A_2455 = arith.constant 0xFF800000 : f32
    %broadcast_in_dim3A_2456 = vector.broadcast %jit3A_2455 : f32 to vector<128x64xf32>
    %select_n3A_2457 = arith.select %eq3A_2454, %broadcast_in_dim3A_2456, %select_n3A_2425 : vector<128x64xi1>, vector<128x64xf32>
    %reduce_max3A_2458 = arith.constant dense<0xFF800000> : vector<128xf32>
    %reduce_max3A_2459 = vector.multi_reduction <maximumf>, %select_n3A_2457, %reduce_max3A_2458 [1] : vector<128x64xf32> to vector<128xf32>
    %broadcast_in_dim3A_2460 = vector.shape_cast %reduce_max3A_2459 : vector<128xf32> to vector<128x1xf32>
    %eq3A_2461 = vector.broadcast %broadcast_in_dim3A_2460 : vector<128x1xf32> to vector<128x64xf32>
    %eq3A_2462 = arith.cmpf oeq, %select_n3A_2457, %eq3A_2461 : vector<128x64xf32>
    %jit3A_2463 = arith.constant 64 : i32
    %broadcast_in_dim3A_2464 = vector.broadcast %jit3A_2463 : i32 to vector<128x64xi32>
    %select_n3A_2465 = arith.select %eq3A_2462, %iota3A_1813, %broadcast_in_dim3A_2464 : vector<128x64xi1>, vector<128x64xi32>
    %reduce_min3A_2466 = arith.constant dense<2147483647> : vector<128xi32>
    %reduce_min3A_2467 = vector.multi_reduction <minsi>, %select_n3A_2465, %reduce_min3A_2466 [1] : vector<128x64xi32> to vector<128xi32>
    %eq3A_2468 = arith.constant 20 : i32
    %eq3A_2469 = vector.broadcast %eq3A_2468 : i32 to vector<1x24xi32>
    %eq3A_2470 = arith.cmpi eq, %iota3A_1814, %eq3A_2469 : vector<1x24xi32>
    %broadcast_in_dim3A_2471 = vector.shape_cast %reduce_max3A_2459 : vector<128xf32> to vector<128x1xf32>
    %convert_element_type3A_2472 = arith.extui %eq3A_2470 : vector<1x24xi1> to vector<1x24xi32>
    %convert_element_type3A_2473 = arith.sitofp %convert_element_type3A_2472 : vector<1x24xi32> to vector<1x24xf32>
    %mul3A_2474 = vector.broadcast %broadcast_in_dim3A_2471 : vector<128x1xf32> to vector<128x24xf32>
    %mul3A_2475 = vector.broadcast %convert_element_type3A_2473 : vector<1x24xf32> to vector<128x24xf32>
    %mul3A_2476 = arith.mulf %mul3A_2474, %mul3A_2475 : vector<128x24xf32>
    %add3A_2477 = arith.addf %add3A_2445, %mul3A_2476 : vector<128x24xf32>
    %broadcast_in_dim3A_2478 = vector.shape_cast %reduce_min3A_2467 : vector<128xi32> to vector<128x1xi32>
    %convert_element_type3A_2479 = arith.extui %eq3A_2470 : vector<1x24xi1> to vector<1x24xi32>
    %mul3A_2480 = vector.broadcast %broadcast_in_dim3A_2478 : vector<128x1xi32> to vector<128x24xi32>
    %mul3A_2481 = vector.broadcast %convert_element_type3A_2479 : vector<1x24xi32> to vector<128x24xi32>
    %mul3A_2482 = arith.muli %mul3A_2480, %mul3A_2481 : vector<128x24xi32>
    %add3A_2483 = arith.addi %add3A_2451, %mul3A_2482 : vector<128x24xi32>
    %broadcast_in_dim3A_2484 = vector.shape_cast %reduce_min3A_2467 : vector<128xi32> to vector<128x1xi32>
    %eq3A_2485 = vector.broadcast %broadcast_in_dim3A_2484 : vector<128x1xi32> to vector<128x64xi32>
    %eq3A_2486 = arith.cmpi eq, %iota3A_1813, %eq3A_2485 : vector<128x64xi32>
    %jit3A_2487 = arith.constant 0xFF800000 : f32
    %broadcast_in_dim3A_2488 = vector.broadcast %jit3A_2487 : f32 to vector<128x64xf32>
    %select_n3A_2489 = arith.select %eq3A_2486, %broadcast_in_dim3A_2488, %select_n3A_2457 : vector<128x64xi1>, vector<128x64xf32>
    %reduce_max3A_2490 = arith.constant dense<0xFF800000> : vector<128xf32>
    %reduce_max3A_2491 = vector.multi_reduction <maximumf>, %select_n3A_2489, %reduce_max3A_2490 [1] : vector<128x64xf32> to vector<128xf32>
    %broadcast_in_dim3A_2492 = vector.shape_cast %reduce_max3A_2491 : vector<128xf32> to vector<128x1xf32>
    %eq3A_2493 = vector.broadcast %broadcast_in_dim3A_2492 : vector<128x1xf32> to vector<128x64xf32>
    %eq3A_2494 = arith.cmpf oeq, %select_n3A_2489, %eq3A_2493 : vector<128x64xf32>
    %jit3A_2495 = arith.constant 64 : i32
    %broadcast_in_dim3A_2496 = vector.broadcast %jit3A_2495 : i32 to vector<128x64xi32>
    %select_n3A_2497 = arith.select %eq3A_2494, %iota3A_1813, %broadcast_in_dim3A_2496 : vector<128x64xi1>, vector<128x64xi32>
    %reduce_min3A_2498 = arith.constant dense<2147483647> : vector<128xi32>
    %reduce_min3A_2499 = vector.multi_reduction <minsi>, %select_n3A_2497, %reduce_min3A_2498 [1] : vector<128x64xi32> to vector<128xi32>
    %eq3A_2500 = arith.constant 21 : i32
    %eq3A_2501 = vector.broadcast %eq3A_2500 : i32 to vector<1x24xi32>
    %eq3A_2502 = arith.cmpi eq, %iota3A_1814, %eq3A_2501 : vector<1x24xi32>
    %broadcast_in_dim3A_2503 = vector.shape_cast %reduce_max3A_2491 : vector<128xf32> to vector<128x1xf32>
    %convert_element_type3A_2504 = arith.extui %eq3A_2502 : vector<1x24xi1> to vector<1x24xi32>
    %convert_element_type3A_2505 = arith.sitofp %convert_element_type3A_2504 : vector<1x24xi32> to vector<1x24xf32>
    %mul3A_2506 = vector.broadcast %broadcast_in_dim3A_2503 : vector<128x1xf32> to vector<128x24xf32>
    %mul3A_2507 = vector.broadcast %convert_element_type3A_2505 : vector<1x24xf32> to vector<128x24xf32>
    %mul3A_2508 = arith.mulf %mul3A_2506, %mul3A_2507 : vector<128x24xf32>
    %add3A_2509 = arith.addf %add3A_2477, %mul3A_2508 : vector<128x24xf32>
    %broadcast_in_dim3A_2510 = vector.shape_cast %reduce_min3A_2499 : vector<128xi32> to vector<128x1xi32>
    %convert_element_type3A_2511 = arith.extui %eq3A_2502 : vector<1x24xi1> to vector<1x24xi32>
    %mul3A_2512 = vector.broadcast %broadcast_in_dim3A_2510 : vector<128x1xi32> to vector<128x24xi32>
    %mul3A_2513 = vector.broadcast %convert_element_type3A_2511 : vector<1x24xi32> to vector<128x24xi32>
    %mul3A_2514 = arith.muli %mul3A_2512, %mul3A_2513 : vector<128x24xi32>
    %add3A_2515 = arith.addi %add3A_2483, %mul3A_2514 : vector<128x24xi32>
    %broadcast_in_dim3A_2516 = vector.shape_cast %reduce_min3A_2499 : vector<128xi32> to vector<128x1xi32>
    %eq3A_2517 = vector.broadcast %broadcast_in_dim3A_2516 : vector<128x1xi32> to vector<128x64xi32>
    %eq3A_2518 = arith.cmpi eq, %iota3A_1813, %eq3A_2517 : vector<128x64xi32>
    %jit3A_2519 = arith.constant 0xFF800000 : f32
    %broadcast_in_dim3A_2520 = vector.broadcast %jit3A_2519 : f32 to vector<128x64xf32>
    %select_n3A_2521 = arith.select %eq3A_2518, %broadcast_in_dim3A_2520, %select_n3A_2489 : vector<128x64xi1>, vector<128x64xf32>
    %reduce_max3A_2522 = arith.constant dense<0xFF800000> : vector<128xf32>
    %reduce_max3A_2523 = vector.multi_reduction <maximumf>, %select_n3A_2521, %reduce_max3A_2522 [1] : vector<128x64xf32> to vector<128xf32>
    %broadcast_in_dim3A_2524 = vector.shape_cast %reduce_max3A_2523 : vector<128xf32> to vector<128x1xf32>
    %eq3A_2525 = vector.broadcast %broadcast_in_dim3A_2524 : vector<128x1xf32> to vector<128x64xf32>
    %eq3A_2526 = arith.cmpf oeq, %select_n3A_2521, %eq3A_2525 : vector<128x64xf32>
    %jit3A_2527 = arith.constant 64 : i32
    %broadcast_in_dim3A_2528 = vector.broadcast %jit3A_2527 : i32 to vector<128x64xi32>
    %select_n3A_2529 = arith.select %eq3A_2526, %iota3A_1813, %broadcast_in_dim3A_2528 : vector<128x64xi1>, vector<128x64xi32>
    %reduce_min3A_2530 = arith.constant dense<2147483647> : vector<128xi32>
    %reduce_min3A_2531 = vector.multi_reduction <minsi>, %select_n3A_2529, %reduce_min3A_2530 [1] : vector<128x64xi32> to vector<128xi32>
    %eq3A_2532 = arith.constant 22 : i32
    %eq3A_2533 = vector.broadcast %eq3A_2532 : i32 to vector<1x24xi32>
    %eq3A_2534 = arith.cmpi eq, %iota3A_1814, %eq3A_2533 : vector<1x24xi32>
    %broadcast_in_dim3A_2535 = vector.shape_cast %reduce_max3A_2523 : vector<128xf32> to vector<128x1xf32>
    %convert_element_type3A_2536 = arith.extui %eq3A_2534 : vector<1x24xi1> to vector<1x24xi32>
    %convert_element_type3A_2537 = arith.sitofp %convert_element_type3A_2536 : vector<1x24xi32> to vector<1x24xf32>
    %mul3A_2538 = vector.broadcast %broadcast_in_dim3A_2535 : vector<128x1xf32> to vector<128x24xf32>
    %mul3A_2539 = vector.broadcast %convert_element_type3A_2537 : vector<1x24xf32> to vector<128x24xf32>
    %mul3A_2540 = arith.mulf %mul3A_2538, %mul3A_2539 : vector<128x24xf32>
    %add3A_2541 = arith.addf %add3A_2509, %mul3A_2540 : vector<128x24xf32>
    %broadcast_in_dim3A_2542 = vector.shape_cast %reduce_min3A_2531 : vector<128xi32> to vector<128x1xi32>
    %convert_element_type3A_2543 = arith.extui %eq3A_2534 : vector<1x24xi1> to vector<1x24xi32>
    %mul3A_2544 = vector.broadcast %broadcast_in_dim3A_2542 : vector<128x1xi32> to vector<128x24xi32>
    %mul3A_2545 = vector.broadcast %convert_element_type3A_2543 : vector<1x24xi32> to vector<128x24xi32>
    %mul3A_2546 = arith.muli %mul3A_2544, %mul3A_2545 : vector<128x24xi32>
    %add3A_2547 = arith.addi %add3A_2515, %mul3A_2546 : vector<128x24xi32>
    %broadcast_in_dim3A_2548 = vector.shape_cast %reduce_min3A_2531 : vector<128xi32> to vector<128x1xi32>
    %eq3A_2549 = vector.broadcast %broadcast_in_dim3A_2548 : vector<128x1xi32> to vector<128x64xi32>
    %eq3A_2550 = arith.cmpi eq, %iota3A_1813, %eq3A_2549 : vector<128x64xi32>
    %jit3A_2551 = arith.constant 0xFF800000 : f32
    %broadcast_in_dim3A_2552 = vector.broadcast %jit3A_2551 : f32 to vector<128x64xf32>
    %select_n3A_2553 = arith.select %eq3A_2550, %broadcast_in_dim3A_2552, %select_n3A_2521 : vector<128x64xi1>, vector<128x64xf32>
    %reduce_max3A_2554 = arith.constant dense<0xFF800000> : vector<128xf32>
    %reduce_max3A_2555 = vector.multi_reduction <maximumf>, %select_n3A_2553, %reduce_max3A_2554 [1] : vector<128x64xf32> to vector<128xf32>
    %broadcast_in_dim3A_2556 = vector.shape_cast %reduce_max3A_2555 : vector<128xf32> to vector<128x1xf32>
    %eq3A_2557 = vector.broadcast %broadcast_in_dim3A_2556 : vector<128x1xf32> to vector<128x64xf32>
    %eq3A_2558 = arith.cmpf oeq, %select_n3A_2553, %eq3A_2557 : vector<128x64xf32>
    %jit3A_2559 = arith.constant 64 : i32
    %broadcast_in_dim3A_2560 = vector.broadcast %jit3A_2559 : i32 to vector<128x64xi32>
    %select_n3A_2561 = arith.select %eq3A_2558, %iota3A_1813, %broadcast_in_dim3A_2560 : vector<128x64xi1>, vector<128x64xi32>
    %reduce_min3A_2562 = arith.constant dense<2147483647> : vector<128xi32>
    %reduce_min3A_2563 = vector.multi_reduction <minsi>, %select_n3A_2561, %reduce_min3A_2562 [1] : vector<128x64xi32> to vector<128xi32>
    %eq3A_2564 = arith.constant 23 : i32
    %eq3A_2565 = vector.broadcast %eq3A_2564 : i32 to vector<1x24xi32>
    %eq3A_2566 = arith.cmpi eq, %iota3A_1814, %eq3A_2565 : vector<1x24xi32>
    %broadcast_in_dim3A_2567 = vector.shape_cast %reduce_max3A_2555 : vector<128xf32> to vector<128x1xf32>
    %convert_element_type3A_2568 = arith.extui %eq3A_2566 : vector<1x24xi1> to vector<1x24xi32>
    %convert_element_type3A_2569 = arith.sitofp %convert_element_type3A_2568 : vector<1x24xi32> to vector<1x24xf32>
    %mul3A_2570 = vector.broadcast %broadcast_in_dim3A_2567 : vector<128x1xf32> to vector<128x24xf32>
    %mul3A_2571 = vector.broadcast %convert_element_type3A_2569 : vector<1x24xf32> to vector<128x24xf32>
    %mul3A_2572 = arith.mulf %mul3A_2570, %mul3A_2571 : vector<128x24xf32>
    %add3A_2573 = arith.addf %add3A_2541, %mul3A_2572 : vector<128x24xf32>
    %broadcast_in_dim3A_2574 = vector.shape_cast %reduce_min3A_2563 : vector<128xi32> to vector<128x1xi32>
    %convert_element_type3A_2575 = arith.extui %eq3A_2566 : vector<1x24xi1> to vector<1x24xi32>
    %mul3A_2576 = vector.broadcast %broadcast_in_dim3A_2574 : vector<128x1xi32> to vector<128x24xi32>
    %mul3A_2577 = vector.broadcast %convert_element_type3A_2575 : vector<1x24xi32> to vector<128x24xi32>
    %mul3A_2578 = arith.muli %mul3A_2576, %mul3A_2577 : vector<128x24xi32>
    %add3A_2579 = arith.addi %add3A_2547, %mul3A_2578 : vector<128x24xi32>
    %swap3A = arith.constant 0 : index
    %swap3A_2580 = arith.constant 0 : index
    %swap3A_2581 = arith.constant 0 : index
    %swap3A_2582 = vector.load %arg4[%swap3A, %swap3A_2580, %swap3A_2581] : memref<1x128x24xf32, #tpu.memory_space<vmem>>, vector<1x128x24xf32>
    %swap3A_2583 = vector.shape_cast %swap3A_2582 : vector<1x128x24xf32> to vector<128x24xf32>
    %swap3A_2584 = vector.shape_cast %add3A_2573 : vector<128x24xf32> to vector<1x128x24xf32>
    tpu.vector_store %arg4[%swap3A, %swap3A_2580, %swap3A_2581], %swap3A_2584 {strides = array<i32>} : memref<1x128x24xf32, #tpu.memory_space<vmem>>, vector<1x128x24xf32>,
    %swap3A_2585 = arith.constant 0 : index
    %swap3A_2586 = arith.constant 0 : index
    %swap3A_2587 = arith.constant 0 : index
    %swap3A_2588 = vector.load %arg5[%swap3A_2585, %swap3A_2586, %swap3A_2587] : memref<1x128x24xi32, #tpu.memory_space<vmem>>, vector<1x128x24xi32>
    %swap3A_2589 = vector.shape_cast %swap3A_2588 : vector<1x128x24xi32> to vector<128x24xi32>
    %swap3A_2590 = vector.shape_cast %add3A_2579 : vector<128x24xi32> to vector<1x128x24xi32>
    tpu.vector_store %arg5[%swap3A_2585, %swap3A_2586, %swap3A_2587], %swap3A_2590 {strides = array<i32>} : memref<1x128x24xi32, #tpu.memory_space<vmem>>, vector<1x128x24xi32>,
    return
  }
  func.func @transform_0(%arg0: i32, %arg1: i32) -> (i32, i32, i32) {
    %c0_i32 = arith.constant 0 : i32
    %c0_i32_0 = arith.constant 0 : i32
    %c0_i32_1 = arith.constant 0 : i32
    return %arg0, %c0_i32, %c0_i32_0 : i32, i32, i32
  }
  func.func @transform_1(%arg0: i32, %arg1: i32) -> (i32, i32, i32) {
    %mul3A = arith.constant 16 : i32
    %mul3A_0 = arith.muli %arg0, %mul3A : i32
    %add3A = arith.addi %mul3A_0, %arg1 : i32
    %c0_i32 = arith.constant 0 : i32
    %c0_i32_1 = arith.constant 0 : i32
    %c0_i32_2 = arith.constant 0 : i32
    return %add3A, %c0_i32, %c0_i32_1 : i32, i32, i32
  }
  func.func @transform_2(%arg0: i32, %arg1: i32) -> (i32, i32, i32) {
    %mul3A = arith.constant 16 : i32
    %mul3A_0 = arith.muli %arg0, %mul3A : i32
    %add3A = arith.addi %mul3A_0, %arg1 : i32
    %c0_i32 = arith.constant 0 : i32
    %c0_i32_1 = arith.constant 0 : i32
    %c0_i32_2 = arith.constant 0 : i32
    return %add3A, %c0_i32, %c0_i32_1 : i32, i32, i32
  }
  func.func @transform_3(%arg0: i32, %arg1: i32) -> (i32, i32, i32) {
    %mul3A = arith.constant 16 : i32
    %mul3A_0 = arith.muli %arg0, %mul3A : i32
    %add3A = arith.addi %mul3A_0, %arg1 : i32
    %c0_i32 = arith.constant 0 : i32
    %c0_i32_1 = arith.constant 0 : i32
    %c0_i32_2 = arith.constant 0 : i32
    return %add3A, %c0_i32, %c0_i32_1 : i32, i32, i32
  }
}

</mosaic_0001>

<sc_bundles>
// kernel: kernel.4.cloned.1.call-start
scs
__scs_entry_jumppad:
0x0: {  	(pc) =	sbr.rel $0x88, $3  }
0x1: {  	(tag) =	ssettag $0x0;
	lr =	simm.s32 $0x1  }
0x2: {  	[smem:$0x3F9F] =	sst lr;
	_ =	strace $0xD0000000  }
0x3: {  	_ = 	snop  }
0x4: {  	_ = 	snop  }
0x5: {  	_ = 	snop  }
0x6: {  	_ = 	snop  }
0x7: {  	_ = 	snop  }
__scs_overlays_trampoline_lowered:
0x8: {  	[smem:$0x3FAE] =	sst s0  }
0x9: {  	[smem:$0x3FAF] =	sst s1  }
0xa: {  	[smem:$0x3FB0] =	sst s2  }
0xb: {  	[smem:$0x3FB1] =	sst s3  }
0xc: {  	[smem:$0x3FB2] =	sst s4  }
0xd: {  	[smem:$0x3FB3] =	sst s5  }
0xe: {  	[smem:$0x3FB4] =	sst s6  }
0xf: {  	[smem:$0x3FB5] =	sst s7  }
0x10: {  	[smem:$0x3FB6] =	sst s8  }
0x11: {  	[smem:$0x3FB7] =	sst s9;
	s0 =	simm.s32 @!p0 $0x0  }
0x12: {  	s1 =	sld [smem:$0x3F9D];
	s0 =	simm.s32 @p0 $0x1  }
0x13: {  	[smem:$0x3FB8] =	sst s0;
	s0 =	simm.s32 @!p1 $0x0  }
0x14: {  	s2 =	sld [smem:$0x3F9C];
	s0 =	simm.s32 @p1 $0x1  }
0x15: {  	[smem:$0x3FB9] =	sst s0;
	s0 =	simm.s32 @!p2 $0x0  }
0x16: {  	s3 =	sld [smem:$0x3FDB];
	s0 =	simm.s32 @p2 $0x1  }
0x17: {  	s4 =	simm.s32 $0x1BF5;
	[smem:$0x3FBB] =	sst s0  }
0x18: {  	s0 =	sld [smem:$0x3F9E];
	_ =	swait.ge [sflag:s4], $0x0  }
0x19: {  	s7 =	sld [smem:$0x3F9F]  }
0x1a: {  	s8 =	sadd.s32 $0xFFFFE003, lr  }
0x1b: {  	s9 =	sadd.s32 $0xFFFFFEF7, lr;
	s5 =	simm.s32 $0xFFFFFFFF;
	p2 =	slt.u32 s8, $0xFFFFF086  }
0x1c: {  	p1 =	slt.u32 s9, $0xF7A;
	s5 =	simm.s32 @!p2 $0x0  }
0x1d: {  	s5 =	simm.s32 @p1 $0x1;
	p0 =	seq.s32 s7, s2  }
0x1e: {  	s7 =	smul.u32 @!p0 $0xF7A, s2;
	p2 =	seq.s32 @!p0 s5, $0x0  }
0x1f: {  	s9 =	smul.u32 $0xF7A, s1;
	s8 =	simm.s32 @!p0 $0x1BF5;
	p2 =	por !p2, p0  }
0x20: {  	[sflag:s8] =	ssyncset.s32 @!p0 $0xFFFFF086;
	s6 =	sadd.s32 @!p0 s3, s7;
	s7 =	simm.s32 @!p0 $0x108  }
0x21: {  	s3 =	sadd.s32 s3, s9;
	s6 =	sadd.s32 @!p0 $0x88, s6;
	s7 =	simm.s32 @p2 $0x1082  }
0x22: {  	[simem:s7], [sflag:s8] =	dma.local @!p0 [hbm:s6], $0xF7A  }
0x23: {  	s9 =	sor.u32 $0xD0000000, s2;
	s6 =	simm.s32 $0x108;
	_ =	swait.ge @!p0 [sflag:s8], $0x0  }
0x24: {  	s3 =	sadd.s32 $0x88, s3;
	s6 =	simm.s32 @!p1 $0x1082;
	[sflag:s4] =	ssyncset.s32 $0xFFFFF086  }
0x25: {  	[simem:s6], [sflag:s4] =	dma.local [hbm:s3], $0xF7A  }
0x26: {  	[smem:$0x3F9F] =	sst s1;
	(tag) =	ssettag s2;
	_ =	strace s9  }
0x27: {  	s1 =	sld [smem:$0x3FAF]  }
0x28: {  	s2 =	sld [smem:$0x3FB0]  }
0x29: {  	s4 =	sld [smem:$0x3FB2]  }
0x2a: {  	p0 =	seq.s32 s5, $0x0;
	s5 =	sld [smem:$0x3FB3]  }
0x2b: {  	s6 =	sld [smem:$0x3FB4]  }
0x2c: {  	s7 =	sld [smem:$0x3FB5]  }
0x2d: {  	s3 =	simm.s32 $0x108;
	s8 =	sld [smem:$0x3FB6]  }
0x2e: {  	s3 =	simm.s32 @!p0 $0x1082;
	s9 =	sld [smem:$0x3FB7]  }
0x2f: {  	lr =	sadd.s32 s0, s3;
	s0 =	sld [smem:$0x3FAE]  }
0x30: {  	s3 =	sld [smem:$0x3FB1]  }
0x31: {  	[smem:$0x3FBA] =	sst s10  }
0x32: {  	s10 =	sld [smem:$0x3FB8];
	_ =	sdelay $0x3  }
0x33: {  	p0 =	seq.s32 s10, $0x1;
	s10 =	sld [smem:$0x3FBA];
	_ =	sdelay $0x3  }
0x34: {  	[smem:$0x3FBA] =	sst s10  }
0x35: {  	s10 =	sld [smem:$0x3FB9];
	_ =	sdelay $0x3  }
0x36: {  	p1 =	seq.s32 s10, $0x1;
	s10 =	sld [smem:$0x3FBA];
	_ =	sdelay $0x3  }
0x37: {  	[smem:$0x3FBA] =	sst s10  }
0x38: {  	s10 =	sld [smem:$0x3FBB]  }
0x39: {  	_ = 	snop;
	(pc) =	sbr.ind lr, $3  }
0x3a: {  	_ = 	snop  }
0x3b: {  	_ = 	snop  }
0x3c: {  	p2 =	seq.s32 s10, $0x1;
	s10 =	sld [smem:$0x3FBA]  }
0x3d: {  	_ =	shalt  }
0x3e: {  	_ =	shalt  }
0x3f: {  	_ =	shalt  }
0x40: {  	_ =	shalt  }
0x41: {  	_ =	shalt  }
0x42: {  	_ =	shalt  }
0x43: {  	_ =	shalt  }
0x44: {  	_ =	shalt  }
0x45: {  	_ =	shalt  }
0x46: {  	_ =	shalt  }
0x47: {  	_ =	shalt  }
0x48: {  	_ =	shalt  }
0x49: {  	_ =	shalt  }
0x4a: {  	_ =	shalt  }
0x4b: {  	_ =	shalt  }
0x4c: {  	_ =	shalt  }
0x4d: {  	_ =	shalt  }
0x4e: {  	_ =	shalt  }
0x4f: {  	_ =	shalt  }
0x50: {  	_ =	shalt  }
0x51: {  	_ =	shalt  }
0x52: {  	_ =	shalt  }
0x53: {  	_ =	shalt  }
0x54: {  	_ =	shalt  }
0x55: {  	_ =	shalt  }
0x56: {  	_ =	shalt  }
0x57: {  	_ =	shalt  }
0x58: {  	_ =	shalt  }
0x59: {  	_ =	shalt  }
0x5a: {  	_ =	shalt  }
0x5b: {  	_ =	shalt  }
0x5c: {  	_ =	shalt  }
0x5d: {  	_ =	shalt  }
0x5e: {  	_ =	shalt  }
0x5f: {  	_ =	shalt  }
0x60: {  	_ =	shalt  }
0x61: {  	_ =	shalt  }
0x62: {  	_ =	shalt  }
0x63: {  	_ =	shalt  }
0x64: {  	_ =	shalt  }
0x65: {  	_ =	shalt  }
0x66: {  	_ =	shalt  }
0x67: {  	_ =	shalt  }
0x68: {  	_ =	shalt  }
0x69: {  	_ =	shalt  }
0x6a: {  	_ =	shalt  }
0x6b: {  	_ =	shalt  }
0x6c: {  	_ =	shalt  }
0x6d: {  	_ =	shalt  }
0x6e: {  	_ =	shalt  }
0x6f: {  	_ =	shalt  }
0x70: {  	_ =	shalt  }
0x71: {  	_ =	shalt  }
0x72: {  	_ =	shalt  }
0x73: {  	_ =	shalt  }
0x74: {  	_ =	shalt  }
0x75: {  	_ =	shalt  }
0x76: {  	_ =	shalt  }
0x77: {  	_ =	shalt  }
0x78: {  	_ =	shalt  }
0x79: {  	_ =	shalt  }
0x7a: {  	_ =	shalt  }
0x7b: {  	_ =	shalt  }
0x7c: {  	_ =	shalt  }
0x7d: {  	_ =	shalt  }
0x7e: {  	_ =	shalt  }
0x7f: {  	_ =	shalt  }
0x80: {  	_ =	shalt  }
0x81: {  	_ =	shalt  }
0x82: {  	_ =	shalt  }
0x83: {  	_ =	shalt  }
0x84: {  	_ =	shalt  }
0x85: {  	_ =	shalt  }
0x86: {  	_ =	shalt  }
0x87: {  	_ =	shalt  }
.Lfunc_end0:
.L_simem_size_0:
called_computation_lowered:
.L_overlay_start_0:
0x88: {  	s2 =	sld [smem:$0x3FD9]  }
0x89: {  	s3 =	sld [smem:$0x3FFE];
	_ =	sdelay $0x1  }
0x8a: {  	s1 =	srdreg.scid  }
0x8b: {  	s0 =	sand.u32 $0x1, s1  }
0x8c: {  	s17 =	sshll.u32 s0, $0xA;
	s2 =	sadd.s32 s3, s2  }
0x8d: {  	s2 =	sadd.s32 s2, s17  }
0x8e: {  	[smem:$0x3FC6] =	sst s2  }
0x8f: {  	_ = 	snop  }
0x90: {  	s2 =	sld [smem:$0x3FD0];
	(tm) =	ssettm $0x1  }
0x91: {  	s18 =	sld [smem:$0x3FFB];
	_ =	sdelay $0x3  }
0x92: {  	_ =	strace s18  }
0x93: {  	s3 =	sld [smem:$0x3FFC];
	_ =	sdelay $0x3  }
0x94: {  	_ =	strace s3  }
0x95: {  	s3 =	sld [smem:$0x3FFD];
	_ =	sdelay $0x3  }
0x96: {  	_ =	strace s3  }
0x97: {  	_ =	strace $0x8FFFFFFF  }
0x98: {  	s19 =	sld [smem:$0x3FDB];
	_ =	sdelay $0x1  }
0x99: {  	s4 =	simm.s32 $_scs_section_size  }
0x9a: {  	s5 =	simm.s32 $_size__tile_overlayer_lowered;
	s6 =	simm.s32 $_tile_overlayer_lowered  }
0x9b: {  	s22 =	simm.s32 $0x1BFF;
	s21 =	sshll.u32 s6, $0x1;
	s3 =	sadd.s32 s4, s19  }
0x9c: {  	s7 =	simm.s32 $0x0;
	s20 =	sshll.u32 s5, $0x1;
	s5 =	sadd.s32 s21, s3  }
0x9d: {  	[timem:s7], [sflag:s22] =	dma.local [hbm:s5], s20  }
0x9e: {  	_ =	swait.ge [sflag:s22], s20  }
0x9f: {  	s4 =	ssub.s32 $0x0, s20;
	[sflag:s22] =	ssyncset.done $0x0  }
0xa0: {  	[sflag:s22] =	ssyncadd.s32 s4;
	_ =	sdelay $0x1  }
0xa1: {  	s23 =	simm.s32 $0x1B8B  }
0xa2: {  	_ =	swait.ge [sflag:s23], $0x1  }
0xa3: {  	[sflag:s23] =	ssyncset.done $0x0  }
0xa4: {  	s25 =	simm.s32 $0x1B8E;
	s24 =	sld [smem:$0x3FFE];
	[sflag:s23] =	ssyncadd.s32 $0xFFFFFFFF  }
0xa5: {  	s26 =	simm.s32 $execute0_lowered;
	[smem:$0x3FD2] =	sst s25  }
0xa6: {  	s5 =	sshll.u32 s26, $0x1;
	_ =	strace $0x80000046;
	[dreg:$0x1] =	wrdreg $0xFFFFFFFF  }
0xa7: {  	s28 =	simm.s32 $_size_execute0_lowered;
	s3 =	sadd.s32 s3, s5;
	[dreg:$0x0] =	wrdreg $0x0  }
0xa8: {  	s5 =	sshll.u32 s28, $0x1;
	[dreg:$0x2] =	wrdreg s3  }
0xa9: {  	[dreg:$0x3] =	wrdreg s5  }
0xaa: {  	[dreg:$0x4] =	wrdreg $0xC0  }
0xab: {  	_ =	task [dreg:s7], $0x5FFFF  }
0xac: {  	[dreg:$0x1] =	wrdreg $0xFFFFFFFF  }
0xad: {  	[dreg:$0x0] =	wrdreg $0x60  }
0xae: {  	[dreg:$0x2] =	wrdreg s24  }
0xaf: {  	[dreg:$0x3] =	wrdreg s2  }
0xb0: {  	[dreg:$0x4] =	wrdreg $0x9  }
0xb1: {  	_ =	task.clear_ibuf [dreg:s7], $0x5FFFF;
	_ =	strace $0x90000046  }
0xb2: {  	s29 =	simm.s32 $0x9;
	_ =	strace $0x80000048  }
0xb3: {  	_ =	swait.ge [sflag:s29], $0x1  }
0xb4: {  	[sflag:s29] =	ssyncadd.s32 $0xFFFFFFFF  }
0xb5: {  	_ =	strace $0x90000048  }
0xb6: {  	_ =	sfence  }
0xb7: {  	s30 =	sld [smem:$0x0];
	_ =	sdelay $0x2  }
0xb8: {  	s31 =	sshll.u32 s1, $0xD;
	s1 =	sshrl.u32 s1, $0x2  }
0xb9: {  	s3 =	sand.u32 $0x4000, s31;
	s1 =	sadd.s32 s1, s30  }
0xba: {  	s0 =	sor.u32 s3, s0;
	s1 =	sshll.u32 s1, $0x11  }
0xbb: {  	s0 =	sor.u32 s1, s0  }
0xbc: {  	s0 =	sadd.s32 $0x8F2B, s0  }
0xbd: {  	[sflag:s0] =	ssyncadd.remote.s32 $0x1  }
0xbe: {  	_ =	sfence.sel $0xFFFF  }
0xbf: {  	[dreg:$0x0] =	wrdreg $0xFFFFFFFF;
	(pc) =	sbr.abs _section_cstart, $3  }
0xc0: {  	[dreg:$0x1] =	wrdreg $0xFFFFFFFF  }
0xc1: {  	_ =	task.clear_ibuf [dreg:s7], $0x2FFFF;
	_ =	strace $0x9FFFFFFF  }
0xc2: {  	(tm) =	ssettm $0x7FFFFFFF  }
0xc3: {  	_ =	shalt  }
tec
execute0_lowered:
.L_overlay_start_1:
0x0: {  	(tag) =	ssettag $0x1  }
0x1: {  	s0 =	stileid.u32;
	s4 =	rddreg [dreg:$0x0]  }
0x2: {  	s1 =	srdreg.scid;
	s7 =	rddreg [dreg:$0x1]  }
0x3: {  	s14 =	simm.s32 $0x12100;
	s15 =	simm.s32 $0x13900;
	s16 =	simm.s32 $0x10000  }
0x4: {  	s17 =	simm.s32 $0x15100;
	s18 =	simm.s32 $0x15680;
	s19 =	simm.s32 $0x15C00  }
0x5: {  	s20 =	simm.s32 $0x400;
	s21 =	simm.s32 $0x4000;
	s22 =	simm.s32 $0x0  }
0x6: {  	s3 =	sand.u32 $0x1, s1;
	s28 =	sshll.u32 s0, $0x9;
	s1 =	rddreg [dreg:$0x2]  }
0x7: {  	s29 =	sshrl.u32 s0, $0x2;
	s2 =	sshll.u32 s3, $0x8;
	s5 =	sand.u32 $0x600, s28  }
0x8: {  	s9 =	sshll.u32 s29, $0x7;
	s10 =	sshll.u32 s29, $0xD;
	s3 =	ssub.s32 $0x2, s3  }
0x9: {  	s13 =	smul.u32 $0x5000, s29;
	s8 =	sor.u32 s2, s5;
	s2 =	simm.s32 $0x0  }
0xa: {  	v0 =	vlaneseq.u32;
	s10 =	sadd.s32 s10, s4;
	s11 =	sshrl.u32 s3, $0x1;
	s6 =	smul.u32 $0x60, s8  }
0xb: {  	v3 =	vimm.s32 $0x0;
	v1 =	vor.u32 $0x80, v0;
	v2 =	vor.u32 $0x100, v0;
	[smem:$0x7FF] =	sst s2;
	s12 =	sshll.u32 s8, $0x2;
	s11 =	ssub.s32 s3, s11  }
0xc: {  	v4 =	vor.u32 $0x10, v0;
	v5 =	vor.u32 $0x90, v0;
	v6 =	vor.u32 $0x110, v0;
	s3 =	sadd.s32 $0x400, s10;
	s31 =	sor.u32 s8, s13;
	s8 =	sadd.s32 s8, s7  }
0xd: {  	v7 =	vor.u32 $0x20, v0;
	v8 =	vor.u32 $0xA0, v0;
	v9 =	vor.u32 $0x120, v0;
	s10 =	simm.s32 $0x1;
	_ =	strace $0x80000047;
	s30 =	sor.u32 s9, s12  }
.Ltmp0:
0xe: {  	v10 =	vor.u32 $0x30, v0;
	v11 =	vor.u32 $0xB0, v0;
	v12 =	vor.u32 $0x130, v0;
	s8 =	sadd.s32 s8, s13;
	s12 =	simm.s32 $0x200;
	(pc) =	sbr.rel .LBB2_1-.Ltmp0, $4  }
0xf: {  	v13 =	vor.u32 $0x40, v0;
	v14 =	vor.u32 $0xC0, v0;
	v15 =	vor.u32 $0x140, v0;
	s13 =	simm.s32 $0x12000;
	s6 =	sor.u32 s9, s6;
	s9 =	sadd.s32 s31, s7  }
0x10: {  	v16 =	vor.u32 $0x50, v0;
	v17 =	vor.u32 $0xD0, v0;
	v18 =	vor.u32 $0x150, v0;
	s5 =	sshrl.u32 s30, $0x3;
	s6 =	sshrl.u32 s6, $0x3;
	s7 =	sadd.s32 $0x80, s9  }
0x11: {  	v19 =	vor.u32 $0x60, v0;
	v20 =	vor.u32 $0xE0, v0;
	v21 =	vor.u32 $0x160, v0;
	s9 =	smax.u32 s11, $0x1;
	s11 =	simm.s32 $0x80;
	s6 =	sadd.s32 s6, s4  }
0x12: {  	v22 =	vor.u32 $0x70, v0;
	v23 =	vor.u32 $0xF0, v0;
	v24 =	vor.u32 $0x170, v0;
	s4 =	sadd.s32 s4, s5;
	s5 =	sadd.s32 $0x8400, s6;
	s6 =	sadd.s32 $0xE400, s6  }
.LBB2_23:
0x13: {  	s22 =	sadd.s32 $0x1, s22  }
0x14: {  	p0 =	sne.s32 s22, s9  }
.Ltmp1:
0x15: {  	_ = 	snop;
	(pc) =	sbr.rel @!p0 .LBB2_24-.Ltmp1, $1  }
0x16: {  	_ =	sdelay $0x3  }
.LBB2_1:
0x17: {  	[tilespmem:s2], [sflag:$0x1] =	stream.linear.gather [hbm4b:s3+s2], $0x10000, $0x38;
	[tilespmem:$0x18400] =	vst v63  }
0x18: {  	_ =	swait.ge [sflag:s10], $0x10000  }
0x19: {  	[sflag:s10] =	ssyncset.done $0x0  }
0x1a: {  	[sflag:s10] =	ssyncadd.s32 $0xFFFF0000  }
0x1b: {  	[tilespmem:s13], [sflag:$0x1] =	stream.strided.gather [hbm4b:s4+s11], $0x100, s12, s11, $0x38;
	[tilespmem:$0x18400] =	vst v63  }
0x1c: {  	_ =	swait.ge [sflag:s10], $0x100  }
0x1d: {  	[sflag:s10] =	ssyncset.done $0x0  }
0x1e: {  	[sflag:s10] =	ssyncadd.s32 $0xFFFFFF00  }
0x1f: {  	[tilespmem:s14], [sflag:$0x1] =	stream.strided.gather [hbm4b:s5+s11], $0x1800, s12, s11, $0x38;
	[tilespmem:$0x18400] =	vst v63  }
0x20: {  	_ =	swait.ge [sflag:s10], $0x1800  }
0x21: {  	[sflag:s10] =	ssyncset.done $0x0  }
0x22: {  	[sflag:s10] =	ssyncadd.s32 $0xFFFFE800  }
0x23: {  	[tilespmem:s15], [sflag:$0x1] =	stream.strided.gather [hbm4b:s6+s11], $0x1800, s12, s11, $0x38;
	[tilespmem:$0x18400] =	vst v63  }
0x24: {  	_ =	swait.ge [sflag:s10], $0x1800  }
0x25: {  	s23 =	sand.u32 $0x70, s2;
	s24 =	sand.u32 $0xFC00, s2;
	[sflag:s10] =	ssyncset.done $0x0  }
0x26: {  	s23 =	sor.u32 s23, s24;
	[sflag:s10] =	ssyncadd.s32 $0xFFFFE800  }
0x27: {  	v25 =	vld [tilespmem:s23+$0x0]  }
0x28: {  	v26 =	vld [tilespmem:s23+$0x80];
	_ =	sdelay $0x1  }
0x29: {  	v27 =	vld [tilespmem:s23+$0x100];
	_ =	sdelay $0x2  }
0x2a: {  	v25 =	vmul.f32 v25, v25;
	v26 =	vmul.f32 v26, v26;
	_ =	sdelay $0x1  }
0x2b: {  	v25 =	vadd.f32 v26, v25;
	v26 =	vmul.f32 v27, v27;
	_ =	sdelay $0x1  }
0x2c: {  	s31 =	simm.s32 $0x10;
	s24 =	simm.s32 $0x80;
	v25 =	vadd.f32 v26, v25  }
0x2d: {  	s25 =	sand.u32 $0xFC00, s24;
	s23 =	sand.u32 $0x70, s31  }
0x2e: {  	s26 =	sor.u32 s23, s25;
	s25 =	simm.s32 $0x20;
	s23 =	simm.s32 $0x10000;
	[tilespmem:s16+$0x0] =	vst v25  }
.LBB2_2:
0x2f: {  	p0 =	sne.s32 s25, $0x1FF0;
	v25 =	vld [tilespmem:s26+$0x0]  }
0x30: {  	v26 =	vld [tilespmem:s26+$0x80];
	_ =	sdelay $0x1  }
0x31: {  	v27 =	vld [tilespmem:s26+$0x100];
	_ =	sdelay $0x2  }
0x32: {  	v25 =	vmul.f32 v25, v25;
	v26 =	vmul.f32 v26, v26;
	_ =	sdelay $0x1  }
.Ltmp2:
0x33: {  	v25 =	vadd.f32 v26, v25;
	v26 =	vmul.f32 v27, v27;
	(pc) =	sbr.rel @p0 .LBB2_2-.Ltmp2, $4  }
0x34: {  	_ = 	snop  }
0x35: {  	s24 =	sadd.s32 $0x80, s24;
	v25 =	vadd.f32 v26, v25  }
0x36: {  	s23 =	sadd.s32 $0x10, s23;
	s28 =	sand.u32 $0xFC00, s24;
	s26 =	sand.u32 $0x70, s25  }
0x37: {  	s25 =	sadd.s32 $0x10, s25;
	s26 =	sor.u32 s26, s28;
	[tilespmem:s23+$0x0] =	vst v25  }
0x38: {  	v25 =	vld [tilespmem:s26+$0x0]  }
0x39: {  	v26 =	vld [tilespmem:s26+$0x80];
	_ =	sdelay $0x1  }
0x3a: {  	v27 =	vld [tilespmem:s26+$0x100];
	_ =	sdelay $0x2  }
0x3b: {  	v25 =	vmul.f32 v25, v25;
	v26 =	vmul.f32 v26, v26;
	_ =	sdelay $0x1  }
.Ltmp3:
0x3c: {  	v25 =	vadd.f32 v26, v25;
	v26 =	vmul.f32 v27, v27;
	(pc) =	sbr.rel .LBB2_4-.Ltmp3, $4  }
0x3d: {  	_ = 	snop  }
0x3e: {  	v25 =	vadd.f32 v26, v25  }
0x3f: {  	s23 =	sadd.s32 $0x10, s23  }
0x40: {  	s24 =	simm.s32 $0x0;
	[tilespmem:s23+$0x0] =	vst v25;
	s23 =	simm.s32 $0x0  }
.LBB2_18:
0x41: {  	s25 =	simm.s32 $0x1;
	s26 =	smov.u32 s7  }
.LBB2_21:
0x42: {  	[hbm4b:s26+s20] =	stream.strided.scatter [tilespmem:s19], [sflag:s25], $0x2800, s21, s20, $0x38;
	[tilespmem:$0x18400] =	vst v63  }
0x43: {  	_ =	swait.ge [sflag:s25], $0x2800  }
0x44: {  	[sflag:s25] =	ssyncset.done $0x0  }
0x45: {  	[sflag:s25] =	ssyncadd.s32 $0xFFFFD800  }
.LBB2_22:
0x46: {  	s24 =	sadd.s32 $0x1, s24  }
0x47: {  	p0 =	sne.s32 s24, $0x100  }
.Ltmp4:
0x48: {  	_ = 	snop;
	(pc) =	sbr.rel @!p0 .LBB2_23-.Ltmp4, $1  }
0x49: {  	_ =	sdelay $0x3  }
.LBB2_4:
0x4a: {  	v25 =	vmov s24;
	_ =	sdelay $0x4  }
0x4b: {  	v26 =	vld.idx.msk [tilespmem:v25+s13+$0x0], $0xffff;
	_ =	sdelay $0x4  }
0x4c: {  	v27 =	vshll.u32 v26, $0x3  }
0x4d: {  	v26 =	vand.u32 $0x7F, v26;
	v27 =	vand.u32 $0xFFFFFC00, v27  }
0x4e: {  	v26 =	vor.u32 v26, v27  }
0x4f: {  	v27 =	vor.u32 $0x80, v26;
	_ =	sdelay $0x1  }
0x50: {  	v28 =	vor.u32 $0x100, v26;
	_ =	sdelay $0x1  }
0x51: {  	v26 =	vld.idx.msk [tilespmem:v26+s23+$0x0], $0xffff  }
0x52: {  	v30 =	vmul.u32 $0x18, v25;
	v27 =	vld.idx.msk [tilespmem:v27+s23+$0x0], $0xffff;
	_ =	sdelay $0x1  }
0x53: {  	v29 =	vadd.s32 $0xF, v30;
	v28 =	vld.idx.msk [tilespmem:v28+s23+$0x0], $0xffff;
	_ =	sdelay $0x2  }
0x54: {  	v25 =	vmul.f32 v26, v26;
	v31 =	vmul.f32 v27, v27;
	_ =	sdelay $0x1  }
0x55: {  	v29 =	vld.idx.msk [tilespmem:v29+s14+$0x0], $0xffff;
	v25 =	vadd.f32 v31, v25;
	v31 =	vmul.f32 v28, v28;
	_ =	sdelay $0x1  }
0x56: {  	v34 =	vimm.s32 $0x0;
	v25 =	vadd.f32 v31, v25;
	v31 =	vshrl.u32 v26, $0x10  }
0x57: {  	v32 =	vshrl.u32 v27, $0x10;
	v33 =	vshrl.u32 v28, $0x10;
	v31 =	vand.u32 $0x1, v31  }
0x58: {  	v32 =	vand.u32 $0x1, v32;
	v26 =	vadd.s32 v31, v26;
	v31 =	vand.u32 $0x1, v33  }
0x59: {  	v29 =	vadd.f32 $-1.000000050e-03, v29;
	v27 =	vadd.s32 v32, v27;
	v28 =	vadd.s32 v31, v28  }
0x5a: {  	v27 =	vadd.s32 $0x7FFF, v27;
	v26 =	vadd.s32 $0x7FFF, v26;
	v28 =	vadd.s32 $0x7FFF, v28  }
0x5b: {  	s25 =	simm.s32 $0x1;
	s26 =	simm.s32 $0x0;
	v27 =	vand.u32 $0xFFFF0000, v27;
	v26 =	vand.u32 $0xFFFF0000, v26;
	v28 =	vand.u32 $0xFFFF0000, v28  }
.LBB2_5:
0x5c: {  	s28 =	sadd.s32 $0xFFFFFFFF, s25  }
0x5d: {  	v31 =	vadd.s32 s28, v30;
	_ =	sdelay $0x4  }
0x5e: {  	v32 =	vld.idx.msk [tilespmem:v31+s15+$0x0], $0xffff;
	_ =	sdelay $0x4  }
0x5f: {  	v33 =	vshll.u32 v32, $0xA  }
0x60: {  	v35 =	vor.u32 v0, v33  }
0x61: {  	v36 =	vor.u32 v1, v33;
	_ =	sdelay $0x1  }
0x62: {  	v37 =	vor.u32 v2, v33;
	_ =	sdelay $0x1  }
0x63: {  	v35 =	vld.idx.msk [tilespmem:v35+s2+$0x0], $0xffff  }
0x64: {  	v36 =	vld.idx.msk [tilespmem:v36+s2+$0x0], $0xffff;
	_ =	sdelay $0x1  }
0x65: {  	v37 =	vld.idx.msk [tilespmem:v37+s2+$0x0], $0xffff;
	_ =	sdelay $0x2  }
0x66: {  	v32 =	vshll.u32 v32, $0x7;
	v38 =	vshrl.u32 v35, $0x10;
	v39 =	vshrl.u32 v36, $0x10  }
0x67: {  	v40 =	vor.u32 v0, v32;
	v38 =	vand.u32 $0x1, v38;
	v39 =	vand.u32 $0x1, v39  }
0x68: {  	v45 =	vshrl.u32 v37, $0x10;
	v35 =	vadd.s32 v38, v35;
	v36 =	vadd.s32 v39, v36  }
0x69: {  	v38 =	vand.u32 $0x1, v45;
	v35 =	vadd.s32 $0x7FFF, v35;
	v36 =	vadd.s32 $0x7FFF, v36  }
0x6a: {  	v37 =	vadd.s32 v38, v37;
	v35 =	vand.u32 $0xFFFF0000, v35;
	v36 =	vand.u32 $0xFFFF0000, v36  }
0x6b: {  	v37 =	vadd.s32 $0x7FFF, v37;
	v35 =	vmul.f32 v35, v26;
	v36 =	vmul.f32 v36, v27  }
0x6c: {  	v46 =	vld.idx.msk [tilespmem:v40+s16+$0x0], $0xffff;
	v37 =	vand.u32 $0xFFFF0000, v37  }
0x6d: {  	v47 =	vmul.f32 v37, v28;
	v35 =	vadd.f32 v36, v35;
	_ =	sdelay $0x1  }
0x6e: {  	v35 =	vadd.f32 v47, v35;
	_ =	sdelay $0x1  }
0x6f: {  	v48 =	vsub.f32 $0.0e+00, v46;
	v35 =	vadd.f32 v35, v35;
	_ =	sdelay $0x1  }
0x70: {  	v35 =	vadd.f32 v35, v48;
	_ =	sdelay $0x1  }
0x71: {  	v35 =	vsub.f32 v35, v25;
	_ =	sdelay $0x1  }
0x72: {  	vm1 =	vge.f32 v35, v29  }
0x73: {  	v49 =	vsel vm1, $0x1, v3  }
0x74: {  	(xrf0) =	vadd.scan.msk.s32 $0xffff, v49;
	_ =	sdelay $0x5  }
0x75: {  	v36, _, _ =	vpop (xrf0)  }
0x76: {  	v36 =	vadd.s32 v36, v34  }
0x77: {  	v36 =	vadd.s32 $0xFFFFFFFF, v36  }
0x78: {  	vm0 =	vlt.s32 v36, $0x4FF  }
0x79: {  	v36 =	vnsel vm0, $0x4FF, v36;
	_ =	sdelay $0x1  }
0x7a: {  	v50 =	vor.u32 v4, v33  }
0x7b: {  	v51 =	vor.u32 v5, v33;
	_ =	sdelay $0x1  }
0x7c: {  	v52 =	vor.u32 v6, v33;
	[tilespmem:v36+s17+$0x0] =	vst.idx.msk vm1, v35  }
0x7d: {  	[tilespmem:v36+s18+$0x0] =	vst.idx.msk vm1, v40  }
0x7e: {  	v36 =	vld.idx.msk [tilespmem:v50+s2+$0x0], $0xffff  }
0x7f: {  	v53 =	vld.idx.msk [tilespmem:v51+s2+$0x0], $0xffff;
	_ =	sdelay $0x1  }
0x80: {  	v35 =	vld.idx.msk [tilespmem:v52+s2+$0x0], $0xffff;
	_ =	sdelay $0x2  }
0x81: {  	v54 =	vshrl.u32 v36, $0x10;
	v55 =	vshrl.u32 v53, $0x10  }
0x82: {  	v56 =	vor.u32 v4, v32;
	v38 =	vand.u32 $0x1, v54;
	v39 =	vand.u32 $0x1, v55  }
0x83: {  	v57 =	vshrl.u32 v35, $0x10;
	v36 =	vadd.s32 v38, v36;
	v37 =	vadd.s32 v39, v53  }
0x84: {  	v38 =	vand.u32 $0x1, v57;
	v36 =	vadd.s32 $0x7FFF, v36;
	v37 =	vadd.s32 $0x7FFF, v37  }
0x85: {  	v35 =	vadd.s32 v38, v35;
	v36 =	vand.u32 $0xFFFF0000, v36;
	v37 =	vand.u32 $0xFFFF0000, v37  }
0x86: {  	v35 =	vadd.s32 $0x7FFF, v35;
	v36 =	vmul.f32 v36, v26;
	v37 =	vmul.f32 v37, v27  }
0x87: {  	v58 =	vld.idx.msk [tilespmem:v56+s16+$0x0], $0xffff;
	v35 =	vand.u32 $0xFFFF0000, v35  }
0x88: {  	v35 =	vmul.f32 v35, v28;
	v36 =	vadd.f32 v37, v36;
	_ =	sdelay $0x1  }
0x89: {  	v35 =	vadd.f32 v35, v36;
	_ =	sdelay $0x1  }
0x8a: {  	v59 =	vsub.f32 $0.0e+00, v58;
	v35 =	vadd.f32 v35, v35;
	_ =	sdelay $0x1  }
0x8b: {  	v35 =	vadd.f32 v35, v59;
	_ =	sdelay $0x1  }
0x8c: {  	v35 =	vsub.f32 v35, v25;
	_ =	sdelay $0x1  }
0x8d: {  	vm9 =	vge.f32 v35, v29  }
0x8e: {  	v60 =	vsel vm9, $0x1, v3  }
0x8f: {  	(xrf0) =	vadd.scan.msk.s32 $0xffff, v60;
	_ =	sdelay $0x3  }
0x90: {  	v61 =	vmpcnt.ones.xlane vm1;
	_ =	sdelay $0x1  }
0x91: {  	v62 =	vadd.s32 v34, v61;
	v63, _, _ =	vpop (xrf0)  }
0x92: {  	v36 =	vadd.s32 v63, v62  }
0x93: {  	v36 =	vadd.s32 $0xFFFFFFFF, v36  }
0x94: {  	vm10 =	vlt.s32 v36, $0x4FF  }
0x95: {  	v36 =	vnsel vm10, $0x4FF, v36;
	_ =	sdelay $0x1  }
0x96: {  	v41 =	vor.u32 v7, v33  }
0x97: {  	v42 =	vor.u32 v8, v33;
	_ =	sdelay $0x1  }
0x98: {  	v43 =	vor.u32 v9, v33;
	[tilespmem:v36+s17+$0x0] =	vst.idx.msk vm9, v35  }
0x99: {  	[tilespmem:v36+s18+$0x0] =	vst.idx.msk vm9, v56  }
0x9a: {  	v36 =	vld.idx.msk [tilespmem:v41+s2+$0x0], $0xffff  }
0x9b: {  	v44 =	vld.idx.msk [tilespmem:v42+s2+$0x0], $0xffff;
	_ =	sdelay $0x1  }
0x9c: {  	v35 =	vld.idx.msk [tilespmem:v43+s2+$0x0], $0xffff;
	_ =	sdelay $0x2  }
0x9d: {  	v45 =	vshrl.u32 v36, $0x10;
	v46 =	vshrl.u32 v44, $0x10  }
0x9e: {  	v47 =	vor.u32 v7, v32;
	v38 =	vand.u32 $0x1, v45;
	v39 =	vand.u32 $0x1, v46  }
0x9f: {  	v48 =	vshrl.u32 v35, $0x10;
	v36 =	vadd.s32 v38, v36;
	v37 =	vadd.s32 v39, v44  }
0xa0: {  	v38 =	vand.u32 $0x1, v48;
	v36 =	vadd.s32 $0x7FFF, v36;
	v37 =	vadd.s32 $0x7FFF, v37  }
0xa1: {  	v35 =	vadd.s32 v38, v35;
	v36 =	vand.u32 $0xFFFF0000, v36;
	v37 =	vand.u32 $0xFFFF0000, v37  }
0xa2: {  	v35 =	vadd.s32 $0x7FFF, v35;
	v36 =	vmul.f32 v36, v26;
	v37 =	vmul.f32 v37, v27  }
0xa3: {  	v49 =	vld.idx.msk [tilespmem:v47+s16+$0x0], $0xffff;
	v35 =	vand.u32 $0xFFFF0000, v35  }
0xa4: {  	v35 =	vmul.f32 v35, v28;
	v36 =	vadd.f32 v37, v36;
	_ =	sdelay $0x1  }
0xa5: {  	v35 =	vadd.f32 v35, v36;
	_ =	sdelay $0x1  }
0xa6: {  	v50 =	vsub.f32 $0.0e+00, v49;
	v35 =	vadd.f32 v35, v35;
	_ =	sdelay $0x1  }
0xa7: {  	v35 =	vadd.f32 v35, v50;
	_ =	sdelay $0x1  }
0xa8: {  	v35 =	vsub.f32 v35, v25;
	_ =	sdelay $0x1  }
0xa9: {  	vm11 =	vge.f32 v35, v29  }
0xaa: {  	v51 =	vsel vm11, $0x1, v3  }
0xab: {  	(xrf0) =	vadd.scan.msk.s32 $0xffff, v51;
	_ =	sdelay $0x3  }
0xac: {  	v52 =	vmpcnt.ones.xlane vm9;
	_ =	sdelay $0x1  }
0xad: {  	v34 =	vadd.s32 v62, v52;
	v53, _, _ =	vpop (xrf0)  }
0xae: {  	v36 =	vadd.s32 v53, v34  }
0xaf: {  	v36 =	vadd.s32 $0xFFFFFFFF, v36  }
0xb0: {  	vm12 =	vlt.s32 v36, $0x4FF  }
0xb1: {  	v36 =	vnsel vm12, $0x4FF, v36;
	_ =	sdelay $0x1  }
0xb2: {  	v54 =	vor.u32 v10, v33  }
0xb3: {  	v55 =	vor.u32 v11, v33;
	_ =	sdelay $0x1  }
0xb4: {  	v56 =	vor.u32 v12, v33;
	[tilespmem:v36+s17+$0x0] =	vst.idx.msk vm11, v35  }
0xb5: {  	[tilespmem:v36+s18+$0x0] =	vst.idx.msk vm11, v47  }
0xb6: {  	v36 =	vld.idx.msk [tilespmem:v54+s2+$0x0], $0xffff  }
0xb7: {  	v57 =	vld.idx.msk [tilespmem:v55+s2+$0x0], $0xffff;
	_ =	sdelay $0x1  }
0xb8: {  	v35 =	vld.idx.msk [tilespmem:v56+s2+$0x0], $0xffff;
	_ =	sdelay $0x2  }
0xb9: {  	v58 =	vshrl.u32 v36, $0x10;
	v59 =	vshrl.u32 v57, $0x10  }
0xba: {  	v60 =	vor.u32 v10, v32;
	v38 =	vand.u32 $0x1, v58;
	v39 =	vand.u32 $0x1, v59  }
0xbb: {  	v61 =	vshrl.u32 v35, $0x10;
	v36 =	vadd.s32 v38, v36;
	v37 =	vadd.s32 v39, v57  }
0xbc: {  	v38 =	vand.u32 $0x1, v61;
	v36 =	vadd.s32 $0x7FFF, v36;
	v37 =	vadd.s32 $0x7FFF, v37  }
0xbd: {  	v35 =	vadd.s32 v38, v35;
	v36 =	vand.u32 $0xFFFF0000, v36;
	v37 =	vand.u32 $0xFFFF0000, v37  }
0xbe: {  	v35 =	vadd.s32 $0x7FFF, v35;
	v36 =	vmul.f32 v36, v26;
	v37 =	vmul.f32 v37, v27  }
0xbf: {  	v62 =	vld.idx.msk [tilespmem:v60+s16+$0x0], $0xffff;
	v35 =	vand.u32 $0xFFFF0000, v35  }
0xc0: {  	v35 =	vmul.f32 v35, v28;
	v36 =	vadd.f32 v37, v36;
	_ =	sdelay $0x1  }
0xc1: {  	v35 =	vadd.f32 v35, v36;
	_ =	sdelay $0x1  }
0xc2: {  	v63 =	vsub.f32 $0.0e+00, v62;
	v35 =	vadd.f32 v35, v35;
	_ =	sdelay $0x1  }
0xc3: {  	v35 =	vadd.f32 v35, v63;
	_ =	sdelay $0x1  }
0xc4: {  	v35 =	vsub.f32 v35, v25;
	_ =	sdelay $0x1  }
0xc5: {  	vm13 =	vge.f32 v35, v29  }
0xc6: {  	v41 =	vsel vm13, $0x1, v3  }
0xc7: {  	(xrf0) =	vadd.scan.msk.s32 $0xffff, v41;
	_ =	sdelay $0x3  }
0xc8: {  	v42 =	vmpcnt.ones.xlane vm11;
	_ =	sdelay $0x1  }
0xc9: {  	v34 =	vadd.s32 v34, v42;
	v43, _, _ =	vpop (xrf0)  }
0xca: {  	v36 =	vadd.s32 v43, v34  }
0xcb: {  	v36 =	vadd.s32 $0xFFFFFFFF, v36  }
0xcc: {  	vm14 =	vlt.s32 v36, $0x4FF  }
0xcd: {  	v36 =	vnsel vm14, $0x4FF, v36;
	_ =	sdelay $0x1  }
0xce: {  	v44 =	vor.u32 v13, v33  }
0xcf: {  	v45 =	vor.u32 v14, v33;
	_ =	sdelay $0x1  }
0xd0: {  	v46 =	vor.u32 v15, v33;
	[tilespmem:v36+s17+$0x0] =	vst.idx.msk vm13, v35  }
0xd1: {  	[tilespmem:v36+s18+$0x0] =	vst.idx.msk vm13, v60  }
0xd2: {  	v36 =	vld.idx.msk [tilespmem:v44+s2+$0x0], $0xffff  }
0xd3: {  	v47 =	vld.idx.msk [tilespmem:v45+s2+$0x0], $0xffff;
	_ =	sdelay $0x1  }
0xd4: {  	v35 =	vld.idx.msk [tilespmem:v46+s2+$0x0], $0xffff;
	_ =	sdelay $0x2  }
0xd5: {  	v48 =	vshrl.u32 v36, $0x10;
	v49 =	vshrl.u32 v47, $0x10  }
0xd6: {  	v50 =	vor.u32 v13, v32;
	v38 =	vand.u32 $0x1, v48;
	v39 =	vand.u32 $0x1, v49  }
0xd7: {  	v51 =	vshrl.u32 v35, $0x10;
	v36 =	vadd.s32 v38, v36;
	v37 =	vadd.s32 v39, v47  }
0xd8: {  	v38 =	vand.u32 $0x1, v51;
	v36 =	vadd.s32 $0x7FFF, v36;
	v37 =	vadd.s32 $0x7FFF, v37  }
0xd9: {  	v35 =	vadd.s32 v38, v35;
	v36 =	vand.u32 $0xFFFF0000, v36;
	v37 =	vand.u32 $0xFFFF0000, v37  }
0xda: {  	v35 =	vadd.s32 $0x7FFF, v35;
	v36 =	vmul.f32 v36, v26;
	v37 =	vmul.f32 v37, v27  }
0xdb: {  	v52 =	vld.idx.msk [tilespmem:v50+s16+$0x0], $0xffff;
	v35 =	vand.u32 $0xFFFF0000, v35  }
0xdc: {  	v35 =	vmul.f32 v35, v28;
	v36 =	vadd.f32 v37, v36;
	_ =	sdelay $0x1  }
0xdd: {  	v35 =	vadd.f32 v35, v36;
	_ =	sdelay $0x1  }
0xde: {  	v53 =	vsub.f32 $0.0e+00, v52;
	v35 =	vadd.f32 v35, v35;
	_ =	sdelay $0x1  }
0xdf: {  	v35 =	vadd.f32 v35, v53;
	_ =	sdelay $0x1  }
0xe0: {  	v35 =	vsub.f32 v35, v25;
	_ =	sdelay $0x1  }
0xe1: {  	vm15 =	vge.f32 v35, v29  }
0xe2: {  	v54 =	vsel vm15, $0x1, v3  }
0xe3: {  	(xrf0) =	vadd.scan.msk.s32 $0xffff, v54;
	_ =	sdelay $0x3  }
0xe4: {  	v55 =	vmpcnt.ones.xlane vm13;
	_ =	sdelay $0x1  }
0xe5: {  	v34 =	vadd.s32 v34, v55;
	v56, _, _ =	vpop (xrf0)  }
0xe6: {  	v36 =	vadd.s32 v56, v34  }
0xe7: {  	v36 =	vadd.s32 $0xFFFFFFFF, v36  }
0xe8: {  	vm4 =	vlt.s32 v36, $0x4FF  }
0xe9: {  	v36 =	vnsel vm4, $0x4FF, v36;
	_ =	sdelay $0x1  }
0xea: {  	v57 =	vor.u32 v16, v33  }
0xeb: {  	v58 =	vor.u32 v17, v33;
	_ =	sdelay $0x1  }
0xec: {  	v59 =	vor.u32 v18, v33;
	[tilespmem:v36+s17+$0x0] =	vst.idx.msk vm15, v35  }
0xed: {  	[tilespmem:v36+s18+$0x0] =	vst.idx.msk vm15, v50  }
0xee: {  	v36 =	vld.idx.msk [tilespmem:v57+s2+$0x0], $0xffff  }
0xef: {  	v60 =	vld.idx.msk [tilespmem:v58+s2+$0x0], $0xffff;
	_ =	sdelay $0x1  }
0xf0: {  	v35 =	vld.idx.msk [tilespmem:v59+s2+$0x0], $0xffff;
	_ =	sdelay $0x2  }
0xf1: {  	v61 =	vshrl.u32 v36, $0x10;
	v62 =	vshrl.u32 v60, $0x10  }
0xf2: {  	v63 =	vor.u32 v16, v32;
	v38 =	vand.u32 $0x1, v61;
	v39 =	vand.u32 $0x1, v62  }
0xf3: {  	v41 =	vshrl.u32 v35, $0x10;
	v36 =	vadd.s32 v38, v36;
	v37 =	vadd.s32 v39, v60  }
0xf4: {  	v38 =	vand.u32 $0x1, v41;
	v36 =	vadd.s32 $0x7FFF, v36;
	v37 =	vadd.s32 $0x7FFF, v37  }
0xf5: {  	v35 =	vadd.s32 v38, v35;
	v36 =	vand.u32 $0xFFFF0000, v36;
	v37 =	vand.u32 $0xFFFF0000, v37  }
0xf6: {  	v35 =	vadd.s32 $0x7FFF, v35;
	v36 =	vmul.f32 v36, v26;
	v37 =	vmul.f32 v37, v27  }
0xf7: {  	v42 =	vld.idx.msk [tilespmem:v63+s16+$0x0], $0xffff;
	v35 =	vand.u32 $0xFFFF0000, v35  }
0xf8: {  	v35 =	vmul.f32 v35, v28;
	v36 =	vadd.f32 v37, v36;
	_ =	sdelay $0x1  }
0xf9: {  	v35 =	vadd.f32 v35, v36;
	_ =	sdelay $0x1  }
0xfa: {  	v43 =	vsub.f32 $0.0e+00, v42;
	v35 =	vadd.f32 v35, v35;
	_ =	sdelay $0x1  }
0xfb: {  	v35 =	vadd.f32 v35, v43;
	_ =	sdelay $0x1  }
0xfc: {  	v35 =	vsub.f32 v35, v25;
	_ =	sdelay $0x1  }
0xfd: {  	vm5 =	vge.f32 v35, v29  }
0xfe: {  	v44 =	vsel vm5, $0x1, v3  }
0xff: {  	(xrf0) =	vadd.scan.msk.s32 $0xffff, v44;
	_ =	sdelay $0x3  }
0x100: {  	v45 =	vmpcnt.ones.xlane vm15;
	_ =	sdelay $0x1  }
0x101: {  	v34 =	vadd.s32 v34, v45;
	v46, _, _ =	vpop (xrf0)  }
0x102: {  	v36 =	vadd.s32 v46, v34  }
0x103: {  	v36 =	vadd.s32 $0xFFFFFFFF, v36  }
0x104: {  	vm6 =	vlt.s32 v36, $0x4FF  }
0x105: {  	v36 =	vnsel vm6, $0x4FF, v36;
	_ =	sdelay $0x1  }
0x106: {  	v47 =	vor.u32 v19, v33  }
0x107: {  	v48 =	vor.u32 v20, v33;
	_ =	sdelay $0x1  }
0x108: {  	v49 =	vor.u32 v21, v33;
	[tilespmem:v36+s17+$0x0] =	vst.idx.msk vm5, v35  }
0x109: {  	[tilespmem:v36+s18+$0x0] =	vst.idx.msk vm5, v63  }
0x10a: {  	v36 =	vld.idx.msk [tilespmem:v47+s2+$0x0], $0xffff  }
0x10b: {  	v50 =	vld.idx.msk [tilespmem:v48+s2+$0x0], $0xffff;
	_ =	sdelay $0x1  }
0x10c: {  	v35 =	vld.idx.msk [tilespmem:v49+s2+$0x0], $0xffff;
	_ =	sdelay $0x2  }
0x10d: {  	v51 =	vshrl.u32 v36, $0x10;
	v52 =	vshrl.u32 v50, $0x10  }
0x10e: {  	v53 =	vor.u32 v19, v32;
	v38 =	vand.u32 $0x1, v51;
	v39 =	vand.u32 $0x1, v52  }
0x10f: {  	v54 =	vshrl.u32 v35, $0x10;
	v36 =	vadd.s32 v38, v36;
	v37 =	vadd.s32 v39, v50  }
0x110: {  	v38 =	vand.u32 $0x1, v54;
	v36 =	vadd.s32 $0x7FFF, v36;
	v37 =	vadd.s32 $0x7FFF, v37  }
0x111: {  	v35 =	vadd.s32 v38, v35;
	v36 =	vand.u32 $0xFFFF0000, v36;
	v37 =	vand.u32 $0xFFFF0000, v37  }
0x112: {  	v35 =	vadd.s32 $0x7FFF, v35;
	v36 =	vmul.f32 v36, v26;
	v37 =	vmul.f32 v37, v27  }
0x113: {  	v55 =	vld.idx.msk [tilespmem:v53+s16+$0x0], $0xffff;
	v35 =	vand.u32 $0xFFFF0000, v35  }
0x114: {  	v35 =	vmul.f32 v35, v28;
	v36 =	vadd.f32 v37, v36;
	_ =	sdelay $0x1  }
0x115: {  	v35 =	vadd.f32 v35, v36;
	_ =	sdelay $0x1  }
0x116: {  	v56 =	vsub.f32 $0.0e+00, v55;
	v35 =	vadd.f32 v35, v35;
	_ =	sdelay $0x1  }
0x117: {  	v35 =	vadd.f32 v35, v56;
	_ =	sdelay $0x1  }
0x118: {  	v35 =	vsub.f32 v35, v25;
	_ =	sdelay $0x1  }
0x119: {  	vm7 =	vge.f32 v35, v29  }
0x11a: {  	v57 =	vsel vm7, $0x1, v3  }
0x11b: {  	(xrf0) =	vadd.scan.msk.s32 $0xffff, v57;
	_ =	sdelay $0x3  }
0x11c: {  	v58 =	vmpcnt.ones.xlane vm5;
	_ =	sdelay $0x1  }
0x11d: {  	v34 =	vadd.s32 v34, v58;
	v59, _, _ =	vpop (xrf0)  }
0x11e: {  	v36 =	vadd.s32 v59, v34  }
0x11f: {  	v36 =	vadd.s32 $0xFFFFFFFF, v36  }
0x120: {  	vm8 =	vlt.s32 v36, $0x4FF  }
0x121: {  	v36 =	vnsel vm8, $0x4FF, v36;
	_ =	sdelay $0x1  }
0x122: {  	v60 =	vor.u32 v22, v33  }
0x123: {  	v61 =	vor.u32 v23, v33;
	_ =	sdelay $0x1  }
0x124: {  	v33 =	vor.u32 v24, v33;
	[tilespmem:v36+s17+$0x0] =	vst.idx.msk vm7, v35  }
0x125: {  	[tilespmem:v36+s18+$0x0] =	vst.idx.msk vm7, v53  }
0x126: {  	v35 =	vld.idx.msk [tilespmem:v60+s2+$0x0], $0xffff  }
0x127: {  	v36 =	vld.idx.msk [tilespmem:v61+s2+$0x0], $0xffff;
	_ =	sdelay $0x1  }
0x128: {  	v33 =	vld.idx.msk [tilespmem:v33+s2+$0x0], $0xffff;
	_ =	sdelay $0x2  }
0x129: {  	v37 =	vshrl.u32 v35, $0x10;
	v38 =	vshrl.u32 v36, $0x10  }
0x12a: {  	v32 =	vor.u32 v22, v32;
	v37 =	vand.u32 $0x1, v37;
	v38 =	vand.u32 $0x1, v38  }
0x12b: {  	v62 =	vshrl.u32 v33, $0x10;
	v35 =	vadd.s32 v37, v35;
	v36 =	vadd.s32 v38, v36  }
0x12c: {  	v37 =	vand.u32 $0x1, v62;
	v35 =	vadd.s32 $0x7FFF, v35;
	v36 =	vadd.s32 $0x7FFF, v36  }
0x12d: {  	v33 =	vadd.s32 v37, v33;
	v35 =	vand.u32 $0xFFFF0000, v35;
	v36 =	vand.u32 $0xFFFF0000, v36  }
0x12e: {  	v33 =	vadd.s32 $0x7FFF, v33;
	v35 =	vmul.f32 v35, v26;
	v36 =	vmul.f32 v36, v27  }
0x12f: {  	v63 =	vld.idx.msk [tilespmem:v32+s16+$0x0], $0xffff;
	v33 =	vand.u32 $0xFFFF0000, v33  }
0x130: {  	v33 =	vmul.f32 v33, v28;
	v35 =	vadd.f32 v36, v35;
	_ =	sdelay $0x1  }
0x131: {  	v33 =	vadd.f32 v33, v35;
	_ =	sdelay $0x1  }
0x132: {  	v38 =	vsub.f32 $0.0e+00, v63;
	v33 =	vadd.f32 v33, v33;
	_ =	sdelay $0x1  }
0x133: {  	v33 =	vadd.f32 v33, v38;
	_ =	sdelay $0x1  }
0x134: {  	v33 =	vsub.f32 v33, v25;
	_ =	sdelay $0x1  }
0x135: {  	vm9 =	vge.f32 v33, v29  }
0x136: {  	v39 =	vsel vm9, $0x1, v3  }
0x137: {  	(xrf0) =	vadd.scan.msk.s32 $0xffff, v39;
	_ =	sdelay $0x3  }
0x138: {  	v40 =	vmpcnt.ones.xlane vm7;
	_ =	sdelay $0x1  }
0x139: {  	v34 =	vadd.s32 v34, v40;
	v41, _, _ =	vpop (xrf0)  }
0x13a: {  	v35 =	vadd.s32 v41, v34  }
0x13b: {  	v35 =	vadd.s32 $0xFFFFFFFF, v35  }
0x13c: {  	vm10 =	vlt.s32 v35, $0x4FF  }
0x13d: {  	v35 =	vnsel vm10, $0x4FF, v35;
	_ =	sdelay $0x1  }
0x13e: {  	v31 =	vor.u32 $0x1, v31;
	_ =	sdelay $0x2  }
0x13f: {  	[tilespmem:v35+s17+$0x0] =	vst.idx.msk vm9, v33  }
0x140: {  	[tilespmem:v35+s18+$0x0] =	vst.idx.msk vm9, v32  }
0x141: {  	v31 =	vld.idx.msk [tilespmem:v31+s15+$0x0], $0xffff;
	_ =	sdelay $0x4  }
0x142: {  	v32 =	vshll.u32 v31, $0xA  }
0x143: {  	v42 =	vor.u32 v0, v32  }
0x144: {  	v43 =	vor.u32 v1, v32;
	_ =	sdelay $0x1  }
0x145: {  	v44 =	vor.u32 v2, v32;
	_ =	sdelay $0x1  }
0x146: {  	v33 =	vld.idx.msk [tilespmem:v42+s2+$0x0], $0xffff  }
0x147: {  	v35 =	vld.idx.msk [tilespmem:v43+s2+$0x0], $0xffff;
	_ =	sdelay $0x1  }
0x148: {  	v36 =	vld.idx.msk [tilespmem:v44+s2+$0x0], $0xffff;
	_ =	sdelay $0x2  }
0x149: {  	v31 =	vshll.u32 v31, $0x7;
	v45 =	vshrl.u32 v33, $0x10;
	v46 =	vshrl.u32 v35, $0x10  }
0x14a: {  	v47 =	vor.u32 v0, v31;
	v37 =	vand.u32 $0x1, v45;
	v38 =	vand.u32 $0x1, v46  }
0x14b: {  	v48 =	vshrl.u32 v36, $0x10;
	v33 =	vadd.s32 v37, v33;
	v35 =	vadd.s32 v38, v35  }
0x14c: {  	v37 =	vand.u32 $0x1, v48;
	v33 =	vadd.s32 $0x7FFF, v33;
	v35 =	vadd.s32 $0x7FFF, v35  }
0x14d: {  	v36 =	vadd.s32 v37, v36;
	v33 =	vand.u32 $0xFFFF0000, v33;
	v35 =	vand.u32 $0xFFFF0000, v35  }
0x14e: {  	v36 =	vadd.s32 $0x7FFF, v36;
	v33 =	vmul.f32 v33, v26;
	v35 =	vmul.f32 v35, v27  }
0x14f: {  	v49 =	vld.idx.msk [tilespmem:v47+s16+$0x0], $0xffff;
	v36 =	vand.u32 $0xFFFF0000, v36  }
0x150: {  	v50 =	vmul.f32 v36, v28;
	v33 =	vadd.f32 v35, v33;
	_ =	sdelay $0x1  }
0x151: {  	v33 =	vadd.f32 v50, v33;
	_ =	sdelay $0x1  }
0x152: {  	v51 =	vsub.f32 $0.0e+00, v49;
	v33 =	vadd.f32 v33, v33;
	_ =	sdelay $0x1  }
0x153: {  	v33 =	vadd.f32 v33, v51;
	_ =	sdelay $0x1  }
0x154: {  	v33 =	vsub.f32 v33, v25;
	_ =	sdelay $0x1  }
0x155: {  	vm11 =	vge.f32 v33, v29  }
0x156: {  	v52 =	vsel vm11, $0x1, v3  }
0x157: {  	(xrf0) =	vadd.scan.msk.s32 $0xffff, v52;
	_ =	sdelay $0x3  }
0x158: {  	v53 =	vmpcnt.ones.xlane vm9;
	_ =	sdelay $0x1  }
0x159: {  	v34 =	vadd.s32 v34, v53;
	v54, _, _ =	vpop (xrf0)  }
0x15a: {  	v35 =	vadd.s32 v54, v34  }
0x15b: {  	v35 =	vadd.s32 $0xFFFFFFFF, v35  }
0x15c: {  	vm12 =	vlt.s32 v35, $0x4FF  }
0x15d: {  	v35 =	vnsel vm12, $0x4FF, v35;
	_ =	sdelay $0x1  }
0x15e: {  	v55 =	vor.u32 v4, v32  }
0x15f: {  	v56 =	vor.u32 v5, v32;
	_ =	sdelay $0x1  }
0x160: {  	v57 =	vor.u32 v6, v32;
	[tilespmem:v35+s17+$0x0] =	vst.idx.msk vm11, v33  }
0x161: {  	[tilespmem:v35+s18+$0x0] =	vst.idx.msk vm11, v47  }
0x162: {  	v35 =	vld.idx.msk [tilespmem:v55+s2+$0x0], $0xffff  }
0x163: {  	v58 =	vld.idx.msk [tilespmem:v56+s2+$0x0], $0xffff;
	_ =	sdelay $0x1  }
0x164: {  	v33 =	vld.idx.msk [tilespmem:v57+s2+$0x0], $0xffff;
	_ =	sdelay $0x2  }
0x165: {  	v59 =	vshrl.u32 v35, $0x10;
	v60 =	vshrl.u32 v58, $0x10  }
0x166: {  	v61 =	vor.u32 v4, v31;
	v37 =	vand.u32 $0x1, v59;
	v38 =	vand.u32 $0x1, v60  }
0x167: {  	v62 =	vshrl.u32 v33, $0x10;
	v35 =	vadd.s32 v37, v35;
	v36 =	vadd.s32 v38, v58  }
0x168: {  	v37 =	vand.u32 $0x1, v62;
	v35 =	vadd.s32 $0x7FFF, v35;
	v36 =	vadd.s32 $0x7FFF, v36  }
0x169: {  	v33 =	vadd.s32 v37, v33;
	v35 =	vand.u32 $0xFFFF0000, v35;
	v36 =	vand.u32 $0xFFFF0000, v36  }
0x16a: {  	v33 =	vadd.s32 $0x7FFF, v33;
	v35 =	vmul.f32 v35, v26;
	v36 =	vmul.f32 v36, v27  }
0x16b: {  	v63 =	vld.idx.msk [tilespmem:v61+s16+$0x0], $0xffff;
	v33 =	vand.u32 $0xFFFF0000, v33  }
0x16c: {  	v33 =	vmul.f32 v33, v28;
	v35 =	vadd.f32 v36, v35;
	_ =	sdelay $0x1  }
0x16d: {  	v33 =	vadd.f32 v33, v35;
	_ =	sdelay $0x1  }
0x16e: {  	v37 =	vsub.f32 $0.0e+00, v63;
	v33 =	vadd.f32 v33, v33;
	_ =	sdelay $0x1  }
0x16f: {  	v33 =	vadd.f32 v33, v37;
	_ =	sdelay $0x1  }
0x170: {  	v33 =	vsub.f32 v33, v25;
	_ =	sdelay $0x1  }
0x171: {  	vm13 =	vge.f32 v33, v29  }
0x172: {  	v38 =	vsel vm13, $0x1, v3  }
0x173: {  	(xrf0) =	vadd.scan.msk.s32 $0xffff, v38;
	_ =	sdelay $0x3  }
0x174: {  	v40 =	vmpcnt.ones.xlane vm11;
	_ =	sdelay $0x1  }
0x175: {  	v34 =	vadd.s32 v34, v40;
	v41, _, _ =	vpop (xrf0)  }
0x176: {  	v35 =	vadd.s32 v41, v34  }
0x177: {  	v35 =	vadd.s32 $0xFFFFFFFF, v35  }
0x178: {  	vm14 =	vlt.s32 v35, $0x4FF  }
0x179: {  	v35 =	vnsel vm14, $0x4FF, v35;
	_ =	sdelay $0x1  }
0x17a: {  	v42 =	vor.u32 v7, v32  }
0x17b: {  	v43 =	vor.u32 v8, v32;
	_ =	sdelay $0x1  }
0x17c: {  	v44 =	vor.u32 v9, v32;
	[tilespmem:v35+s17+$0x0] =	vst.idx.msk vm13, v33  }
0x17d: {  	[tilespmem:v35+s18+$0x0] =	vst.idx.msk vm13, v61  }
0x17e: {  	v35 =	vld.idx.msk [tilespmem:v42+s2+$0x0], $0xffff  }
0x17f: {  	v45 =	vld.idx.msk [tilespmem:v43+s2+$0x0], $0xffff;
	_ =	sdelay $0x1  }
0x180: {  	v33 =	vld.idx.msk [tilespmem:v44+s2+$0x0], $0xffff;
	_ =	sdelay $0x2  }
0x181: {  	v46 =	vshrl.u32 v35, $0x10;
	v47 =	vshrl.u32 v45, $0x10  }
0x182: {  	v48 =	vor.u32 v7, v31;
	v37 =	vand.u32 $0x1, v46;
	v38 =	vand.u32 $0x1, v47  }
0x183: {  	v49 =	vshrl.u32 v33, $0x10;
	v35 =	vadd.s32 v37, v35;
	v36 =	vadd.s32 v38, v45  }
0x184: {  	v37 =	vand.u32 $0x1, v49;
	v35 =	vadd.s32 $0x7FFF, v35;
	v36 =	vadd.s32 $0x7FFF, v36  }
0x185: {  	v33 =	vadd.s32 v37, v33;
	v35 =	vand.u32 $0xFFFF0000, v35;
	v36 =	vand.u32 $0xFFFF0000, v36  }
0x186: {  	v33 =	vadd.s32 $0x7FFF, v33;
	v35 =	vmul.f32 v35, v26;
	v36 =	vmul.f32 v36, v27  }
0x187: {  	v50 =	vld.idx.msk [tilespmem:v48+s16+$0x0], $0xffff;
	v33 =	vand.u32 $0xFFFF0000, v33  }
0x188: {  	v33 =	vmul.f32 v33, v28;
	v35 =	vadd.f32 v36, v35;
	_ =	sdelay $0x1  }
0x189: {  	v33 =	vadd.f32 v33, v35;
	_ =	sdelay $0x1  }
0x18a: {  	v51 =	vsub.f32 $0.0e+00, v50;
	v33 =	vadd.f32 v33, v33;
	_ =	sdelay $0x1  }
0x18b: {  	v33 =	vadd.f32 v33, v51;
	_ =	sdelay $0x1  }
0x18c: {  	v33 =	vsub.f32 v33, v25;
	_ =	sdelay $0x1  }
0x18d: {  	vm15 =	vge.f32 v33, v29  }
0x18e: {  	v52 =	vsel vm15, $0x1, v3  }
0x18f: {  	(xrf0) =	vadd.scan.msk.s32 $0xffff, v52;
	_ =	sdelay $0x3  }
0x190: {  	v53 =	vmpcnt.ones.xlane vm13;
	_ =	sdelay $0x1  }
0x191: {  	v34 =	vadd.s32 v34, v53;
	v54, _, _ =	vpop (xrf0)  }
0x192: {  	v35 =	vadd.s32 v54, v34  }
0x193: {  	v35 =	vadd.s32 $0xFFFFFFFF, v35  }
0x194: {  	vm4 =	vlt.s32 v35, $0x4FF  }
0x195: {  	v35 =	vnsel vm4, $0x4FF, v35;
	_ =	sdelay $0x1  }
0x196: {  	v55 =	vor.u32 v10, v32  }
0x197: {  	v56 =	vor.u32 v11, v32;
	_ =	sdelay $0x1  }
0x198: {  	v57 =	vor.u32 v12, v32;
	[tilespmem:v35+s17+$0x0] =	vst.idx.msk vm15, v33  }
0x199: {  	[tilespmem:v35+s18+$0x0] =	vst.idx.msk vm15, v48  }
0x19a: {  	v35 =	vld.idx.msk [tilespmem:v55+s2+$0x0], $0xffff  }
0x19b: {  	v58 =	vld.idx.msk [tilespmem:v56+s2+$0x0], $0xffff;
	_ =	sdelay $0x1  }
0x19c: {  	v33 =	vld.idx.msk [tilespmem:v57+s2+$0x0], $0xffff;
	_ =	sdelay $0x2  }
0x19d: {  	v59 =	vshrl.u32 v35, $0x10;
	v60 =	vshrl.u32 v58, $0x10  }
0x19e: {  	v61 =	vor.u32 v10, v31;
	v37 =	vand.u32 $0x1, v59;
	v38 =	vand.u32 $0x1, v60  }
0x19f: {  	v62 =	vshrl.u32 v33, $0x10;
	v35 =	vadd.s32 v37, v35;
	v36 =	vadd.s32 v38, v58  }
0x1a0: {  	v37 =	vand.u32 $0x1, v62;
	v35 =	vadd.s32 $0x7FFF, v35;
	v36 =	vadd.s32 $0x7FFF, v36  }
0x1a1: {  	v33 =	vadd.s32 v37, v33;
	v35 =	vand.u32 $0xFFFF0000, v35;
	v36 =	vand.u32 $0xFFFF0000, v36  }
0x1a2: {  	v33 =	vadd.s32 $0x7FFF, v33;
	v35 =	vmul.f32 v35, v26;
	v36 =	vmul.f32 v36, v27  }
0x1a3: {  	v63 =	vld.idx.msk [tilespmem:v61+s16+$0x0], $0xffff;
	v33 =	vand.u32 $0xFFFF0000, v33  }
0x1a4: {  	v33 =	vmul.f32 v33, v28;
	v35 =	vadd.f32 v36, v35;
	_ =	sdelay $0x1  }
0x1a5: {  	v33 =	vadd.f32 v33, v35;
	_ =	sdelay $0x1  }
0x1a6: {  	v37 =	vsub.f32 $0.0e+00, v63;
	v33 =	vadd.f32 v33, v33;
	_ =	sdelay $0x1  }
0x1a7: {  	v33 =	vadd.f32 v33, v37;
	_ =	sdelay $0x1  }
0x1a8: {  	v33 =	vsub.f32 v33, v25;
	_ =	sdelay $0x1  }
0x1a9: {  	vm5 =	vge.f32 v33, v29  }
0x1aa: {  	v38 =	vsel vm5, $0x1, v3  }
0x1ab: {  	(xrf0) =	vadd.scan.msk.s32 $0xffff, v38;
	_ =	sdelay $0x3  }
0x1ac: {  	v40 =	vmpcnt.ones.xlane vm15;
	_ =	sdelay $0x1  }
0x1ad: {  	v34 =	vadd.s32 v34, v40;
	v41, _, _ =	vpop (xrf0)  }
0x1ae: {  	v35 =	vadd.s32 v41, v34  }
0x1af: {  	v35 =	vadd.s32 $0xFFFFFFFF, v35  }
0x1b0: {  	vm6 =	vlt.s32 v35, $0x4FF  }
0x1b1: {  	v35 =	vnsel vm6, $0x4FF, v35;
	_ =	sdelay $0x1  }
0x1b2: {  	v42 =	vor.u32 v13, v32  }
0x1b3: {  	v43 =	vor.u32 v14, v32;
	_ =	sdelay $0x1  }
0x1b4: {  	v44 =	vor.u32 v15, v32;
	[tilespmem:v35+s17+$0x0] =	vst.idx.msk vm5, v33  }
0x1b5: {  	[tilespmem:v35+s18+$0x0] =	vst.idx.msk vm5, v61  }
0x1b6: {  	v35 =	vld.idx.msk [tilespmem:v42+s2+$0x0], $0xffff  }
0x1b7: {  	v45 =	vld.idx.msk [tilespmem:v43+s2+$0x0], $0xffff;
	_ =	sdelay $0x1  }
0x1b8: {  	v33 =	vld.idx.msk [tilespmem:v44+s2+$0x0], $0xffff;
	_ =	sdelay $0x2  }
0x1b9: {  	v46 =	vshrl.u32 v35, $0x10;
	v47 =	vshrl.u32 v45, $0x10  }
0x1ba: {  	v48 =	vor.u32 v13, v31;
	v37 =	vand.u32 $0x1, v46;
	v38 =	vand.u32 $0x1, v47  }
0x1bb: {  	v49 =	vshrl.u32 v33, $0x10;
	v35 =	vadd.s32 v37, v35;
	v36 =	vadd.s32 v38, v45  }
0x1bc: {  	v37 =	vand.u32 $0x1, v49;
	v35 =	vadd.s32 $0x7FFF, v35;
	v36 =	vadd.s32 $0x7FFF, v36  }
0x1bd: {  	v33 =	vadd.s32 v37, v33;
	v35 =	vand.u32 $0xFFFF0000, v35;
	v36 =	vand.u32 $0xFFFF0000, v36  }
0x1be: {  	v33 =	vadd.s32 $0x7FFF, v33;
	v35 =	vmul.f32 v35, v26;
	v36 =	vmul.f32 v36, v27  }
0x1bf: {  	v50 =	vld.idx.msk [tilespmem:v48+s16+$0x0], $0xffff;
	v33 =	vand.u32 $0xFFFF0000, v33  }
0x1c0: {  	v33 =	vmul.f32 v33, v28;
	v35 =	vadd.f32 v36, v35;
	_ =	sdelay $0x1  }
0x1c1: {  	v33 =	vadd.f32 v33, v35;
	_ =	sdelay $0x1  }
0x1c2: {  	v51 =	vsub.f32 $0.0e+00, v50;
	v33 =	vadd.f32 v33, v33;
	_ =	sdelay $0x1  }
0x1c3: {  	v33 =	vadd.f32 v33, v51;
	_ =	sdelay $0x1  }
0x1c4: {  	v33 =	vsub.f32 v33, v25;
	_ =	sdelay $0x1  }
0x1c5: {  	vm7 =	vge.f32 v33, v29  }
0x1c6: {  	v52 =	vsel vm7, $0x1, v3  }
0x1c7: {  	(xrf0) =	vadd.scan.msk.s32 $0xffff, v52;
	_ =	sdelay $0x3  }
0x1c8: {  	v53 =	vmpcnt.ones.xlane vm5;
	_ =	sdelay $0x1  }
0x1c9: {  	v34 =	vadd.s32 v34, v53;
	v54, _, _ =	vpop (xrf0)  }
0x1ca: {  	v35 =	vadd.s32 v54, v34  }
0x1cb: {  	v35 =	vadd.s32 $0xFFFFFFFF, v35  }
0x1cc: {  	vm8 =	vlt.s32 v35, $0x4FF  }
0x1cd: {  	v35 =	vnsel vm8, $0x4FF, v35;
	_ =	sdelay $0x1  }
0x1ce: {  	v55 =	vor.u32 v16, v32  }
0x1cf: {  	v56 =	vor.u32 v17, v32;
	_ =	sdelay $0x1  }
0x1d0: {  	v57 =	vor.u32 v18, v32;
	[tilespmem:v35+s17+$0x0] =	vst.idx.msk vm7, v33  }
0x1d1: {  	[tilespmem:v35+s18+$0x0] =	vst.idx.msk vm7, v48  }
0x1d2: {  	v35 =	vld.idx.msk [tilespmem:v55+s2+$0x0], $0xffff  }
0x1d3: {  	v58 =	vld.idx.msk [tilespmem:v56+s2+$0x0], $0xffff;
	_ =	sdelay $0x1  }
0x1d4: {  	v33 =	vld.idx.msk [tilespmem:v57+s2+$0x0], $0xffff;
	_ =	sdelay $0x2  }
0x1d5: {  	v59 =	vshrl.u32 v35, $0x10;
	v60 =	vshrl.u32 v58, $0x10  }
0x1d6: {  	v61 =	vor.u32 v16, v31;
	v37 =	vand.u32 $0x1, v59;
	v38 =	vand.u32 $0x1, v60  }
0x1d7: {  	v62 =	vshrl.u32 v33, $0x10;
	v35 =	vadd.s32 v37, v35;
	v36 =	vadd.s32 v38, v58  }
0x1d8: {  	v37 =	vand.u32 $0x1, v62;
	v35 =	vadd.s32 $0x7FFF, v35;
	v36 =	vadd.s32 $0x7FFF, v36  }
0x1d9: {  	v33 =	vadd.s32 v37, v33;
	v35 =	vand.u32 $0xFFFF0000, v35;
	v36 =	vand.u32 $0xFFFF0000, v36  }
0x1da: {  	v33 =	vadd.s32 $0x7FFF, v33;
	v35 =	vmul.f32 v35, v26;
	v36 =	vmul.f32 v36, v27  }
0x1db: {  	v63 =	vld.idx.msk [tilespmem:v61+s16+$0x0], $0xffff;
	v33 =	vand.u32 $0xFFFF0000, v33  }
0x1dc: {  	v33 =	vmul.f32 v33, v28;
	v35 =	vadd.f32 v36, v35;
	_ =	sdelay $0x1  }
0x1dd: {  	v33 =	vadd.f32 v33, v35;
	_ =	sdelay $0x1  }
0x1de: {  	v37 =	vsub.f32 $0.0e+00, v63;
	v33 =	vadd.f32 v33, v33;
	_ =	sdelay $0x1  }
0x1df: {  	v33 =	vadd.f32 v33, v37;
	_ =	sdelay $0x1  }
0x1e0: {  	v33 =	vsub.f32 v33, v25;
	_ =	sdelay $0x1  }
0x1e1: {  	vm9 =	vge.f32 v33, v29  }
0x1e2: {  	v38 =	vsel vm9, $0x1, v3  }
0x1e3: {  	(xrf0) =	vadd.scan.msk.s32 $0xffff, v38;
	_ =	sdelay $0x3  }
0x1e4: {  	v40 =	vmpcnt.ones.xlane vm7;
	_ =	sdelay $0x1  }
0x1e5: {  	v34 =	vadd.s32 v34, v40;
	v41, _, _ =	vpop (xrf0)  }
0x1e6: {  	v35 =	vadd.s32 v41, v34  }
0x1e7: {  	v35 =	vadd.s32 $0xFFFFFFFF, v35  }
0x1e8: {  	vm10 =	vlt.s32 v35, $0x4FF  }
0x1e9: {  	v35 =	vnsel vm10, $0x4FF, v35;
	_ =	sdelay $0x1  }
0x1ea: {  	v42 =	vor.u32 v19, v32  }
0x1eb: {  	v43 =	vor.u32 v20, v32;
	_ =	sdelay $0x1  }
0x1ec: {  	v44 =	vor.u32 v21, v32;
	[tilespmem:v35+s17+$0x0] =	vst.idx.msk vm9, v33  }
0x1ed: {  	[tilespmem:v35+s18+$0x0] =	vst.idx.msk vm9, v61  }
0x1ee: {  	v35 =	vld.idx.msk [tilespmem:v42+s2+$0x0], $0xffff  }
0x1ef: {  	v45 =	vld.idx.msk [tilespmem:v43+s2+$0x0], $0xffff;
	_ =	sdelay $0x1  }
0x1f0: {  	v33 =	vld.idx.msk [tilespmem:v44+s2+$0x0], $0xffff;
	_ =	sdelay $0x2  }
0x1f1: {  	v46 =	vshrl.u32 v35, $0x10;
	v47 =	vshrl.u32 v45, $0x10  }
0x1f2: {  	v48 =	vor.u32 v19, v31;
	v37 =	vand.u32 $0x1, v46;
	v38 =	vand.u32 $0x1, v47  }
0x1f3: {  	v49 =	vshrl.u32 v33, $0x10;
	v35 =	vadd.s32 v37, v35;
	v36 =	vadd.s32 v38, v45  }
0x1f4: {  	v37 =	vand.u32 $0x1, v49;
	v35 =	vadd.s32 $0x7FFF, v35;
	v36 =	vadd.s32 $0x7FFF, v36  }
0x1f5: {  	v33 =	vadd.s32 v37, v33;
	v35 =	vand.u32 $0xFFFF0000, v35;
	v36 =	vand.u32 $0xFFFF0000, v36  }
0x1f6: {  	v33 =	vadd.s32 $0x7FFF, v33;
	v35 =	vmul.f32 v35, v26;
	v36 =	vmul.f32 v36, v27  }
0x1f7: {  	v50 =	vld.idx.msk [tilespmem:v48+s16+$0x0], $0xffff;
	v33 =	vand.u32 $0xFFFF0000, v33  }
0x1f8: {  	v33 =	vmul.f32 v33, v28;
	v35 =	vadd.f32 v36, v35;
	_ =	sdelay $0x1  }
0x1f9: {  	v33 =	vadd.f32 v33, v35;
	_ =	sdelay $0x1  }
0x1fa: {  	v51 =	vsub.f32 $0.0e+00, v50;
	v33 =	vadd.f32 v33, v33;
	_ =	sdelay $0x1  }
0x1fb: {  	v33 =	vadd.f32 v33, v51;
	_ =	sdelay $0x1  }
0x1fc: {  	v33 =	vsub.f32 v33, v25;
	_ =	sdelay $0x1  }
0x1fd: {  	vm11 =	vge.f32 v33, v29  }
0x1fe: {  	v52 =	vsel vm11, $0x1, v3  }
0x1ff: {  	(xrf0) =	vadd.scan.msk.s32 $0xffff, v52;
	_ =	sdelay $0x3  }
0x200: {  	v53 =	vmpcnt.ones.xlane vm9;
	_ =	sdelay $0x1  }
0x201: {  	v34 =	vadd.s32 v34, v53;
	v54, _, _ =	vpop (xrf0)  }
0x202: {  	v35 =	vadd.s32 v54, v34  }
0x203: {  	v35 =	vadd.s32 $0xFFFFFFFF, v35  }
0x204: {  	vm12 =	vlt.s32 v35, $0x4FF  }
0x205: {  	v35 =	vnsel vm12, $0x4FF, v35;
	_ =	sdelay $0x1  }
0x206: {  	v55 =	vor.u32 v22, v32  }
0x207: {  	v56 =	vor.u32 v23, v32;
	_ =	sdelay $0x1  }
0x208: {  	v32 =	vor.u32 v24, v32;
	[tilespmem:v35+s17+$0x0] =	vst.idx.msk vm11, v33  }
0x209: {  	[tilespmem:v35+s18+$0x0] =	vst.idx.msk vm11, v48  }
0x20a: {  	v33 =	vld.idx.msk [tilespmem:v55+s2+$0x0], $0xffff  }
0x20b: {  	v35 =	vld.idx.msk [tilespmem:v56+s2+$0x0], $0xffff;
	_ =	sdelay $0x1  }
0x20c: {  	v32 =	vld.idx.msk [tilespmem:v32+s2+$0x0], $0xffff;
	_ =	sdelay $0x2  }
0x20d: {  	v36 =	vshrl.u32 v33, $0x10;
	v37 =	vshrl.u32 v35, $0x10  }
0x20e: {  	v31 =	vor.u32 v22, v31;
	v36 =	vand.u32 $0x1, v36;
	v37 =	vand.u32 $0x1, v37  }
0x20f: {  	v57 =	vshrl.u32 v32, $0x10;
	v33 =	vadd.s32 v36, v33;
	v35 =	vadd.s32 v37, v35  }
0x210: {  	v36 =	vand.u32 $0x1, v57;
	v33 =	vadd.s32 $0x7FFF, v33;
	v35 =	vadd.s32 $0x7FFF, v35  }
0x211: {  	v32 =	vadd.s32 v36, v32;
	v33 =	vand.u32 $0xFFFF0000, v33;
	v35 =	vand.u32 $0xFFFF0000, v35  }
0x212: {  	v32 =	vadd.s32 $0x7FFF, v32;
	v33 =	vmul.f32 v33, v26;
	v35 =	vmul.f32 v35, v27  }
0x213: {  	v58 =	vld.idx.msk [tilespmem:v31+s16+$0x0], $0xffff;
	v32 =	vand.u32 $0xFFFF0000, v32  }
0x214: {  	v32 =	vmul.f32 v32, v28;
	v33 =	vadd.f32 v35, v33;
	_ =	sdelay $0x1  }
0x215: {  	v32 =	vadd.f32 v32, v33;
	_ =	sdelay $0x1  }
0x216: {  	v59 =	vsub.f32 $0.0e+00, v58;
	v32 =	vadd.f32 v32, v32;
	_ =	sdelay $0x1  }
0x217: {  	v32 =	vadd.f32 v32, v59;
	_ =	sdelay $0x1  }
0x218: {  	v32 =	vsub.f32 v32, v25;
	_ =	sdelay $0x1  }
0x219: {  	vm13 =	vge.f32 v32, v29  }
0x21a: {  	v60 =	vsel vm13, $0x1, v3  }
0x21b: {  	(xrf0) =	vadd.scan.msk.s32 $0xffff, v60;
	_ =	sdelay $0x3  }
0x21c: {  	v61 =	vmpcnt.ones.xlane vm11;
	_ =	sdelay $0x1  }
0x21d: {  	v33 =	vadd.s32 v34, v61;
	v62, _, _ =	vpop (xrf0)  }
0x21e: {  	v34 =	vadd.s32 v62, v33  }
0x21f: {  	v34 =	vadd.s32 $0xFFFFFFFF, v34  }
0x220: {  	vm14 =	vlt.s32 v34, $0x4FF  }
0x221: {  	v34 =	vnsel vm14, $0x4FF, v34;
	_ =	sdelay $0x1  }
0x222: {  	v63 =	vadd.s32 s25, v30;
	_ =	sdelay $0x2  }
0x223: {  	[tilespmem:v34+s17+$0x0] =	vst.idx.msk vm13, v32  }
0x224: {  	[tilespmem:v34+s18+$0x0] =	vst.idx.msk vm13, v31  }
0x225: {  	v31 =	vld.idx.msk [tilespmem:v63+s14+$0x0], $0xffff;
	_ =	sdelay $0x4  }
0x226: {  	vm15 =	vge.f32 v31, v29  }
0x227: {  	v31 =	vmpcnt.ones.xlane vm15;
	_ =	sdelay $0x1  }
0x228: {  	v31 =	vxor.u32 $0x80000000, v31  }
0x229: {  	(xrf0) =	vmax.scan.msk.u32 $0xffff, v31;
	_ =	sdelay $0x5  }
0x22a: {  	v31, _, _ =	vpop (xrf0)  }
0x22b: {  	(v2sf) =	vpush v31, $0xF;
	_ =	sdelay $0xe  }
0x22c: {  	p0 =	sgt.u32 s26, $0xA;
	s28 =	spop (v2sf)  }
0x22d: {  	p1 =	sgt.u32 @!p0 s28, $0x80000000  }
0x22e: {  	p0 =	por p0, !p1  }
.Ltmp5:
0x22f: {  	_ = 	snop;
	(pc) =	sbr.rel @!p0 .LBB2_5-.Ltmp5, $3  }
0x230: {  	_ = 	snop  }
0x231: {  	v31 =	vmpcnt.ones.xlane vm13;
	_ =	sdelay $0x1  }
0x232: {  	s26 =	sadd.s32 $0x1, s26;
	s25 =	sadd.s32 $0x2, s25;
	v34 =	vadd.s32 v33, v31  }
0x233: {  	p0 =	slt.u32 s28, $0x80000001  }
.Ltmp6:
0x234: {  	_ = 	snop;
	(pc) =	sbr.rel @p0 .LBB2_9-.Ltmp6, $1  }
0x235: {  	_ =	sdelay $0x3  }
0x236: {  	s25 =	simm.s32 $0x0;
	v34 =	vimm.s32 $0x0  }
.LBB2_8:
0x237: {  	s26 =	sshll.u32 s25, $0x7  }
0x238: {  	v30 =	vmov s26  }
0x239: {  	v30 =	vshll.u32 v30, $0x3  }
0x23a: {  	v31 =	vor.u32 v0, v30  }
0x23b: {  	v32 =	vor.u32 v1, v30;
	_ =	sdelay $0x1  }
0x23c: {  	v33 =	vor.u32 v2, v30;
	_ =	sdelay $0x1  }
0x23d: {  	v31 =	vld.idx.msk [tilespmem:v31+s2+$0x0], $0xffff  }
0x23e: {  	v32 =	vld.idx.msk [tilespmem:v32+s2+$0x0], $0xffff;
	_ =	sdelay $0x1  }
0x23f: {  	v33 =	vld.idx.msk [tilespmem:v33+s2+$0x0], $0xffff;
	_ =	sdelay $0x2  }
0x240: {  	v35 =	vshrl.u32 v31, $0x10;
	v36 =	vshrl.u32 v32, $0x10  }
0x241: {  	v37 =	vor.u32 s26, v0;
	v35 =	vand.u32 $0x1, v35;
	v36 =	vand.u32 $0x1, v36  }
0x242: {  	v53 =	vshrl.u32 v33, $0x10;
	v31 =	vadd.s32 v35, v31;
	v32 =	vadd.s32 v36, v32  }
0x243: {  	v35 =	vand.u32 $0x1, v53;
	v31 =	vadd.s32 $0x7FFF, v31;
	v32 =	vadd.s32 $0x7FFF, v32  }
0x244: {  	v33 =	vadd.s32 v35, v33;
	v31 =	vand.u32 $0xFFFF0000, v31;
	v32 =	vand.u32 $0xFFFF0000, v32  }
0x245: {  	v33 =	vadd.s32 $0x7FFF, v33;
	v31 =	vmul.f32 v31, v26;
	v32 =	vmul.f32 v32, v27  }
0x246: {  	v54 =	vld.idx.msk [tilespmem:v37+s16+$0x0], $0xffff;
	v33 =	vand.u32 $0xFFFF0000, v33  }
0x247: {  	v55 =	vmul.f32 v33, v28;
	v31 =	vadd.f32 v32, v31;
	_ =	sdelay $0x1  }
0x248: {  	v31 =	vadd.f32 v55, v31;
	_ =	sdelay $0x1  }
0x249: {  	v56 =	vsub.f32 $0.0e+00, v54;
	v31 =	vadd.f32 v31, v31;
	_ =	sdelay $0x1  }
0x24a: {  	v31 =	vadd.f32 v31, v56;
	_ =	sdelay $0x1  }
0x24b: {  	v31 =	vsub.f32 v31, v25;
	_ =	sdelay $0x1  }
0x24c: {  	vm1 =	vge.f32 v31, v29  }
0x24d: {  	v57 =	vsel vm1, $0x1, v3  }
0x24e: {  	(xrf0) =	vadd.scan.msk.s32 $0xffff, v57;
	_ =	sdelay $0x5  }
0x24f: {  	v32, _, _ =	vpop (xrf0)  }
0x250: {  	v32 =	vadd.s32 v32, v34  }
0x251: {  	v32 =	vadd.s32 $0xFFFFFFFF, v32  }
0x252: {  	vm0 =	vlt.s32 v32, $0x4FF  }
0x253: {  	v32 =	vnsel vm0, $0x4FF, v32;
	_ =	sdelay $0x1  }
0x254: {  	v58 =	vor.u32 v4, v30  }
0x255: {  	v59 =	vor.u32 v5, v30;
	_ =	sdelay $0x1  }
0x256: {  	[tilespmem:v32+s17+$0x0] =	vst.idx.msk vm1, v31;
	v31 =	vor.u32 v6, v30  }
0x257: {  	[tilespmem:v32+s18+$0x0] =	vst.idx.msk vm1, v37  }
0x258: {  	v32 =	vld.idx.msk [tilespmem:v58+s2+$0x0], $0xffff  }
0x259: {  	v60 =	vld.idx.msk [tilespmem:v59+s2+$0x0], $0xffff;
	_ =	sdelay $0x1  }
0x25a: {  	v31 =	vld.idx.msk [tilespmem:v31+s2+$0x0], $0xffff;
	_ =	sdelay $0x2  }
0x25b: {  	v61 =	vshrl.u32 v32, $0x10;
	v62 =	vshrl.u32 v60, $0x10  }
0x25c: {  	v63 =	vor.u32 s26, v4;
	v35 =	vand.u32 $0x1, v61;
	v36 =	vand.u32 $0x1, v62  }
0x25d: {  	v32 =	vadd.s32 v35, v32;
	v33 =	vadd.s32 v36, v60;
	v40 =	vshrl.u32 v31, $0x10  }
0x25e: {  	v32 =	vadd.s32 $0x7FFF, v32;
	v33 =	vadd.s32 $0x7FFF, v33;
	v35 =	vand.u32 $0x1, v40  }
0x25f: {  	v32 =	vand.u32 $0xFFFF0000, v32;
	v33 =	vand.u32 $0xFFFF0000, v33;
	v31 =	vadd.s32 v35, v31  }
0x260: {  	v32 =	vmul.f32 v32, v26;
	v33 =	vmul.f32 v33, v27;
	v31 =	vadd.s32 $0x7FFF, v31  }
0x261: {  	v41 =	vld.idx.msk [tilespmem:v63+s16+$0x0], $0xffff;
	v31 =	vand.u32 $0xFFFF0000, v31  }
0x262: {  	v32 =	vadd.f32 v33, v32;
	v31 =	vmul.f32 v31, v28;
	_ =	sdelay $0x1  }
0x263: {  	v31 =	vadd.f32 v31, v32;
	_ =	sdelay $0x1  }
0x264: {  	v42 =	vsub.f32 $0.0e+00, v41;
	v31 =	vadd.f32 v31, v31;
	_ =	sdelay $0x1  }
0x265: {  	v31 =	vadd.f32 v31, v42;
	_ =	sdelay $0x1  }
0x266: {  	v31 =	vsub.f32 v31, v25;
	_ =	sdelay $0x1  }
0x267: {  	vm14 =	vge.f32 v31, v29  }
0x268: {  	v43 =	vsel vm14, $0x1, v3  }
0x269: {  	(xrf0) =	vadd.scan.msk.s32 $0xffff, v43;
	_ =	sdelay $0x3  }
0x26a: {  	v44 =	vmpcnt.ones.xlane vm1;
	_ =	sdelay $0x1  }
0x26b: {  	v32 =	vadd.s32 v34, v44;
	v45, _, _ =	vpop (xrf0)  }
0x26c: {  	v33 =	vadd.s32 v45, v32  }
0x26d: {  	v33 =	vadd.s32 $0xFFFFFFFF, v33  }
0x26e: {  	vm15 =	vlt.s32 v33, $0x4FF  }
0x26f: {  	v33 =	vnsel vm15, $0x4FF, v33;
	_ =	sdelay $0x1  }
0x270: {  	v46 =	vor.u32 v7, v30  }
0x271: {  	v47 =	vor.u32 v8, v30;
	_ =	sdelay $0x1  }
0x272: {  	[tilespmem:v33+s17+$0x0] =	vst.idx.msk vm14, v31;
	v31 =	vor.u32 v9, v30  }
0x273: {  	[tilespmem:v33+s18+$0x0] =	vst.idx.msk vm14, v63  }
0x274: {  	v33 =	vld.idx.msk [tilespmem:v46+s2+$0x0], $0xffff  }
0x275: {  	v48 =	vld.idx.msk [tilespmem:v47+s2+$0x0], $0xffff;
	_ =	sdelay $0x1  }
0x276: {  	v31 =	vld.idx.msk [tilespmem:v31+s2+$0x0], $0xffff;
	_ =	sdelay $0x2  }
0x277: {  	v49 =	vshrl.u32 v33, $0x10;
	v50 =	vshrl.u32 v48, $0x10  }
0x278: {  	v51 =	vor.u32 s26, v7;
	v35 =	vand.u32 $0x1, v49;
	v36 =	vand.u32 $0x1, v50  }
0x279: {  	v33 =	vadd.s32 v35, v33;
	v34 =	vadd.s32 v36, v48;
	v52 =	vshrl.u32 v31, $0x10  }
0x27a: {  	v33 =	vadd.s32 $0x7FFF, v33;
	v34 =	vadd.s32 $0x7FFF, v34;
	v35 =	vand.u32 $0x1, v52  }
0x27b: {  	v33 =	vand.u32 $0xFFFF0000, v33;
	v34 =	vand.u32 $0xFFFF0000, v34;
	v31 =	vadd.s32 v35, v31  }
0x27c: {  	v33 =	vmul.f32 v33, v26;
	v34 =	vmul.f32 v34, v27;
	v31 =	vadd.s32 $0x7FFF, v31  }
0x27d: {  	v53 =	vld.idx.msk [tilespmem:v51+s16+$0x0], $0xffff;
	v31 =	vand.u32 $0xFFFF0000, v31  }
0x27e: {  	v33 =	vadd.f32 v34, v33;
	v31 =	vmul.f32 v31, v28;
	_ =	sdelay $0x1  }
0x27f: {  	v31 =	vadd.f32 v31, v33;
	_ =	sdelay $0x1  }
0x280: {  	v54 =	vsub.f32 $0.0e+00, v53;
	v31 =	vadd.f32 v31, v31;
	_ =	sdelay $0x1  }
0x281: {  	v31 =	vadd.f32 v31, v54;
	_ =	sdelay $0x1  }
0x282: {  	v31 =	vsub.f32 v31, v25;
	_ =	sdelay $0x1  }
0x283: {  	vm4 =	vge.f32 v31, v29  }
0x284: {  	v55 =	vsel vm4, $0x1, v3  }
0x285: {  	(xrf0) =	vadd.scan.msk.s32 $0xffff, v55;
	_ =	sdelay $0x3  }
0x286: {  	v56 =	vmpcnt.ones.xlane vm14;
	_ =	sdelay $0x1  }
0x287: {  	v32 =	vadd.s32 v32, v56;
	v57, _, _ =	vpop (xrf0)  }
0x288: {  	v33 =	vadd.s32 v57, v32  }
0x289: {  	v33 =	vadd.s32 $0xFFFFFFFF, v33  }
0x28a: {  	vm5 =	vlt.s32 v33, $0x4FF  }
0x28b: {  	v33 =	vnsel vm5, $0x4FF, v33;
	_ =	sdelay $0x1  }
0x28c: {  	v58 =	vor.u32 v10, v30  }
0x28d: {  	v59 =	vor.u32 v11, v30;
	_ =	sdelay $0x1  }
0x28e: {  	[tilespmem:v33+s17+$0x0] =	vst.idx.msk vm4, v31;
	v31 =	vor.u32 v12, v30  }
0x28f: {  	[tilespmem:v33+s18+$0x0] =	vst.idx.msk vm4, v51  }
0x290: {  	v33 =	vld.idx.msk [tilespmem:v58+s2+$0x0], $0xffff  }
0x291: {  	v60 =	vld.idx.msk [tilespmem:v59+s2+$0x0], $0xffff;
	_ =	sdelay $0x1  }
0x292: {  	v31 =	vld.idx.msk [tilespmem:v31+s2+$0x0], $0xffff;
	_ =	sdelay $0x2  }
0x293: {  	v61 =	vshrl.u32 v33, $0x10;
	v62 =	vshrl.u32 v60, $0x10  }
0x294: {  	v63 =	vor.u32 s26, v10;
	v35 =	vand.u32 $0x1, v61;
	v36 =	vand.u32 $0x1, v62  }
0x295: {  	v33 =	vadd.s32 v35, v33;
	v34 =	vadd.s32 v36, v60;
	v40 =	vshrl.u32 v31, $0x10  }
0x296: {  	v33 =	vadd.s32 $0x7FFF, v33;
	v34 =	vadd.s32 $0x7FFF, v34;
	v35 =	vand.u32 $0x1, v40  }
0x297: {  	v33 =	vand.u32 $0xFFFF0000, v33;
	v34 =	vand.u32 $0xFFFF0000, v34;
	v31 =	vadd.s32 v35, v31  }
0x298: {  	v33 =	vmul.f32 v33, v26;
	v34 =	vmul.f32 v34, v27;
	v31 =	vadd.s32 $0x7FFF, v31  }
0x299: {  	v41 =	vld.idx.msk [tilespmem:v63+s16+$0x0], $0xffff;
	v31 =	vand.u32 $0xFFFF0000, v31  }
0x29a: {  	v33 =	vadd.f32 v34, v33;
	v31 =	vmul.f32 v31, v28;
	_ =	sdelay $0x1  }
0x29b: {  	v31 =	vadd.f32 v31, v33;
	_ =	sdelay $0x1  }
0x29c: {  	v42 =	vsub.f32 $0.0e+00, v41;
	v31 =	vadd.f32 v31, v31;
	_ =	sdelay $0x1  }
0x29d: {  	v31 =	vadd.f32 v31, v42;
	_ =	sdelay $0x1  }
0x29e: {  	v31 =	vsub.f32 v31, v25;
	_ =	sdelay $0x1  }
0x29f: {  	vm6 =	vge.f32 v31, v29  }
0x2a0: {  	v43 =	vsel vm6, $0x1, v3  }
0x2a1: {  	(xrf0) =	vadd.scan.msk.s32 $0xffff, v43;
	_ =	sdelay $0x3  }
0x2a2: {  	v44 =	vmpcnt.ones.xlane vm4;
	_ =	sdelay $0x1  }
0x2a3: {  	v32 =	vadd.s32 v32, v44;
	v45, _, _ =	vpop (xrf0)  }
0x2a4: {  	v33 =	vadd.s32 v45, v32  }
0x2a5: {  	v33 =	vadd.s32 $0xFFFFFFFF, v33  }
0x2a6: {  	vm7 =	vlt.s32 v33, $0x4FF  }
0x2a7: {  	v33 =	vnsel vm7, $0x4FF, v33;
	_ =	sdelay $0x1  }
0x2a8: {  	v46 =	vor.u32 v13, v30  }
0x2a9: {  	v47 =	vor.u32 v14, v30;
	_ =	sdelay $0x1  }
0x2aa: {  	[tilespmem:v33+s17+$0x0] =	vst.idx.msk vm6, v31;
	v31 =	vor.u32 v15, v30  }
0x2ab: {  	[tilespmem:v33+s18+$0x0] =	vst.idx.msk vm6, v63  }
0x2ac: {  	v33 =	vld.idx.msk [tilespmem:v46+s2+$0x0], $0xffff  }
0x2ad: {  	v48 =	vld.idx.msk [tilespmem:v47+s2+$0x0], $0xffff;
	_ =	sdelay $0x1  }
0x2ae: {  	v31 =	vld.idx.msk [tilespmem:v31+s2+$0x0], $0xffff;
	_ =	sdelay $0x2  }
0x2af: {  	v49 =	vshrl.u32 v33, $0x10;
	v50 =	vshrl.u32 v48, $0x10  }
0x2b0: {  	v51 =	vor.u32 s26, v13;
	v35 =	vand.u32 $0x1, v49;
	v36 =	vand.u32 $0x1, v50  }
0x2b1: {  	v33 =	vadd.s32 v35, v33;
	v34 =	vadd.s32 v36, v48;
	v52 =	vshrl.u32 v31, $0x10  }
0x2b2: {  	v33 =	vadd.s32 $0x7FFF, v33;
	v34 =	vadd.s32 $0x7FFF, v34;
	v35 =	vand.u32 $0x1, v52  }
0x2b3: {  	v33 =	vand.u32 $0xFFFF0000, v33;
	v34 =	vand.u32 $0xFFFF0000, v34;
	v31 =	vadd.s32 v35, v31  }
0x2b4: {  	v33 =	vmul.f32 v33, v26;
	v34 =	vmul.f32 v34, v27;
	v31 =	vadd.s32 $0x7FFF, v31  }
0x2b5: {  	v53 =	vld.idx.msk [tilespmem:v51+s16+$0x0], $0xffff;
	v31 =	vand.u32 $0xFFFF0000, v31  }
0x2b6: {  	v33 =	vadd.f32 v34, v33;
	v31 =	vmul.f32 v31, v28;
	_ =	sdelay $0x1  }
0x2b7: {  	v31 =	vadd.f32 v31, v33;
	_ =	sdelay $0x1  }
0x2b8: {  	v54 =	vsub.f32 $0.0e+00, v53;
	v31 =	vadd.f32 v31, v31;
	_ =	sdelay $0x1  }
0x2b9: {  	v31 =	vadd.f32 v31, v54;
	_ =	sdelay $0x1  }
0x2ba: {  	v31 =	vsub.f32 v31, v25;
	_ =	sdelay $0x1  }
0x2bb: {  	vm8 =	vge.f32 v31, v29  }
0x2bc: {  	v55 =	vsel vm8, $0x1, v3  }
0x2bd: {  	(xrf0) =	vadd.scan.msk.s32 $0xffff, v55;
	_ =	sdelay $0x3  }
0x2be: {  	v56 =	vmpcnt.ones.xlane vm6;
	_ =	sdelay $0x1  }
0x2bf: {  	v32 =	vadd.s32 v32, v56;
	v57, _, _ =	vpop (xrf0)  }
0x2c0: {  	v33 =	vadd.s32 v57, v32  }
0x2c1: {  	v33 =	vadd.s32 $0xFFFFFFFF, v33  }
0x2c2: {  	vm9 =	vlt.s32 v33, $0x4FF  }
0x2c3: {  	v33 =	vnsel vm9, $0x4FF, v33;
	_ =	sdelay $0x1  }
0x2c4: {  	v58 =	vor.u32 v16, v30  }
0x2c5: {  	v59 =	vor.u32 v17, v30;
	_ =	sdelay $0x1  }
0x2c6: {  	[tilespmem:v33+s17+$0x0] =	vst.idx.msk vm8, v31;
	v31 =	vor.u32 v18, v30  }
0x2c7: {  	[tilespmem:v33+s18+$0x0] =	vst.idx.msk vm8, v51  }
0x2c8: {  	v33 =	vld.idx.msk [tilespmem:v58+s2+$0x0], $0xffff  }
0x2c9: {  	v60 =	vld.idx.msk [tilespmem:v59+s2+$0x0], $0xffff;
	_ =	sdelay $0x1  }
0x2ca: {  	v31 =	vld.idx.msk [tilespmem:v31+s2+$0x0], $0xffff;
	_ =	sdelay $0x2  }
0x2cb: {  	v61 =	vshrl.u32 v33, $0x10;
	v62 =	vshrl.u32 v60, $0x10  }
0x2cc: {  	v63 =	vor.u32 s26, v16;
	v35 =	vand.u32 $0x1, v61;
	v36 =	vand.u32 $0x1, v62  }
0x2cd: {  	v33 =	vadd.s32 v35, v33;
	v34 =	vadd.s32 v36, v60;
	v39 =	vshrl.u32 v31, $0x10  }
0x2ce: {  	v33 =	vadd.s32 $0x7FFF, v33;
	v34 =	vadd.s32 $0x7FFF, v34;
	v35 =	vand.u32 $0x1, v39  }
0x2cf: {  	v33 =	vand.u32 $0xFFFF0000, v33;
	v34 =	vand.u32 $0xFFFF0000, v34;
	v31 =	vadd.s32 v35, v31  }
0x2d0: {  	v33 =	vmul.f32 v33, v26;
	v34 =	vmul.f32 v34, v27;
	v31 =	vadd.s32 $0x7FFF, v31  }
0x2d1: {  	v40 =	vld.idx.msk [tilespmem:v63+s16+$0x0], $0xffff;
	v31 =	vand.u32 $0xFFFF0000, v31  }
0x2d2: {  	v33 =	vadd.f32 v34, v33;
	v31 =	vmul.f32 v31, v28;
	_ =	sdelay $0x1  }
0x2d3: {  	v31 =	vadd.f32 v31, v33;
	_ =	sdelay $0x1  }
0x2d4: {  	v41 =	vsub.f32 $0.0e+00, v40;
	v31 =	vadd.f32 v31, v31;
	_ =	sdelay $0x1  }
0x2d5: {  	v31 =	vadd.f32 v31, v41;
	_ =	sdelay $0x1  }
0x2d6: {  	v31 =	vsub.f32 v31, v25;
	_ =	sdelay $0x1  }
0x2d7: {  	vm10 =	vge.f32 v31, v29  }
0x2d8: {  	v42 =	vsel vm10, $0x1, v3  }
0x2d9: {  	(xrf0) =	vadd.scan.msk.s32 $0xffff, v42;
	_ =	sdelay $0x3  }
0x2da: {  	v43 =	vmpcnt.ones.xlane vm8;
	_ =	sdelay $0x1  }
0x2db: {  	v32 =	vadd.s32 v32, v43;
	v44, _, _ =	vpop (xrf0)  }
0x2dc: {  	v33 =	vadd.s32 v44, v32  }
0x2dd: {  	v33 =	vadd.s32 $0xFFFFFFFF, v33  }
0x2de: {  	vm11 =	vlt.s32 v33, $0x4FF  }
0x2df: {  	v33 =	vnsel vm11, $0x4FF, v33;
	_ =	sdelay $0x1  }
0x2e0: {  	v45 =	vor.u32 v19, v30  }
0x2e1: {  	v46 =	vor.u32 v20, v30;
	_ =	sdelay $0x1  }
0x2e2: {  	[tilespmem:v33+s17+$0x0] =	vst.idx.msk vm10, v31;
	v31 =	vor.u32 v21, v30  }
0x2e3: {  	[tilespmem:v33+s18+$0x0] =	vst.idx.msk vm10, v63  }
0x2e4: {  	v33 =	vld.idx.msk [tilespmem:v45+s2+$0x0], $0xffff  }
0x2e5: {  	v47 =	vld.idx.msk [tilespmem:v46+s2+$0x0], $0xffff;
	_ =	sdelay $0x1  }
0x2e6: {  	v31 =	vld.idx.msk [tilespmem:v31+s2+$0x0], $0xffff;
	_ =	sdelay $0x2  }
0x2e7: {  	v48 =	vshrl.u32 v33, $0x10;
	v49 =	vshrl.u32 v47, $0x10  }
0x2e8: {  	v50 =	vor.u32 s26, v19;
	v35 =	vand.u32 $0x1, v48;
	v36 =	vand.u32 $0x1, v49  }
0x2e9: {  	v33 =	vadd.s32 v35, v33;
	v34 =	vadd.s32 v36, v47;
	v51 =	vshrl.u32 v31, $0x10  }
0x2ea: {  	v33 =	vadd.s32 $0x7FFF, v33;
	v34 =	vadd.s32 $0x7FFF, v34;
	v35 =	vand.u32 $0x1, v51  }
0x2eb: {  	v33 =	vand.u32 $0xFFFF0000, v33;
	v34 =	vand.u32 $0xFFFF0000, v34;
	v31 =	vadd.s32 v35, v31  }
0x2ec: {  	v33 =	vmul.f32 v33, v26;
	v34 =	vmul.f32 v34, v27;
	v31 =	vadd.s32 $0x7FFF, v31  }
0x2ed: {  	v52 =	vld.idx.msk [tilespmem:v50+s16+$0x0], $0xffff;
	v31 =	vand.u32 $0xFFFF0000, v31  }
0x2ee: {  	v33 =	vadd.f32 v34, v33;
	v31 =	vmul.f32 v31, v28;
	_ =	sdelay $0x1  }
0x2ef: {  	v31 =	vadd.f32 v31, v33;
	_ =	sdelay $0x1  }
0x2f0: {  	v53 =	vsub.f32 $0.0e+00, v52;
	v31 =	vadd.f32 v31, v31;
	_ =	sdelay $0x1  }
0x2f1: {  	v31 =	vadd.f32 v31, v53;
	_ =	sdelay $0x1  }
0x2f2: {  	v31 =	vsub.f32 v31, v25;
	_ =	sdelay $0x1  }
0x2f3: {  	vm12 =	vge.f32 v31, v29  }
0x2f4: {  	v54 =	vsel vm12, $0x1, v3  }
0x2f5: {  	(xrf0) =	vadd.scan.msk.s32 $0xffff, v54;
	_ =	sdelay $0x3  }
0x2f6: {  	v55 =	vmpcnt.ones.xlane vm10;
	_ =	sdelay $0x1  }
0x2f7: {  	v32 =	vadd.s32 v32, v55;
	v56, _, _ =	vpop (xrf0)  }
0x2f8: {  	v33 =	vadd.s32 v56, v32  }
0x2f9: {  	v33 =	vadd.s32 $0xFFFFFFFF, v33  }
0x2fa: {  	vm13 =	vlt.s32 v33, $0x4FF  }
0x2fb: {  	v33 =	vnsel vm13, $0x4FF, v33;
	_ =	sdelay $0x1  }
0x2fc: {  	v57 =	vor.u32 v22, v30  }
0x2fd: {  	v58 =	vor.u32 v23, v30;
	_ =	sdelay $0x1  }
0x2fe: {  	v30 =	vor.u32 v24, v30;
	[tilespmem:v33+s17+$0x0] =	vst.idx.msk vm12, v31  }
0x2ff: {  	[tilespmem:v33+s18+$0x0] =	vst.idx.msk vm12, v50  }
0x300: {  	v31 =	vld.idx.msk [tilespmem:v57+s2+$0x0], $0xffff  }
0x301: {  	v33 =	vld.idx.msk [tilespmem:v58+s2+$0x0], $0xffff;
	_ =	sdelay $0x1  }
0x302: {  	v30 =	vld.idx.msk [tilespmem:v30+s2+$0x0], $0xffff;
	_ =	sdelay $0x2  }
0x303: {  	v34 =	vshrl.u32 v31, $0x10;
	v35 =	vshrl.u32 v33, $0x10  }
0x304: {  	v59 =	vor.u32 s26, v22;
	v34 =	vand.u32 $0x1, v34;
	v35 =	vand.u32 $0x1, v35  }
0x305: {  	v60 =	vshrl.u32 v30, $0x10;
	v31 =	vadd.s32 v34, v31;
	v33 =	vadd.s32 v35, v33  }
0x306: {  	v34 =	vand.u32 $0x1, v60;
	v31 =	vadd.s32 $0x7FFF, v31;
	v33 =	vadd.s32 $0x7FFF, v33  }
0x307: {  	v30 =	vadd.s32 v34, v30;
	v31 =	vand.u32 $0xFFFF0000, v31;
	v33 =	vand.u32 $0xFFFF0000, v33  }
0x308: {  	v30 =	vadd.s32 $0x7FFF, v30;
	v31 =	vmul.f32 v31, v26;
	v33 =	vmul.f32 v33, v27  }
0x309: {  	v61 =	vld.idx.msk [tilespmem:v59+s16+$0x0], $0xffff;
	v30 =	vand.u32 $0xFFFF0000, v30  }
0x30a: {  	v30 =	vmul.f32 v30, v28;
	v31 =	vadd.f32 v33, v31;
	_ =	sdelay $0x1  }
0x30b: {  	v30 =	vadd.f32 v30, v31;
	_ =	sdelay $0x1  }
0x30c: {  	v31 =	vsub.f32 $0.0e+00, v61;
	v30 =	vadd.f32 v30, v30;
	_ =	sdelay $0x1  }
0x30d: {  	v30 =	vadd.f32 v30, v31;
	_ =	sdelay $0x1  }
0x30e: {  	v30 =	vsub.f32 v30, v25;
	_ =	sdelay $0x1  }
0x30f: {  	vm14 =	vge.f32 v30, v29  }
0x310: {  	v31 =	vsel vm14, $0x1, v3  }
0x311: {  	(xrf0) =	vadd.scan.msk.s32 $0xffff, v31;
	_ =	sdelay $0x3  }
0x312: {  	v31 =	vmpcnt.ones.xlane vm12;
	_ =	sdelay $0x1  }
0x313: {  	v31 =	vadd.s32 v32, v31;
	v62, _, _ =	vpop (xrf0)  }
0x314: {  	v32 =	vadd.s32 v62, v31  }
0x315: {  	v32 =	vadd.s32 $0xFFFFFFFF, v32  }
0x316: {  	vm15 =	vlt.s32 v32, $0x4FF  }
0x317: {  	v32 =	vnsel vm15, $0x4FF, v32  }
0x318: {  	p0 =	sne.s32 s25, $0x3F  }
.Ltmp7:
0x319: {  	_ = 	snop;
	(pc) =	sbr.rel @p0 .LBB2_8-.Ltmp7, $4  }
0x31a: {  	_ = 	snop  }
0x31b: {  	v63 =	vmpcnt.ones.xlane vm14  }
0x31c: {  	[tilespmem:v32+s17+$0x0] =	vst.idx.msk vm14, v30  }
0x31d: {  	s25 =	sadd.s32 $0x1, s25;
	v34 =	vadd.s32 v31, v63;
	[tilespmem:v32+s18+$0x0] =	vst.idx.msk vm14, v59  }
.LBB2_9:
0x31e: {  	v25 =	vxor.u32 $0x80000000, v34  }
0x31f: {  	(xrf0) =	vmax.scan.msk.u32 $0xffff, v25;
	_ =	sdelay $0x5  }
0x320: {  	v25, _, _ =	vpop (xrf0)  }
0x321: {  	(v2sf) =	vpush v25, $0xF;
	_ =	sdelay $0xe  }
0x322: {  	s25 =	spop (v2sf)  }
0x323: {  	s26 =	sxor.u32 $0x80000000, s25  }
0x324: {  	p0 =	slt.s32 s26, $0x500  }
0x325: {  	p1 =	slt.s32 s26, $0xFFFFFFF2;
	s26 =	simm.s32 @!p0 $0x500  }
0x326: {  	s31 =	sadd.s32 $0xF, s26  }
0x327: {  	s28 =	sand.u32 $0xF, s31  }
0x328: {  	s29 =	sshra.s32 s31, $0x1F;
	p6 =	sne.s32 s28, $0x0  }
0x329: {  	s30 =	sshrl.u32 s29, $0x1C;
	p0 =	por !p1, !p6  }
0x32a: {  	s28 =	simm.s32 $0x1;
	s25 =	sadd.s32 s30, s31;
	p0 =	por !p0, !p0  }
0x32b: {  	s25 =	sshra.s32 s25, $0x4;
	s28 =	simm.s32 @!p0 $0x0  }
0x32c: {  	s28 =	ssub.s32 s25, s28  }
0x32d: {  	s31 =	sshll.u32 s28, $0x4  }
0x32e: {  	v25 =	vld [tilespmem:s31+$0x150F0]  }
0x32f: {  	s26 =	ssub.s32 s26, s31  }
0x330: {  	s26 =	sadd.s32 $0x10, s26  }
0x331: {  	v26 =	vmov s26  }
0x332: {  	vm0 =	vgt.s32 v26, v0  }
0x333: {  	v25 =	vnsel vm0, $0xFF800000, v25  }
0x334: {  	[tilespmem:s31+$0x150F0] =	vst v25  }
0x335: {  	v25 =	vld [tilespmem:$0x15100]  }
0x336: {  	v26 =	vld [tilespmem:$0x15680];
	_ =	sdelay $0x4  }
0x337: {  	(xrf1) =	vsort.ascd.msk.f32 $0xffff, v25, v26;
	_ =	sdelay $0x8  }
0x338: {  	p1 =	slt.s32 s28, $0x2  }
.Ltmp8:
0x339: {  	_ = 	snop;
	(pc) =	sbr.rel @p1 .LBB2_17-.Ltmp8, $2  }
0x33a: {  	_ =	sdelay $0x2  }
0x33b: {  	v26, v25, _ =	vpop (xrf1)  }
0x33c: {  	s26 =	simm.s32 $0xFFFFFFFF  }
0x33d: {  	s26 =	simm.s32 @!p0 $0x0  }
0x33e: {  	s25 =	sadd.s32 s26, s25  }
0x33f: {  	s25 =	sadd.s32 $0xFFFFFFFF, s25  }
0x340: {  	p2 =	sne.s32 s25, $0x1  }
.Ltmp9:
0x341: {  	_ = 	snop;
	(pc) =	sbr.rel @!p2 .LBB2_11-.Ltmp9, $4  }
0x342: {  	_ = 	snop  }
0x343: {  	s31 =	simm.s32 $0x15110  }
0x344: {  	s28 =	simm.s32 $0x15690;
	v27 =	vld [tilespmem:s31+$0x0]  }
0x345: {  	p1 =	por $0x0, $0x0;
	v28 =	vld [tilespmem:s28+$0x0];
	p0 =	por $0x0, $0x0;
	s25 =	sadd.s32 $0xFFFFFFFF, s25  }
0x346: {  	p2 =	sne.s32 s25, $0x1  }
.Ltmp10:
0x347: {  	_ = 	snop;
	(pc) =	sbr.rel @!p2 .LBB2_13-.Ltmp10, $4  }
0x348: {  	_ = 	snop  }
0x349: {  	s26 =	simm.s32 $0x15120  }
0x34a: {  	s31 =	simm.s32 $0x156A0;
	(xrf1) =	vsort.dscd.msk.f32 $0xffff, v27, v28;
	v27 =	vld [tilespmem:s26+$0x0]  }
0x34b: {  	s28 =	sadd.s32 $0xFFFFFFFF, s25;
	p0 =	por $0x1, $0x1;
	v28 =	vld [tilespmem:s31+$0x0]  }
0x34c: {  	_ =	sdelay $0xb  }
0x34d: {  	v29, v30, _ =	vpop (xrf1)  }
0x34e: {  	vm0 =	vge.f32 v26, v29  }
0x34f: {  	(xrf1) =	vsort.dscd.msk.f32 $0xffff, v27, v28;
	v28 =	vsel vm0, v26, v29;
	v29 =	vsel vm0, v25, v30  }
0x350: {  	(xrf1) =	vsort.ascd.msk.f32 $0xffff, v28, v29;
	_ =	sdelay $0x6  }
0x351: {  	p2 =	sne.s32 s28, $0x1  }
.Ltmp11:
0x352: {  	_ = 	snop;
	(pc) =	sbr.rel @!p2 .LBB2_16-.Ltmp11, $4  }
0x353: {  	s25 =	simm.s32 $0x15130  }
0x354: {  	s26 =	simm.s32 $0x156B0;
	v27 =	vld [tilespmem:s25+$0x0]  }
0x355: {  	v28 =	vld [tilespmem:s26+$0x0]  }
0x356: {  	s28 =	sadd.s32 $0xFFFFFFFF, s28;
	p1 =	por $0x1, $0x1  }
.LBB2_15:
0x357: {  	p2 =	sne.s32 s28, $0x1;
	v29, v30, _ =	vpop (xrf1)  }
0x358: {  	v31, v32, _ =	vpop (xrf1)  }
0x359: {  	vm0 =	vge.f32 v31, v29  }
0x35a: {  	(xrf1) =	vsort.dscd.msk.f32 $0xffff, v27, v28;
	v27 =	vsel vm0, v31, v29;
	v28 =	vsel vm0, v32, v30  }
0x35b: {  	(xrf1) =	vsort.ascd.msk.f32 $0xffff, v27, v28;
	_ =	sdelay $0x7  }
.Ltmp12:
0x35c: {  	(pc) =	sbr.rel @p2 .LBB2_15-.Ltmp12, $4  }
0x35d: {  	s25 =	sadd.s32 $0x10, s25  }
0x35e: {  	s26 =	sadd.s32 $0x10, s26;
	v27 =	vld [tilespmem:s25+$0x0]  }
0x35f: {  	v28 =	vld [tilespmem:s26+$0x0]  }
0x360: {  	s28 =	sadd.s32 $0xFFFFFFFF, s28  }
.LBB2_16:
0x361: {  	v29, v30, _ =	vpop @p0 (xrf1)  }
0x362: {  	v31, v32, _ =	vpop @p1 (xrf1)  }
0x363: {  	v31 =	vpsel p1, v31, v26  }
0x364: {  	v32 =	vpsel p1, v32, v25;
	vm0 =	vge.f32 @p0 v31, v29  }
0x365: {  	(xrf1) =	vsort.dscd.msk.f32 $0xffff, v27, v28;
	v27 =	vsel @p0 vm0, v31, v29;
	v28 =	vsel @p0 vm0, v32, v30  }
0x366: {  	(xrf1) =	vsort.ascd.msk.f32 @p0 $0xffff, v27, v28;
	_ =	sdelay $0xc  }
0x367: {  	v27, v28, _ =	vpop (xrf1)  }
0x368: {  	v29, v30, _ =	vpop @p0 (xrf1)  }
0x369: {  	v26 =	vpsel p0, v29, v26  }
0x36a: {  	v25 =	vpsel p0, v30, v25;
	vm15 =	vge.f32 v26, v27  }
0x36b: {  	v26 =	vsel vm15, v26, v27;
	v25 =	vsel vm15, v25, v28  }
0x36c: {  	(xrf1) =	vsort.ascd.msk.f32 $0xffff, v26, v25;
	_ =	sdelay $0xd  }
0x36d: {  	v26, v25, _ =	vpop (xrf1)  }
.LBB2_17:
0x36e: {  	v26 =	vmul.u32 $0xFFFFFFFF, v0;
	_ =	sdelay $0x1  }
0x36f: {  	v26 =	vadd.s32 $0xF, v26  }
0x370: {  	v25 =	vperm.xlane v25, v26;
	_ =	sdelay $0x1  }
0x371: {  	v26 =	vshll.u32 v25, $0x3  }
0x372: {  	v25 =	vand.u32 $0x7F, v25;
	v26 =	vand.u32 $0xFFFFFC00, v26  }
0x373: {  	v25 =	vor.u32 v25, v26;
	_ =	sdelay $0x2  }
0x374: {  	v26 =	vmul.u32 $0x80, v0  }
0x375: {  	s25 =	sand.u32 $0x7F, s24  }
0x376: {  	v28 =	vor.u32 s25, v26;
	v27 =	vld.idx.msk [tilespmem:v25+s2+$0x0], $0xffff  }
0x377: {  	v29 =	vor.u32 $0x80, v25;
	_ =	sdelay $0x3  }
0x378: {  	[tilespmem:v28+s19+$0x0] =	vst.idx.msk $0xffff, v27;
	v27 =	vor.u32 $0x800, v26  }
0x379: {  	v28 =	vld.idx.msk [tilespmem:v29+s2+$0x0], $0xffff;
	v27 =	vor.u32 s25, v27  }
0x37a: {  	v62 =	vor.u32 $0x100, v25;
	_ =	sdelay $0x3  }
0x37b: {  	[tilespmem:v27+s19+$0x0] =	vst.idx.msk $0xffff, v28;
	v27 =	vor.u32 $0x1000, v26  }
0x37c: {  	v28 =	vld.idx.msk [tilespmem:v62+s2+$0x0], $0xffff;
	v27 =	vor.u32 s25, v27  }
0x37d: {  	v63 =	vor.u32 $0x180, v25;
	_ =	sdelay $0x3  }
0x37e: {  	[tilespmem:v27+s19+$0x0] =	vst.idx.msk $0xffff, v28;
	v27 =	vor.u32 $0x1800, v26  }
0x37f: {  	v28 =	vld.idx.msk [tilespmem:v63+s2+$0x0], $0xffff;
	v27 =	vor.u32 s25, v27  }
0x380: {  	v25 =	vor.u32 $0x200, v25;
	_ =	sdelay $0x3  }
0x381: {  	v26 =	vor.u32 $0x2000, v26;
	[tilespmem:v27+s19+$0x0] =	vst.idx.msk $0xffff, v28  }
0x382: {  	p0 =	seq.s32 s24, $0xFF;
	v26 =	vor.u32 s25, v26;
	v25 =	vld.idx.msk [tilespmem:v25+s2+$0x0], $0xffff  }
.Ltmp13:
0x383: {  	_ = 	snop;
	(pc) =	sbr.rel @p0 .LBB2_18-.Ltmp13, $2  }
0x384: {  	_ =	sdelay $0x2  }
0x385: {  	[tilespmem:v26+s19+$0x0] =	vst.idx.msk $0xffff, v25  }
0x386: {  	p0 =	sne.s32 s24, $0x7F  }
.Ltmp14:
0x387: {  	_ = 	snop;
	(pc) =	sbr.rel @p0 .LBB2_22-.Ltmp14, $1  }
0x388: {  	_ =	sdelay $0x3  }
.Ltmp15:
0x389: {  	(pc) =	sbr.rel .LBB2_21-.Ltmp15, $2  }
0x38a: {  	_ =	sdelay $0x2  }
0x38b: {  	s25 =	simm.s32 $0x2;
	s26 =	smov.u32 s8  }
.LBB2_11:
.Ltmp16:
0x38c: {  	(pc) =	sbr.rel .LBB2_16-.Ltmp16, $2  }
0x38d: {  	_ =	sdelay $0x2  }
0x38e: {  	_ = 	snop  }
.LBB2_13:
.Ltmp17:
0x38f: {  	(pc) =	sbr.rel .LBB2_16-.Ltmp17, $2  }
0x390: {  	_ =	sdelay $0x2  }
0x391: {  	_ = 	snop  }
.LBB2_24:
0x392: {  	_ =	sfence.sel $0x180000  }
0x393: {  	[bflag:$0x0] =	sbarrier.arrive $0xFFFF  }
0x394: {  	p0 =	sne.s32 s0, $0x0;
	_ =	strace $0x90000047  }
0x395: {  	s0 =	sadd.s32 @!p0 $0x100000, s1;
	[bflag:$0x2] =	sbarrier.arrive $0xFFFF  }
0x396: {  	[sflag:s0] =	ssyncadd.tile.s32 @!p0 $0x1;
	_ =	shalt  }
.Lfunc_end2:
_tile_overlayer_lowered:
.L_overlay_start_2:
0x397: {  	(tag) =	ssettag $0x2  }
0x398: {  	s0 =	rddreg [dreg:$0x0];
	s2 =	stileid.u32  }
0x399: {  	s1 =	rddreg [dreg:$0x1];
	p0 =	sne.s32 s2, $0x0  }
0x39a: {  	s3 =	rddreg [dreg:$0x2];
	[bflag:$0x3] =	sbarrier.arrive $0xFFFF;
	s2 =	simm.s32 @!p0 $0x1C01  }
0x39b: {  	[timem:s3], [sflag:s2] =	dma.local @!p0 [hbm:s0], s1  }
0x39c: {  	s0 =	simm.s32 @!p0 $0x1  }
0x39d: {  	_ =	swait.ge @!p0 [sflag:s0], s1  }
0x39e: {  	s1 =	ssub.s32 @!p0 $0x0, s1;
	[sflag:s0] =	ssyncset.done @!p0 $0x0  }
0x39f: {  	[sflag:s0] =	ssyncadd.s32 @!p0 s1  }
0x3a0: {  	[bflag:$0x3] =	sbarrier.arrive $0xFFFF  }
0x3a1: {  	_ =	shalt  }

</sc_bundles>
